<compile_context>
chip_gen: v7x
topology: tpu7x:2x2x1
jax: 0.10.2.dev20260603
libtpu: 0.0.44.dev20260713+nightly
codegen_flags: <defaults>
</compile_context>

<pallas_src>
import functools

import jax
import jax.numpy as jnp
from jax import lax
from jax.experimental import pallas as pl
from jax.experimental.pallas import tpu as pltpu
from jax.experimental.pallas import tpu_sc as plsc

E = 160000
T = 640000
EMB = 128
INT = 64

_F32 = jnp.float32

_BE = 3200


def _edge_body(m_ref, rbfT_ref, wrbf_ref, wkj_ref, bkj_ref, wdown_ref,
               xkj_ref):
    mb = m_ref[...]
    t = jnp.dot(mb, wkj_ref[...], preferred_element_type=_F32) + bkj_ref[...]
    rbf_e = lax.dot_general(rbfT_ref[...], wrbf_ref[...],
                            dimension_numbers=(((0,), (0,)), ((), ())),
                            preferred_element_type=_F32)
    xkj_ref[...] = jnp.dot(t * rbf_e, wdown_ref[...], preferred_element_type=_F32)


def _edge_transform(m, rbfT, wrbf, wkj, bkj, wdown):
    nb = E // _BE
    row = lambda i: (i, 0)
    rep = lambda i: (0, 0)
    return pl.pallas_call(
        _edge_body,
        grid=(nb,),
        in_specs=[
            pl.BlockSpec((_BE, EMB), row),
            pl.BlockSpec((rbfT.shape[0], _BE), lambda i: (0, i)),
            pl.BlockSpec(wrbf.shape, rep),
            pl.BlockSpec(wkj.shape, rep),
            pl.BlockSpec(bkj.shape, rep),
            pl.BlockSpec(wdown.shape, rep),
        ],
        out_specs=pl.BlockSpec((_BE, INT), row),
        out_shape=jax.ShapeDtypeStruct((E, INT), _F32),
    )(m, rbfT, wrbf, wkj, bkj, wdown)


_BT = 5120


def _sbf_body(sbfT_ref, wsbf_ref, out_ref):
    out_ref[...] = lax.dot_general(sbfT_ref[...], wsbf_ref[...],
                                   dimension_numbers=(((0,), (0,)), ((), ())),
                                   preferred_element_type=_F32)


def _sbf_transform(sbfT, wsbf):
    nb = T // _BT
    return pl.pallas_call(
        _sbf_body,
        grid=(nb,),
        in_specs=[
            pl.BlockSpec((sbfT.shape[0], _BT), lambda i: (0, i)),
            pl.BlockSpec(wsbf.shape, lambda i: (0, 0)),
        ],
        out_specs=pl.BlockSpec((_BT, INT), lambda i: (i, 0)),
        out_shape=jax.ShapeDtypeStruct((T, INT), _F32),
    )(sbfT, wsbf)


_NC = 2
_NS = 16
_NP = 10
_PPC = _NP // _NC
_R = E // _NP
_RT = _R // _NS
_ZB = 40
_SEG = 4000
_TPT = T // _NS
_NSEG = _TPT // _SEG
_C2 = 64
_SH = 6
_NCH = (_SEG + _C2 + 16 + _C2 - 1) // _C2
_NB = 5
_PD = _NB - 2


def _segment_messages(xkj, sbft, src, dst):
    mesh = plsc.VectorSubcoreMesh(core_axis_name="c", subcore_axis_name="s",
                                  num_cores=_NC, num_subcores=_NS)

    @functools.partial(
        pl.kernel,
        out_type=jax.ShapeDtypeStruct((E, INT), _F32),
        mesh=mesh,
        compiler_params=pltpu.CompilerParams(needs_layout_passes=False,
                                             use_tc_tiling_on_sc=False),
        scratch_types=[
            pltpu.VMEM((_SEG,), jnp.int32),
            pltpu.VMEM((_SEG,), jnp.int32),
            pltpu.VMEM((_NCH, _C2), jnp.int32),
            pltpu.VMEM((_NCH, _C2), jnp.int32),
            pltpu.VMEM((_NCH, _C2), jnp.int32),
            pltpu.VMEM((_NB, _C2, INT), _F32),
            pltpu.VMEM((_NB, _C2, INT), _F32),
            pltpu.VMEM((_ZB, INT), _F32),
            pltpu.VMEM_SHARED((_R + 16, INT), _F32),
        ] + [pltpu.SemaphoreType.DMA] * (2 * _NB + 1),
    )
    def k(xkj_hbm, sbft_hbm, src_hbm, dst_hbm, out_hbm,
          dstb, srcb, csrc, ctid, cdst, gxb, gsb, zb, acc, *sems):
        semc = sems[2 * _NB]
        c = lax.axis_index("c")
        s = lax.axis_index("s")
        iota = lax.broadcasted_iota(jnp.int32, (16,), 0)

        def zrow(r, carry):
            for kk in range(INT // 16):
                zb[r, pl.ds(kk * 16, 16)] = jnp.zeros((16,), _F32)
            return carry

        lax.fori_loop(0, _ZB, zrow, 0)

        def do_pass(p, carry):
            base = (c * _PPC + p) * _R

            def zcp(z, cz):
                pltpu.sync_copy(zb, acc.at[pl.ds(s * _RT + z * _ZB, _ZB)])
                return cz

            lax.fori_loop(0, _RT // _ZB, zcp, 0)
            plsc.subcore_barrier()

            def do_seg(g, cg):
                t0 = s * _TPT + g * _SEG
                with jax.named_scope("seg_scan"):
                    pltpu.sync_copy(dst_hbm.at[pl.ds(t0, _SEG)], dstb)
                    pltpu.sync_copy(src_hbm.at[pl.ds(t0, _SEG)], srcb)

                    @plsc.parallel_loop(0, _SEG // 16, unroll=4,
                                        carry=jnp.zeros((16,), jnp.int32))
                    def scan(v, ptr):
                        off = v * 16
                        d = dstb[pl.ds(off, 16)]
                        sv = srcb[pl.ds(off, 16)]
                        dl = d - base
                        msk = (dl >= 0) & (dl < _R)
                        incl = plsc.cumsum(msk.astype(jnp.int32))
                        pos = ptr + incl - 1
                        prow = lax.shift_right_logical(pos, _SH)
                        pcol = lax.bitwise_and(pos, _C2 - 1)
                        tid = t0 + off + iota
                        plsc.store_scatter(csrc, [prow, pcol], sv, mask=msk)
                        plsc.store_scatter(ctid, [prow, pcol], tid, mask=msk)
                        plsc.store_scatter(cdst, [prow, pcol], dl, mask=msk)
                        return ptr + plsc.all_reduce_population_count(msk)

                ptr = scan
                ncomp = jnp.max(ptr)
                ncv = jnp.full((16,), 0, jnp.int32) + ncomp
                zero16 = jnp.zeros((16,), jnp.int32)
                dump16 = jnp.full((16,), _R, jnp.int32)
                for kk in range(_C2 // 16):
                    ppos = ncv + (kk * 16) + iota
                    prow = lax.shift_right_logical(ppos, _SH)
                    pcol = lax.bitwise_and(ppos, _C2 - 1)
                    plsc.store_scatter(csrc, [prow, pcol], zero16)
                    plsc.store_scatter(ctid, [prow, pcol], zero16)
                    plsc.store_scatter(cdst, [prow, pcol], dump16)
                nch = (ncomp + _C2 - 1) // _C2

                def _gather(c, b):
                    pltpu.async_copy(xkj_hbm.at[csrc.at[c]], gxb.at[b],
                                     sems[2 * b])
                    pltpu.async_copy(sbft_hbm.at[ctid.at[c]], gsb.at[b],
                                     sems[2 * b + 1])

                def _drain_one_scatter():
                    pltpu.make_async_copy(gxb.at[0], acc.at[cdst.at[0]],
                                          semc).wait()

                for c in range(_PD):
                    @pl.when(c < nch)
                    def _prime():
                        _gather(c, c)

                def drain_quint(j5, cj):
                    for b in range(_NB):
                        j = j5 * _NB + b

                        @pl.when(j < nch)
                        def _chunk():
                            @pl.when(j >= 2)
                            def _dr():
                                _drain_one_scatter()

                            @pl.when(j + _PD < nch)
                            def _prefetch():
                                _gather(j + _PD, (b + _PD) % _NB)

                            pltpu.make_async_copy(
                                xkj_hbm.at[csrc.at[j]], gxb.at[b],
                                sems[2 * b]).wait()
                            pltpu.make_async_copy(
                                sbft_hbm.at[ctid.at[j]], gsb.at[b],
                                sems[2 * b + 1]).wait()

                            @plsc.parallel_loop(0, _C2, unroll=8)
                            def _mrow(r):
                                for kk in range(INT // 16):
                                    sl = pl.ds(kk * 16, 16)
                                    gxb[b, r, sl] = gxb[b, r, sl] * gsb[b, r, sl]

                            pltpu.async_copy(gxb.at[b], acc.at[cdst.at[j]],
                                             semc, add=True)
                    return cj

                lax.fori_loop(0, (nch + _NB - 1) // _NB, drain_quint, 0)

                @pl.when(nch >= 1)
                def _final_drain1():
                    _drain_one_scatter()

                @pl.when(nch >= 2)
                def _final_drain2():
                    _drain_one_scatter()
                return cg

            lax.fori_loop(0, _NSEG, do_seg, 0)
            plsc.subcore_barrier()
            pltpu.sync_copy(acc.at[pl.ds(s * _RT, _RT)],
                            out_hbm.at[pl.ds(base + s * _RT, _RT)])
            return carry

        lax.fori_loop(0, _PPC, do_pass, 0)

    return k(xkj, sbft, src, dst)


def _tail_body(macc_ref, m_ref, wji, bji, wup, wb01, bb01, wb02, bb02, wf, bf,
               wa01, ba01, wa02, ba02, wa11, ba11, wa12, ba12, out_ref):
    dot = lambda a, b: jnp.dot(a, b[...], preferred_element_type=_F32)
    x_ji = dot(m_ref[...], wji) + bji[...]
    mu = dot(macc_ref[...], wup) + x_ji
    mu = mu + dot(dot(mu, wb01) + bb01[...], wb02) + bb02[...]
    mu = dot(mu, wf) + bf[...]
    mn = m_ref[...] + mu
    mn = mn + dot(dot(mn, wa01) + ba01[...], wa02) + ba02[...]
    mn = mn + dot(dot(mn, wa11) + ba11[...], wa12) + ba12[...]
    out_ref[...] = mn


def _tail(macc, m, *ws):
    nb = E // _BE
    row = lambda i: (i, 0)
    rep = lambda i: (0, 0)
    return pl.pallas_call(
        _tail_body,
        grid=(nb,),
        in_specs=[
            pl.BlockSpec((_BE, INT), row),
            pl.BlockSpec((_BE, EMB), row),
        ] + [pl.BlockSpec(w.shape, rep) for w in ws],
        out_specs=pl.BlockSpec((_BE, EMB), row),
        out_shape=jax.ShapeDtypeStruct((E, EMB), _F32),
    )(macc, m, *ws)


def kernel(m, rbf, sbf, lg_edge_index, W_rbf1, W_rbf2, W_sbf1, W_sbf2, W_ji,
           b_ji, W_kj, b_kj, W_down, W_up, Wb0_1, bb0_1, Wb0_2, bb0_2,
           W_final, b_final, Wa0_1, ba0_1, Wa0_2, ba0_2, Wa1_1, ba1_1, Wa1_2,
           ba1_2):
    wrbf = jnp.dot(W_rbf1, W_rbf2, preferred_element_type=_F32)
    wsbf = jnp.dot(W_sbf1, W_sbf2, preferred_element_type=_F32)
    r1 = lambda b: b.reshape(1, -1)

    xkj = _edge_transform(m, rbf.T, wrbf, W_kj, r1(b_kj), W_down)
    sbft = _sbf_transform(sbf.T, wsbf)
    src = lg_edge_index[0]
    dst = lg_edge_index[1]
    macc = _segment_messages(xkj, sbft, src, dst)
    return _tail(macc, m, W_ji, r1(b_ji), W_up, Wb0_1, r1(bb0_1), Wb0_2,
                 r1(bb0_2), W_final, r1(b_final), Wa0_1, r1(ba0_1), Wa0_2,
                 r1(ba0_2), Wa1_1, r1(ba1_1), Wa1_2, r1(ba1_2))

# --- scband reference (transcript-rebuilt; emitter-appended) ---
"""Pipeline reference for scband-interaction-ppblock-62199716381203 (READ-ONLY COPY).

The authoritative reference and input builder live on the scoring server;
editing this copy changes nothing except your own understanding.
"""

import jax, jax.numpy as jnp
import numpy as np

E = 160000
T = 640000
EMB = 128
INT_EMB = 64
BASIS = 8
NUM_RADIAL = 6
NUM_SPHERICAL = 7


def _w(k, shape):
    fan = shape[0]
    return jax.random.normal(k, shape, dtype=jnp.float32) * (1.0 / np.sqrt(fan))


def setup_inputs(seed: int = 0):
    key = jax.random.key(seed)
    ks = jax.random.split(key, 40)
    inp = {}
    inp['m'] = jax.random.normal(ks[0], (E, EMB), dtype=jnp.float32)
    inp['rbf'] = jax.random.uniform(ks[1], (E, NUM_RADIAL), dtype=jnp.float32)
    inp['sbf'] = jax.random.uniform(ks[2], (T, NUM_RADIAL * NUM_SPHERICAL), dtype=jnp.float32)
    inp['lg_edge_index'] = jax.random.randint(ks[3], (2, T), 0, E, dtype=jnp.int32)
    inp['W_rbf1'] = _w(ks[4], (NUM_RADIAL, BASIS))
    inp['W_rbf2'] = _w(ks[5], (BASIS, EMB))
    inp['W_sbf1'] = _w(ks[6], (NUM_RADIAL * NUM_SPHERICAL, BASIS))
    inp['W_sbf2'] = _w(ks[7], (BASIS, INT_EMB))
    inp['W_ji'] = _w(ks[8], (EMB, EMB))
    inp['b_ji'] = jnp.zeros((EMB,), dtype=jnp.float32)
    inp['W_kj'] = _w(ks[9], (EMB, EMB))
    inp['b_kj'] = jnp.zeros((EMB,), dtype=jnp.float32)
    inp['W_down'] = _w(ks[10], (EMB, INT_EMB))
    inp['W_up'] = _w(ks[11], (INT_EMB, EMB))
    inp['Wb0_1'] = _w(ks[12], (EMB, EMB))
    inp['bb0_1'] = jnp.zeros((EMB,), dtype=jnp.float32)
    inp['Wb0_2'] = _w(ks[13], (EMB, EMB))
    inp['bb0_2'] = jnp.zeros((EMB,), dtype=jnp.float32)
    inp['W_final'] = _w(ks[14], (EMB, EMB))
    inp['b_final'] = jnp.zeros((EMB,), dtype=jnp.float32)
    inp['Wa0_1'] = _w(ks[15], (EMB, EMB))
    inp['ba0_1'] = jnp.zeros((EMB,), dtype=jnp.float32)
    inp['Wa0_2'] = _w(ks[16], (EMB, EMB))
    inp['ba0_2'] = jnp.zeros((EMB,), dtype=jnp.float32)
    inp['Wa1_1'] = _w(ks[17], (EMB, EMB))
    inp['ba1_1'] = jnp.zeros((EMB,), dtype=jnp.float32)
    inp['Wa1_2'] = _w(ks[18], (EMB, EMB))
    inp['ba1_2'] = jnp.zeros((EMB,), dtype=jnp.float32)
    return inp


def reference(m, rbf, sbf, lg_edge_index, W_rbf1, W_rbf2, W_sbf1, W_sbf2, W_ji, b_ji, W_kj, b_kj, W_down, W_up, Wb0_1, bb0_1, Wb0_2, bb0_2, W_final, b_final, Wa0_1, ba0_1, Wa0_2, ba0_2, Wa1_1, ba1_1, Wa1_2, ba1_2):
    # edge_transfer on g's edges (activation=None config)
    rbf_e = (rbf @ W_rbf1) @ W_rbf2              # [E, EMB]
    x_ji = m @ W_ji + b_ji                        # [E, EMB]
    x_kj = m @ W_kj + b_kj                        # [E, EMB]
    x_kj = (x_kj * rbf_e) @ W_down                # [E, INT_EMB]
    # msg_func + sum-aggregation over reversed line graph
    sbf_t = (sbf @ W_sbf1) @ W_sbf2               # [T, INT_EMB]
    src = lg_edge_index[0]
    dst = lg_edge_index[1]
    msgs = x_kj[src] * sbf_t                      # gather + elementwise
    m_update = jax.ops.segment_sum(msgs, dst, num_segments=E)  # scatter-add
    m_update = m_update @ W_up                    # [E, EMB]
    m_update = m_update + x_ji
    # residual layers before skip (num_before_skip=1, activation=None)
    m_update = m_update + ((m_update @ Wb0_1 + bb0_1) @ Wb0_2 + bb0_2)
    m_update = m_update @ W_final + b_final
    m_new = m + m_update
    # residual layers after skip (num_after_skip=2)
    m_new = m_new + ((m_new @ Wa0_1 + ba0_1) @ Wa0_2 + ba0_2)
    m_new = m_new + ((m_new @ Wa1_1 + ba1_1) @ Wa1_2 + ba1_2)
    return m_new

if __name__ == "__main__":
    import jax
    _d = setup_inputs()
    print(jax.jit(kernel)(*tuple(_d.values())))

</pallas_src>

<mosaic_0001>
#map = affine_map<(d0, d1) -> (0, 0)>
#map1 = affine_map<(d0, d1) -> (0)>
module attributes {stable_mosaic.version = 14 : i64} {
  func.func @k(%arg0: i32, %arg1: i32, %arg2: memref<160000x64xf32, #tpu.memory_space<hbm>>, %arg3: memref<640000x64xf32, #tpu.memory_space<hbm>>, %arg4: memref<640000xi32, #tpu.memory_space<hbm>>, %arg5: memref<640000xi32, #tpu.memory_space<hbm>>, %arg6: memref<160000x64xf32, #tpu.memory_space<hbm>>, %arg7: memref<4000xi32, #tpu.memory_space<vmem>>, %arg8: memref<4000xi32, #tpu.memory_space<vmem>>, %arg9: memref<64x64xi32, #tpu.memory_space<vmem>>, %arg10: memref<64x64xi32, #tpu.memory_space<vmem>>, %arg11: memref<64x64xi32, #tpu.memory_space<vmem>>, %arg12: memref<5x64x64xf32, #tpu.memory_space<vmem>>, %arg13: memref<5x64x64xf32, #tpu.memory_space<vmem>>, %arg14: memref<40x64xf32, #tpu.memory_space<vmem>>, %arg15: memref<16016x64xf32, #tpu.memory_space<vmem_shared>>, %arg16: memref<!tpu.dma_semaphore, #tpu.memory_space<semaphore_mem>>, %arg17: memref<!tpu.dma_semaphore, #tpu.memory_space<semaphore_mem>>, %arg18: memref<!tpu.dma_semaphore, #tpu.memory_space<semaphore_mem>>, %arg19: memref<!tpu.dma_semaphore, #tpu.memory_space<semaphore_mem>>, %arg20: memref<!tpu.dma_semaphore, #tpu.memory_space<semaphore_mem>>, %arg21: memref<!tpu.dma_semaphore, #tpu.memory_space<semaphore_mem>>, %arg22: memref<!tpu.dma_semaphore, #tpu.memory_space<semaphore_mem>>, %arg23: memref<!tpu.dma_semaphore, #tpu.memory_space<semaphore_mem>>, %arg24: memref<!tpu.dma_semaphore, #tpu.memory_space<semaphore_mem>>, %arg25: memref<!tpu.dma_semaphore, #tpu.memory_space<semaphore_mem>>, %arg26: memref<!tpu.dma_semaphore, #tpu.memory_space<semaphore_mem>>) attributes {dimension_semantics = [#tpu.dimension_semantics<core_parallel>, #tpu.dimension_semantics<subcore_parallel>], iteration_bounds = array<i64: 2, 16>, scalar_prefetch = 0 : i64, scratch_operands = 20 : i64, tpu.core_type = #tpu.core_type<sc_vector_subcore>, window_params = [{transform_indices = #map}, {transform_indices = #map}, {transform_indices = #map1}, {transform_indices = #map1}, {transform_indices = #map}]} {
    %iota3A = tpu.iota {dimensions = array<i32: 0>} : vector<16xi32>
    %scan3A = arith.constant 0 : i32
    %scan3A_0 = arith.constant 0 : i32
    %scan3A_1 = arith.constant 40 : i32
    %scan3A_2 = arith.addi %scan3A_0, %scan3A_1 : i32
    %scan3A_3 = arith.constant 1 : i32
    scf.for %scan3A_11 = %scan3A_0 to %scan3A_2 step %scan3A_3  : i32 {
      %broadcast_in_dim3A = arith.constant 0.000000e+00 : f32
      %broadcast_in_dim3A_12 = vector.broadcast %broadcast_in_dim3A : f32 to vector<16xf32>
      %swap3A = arith.index_cast %scan3A_11 : i32 to index
      %swap3A_13 = arith.constant 0 : index
      %swap3A_14 = tpu.vector_load %arg14[%swap3A, %swap3A_13] {strides = array<i32>} : memref<40x64xf32, #tpu.memory_space<vmem>>, vector<16xf32>,
      tpu.vector_store %arg14[%swap3A, %swap3A_13], %broadcast_in_dim3A_12 {strides = array<i32>} : memref<40x64xf32, #tpu.memory_space<vmem>>, vector<16xf32>,
      %broadcast_in_dim3A_15 = arith.constant 0.000000e+00 : f32
      %broadcast_in_dim3A_16 = vector.broadcast %broadcast_in_dim3A_15 : f32 to vector<16xf32>
      %swap3A_17 = arith.index_cast %scan3A_11 : i32 to index
      %swap3A_18 = arith.constant 16 : index
      %swap3A_19 = tpu.vector_load %arg14[%swap3A_17, %swap3A_18] {strides = array<i32>} : memref<40x64xf32, #tpu.memory_space<vmem>>, vector<16xf32>,
      tpu.vector_store %arg14[%swap3A_17, %swap3A_18], %broadcast_in_dim3A_16 {strides = array<i32>} : memref<40x64xf32, #tpu.memory_space<vmem>>, vector<16xf32>,
      %broadcast_in_dim3A_20 = arith.constant 0.000000e+00 : f32
      %broadcast_in_dim3A_21 = vector.broadcast %broadcast_in_dim3A_20 : f32 to vector<16xf32>
      %swap3A_22 = arith.index_cast %scan3A_11 : i32 to index
      %swap3A_23 = arith.constant 32 : index
      %swap3A_24 = tpu.vector_load %arg14[%swap3A_22, %swap3A_23] {strides = array<i32>} : memref<40x64xf32, #tpu.memory_space<vmem>>, vector<16xf32>,
      tpu.vector_store %arg14[%swap3A_22, %swap3A_23], %broadcast_in_dim3A_21 {strides = array<i32>} : memref<40x64xf32, #tpu.memory_space<vmem>>, vector<16xf32>,
      %broadcast_in_dim3A_25 = arith.constant 0.000000e+00 : f32
      %broadcast_in_dim3A_26 = vector.broadcast %broadcast_in_dim3A_25 : f32 to vector<16xf32>
      %swap3A_27 = arith.index_cast %scan3A_11 : i32 to index
      %swap3A_28 = arith.constant 48 : index
      %swap3A_29 = tpu.vector_load %arg14[%swap3A_27, %swap3A_28] {strides = array<i32>} : memref<40x64xf32, #tpu.memory_space<vmem>>, vector<16xf32>,
      tpu.vector_store %arg14[%swap3A_27, %swap3A_28], %broadcast_in_dim3A_26 {strides = array<i32>} : memref<40x64xf32, #tpu.memory_space<vmem>>, vector<16xf32>,
    }
    %scan3A_4 = arith.constant 40 : i32
    %scan3A_5 = arith.constant 0 : i32
    %scan3A_6 = arith.constant 0 : i32
    %scan3A_7 = arith.constant 5 : i32
    %scan3A_8 = arith.addi %scan3A_6, %scan3A_7 : i32
    %scan3A_9 = arith.constant 1 : i32
    scf.for %scan3A_11 = %scan3A_6 to %scan3A_8 step %scan3A_9  : i32 {
      %mul3A = arith.constant 5 : i32
      %mul3A_12 = arith.muli %arg0, %mul3A : i32
      %add3A = arith.addi %mul3A_12, %scan3A_11 : i32
      %mul3A_13 = arith.constant 16000 : i32
      %mul3A_14 = arith.muli %add3A, %mul3A_13 : i32
      %scan3A_15 = arith.constant 0 : i32
      %scan3A_16 = arith.constant 0 : i32
      %scan3A_17 = arith.constant 25 : i32
      %scan3A_18 = arith.addi %scan3A_16, %scan3A_17 : i32
      %scan3A_19 = arith.constant 1 : i32
      scf.for %scan3A_33 = %scan3A_16 to %scan3A_18 step %scan3A_19  : i32 {
        %mul3A_34 = arith.constant 1000 : i32
        %mul3A_35 = arith.muli %arg1, %mul3A_34 : i32
        %mul3A_36 = arith.constant 40 : i32
        %mul3A_37 = arith.muli %scan3A_33, %mul3A_36 : i32
        %add3A_38 = arith.addi %mul3A_35, %mul3A_37 : i32
        "tpu.region"() ({
          %run_scoped3A = tpu.sem_alloc : memref<!tpu.dma_semaphore, #tpu.memory_space<semaphore_mem>>
          %dma_start3A = arith.constant 0 : i32
          %dma_start3A_39 = tpu.memref_slice %arg15[%add3A_38, %dma_start3A] : memref<16016x64xf32, #tpu.memory_space<vmem_shared>> -> memref<40x64xf32, #tpu.memory_space<vmem_shared>>
          %dma_start3A_40 = arith.constant 0 : i32
          %dma_start3A_41 = tpu.memref_slice %arg15[%add3A_38, %dma_start3A_40] : memref<16016x64xf32, #tpu.memory_space<vmem_shared>> -> memref<40x64xf32, #tpu.memory_space<vmem_shared>>
          tpu.enqueue_dma source(%arg14 : memref<40x64xf32, #tpu.memory_space<vmem>>) target(%dma_start3A_41 : memref<40x64xf32, #tpu.memory_space<vmem_shared>>) target_semaphore(%run_scoped3A : memref<!tpu.dma_semaphore, #tpu.memory_space<semaphore_mem>>)
          %dma_wait3A = arith.constant 0 : i32
          %dma_wait3A_42 = tpu.memref_slice %arg15[%add3A_38, %dma_wait3A] : memref<16016x64xf32, #tpu.memory_space<vmem_shared>> -> memref<40x64xf32, #tpu.memory_space<vmem_shared>>
          %dma_wait3A_43 = arith.constant 0 : i32
          %dma_wait3A_44 = tpu.memref_slice %arg15[%add3A_38, %dma_wait3A_43] : memref<16016x64xf32, #tpu.memory_space<vmem_shared>> -> memref<40x64xf32, #tpu.memory_space<vmem_shared>>
          tpu.wait_dma2 semaphore(%run_scoped3A : memref<!tpu.dma_semaphore, #tpu.memory_space<semaphore_mem>>) src(%arg14 : memref<40x64xf32, #tpu.memory_space<vmem>>) dst(%dma_wait3A_44 : memref<40x64xf32, #tpu.memory_space<vmem_shared>>)
          tpu.yield
        }) : () -> ()
      }
      %scan3A_20 = arith.constant 25 : i32
      %barrier3A = arith.constant 0 : index
      tpu.barrier barrier_id(%barrier3A)
      %scan3A_21 = arith.constant 0 : i32
      %scan3A_22 = arith.constant 0 : i32
      %scan3A_23 = arith.constant 10 : i32
      %scan3A_24 = arith.addi %scan3A_22, %scan3A_23 : i32
      %scan3A_25 = arith.constant 1 : i32
      scf.for %scan3A_33 = %scan3A_22 to %scan3A_24 step %scan3A_25  : i32 {
        %mul3A_34 = arith.constant 40000 : i32
        %mul3A_35 = arith.muli %arg1, %mul3A_34 : i32
        %mul3A_36 = arith.constant 4000 : i32
        %mul3A_37 = arith.muli %scan3A_33, %mul3A_36 : i32
        %add3A_38 = arith.addi %mul3A_35, %mul3A_37 : i32
        "tpu.trace_start"() <{level = 10 : i32, message = "seg_scan"}> : () -> ()
        "tpu.region"() ({
          %run_scoped3A = tpu.sem_alloc : memref<!tpu.dma_semaphore, #tpu.memory_space<semaphore_mem>>
          %dma_start3A = tpu.memref_slice %arg5[%add3A_38] : memref<640000xi32, #tpu.memory_space<hbm>> -> memref<4000xi32, #tpu.memory_space<hbm>>
          %dma_start3A_175 = tpu.memref_slice %arg5[%add3A_38] : memref<640000xi32, #tpu.memory_space<hbm>> -> memref<4000xi32, #tpu.memory_space<hbm>>
          tpu.enqueue_dma source(%dma_start3A_175 : memref<4000xi32, #tpu.memory_space<hbm>>) target(%arg7 : memref<4000xi32, #tpu.memory_space<vmem>>) target_semaphore(%run_scoped3A : memref<!tpu.dma_semaphore, #tpu.memory_space<semaphore_mem>>)
          %dma_wait3A = tpu.memref_slice %arg5[%add3A_38] : memref<640000xi32, #tpu.memory_space<hbm>> -> memref<4000xi32, #tpu.memory_space<hbm>>
          %dma_wait3A_176 = tpu.memref_slice %arg5[%add3A_38] : memref<640000xi32, #tpu.memory_space<hbm>> -> memref<4000xi32, #tpu.memory_space<hbm>>
          tpu.wait_dma2 semaphore(%run_scoped3A : memref<!tpu.dma_semaphore, #tpu.memory_space<semaphore_mem>>) src(%dma_wait3A_176 : memref<4000xi32, #tpu.memory_space<hbm>>) dst(%arg7 : memref<4000xi32, #tpu.memory_space<vmem>>)
          tpu.yield
        }) : () -> ()
        "tpu.region"() ({
          %run_scoped3A = tpu.sem_alloc : memref<!tpu.dma_semaphore, #tpu.memory_space<semaphore_mem>>
          %dma_start3A = tpu.memref_slice %arg4[%add3A_38] : memref<640000xi32, #tpu.memory_space<hbm>> -> memref<4000xi32, #tpu.memory_space<hbm>>
          %dma_start3A_175 = tpu.memref_slice %arg4[%add3A_38] : memref<640000xi32, #tpu.memory_space<hbm>> -> memref<4000xi32, #tpu.memory_space<hbm>>
          tpu.enqueue_dma source(%dma_start3A_175 : memref<4000xi32, #tpu.memory_space<hbm>>) target(%arg8 : memref<4000xi32, #tpu.memory_space<vmem>>) target_semaphore(%run_scoped3A : memref<!tpu.dma_semaphore, #tpu.memory_space<semaphore_mem>>)
          %dma_wait3A = tpu.memref_slice %arg4[%add3A_38] : memref<640000xi32, #tpu.memory_space<hbm>> -> memref<4000xi32, #tpu.memory_space<hbm>>
          %dma_wait3A_176 = tpu.memref_slice %arg4[%add3A_38] : memref<640000xi32, #tpu.memory_space<hbm>> -> memref<4000xi32, #tpu.memory_space<hbm>>
          tpu.wait_dma2 semaphore(%run_scoped3A : memref<!tpu.dma_semaphore, #tpu.memory_space<semaphore_mem>>) src(%dma_wait3A_176 : memref<4000xi32, #tpu.memory_space<hbm>>) dst(%arg8 : memref<4000xi32, #tpu.memory_space<vmem>>)
          tpu.yield
        }) : () -> ()
        %broadcast_in_dim3A = arith.constant 0 : i32
        %broadcast_in_dim3A_39 = vector.broadcast %broadcast_in_dim3A : i32 to vector<16xi32>
        %parallel_loop3A = arith.constant 0 : i32
        %parallel_loop3A_40 = arith.constant 250 : i32
        %parallel_loop3A_41 = arith.constant 1 : i32
        %parallel_loop3A_42 = scf.for %parallel_loop3A_175 = %parallel_loop3A to %parallel_loop3A_40 step %parallel_loop3A_41 iter_args(%parallel_loop3A_176 = %broadcast_in_dim3A_39) -> (vector<16xi32>)  : i32 {
          %parallel_loop3A_177 = arith.constant 16 : i32
          %parallel_loop3A_178 = arith.muli %parallel_loop3A_175, %parallel_loop3A_177 : i32
          %parallel_loop3A_179 = arith.index_cast %parallel_loop3A_178 : i32 to index
          %parallel_loop3A_180 = tpu.vector_load %arg7[%parallel_loop3A_179] {strides = array<i32>} : memref<4000xi32, #tpu.memory_space<vmem>>, vector<16xi32>,
          %parallel_loop3A_181 = arith.index_cast %parallel_loop3A_178 : i32 to index
          %parallel_loop3A_182 = tpu.vector_load %arg8[%parallel_loop3A_181] {strides = array<i32>} : memref<4000xi32, #tpu.memory_space<vmem>>, vector<16xi32>,
          %parallel_loop3A_183 = vector.broadcast %mul3A_14 : i32 to vector<16xi32>
          %parallel_loop3A_184 = arith.subi %parallel_loop3A_180, %parallel_loop3A_183 : vector<16xi32>
          %parallel_loop3A_185 = arith.constant 0 : i32
          %parallel_loop3A_186 = vector.broadcast %parallel_loop3A_185 : i32 to vector<16xi32>
          %parallel_loop3A_187 = arith.cmpi sge, %parallel_loop3A_184, %parallel_loop3A_186 : vector<16xi32>
          %parallel_loop3A_188 = arith.constant 16000 : i32
          %parallel_loop3A_189 = vector.broadcast %parallel_loop3A_188 : i32 to vector<16xi32>
          %parallel_loop3A_190 = arith.cmpi slt, %parallel_loop3A_184, %parallel_loop3A_189 : vector<16xi32>
          %parallel_loop3A_191 = arith.andi %parallel_loop3A_187, %parallel_loop3A_190 : vector<16xi1>
          %parallel_loop3A_192 = arith.extui %parallel_loop3A_191 : vector<16xi1> to vector<16xi32>
          %parallel_loop3A_193 = arith.constant true
          %parallel_loop3A_194 = vector.broadcast %parallel_loop3A_193 : i1 to vector<16xi1>
          %parallel_loop3A_195 = tpu.scan <sum>, %parallel_loop3A_192 masked %parallel_loop3A_194 : vector<16xi32>, vector<16xi1> -> vector<16xi32>
          %parallel_loop3A_196 = arith.addi %parallel_loop3A_176, %parallel_loop3A_195 : vector<16xi32>
          %parallel_loop3A_197 = arith.constant 1 : i32
          %parallel_loop3A_198 = vector.broadcast %parallel_loop3A_197 : i32 to vector<16xi32>
          %parallel_loop3A_199 = arith.subi %parallel_loop3A_196, %parallel_loop3A_198 : vector<16xi32>
          %parallel_loop3A_200 = arith.constant 6 : i32
          %parallel_loop3A_201 = vector.broadcast %parallel_loop3A_200 : i32 to vector<16xi32>
          %parallel_loop3A_202 = arith.shrui %parallel_loop3A_199, %parallel_loop3A_201 : vector<16xi32>
          %parallel_loop3A_203 = arith.constant 63 : i32
          %parallel_loop3A_204 = vector.broadcast %parallel_loop3A_203 : i32 to vector<16xi32>
          %parallel_loop3A_205 = arith.andi %parallel_loop3A_199, %parallel_loop3A_204 : vector<16xi32>
          %parallel_loop3A_206 = arith.addi %add3A_38, %parallel_loop3A_178 : i32
          %parallel_loop3A_207 = vector.broadcast %parallel_loop3A_206 : i32 to vector<16xi32>
          %parallel_loop3A_208 = arith.addi %parallel_loop3A_207, %iota3A : vector<16xi32>
          tpu.vector_store_idx %arg9[%parallel_loop3A_202, %parallel_loop3A_205], %parallel_loop3A_182 masked %parallel_loop3A_191 : memref<64x64xi32, #tpu.memory_space<vmem>>[vector<16xi32>, vector<16xi32>], vector<16xi32>, vector<16xi1>
          tpu.vector_store_idx %arg10[%parallel_loop3A_202, %parallel_loop3A_205], %parallel_loop3A_208 masked %parallel_loop3A_191 : memref<64x64xi32, #tpu.memory_space<vmem>>[vector<16xi32>, vector<16xi32>], vector<16xi32>, vector<16xi1>
          tpu.vector_store_idx %arg11[%parallel_loop3A_202, %parallel_loop3A_205], %parallel_loop3A_184 masked %parallel_loop3A_191 : memref<64x64xi32, #tpu.memory_space<vmem>>[vector<16xi32>, vector<16xi32>], vector<16xi32>, vector<16xi1>
          %parallel_loop3A_209 = tpu.all_reduce %parallel_loop3A_191 {dim = 0 : i64, kind = #tpu.reduction_kind<sum>} : vector<16xi1> -> vector<16xi32>
          %parallel_loop3A_210 = arith.addi %parallel_loop3A_176, %parallel_loop3A_209 : vector<16xi32>
          scf.yield %parallel_loop3A_210 : vector<16xi32>
        } {sc.loop_unroll_factor = 4 : i64, sc.parallel_access}
        "tpu.trace_stop"() : () -> ()
        %reduce_max3A = arith.constant true
        %reduce_max3A_43 = vector.broadcast %reduce_max3A : i1 to vector<16xi1>
        %reduce_max3A_44 = arith.constant -2147483648 : i32
        %reduce_max3A_45 = vector.broadcast %reduce_max3A_44 : i32 to vector<16xi32>
        %reduce_max3A_46 = arith.xori %parallel_loop3A_42, %reduce_max3A_45 : vector<16xi32>
        %reduce_max3A_47 = tpu.scan <max>, %reduce_max3A_46 masked %reduce_max3A_43 : vector<16xi32>, vector<16xi1> -> vector<16xi32>
        %reduce_max3A_48 = arith.xori %reduce_max3A_47, %reduce_max3A_45 : vector<16xi32>
        %reduce_max3A_49 = vector.extract %reduce_max3A_48[15] : i32 from vector<16xi32>
        %broadcast_in_dim3A_50 = arith.constant 0 : i32
        %broadcast_in_dim3A_51 = vector.broadcast %broadcast_in_dim3A_50 : i32 to vector<16xi32>
        %add3A_52 = vector.broadcast %reduce_max3A_49 : i32 to vector<16xi32>
        %add3A_53 = arith.addi %broadcast_in_dim3A_51, %add3A_52 : vector<16xi32>
        %broadcast_in_dim3A_54 = arith.constant 0 : i32
        %broadcast_in_dim3A_55 = vector.broadcast %broadcast_in_dim3A_54 : i32 to vector<16xi32>
        %broadcast_in_dim3A_56 = arith.constant 16000 : i32
        %broadcast_in_dim3A_57 = vector.broadcast %broadcast_in_dim3A_56 : i32 to vector<16xi32>
        %add3A_58 = arith.constant 0 : i32
        %add3A_59 = vector.broadcast %add3A_58 : i32 to vector<16xi32>
        %add3A_60 = arith.addi %add3A_53, %add3A_59 : vector<16xi32>
        %add3A_61 = arith.addi %add3A_60, %iota3A : vector<16xi32>
        %shift_right_logical3A = arith.constant 6 : i32
        %shift_right_logical3A_62 = vector.broadcast %shift_right_logical3A : i32 to vector<16xi32>
        %shift_right_logical3A_63 = arith.shrui %add3A_61, %shift_right_logical3A_62 : vector<16xi32>
        %and3A = arith.constant 63 : i32
        %and3A_64 = vector.broadcast %and3A : i32 to vector<16xi32>
        %and3A_65 = arith.andi %add3A_61, %and3A_64 : vector<16xi32>
        tpu.vector_store_idx %arg9[%shift_right_logical3A_63, %and3A_65], %broadcast_in_dim3A_55 : memref<64x64xi32, #tpu.memory_space<vmem>>[vector<16xi32>, vector<16xi32>], vector<16xi32>,
        tpu.vector_store_idx %arg10[%shift_right_logical3A_63, %and3A_65], %broadcast_in_dim3A_55 : memref<64x64xi32, #tpu.memory_space<vmem>>[vector<16xi32>, vector<16xi32>], vector<16xi32>,
        tpu.vector_store_idx %arg11[%shift_right_logical3A_63, %and3A_65], %broadcast_in_dim3A_57 : memref<64x64xi32, #tpu.memory_space<vmem>>[vector<16xi32>, vector<16xi32>], vector<16xi32>,
        %add3A_66 = arith.constant 16 : i32
        %add3A_67 = vector.broadcast %add3A_66 : i32 to vector<16xi32>
        %add3A_68 = arith.addi %add3A_53, %add3A_67 : vector<16xi32>
        %add3A_69 = arith.addi %add3A_68, %iota3A : vector<16xi32>
        %shift_right_logical3A_70 = arith.constant 6 : i32
        %shift_right_logical3A_71 = vector.broadcast %shift_right_logical3A_70 : i32 to vector<16xi32>
        %shift_right_logical3A_72 = arith.shrui %add3A_69, %shift_right_logical3A_71 : vector<16xi32>
        %and3A_73 = arith.constant 63 : i32
        %and3A_74 = vector.broadcast %and3A_73 : i32 to vector<16xi32>
        %and3A_75 = arith.andi %add3A_69, %and3A_74 : vector<16xi32>
        tpu.vector_store_idx %arg9[%shift_right_logical3A_72, %and3A_75], %broadcast_in_dim3A_55 : memref<64x64xi32, #tpu.memory_space<vmem>>[vector<16xi32>, vector<16xi32>], vector<16xi32>,
        tpu.vector_store_idx %arg10[%shift_right_logical3A_72, %and3A_75], %broadcast_in_dim3A_55 : memref<64x64xi32, #tpu.memory_space<vmem>>[vector<16xi32>, vector<16xi32>], vector<16xi32>,
        tpu.vector_store_idx %arg11[%shift_right_logical3A_72, %and3A_75], %broadcast_in_dim3A_57 : memref<64x64xi32, #tpu.memory_space<vmem>>[vector<16xi32>, vector<16xi32>], vector<16xi32>,
        %add3A_76 = arith.constant 32 : i32
        %add3A_77 = vector.broadcast %add3A_76 : i32 to vector<16xi32>
        %add3A_78 = arith.addi %add3A_53, %add3A_77 : vector<16xi32>
        %add3A_79 = arith.addi %add3A_78, %iota3A : vector<16xi32>
        %shift_right_logical3A_80 = arith.constant 6 : i32
        %shift_right_logical3A_81 = vector.broadcast %shift_right_logical3A_80 : i32 to vector<16xi32>
        %shift_right_logical3A_82 = arith.shrui %add3A_79, %shift_right_logical3A_81 : vector<16xi32>
        %and3A_83 = arith.constant 63 : i32
        %and3A_84 = vector.broadcast %and3A_83 : i32 to vector<16xi32>
        %and3A_85 = arith.andi %add3A_79, %and3A_84 : vector<16xi32>
        tpu.vector_store_idx %arg9[%shift_right_logical3A_82, %and3A_85], %broadcast_in_dim3A_55 : memref<64x64xi32, #tpu.memory_space<vmem>>[vector<16xi32>, vector<16xi32>], vector<16xi32>,
        tpu.vector_store_idx %arg10[%shift_right_logical3A_82, %and3A_85], %broadcast_in_dim3A_55 : memref<64x64xi32, #tpu.memory_space<vmem>>[vector<16xi32>, vector<16xi32>], vector<16xi32>,
        tpu.vector_store_idx %arg11[%shift_right_logical3A_82, %and3A_85], %broadcast_in_dim3A_57 : memref<64x64xi32, #tpu.memory_space<vmem>>[vector<16xi32>, vector<16xi32>], vector<16xi32>,
        %add3A_86 = arith.constant 48 : i32
        %add3A_87 = vector.broadcast %add3A_86 : i32 to vector<16xi32>
        %add3A_88 = arith.addi %add3A_53, %add3A_87 : vector<16xi32>
        %add3A_89 = arith.addi %add3A_88, %iota3A : vector<16xi32>
        %shift_right_logical3A_90 = arith.constant 6 : i32
        %shift_right_logical3A_91 = vector.broadcast %shift_right_logical3A_90 : i32 to vector<16xi32>
        %shift_right_logical3A_92 = arith.shrui %add3A_89, %shift_right_logical3A_91 : vector<16xi32>
        %and3A_93 = arith.constant 63 : i32
        %and3A_94 = vector.broadcast %and3A_93 : i32 to vector<16xi32>
        %and3A_95 = arith.andi %add3A_89, %and3A_94 : vector<16xi32>
        tpu.vector_store_idx %arg9[%shift_right_logical3A_92, %and3A_95], %broadcast_in_dim3A_55 : memref<64x64xi32, #tpu.memory_space<vmem>>[vector<16xi32>, vector<16xi32>], vector<16xi32>,
        tpu.vector_store_idx %arg10[%shift_right_logical3A_92, %and3A_95], %broadcast_in_dim3A_55 : memref<64x64xi32, #tpu.memory_space<vmem>>[vector<16xi32>, vector<16xi32>], vector<16xi32>,
        tpu.vector_store_idx %arg11[%shift_right_logical3A_92, %and3A_95], %broadcast_in_dim3A_57 : memref<64x64xi32, #tpu.memory_space<vmem>>[vector<16xi32>, vector<16xi32>], vector<16xi32>,
        %add3A_96 = arith.constant 64 : i32
        %add3A_97 = arith.addi %reduce_max3A_49, %add3A_96 : i32
        %sub3A = arith.constant 1 : i32
        %sub3A_98 = arith.subi %add3A_97, %sub3A : i32
        %jit3A = arith.constant 64 : i32
        %div3A = arith.divsi %sub3A_98, %jit3A : i32
        %sign3A = arith.constant 0 : i32
        %sign3A_99 = arith.cmpi sgt, %sub3A_98, %sign3A : i32
        %sign3A_100 = arith.extui %sign3A_99 : i1 to i32
        %sign3A_101 = arith.constant 0 : i32
        %sign3A_102 = arith.cmpi slt, %sub3A_98, %sign3A_101 : i32
        %sign3A_103 = arith.extui %sign3A_102 : i1 to i32
        %sign3A_104 = arith.subi %sign3A_100, %sign3A_103 : i32
        %sign3A_105 = arith.constant 0 : i32
        %sign3A_106 = arith.cmpi sgt, %jit3A, %sign3A_105 : i32
        %sign3A_107 = arith.extui %sign3A_106 : i1 to i32
        %sign3A_108 = arith.constant 0 : i32
        %sign3A_109 = arith.cmpi slt, %jit3A, %sign3A_108 : i32
        %sign3A_110 = arith.extui %sign3A_109 : i1 to i32
        %sign3A_111 = arith.subi %sign3A_107, %sign3A_110 : i32
        %ne3A = arith.cmpi ne, %sign3A_104, %sign3A_111 : i32
        %rem3A = arith.remsi %sub3A_98, %jit3A : i32
        %ne3A_112 = arith.constant 0 : i32
        %ne3A_113 = arith.cmpi ne, %rem3A, %ne3A_112 : i32
        %and3A_114 = arith.andi %ne3A, %ne3A_113 : i1
        %sub3A_115 = arith.constant 1 : i32
        %sub3A_116 = arith.subi %div3A, %sub3A_115 : i32
        %select_n3A = arith.select %and3A_114, %sub3A_116, %div3A : i32
        %gt3A = arith.constant 0 : i32
        %gt3A_117 = arith.cmpi sgt, %select_n3A, %gt3A : i32
        %convert_element_type3A = arith.extui %gt3A_117 : i1 to i32
        %cond3A = arith.constant 0 : i32
        %cond3A_118 = arith.cmpi ne, %convert_element_type3A, %cond3A : i32
        scf.if %cond3A_118 {
          %dma_start3A = arith.constant 0 : i32
          %dma_start3A_175 = arith.constant 0 : i32
          %dma_start3A_176 = arith.constant 0 : i32
          %dma_start3A_177 = arith.constant 0 : i32
          %dma_start3A_178 = tpu.memref_slice %arg12[%dma_start3A_175, %dma_start3A_176, %dma_start3A_177] : memref<5x64x64xf32, #tpu.memory_space<vmem>> -> memref<1x64x64xf32, #tpu.memory_space<vmem>>
          %dma_start3A_179 = tpu.memref_squeeze %dma_start3A_178 : memref<1x64x64xf32, #tpu.memory_space<vmem>> -> memref<64x64xf32, #tpu.memory_space<vmem>>
          %dma_start3A_180 = arith.constant 0 : i32
          %dma_start3A_181 = tpu.memref_slice %arg9[%dma_start3A, %dma_start3A_180] : memref<64x64xi32, #tpu.memory_space<vmem>> -> memref<1x64xi32, #tpu.memory_space<vmem>>
          %dma_start3A_182 = tpu.memref_squeeze %dma_start3A_181 : memref<1x64xi32, #tpu.memory_space<vmem>> -> memref<64xi32, #tpu.memory_space<vmem>>
          %dma_start3A_183 = arith.constant 0 : i32
          %dma_start3A_184 = arith.constant 0 : i32
          %dma_start3A_185 = tpu.memref_slice %arg2[%dma_start3A_183, %dma_start3A_184] : memref<160000x64xf32, #tpu.memory_space<hbm>> -> memref<160000x64xf32, #tpu.memory_space<hbm>>
          tpu.enqueue_indirect_dma source(%dma_start3A_185 : memref<160000x64xf32, #tpu.memory_space<hbm>>) target(%dma_start3A_179 : memref<64x64xf32, #tpu.memory_space<vmem>>) offsets(%dma_start3A_182 : memref<64xi32, #tpu.memory_space<vmem>>) semaphore(%arg16 : memref<!tpu.dma_semaphore, #tpu.memory_space<semaphore_mem>>)
          %dma_start3A_186 = arith.constant 0 : i32
          %dma_start3A_187 = arith.constant 0 : i32
          %dma_start3A_188 = arith.constant 0 : i32
          %dma_start3A_189 = arith.constant 0 : i32
          %dma_start3A_190 = tpu.memref_slice %arg13[%dma_start3A_187, %dma_start3A_188, %dma_start3A_189] : memref<5x64x64xf32, #tpu.memory_space<vmem>> -> memref<1x64x64xf32, #tpu.memory_space<vmem>>
          %dma_start3A_191 = tpu.memref_squeeze %dma_start3A_190 : memref<1x64x64xf32, #tpu.memory_space<vmem>> -> memref<64x64xf32, #tpu.memory_space<vmem>>
          %dma_start3A_192 = arith.constant 0 : i32
          %dma_start3A_193 = tpu.memref_slice %arg10[%dma_start3A_186, %dma_start3A_192] : memref<64x64xi32, #tpu.memory_space<vmem>> -> memref<1x64xi32, #tpu.memory_space<vmem>>
          %dma_start3A_194 = tpu.memref_squeeze %dma_start3A_193 : memref<1x64xi32, #tpu.memory_space<vmem>> -> memref<64xi32, #tpu.memory_space<vmem>>
          %dma_start3A_195 = arith.constant 0 : i32
          %dma_start3A_196 = arith.constant 0 : i32
          %dma_start3A_197 = tpu.memref_slice %arg3[%dma_start3A_195, %dma_start3A_196] : memref<640000x64xf32, #tpu.memory_space<hbm>> -> memref<640000x64xf32, #tpu.memory_space<hbm>>
          tpu.enqueue_indirect_dma source(%dma_start3A_197 : memref<640000x64xf32, #tpu.memory_space<hbm>>) target(%dma_start3A_191 : memref<64x64xf32, #tpu.memory_space<vmem>>) offsets(%dma_start3A_194 : memref<64xi32, #tpu.memory_space<vmem>>) semaphore(%arg17 : memref<!tpu.dma_semaphore, #tpu.memory_space<semaphore_mem>>)
        } else {
        }
        %gt3A_119 = arith.constant 1 : i32
        %gt3A_120 = arith.cmpi sgt, %select_n3A, %gt3A_119 : i32
        %convert_element_type3A_121 = arith.extui %gt3A_120 : i1 to i32
        %cond3A_122 = arith.constant 0 : i32
        %cond3A_123 = arith.cmpi ne, %convert_element_type3A_121, %cond3A_122 : i32
        scf.if %cond3A_123 {
          %dma_start3A = arith.constant 1 : i32
          %dma_start3A_175 = arith.constant 1 : i32
          %dma_start3A_176 = arith.constant 0 : i32
          %dma_start3A_177 = arith.constant 0 : i32
          %dma_start3A_178 = tpu.memref_slice %arg12[%dma_start3A_175, %dma_start3A_176, %dma_start3A_177] : memref<5x64x64xf32, #tpu.memory_space<vmem>> -> memref<1x64x64xf32, #tpu.memory_space<vmem>>
          %dma_start3A_179 = tpu.memref_squeeze %dma_start3A_178 : memref<1x64x64xf32, #tpu.memory_space<vmem>> -> memref<64x64xf32, #tpu.memory_space<vmem>>
          %dma_start3A_180 = arith.constant 0 : i32
          %dma_start3A_181 = tpu.memref_slice %arg9[%dma_start3A, %dma_start3A_180] : memref<64x64xi32, #tpu.memory_space<vmem>> -> memref<1x64xi32, #tpu.memory_space<vmem>>
          %dma_start3A_182 = tpu.memref_squeeze %dma_start3A_181 : memref<1x64xi32, #tpu.memory_space<vmem>> -> memref<64xi32, #tpu.memory_space<vmem>>
          %dma_start3A_183 = arith.constant 0 : i32
          %dma_start3A_184 = arith.constant 0 : i32
          %dma_start3A_185 = tpu.memref_slice %arg2[%dma_start3A_183, %dma_start3A_184] : memref<160000x64xf32, #tpu.memory_space<hbm>> -> memref<160000x64xf32, #tpu.memory_space<hbm>>
          tpu.enqueue_indirect_dma source(%dma_start3A_185 : memref<160000x64xf32, #tpu.memory_space<hbm>>) target(%dma_start3A_179 : memref<64x64xf32, #tpu.memory_space<vmem>>) offsets(%dma_start3A_182 : memref<64xi32, #tpu.memory_space<vmem>>) semaphore(%arg18 : memref<!tpu.dma_semaphore, #tpu.memory_space<semaphore_mem>>)
          %dma_start3A_186 = arith.constant 1 : i32
          %dma_start3A_187 = arith.constant 1 : i32
          %dma_start3A_188 = arith.constant 0 : i32
          %dma_start3A_189 = arith.constant 0 : i32
          %dma_start3A_190 = tpu.memref_slice %arg13[%dma_start3A_187, %dma_start3A_188, %dma_start3A_189] : memref<5x64x64xf32, #tpu.memory_space<vmem>> -> memref<1x64x64xf32, #tpu.memory_space<vmem>>
          %dma_start3A_191 = tpu.memref_squeeze %dma_start3A_190 : memref<1x64x64xf32, #tpu.memory_space<vmem>> -> memref<64x64xf32, #tpu.memory_space<vmem>>
          %dma_start3A_192 = arith.constant 0 : i32
          %dma_start3A_193 = tpu.memref_slice %arg10[%dma_start3A_186, %dma_start3A_192] : memref<64x64xi32, #tpu.memory_space<vmem>> -> memref<1x64xi32, #tpu.memory_space<vmem>>
          %dma_start3A_194 = tpu.memref_squeeze %dma_start3A_193 : memref<1x64xi32, #tpu.memory_space<vmem>> -> memref<64xi32, #tpu.memory_space<vmem>>
          %dma_start3A_195 = arith.constant 0 : i32
          %dma_start3A_196 = arith.constant 0 : i32
          %dma_start3A_197 = tpu.memref_slice %arg3[%dma_start3A_195, %dma_start3A_196] : memref<640000x64xf32, #tpu.memory_space<hbm>> -> memref<640000x64xf32, #tpu.memory_space<hbm>>
          tpu.enqueue_indirect_dma source(%dma_start3A_197 : memref<640000x64xf32, #tpu.memory_space<hbm>>) target(%dma_start3A_191 : memref<64x64xf32, #tpu.memory_space<vmem>>) offsets(%dma_start3A_194 : memref<64xi32, #tpu.memory_space<vmem>>) semaphore(%arg19 : memref<!tpu.dma_semaphore, #tpu.memory_space<semaphore_mem>>)
        } else {
        }
        %gt3A_124 = arith.constant 2 : i32
        %gt3A_125 = arith.cmpi sgt, %select_n3A, %gt3A_124 : i32
        %convert_element_type3A_126 = arith.extui %gt3A_125 : i1 to i32
        %cond3A_127 = arith.constant 0 : i32
        %cond3A_128 = arith.cmpi ne, %convert_element_type3A_126, %cond3A_127 : i32
        scf.if %cond3A_128 {
          %dma_start3A = arith.constant 2 : i32
          %dma_start3A_175 = arith.constant 2 : i32
          %dma_start3A_176 = arith.constant 0 : i32
          %dma_start3A_177 = arith.constant 0 : i32
          %dma_start3A_178 = tpu.memref_slice %arg12[%dma_start3A_175, %dma_start3A_176, %dma_start3A_177] : memref<5x64x64xf32, #tpu.memory_space<vmem>> -> memref<1x64x64xf32, #tpu.memory_space<vmem>>
          %dma_start3A_179 = tpu.memref_squeeze %dma_start3A_178 : memref<1x64x64xf32, #tpu.memory_space<vmem>> -> memref<64x64xf32, #tpu.memory_space<vmem>>
          %dma_start3A_180 = arith.constant 0 : i32
          %dma_start3A_181 = tpu.memref_slice %arg9[%dma_start3A, %dma_start3A_180] : memref<64x64xi32, #tpu.memory_space<vmem>> -> memref<1x64xi32, #tpu.memory_space<vmem>>
          %dma_start3A_182 = tpu.memref_squeeze %dma_start3A_181 : memref<1x64xi32, #tpu.memory_space<vmem>> -> memref<64xi32, #tpu.memory_space<vmem>>
          %dma_start3A_183 = arith.constant 0 : i32
          %dma_start3A_184 = arith.constant 0 : i32
          %dma_start3A_185 = tpu.memref_slice %arg2[%dma_start3A_183, %dma_start3A_184] : memref<160000x64xf32, #tpu.memory_space<hbm>> -> memref<160000x64xf32, #tpu.memory_space<hbm>>
          tpu.enqueue_indirect_dma source(%dma_start3A_185 : memref<160000x64xf32, #tpu.memory_space<hbm>>) target(%dma_start3A_179 : memref<64x64xf32, #tpu.memory_space<vmem>>) offsets(%dma_start3A_182 : memref<64xi32, #tpu.memory_space<vmem>>) semaphore(%arg20 : memref<!tpu.dma_semaphore, #tpu.memory_space<semaphore_mem>>)
          %dma_start3A_186 = arith.constant 2 : i32
          %dma_start3A_187 = arith.constant 2 : i32
          %dma_start3A_188 = arith.constant 0 : i32
          %dma_start3A_189 = arith.constant 0 : i32
          %dma_start3A_190 = tpu.memref_slice %arg13[%dma_start3A_187, %dma_start3A_188, %dma_start3A_189] : memref<5x64x64xf32, #tpu.memory_space<vmem>> -> memref<1x64x64xf32, #tpu.memory_space<vmem>>
          %dma_start3A_191 = tpu.memref_squeeze %dma_start3A_190 : memref<1x64x64xf32, #tpu.memory_space<vmem>> -> memref<64x64xf32, #tpu.memory_space<vmem>>
          %dma_start3A_192 = arith.constant 0 : i32
          %dma_start3A_193 = tpu.memref_slice %arg10[%dma_start3A_186, %dma_start3A_192] : memref<64x64xi32, #tpu.memory_space<vmem>> -> memref<1x64xi32, #tpu.memory_space<vmem>>
          %dma_start3A_194 = tpu.memref_squeeze %dma_start3A_193 : memref<1x64xi32, #tpu.memory_space<vmem>> -> memref<64xi32, #tpu.memory_space<vmem>>
          %dma_start3A_195 = arith.constant 0 : i32
          %dma_start3A_196 = arith.constant 0 : i32
          %dma_start3A_197 = tpu.memref_slice %arg3[%dma_start3A_195, %dma_start3A_196] : memref<640000x64xf32, #tpu.memory_space<hbm>> -> memref<640000x64xf32, #tpu.memory_space<hbm>>
          tpu.enqueue_indirect_dma source(%dma_start3A_197 : memref<640000x64xf32, #tpu.memory_space<hbm>>) target(%dma_start3A_191 : memref<64x64xf32, #tpu.memory_space<vmem>>) offsets(%dma_start3A_194 : memref<64xi32, #tpu.memory_space<vmem>>) semaphore(%arg21 : memref<!tpu.dma_semaphore, #tpu.memory_space<semaphore_mem>>)
        } else {
        }
        %add3A_129 = arith.constant 5 : i32
        %add3A_130 = arith.addi %select_n3A, %add3A_129 : i32
        %sub3A_131 = arith.constant 1 : i32
        %sub3A_132 = arith.subi %add3A_130, %sub3A_131 : i32
        %jit3A_133 = arith.constant 5 : i32
        %div3A_134 = arith.divsi %sub3A_132, %jit3A_133 : i32
        %sign3A_135 = arith.constant 0 : i32
        %sign3A_136 = arith.cmpi sgt, %sub3A_132, %sign3A_135 : i32
        %sign3A_137 = arith.extui %sign3A_136 : i1 to i32
        %sign3A_138 = arith.constant 0 : i32
        %sign3A_139 = arith.cmpi slt, %sub3A_132, %sign3A_138 : i32
        %sign3A_140 = arith.extui %sign3A_139 : i1 to i32
        %sign3A_141 = arith.subi %sign3A_137, %sign3A_140 : i32
        %sign3A_142 = arith.constant 0 : i32
        %sign3A_143 = arith.cmpi sgt, %jit3A_133, %sign3A_142 : i32
        %sign3A_144 = arith.extui %sign3A_143 : i1 to i32
        %sign3A_145 = arith.constant 0 : i32
        %sign3A_146 = arith.cmpi slt, %jit3A_133, %sign3A_145 : i32
        %sign3A_147 = arith.extui %sign3A_146 : i1 to i32
        %sign3A_148 = arith.subi %sign3A_144, %sign3A_147 : i32
        %ne3A_149 = arith.cmpi ne, %sign3A_141, %sign3A_148 : i32
        %rem3A_150 = arith.remsi %sub3A_132, %jit3A_133 : i32
        %ne3A_151 = arith.constant 0 : i32
        %ne3A_152 = arith.cmpi ne, %rem3A_150, %ne3A_151 : i32
        %and3A_153 = arith.andi %ne3A_149, %ne3A_152 : i1
        %sub3A_154 = arith.constant 1 : i32
        %sub3A_155 = arith.subi %div3A_134, %sub3A_154 : i32
        %select_n3A_156 = arith.select %and3A_153, %sub3A_155, %div3A_134 : i32
        %while3A = arith.constant 0 : i32
        %while3A_157 = arith.constant 0 : i32
        %while3A_158 = arith.subi %select_n3A_156, %while3A_157 : i32
        %while3A_159 = arith.addi %while3A_157, %while3A_158 : i32
        %while3A_160 = arith.constant 1 : i32
        %while3A_161 = arith.divsi %while3A_158, %while3A_160 : i32
        %while3A_162 = arith.muli %while3A_161, %while3A_160 : i32
        %while3A_163 = arith.addi %while3A_157, %while3A_162 : i32
        %while3A_164 = arith.constant 1 : i32
        scf.for %while3A_175 = %while3A_157 to %while3A_163 step %while3A_164  : i32 {
          %mul3A_176 = arith.constant 5 : i32
          %mul3A_177 = arith.muli %while3A_175, %mul3A_176 : i32
          %add3A_178 = arith.constant 0 : i32
          %add3A_179 = arith.addi %mul3A_177, %add3A_178 : i32
          %lt3A = arith.cmpi slt, %add3A_179, %select_n3A : i32
          %convert_element_type3A_180 = arith.extui %lt3A : i1 to i32
          %cond3A_181 = arith.constant 0 : i32
          %cond3A_182 = arith.cmpi ne, %convert_element_type3A_180, %cond3A_181 : i32
          scf.if %cond3A_182 {
            %ge3A_215 = arith.constant 2 : i32
            %ge3A_216 = arith.cmpi sge, %add3A_179, %ge3A_215 : i32
            %convert_element_type3A_217 = arith.extui %ge3A_216 : i1 to i32
            %cond3A_218 = arith.constant 0 : i32
            %cond3A_219 = arith.cmpi ne, %convert_element_type3A_217, %cond3A_218 : i32
            scf.if %cond3A_219 {
              %dma_wait3A_260 = arith.constant 0 : i32
              %dma_wait3A_261 = arith.constant 0 : i32
              %dma_wait3A_262 = arith.constant 0 : i32
              %dma_wait3A_263 = arith.constant 0 : i32
              %dma_wait3A_264 = tpu.memref_slice %arg12[%dma_wait3A_260, %dma_wait3A_262, %dma_wait3A_263] : memref<5x64x64xf32, #tpu.memory_space<vmem>> -> memref<1x64x64xf32, #tpu.memory_space<vmem>>
              %dma_wait3A_265 = tpu.memref_squeeze %dma_wait3A_264 : memref<1x64x64xf32, #tpu.memory_space<vmem>> -> memref<64x64xf32, #tpu.memory_space<vmem>>
              %dma_wait3A_266 = arith.constant 0 : i32
              %dma_wait3A_267 = tpu.memref_slice %arg11[%dma_wait3A_261, %dma_wait3A_266] : memref<64x64xi32, #tpu.memory_space<vmem>> -> memref<1x64xi32, #tpu.memory_space<vmem>>
              %dma_wait3A_268 = tpu.memref_squeeze %dma_wait3A_267 : memref<1x64xi32, #tpu.memory_space<vmem>> -> memref<64xi32, #tpu.memory_space<vmem>>
              %dma_wait3A_269 = arith.constant 0 : i32
              %dma_wait3A_270 = arith.constant 0 : i32
              %dma_wait3A_271 = tpu.memref_slice %arg15[%dma_wait3A_269, %dma_wait3A_270] : memref<16016x64xf32, #tpu.memory_space<vmem_shared>> -> memref<16016x64xf32, #tpu.memory_space<vmem_shared>>
              tpu.wait_indirect_dma semaphore(%arg26 : memref<!tpu.dma_semaphore, #tpu.memory_space<semaphore_mem>>) src(%dma_wait3A_265 : memref<64x64xf32, #tpu.memory_space<vmem>>) dst(%dma_wait3A_271 : memref<16016x64xf32, #tpu.memory_space<vmem_shared>>)
            } else {
            }
            %add3A_220 = arith.constant 3 : i32
            %add3A_221 = arith.addi %add3A_179, %add3A_220 : i32
            %lt3A_222 = arith.cmpi slt, %add3A_221, %select_n3A : i32
            %convert_element_type3A_223 = arith.extui %lt3A_222 : i1 to i32
            %cond3A_224 = arith.constant 0 : i32
            %cond3A_225 = arith.cmpi ne, %convert_element_type3A_223, %cond3A_224 : i32
            scf.if %cond3A_225 {
              %add3A_260 = arith.constant 3 : i32
              %add3A_261 = arith.addi %add3A_179, %add3A_260 : i32
              %dma_start3A_262 = arith.constant 3 : i32
              %dma_start3A_263 = arith.constant 0 : i32
              %dma_start3A_264 = arith.constant 0 : i32
              %dma_start3A_265 = tpu.memref_slice %arg12[%dma_start3A_262, %dma_start3A_263, %dma_start3A_264] : memref<5x64x64xf32, #tpu.memory_space<vmem>> -> memref<1x64x64xf32, #tpu.memory_space<vmem>>
              %dma_start3A_266 = tpu.memref_squeeze %dma_start3A_265 : memref<1x64x64xf32, #tpu.memory_space<vmem>> -> memref<64x64xf32, #tpu.memory_space<vmem>>
              %dma_start3A_267 = arith.constant 0 : i32
              %dma_start3A_268 = tpu.memref_slice %arg9[%add3A_261, %dma_start3A_267] : memref<64x64xi32, #tpu.memory_space<vmem>> -> memref<1x64xi32, #tpu.memory_space<vmem>>
              %dma_start3A_269 = tpu.memref_squeeze %dma_start3A_268 : memref<1x64xi32, #tpu.memory_space<vmem>> -> memref<64xi32, #tpu.memory_space<vmem>>
              %dma_start3A_270 = arith.constant 0 : i32
              %dma_start3A_271 = arith.constant 0 : i32
              %dma_start3A_272 = tpu.memref_slice %arg2[%dma_start3A_270, %dma_start3A_271] : memref<160000x64xf32, #tpu.memory_space<hbm>> -> memref<160000x64xf32, #tpu.memory_space<hbm>>
              tpu.enqueue_indirect_dma source(%dma_start3A_272 : memref<160000x64xf32, #tpu.memory_space<hbm>>) target(%dma_start3A_266 : memref<64x64xf32, #tpu.memory_space<vmem>>) offsets(%dma_start3A_269 : memref<64xi32, #tpu.memory_space<vmem>>) semaphore(%arg22 : memref<!tpu.dma_semaphore, #tpu.memory_space<semaphore_mem>>)
              %dma_start3A_273 = arith.constant 3 : i32
              %dma_start3A_274 = arith.constant 0 : i32
              %dma_start3A_275 = arith.constant 0 : i32
              %dma_start3A_276 = tpu.memref_slice %arg13[%dma_start3A_273, %dma_start3A_274, %dma_start3A_275] : memref<5x64x64xf32, #tpu.memory_space<vmem>> -> memref<1x64x64xf32, #tpu.memory_space<vmem>>
              %dma_start3A_277 = tpu.memref_squeeze %dma_start3A_276 : memref<1x64x64xf32, #tpu.memory_space<vmem>> -> memref<64x64xf32, #tpu.memory_space<vmem>>
              %dma_start3A_278 = arith.constant 0 : i32
              %dma_start3A_279 = tpu.memref_slice %arg10[%add3A_261, %dma_start3A_278] : memref<64x64xi32, #tpu.memory_space<vmem>> -> memref<1x64xi32, #tpu.memory_space<vmem>>
              %dma_start3A_280 = tpu.memref_squeeze %dma_start3A_279 : memref<1x64xi32, #tpu.memory_space<vmem>> -> memref<64xi32, #tpu.memory_space<vmem>>
              %dma_start3A_281 = arith.constant 0 : i32
              %dma_start3A_282 = arith.constant 0 : i32
              %dma_start3A_283 = tpu.memref_slice %arg3[%dma_start3A_281, %dma_start3A_282] : memref<640000x64xf32, #tpu.memory_space<hbm>> -> memref<640000x64xf32, #tpu.memory_space<hbm>>
              tpu.enqueue_indirect_dma source(%dma_start3A_283 : memref<640000x64xf32, #tpu.memory_space<hbm>>) target(%dma_start3A_277 : memref<64x64xf32, #tpu.memory_space<vmem>>) offsets(%dma_start3A_280 : memref<64xi32, #tpu.memory_space<vmem>>) semaphore(%arg23 : memref<!tpu.dma_semaphore, #tpu.memory_space<semaphore_mem>>)
            } else {
            }
            %dma_wait3A = arith.constant 0 : i32
            %dma_wait3A_226 = arith.constant 0 : i32
            %dma_wait3A_227 = arith.constant 0 : i32
            %dma_wait3A_228 = tpu.memref_slice %arg12[%dma_wait3A, %dma_wait3A_226, %dma_wait3A_227] : memref<5x64x64xf32, #tpu.memory_space<vmem>> -> memref<1x64x64xf32, #tpu.memory_space<vmem>>
            %dma_wait3A_229 = tpu.memref_squeeze %dma_wait3A_228 : memref<1x64x64xf32, #tpu.memory_space<vmem>> -> memref<64x64xf32, #tpu.memory_space<vmem>>
            %dma_wait3A_230 = arith.constant 0 : i32
            %dma_wait3A_231 = tpu.memref_slice %arg9[%add3A_179, %dma_wait3A_230] : memref<64x64xi32, #tpu.memory_space<vmem>> -> memref<1x64xi32, #tpu.memory_space<vmem>>
            %dma_wait3A_232 = tpu.memref_squeeze %dma_wait3A_231 : memref<1x64xi32, #tpu.memory_space<vmem>> -> memref<64xi32, #tpu.memory_space<vmem>>
            %dma_wait3A_233 = arith.constant 0 : i32
            %dma_wait3A_234 = arith.constant 0 : i32
            %dma_wait3A_235 = tpu.memref_slice %arg2[%dma_wait3A_233, %dma_wait3A_234] : memref<160000x64xf32, #tpu.memory_space<hbm>> -> memref<160000x64xf32, #tpu.memory_space<hbm>>
            tpu.wait_indirect_dma semaphore(%arg16 : memref<!tpu.dma_semaphore, #tpu.memory_space<semaphore_mem>>) src(%dma_wait3A_235 : memref<160000x64xf32, #tpu.memory_space<hbm>>) dst(%dma_wait3A_229 : memref<64x64xf32, #tpu.memory_space<vmem>>)
            %dma_wait3A_236 = arith.constant 0 : i32
            %dma_wait3A_237 = arith.constant 0 : i32
            %dma_wait3A_238 = arith.constant 0 : i32
            %dma_wait3A_239 = tpu.memref_slice %arg13[%dma_wait3A_236, %dma_wait3A_237, %dma_wait3A_238] : memref<5x64x64xf32, #tpu.memory_space<vmem>> -> memref<1x64x64xf32, #tpu.memory_space<vmem>>
            %dma_wait3A_240 = tpu.memref_squeeze %dma_wait3A_239 : memref<1x64x64xf32, #tpu.memory_space<vmem>> -> memref<64x64xf32, #tpu.memory_space<vmem>>
            %dma_wait3A_241 = arith.constant 0 : i32
            %dma_wait3A_242 = tpu.memref_slice %arg10[%add3A_179, %dma_wait3A_241] : memref<64x64xi32, #tpu.memory_space<vmem>> -> memref<1x64xi32, #tpu.memory_space<vmem>>
            %dma_wait3A_243 = tpu.memref_squeeze %dma_wait3A_242 : memref<1x64xi32, #tpu.memory_space<vmem>> -> memref<64xi32, #tpu.memory_space<vmem>>
            %dma_wait3A_244 = arith.constant 0 : i32
            %dma_wait3A_245 = arith.constant 0 : i32
            %dma_wait3A_246 = tpu.memref_slice %arg3[%dma_wait3A_244, %dma_wait3A_245] : memref<640000x64xf32, #tpu.memory_space<hbm>> -> memref<640000x64xf32, #tpu.memory_space<hbm>>
            tpu.wait_indirect_dma semaphore(%arg17 : memref<!tpu.dma_semaphore, #tpu.memory_space<semaphore_mem>>) src(%dma_wait3A_246 : memref<640000x64xf32, #tpu.memory_space<hbm>>) dst(%dma_wait3A_240 : memref<64x64xf32, #tpu.memory_space<vmem>>)
            %parallel_loop3A_247 = arith.constant 0 : i32
            %parallel_loop3A_248 = arith.constant 64 : i32
            %parallel_loop3A_249 = arith.constant 1 : i32
            scf.for %parallel_loop3A_260 = %parallel_loop3A_247 to %parallel_loop3A_248 step %parallel_loop3A_249  : i32 {
              %parallel_loop3A_261 = arith.constant 0 : i32
              %parallel_loop3A_262 = arith.index_cast %parallel_loop3A_261 : i32 to index
              %parallel_loop3A_263 = arith.index_cast %parallel_loop3A_260 : i32 to index
              %parallel_loop3A_264 = arith.constant 0 : index
              %parallel_loop3A_265 = tpu.vector_load %arg12[%parallel_loop3A_262, %parallel_loop3A_263, %parallel_loop3A_264] {strides = array<i32>} : memref<5x64x64xf32, #tpu.memory_space<vmem>>, vector<16xf32>,
              %parallel_loop3A_266 = arith.constant 0 : i32
              %parallel_loop3A_267 = arith.index_cast %parallel_loop3A_266 : i32 to index
              %parallel_loop3A_268 = arith.index_cast %parallel_loop3A_260 : i32 to index
              %parallel_loop3A_269 = arith.constant 0 : index
              %parallel_loop3A_270 = tpu.vector_load %arg13[%parallel_loop3A_267, %parallel_loop3A_268, %parallel_loop3A_269] {strides = array<i32>} : memref<5x64x64xf32, #tpu.memory_space<vmem>>, vector<16xf32>,
              %parallel_loop3A_271 = arith.mulf %parallel_loop3A_265, %parallel_loop3A_270 : vector<16xf32>
              %parallel_loop3A_272 = arith.constant 0 : i32
              %parallel_loop3A_273 = arith.index_cast %parallel_loop3A_272 : i32 to index
              %parallel_loop3A_274 = arith.index_cast %parallel_loop3A_260 : i32 to index
              %parallel_loop3A_275 = arith.constant 0 : index
              %parallel_loop3A_276 = tpu.vector_load %arg12[%parallel_loop3A_273, %parallel_loop3A_274, %parallel_loop3A_275] {strides = array<i32>} : memref<5x64x64xf32, #tpu.memory_space<vmem>>, vector<16xf32>,
              tpu.vector_store %arg12[%parallel_loop3A_273, %parallel_loop3A_274, %parallel_loop3A_275], %parallel_loop3A_271 {strides = array<i32>} : memref<5x64x64xf32, #tpu.memory_space<vmem>>, vector<16xf32>,
              %parallel_loop3A_277 = arith.constant 0 : i32
              %parallel_loop3A_278 = arith.index_cast %parallel_loop3A_277 : i32 to index
              %parallel_loop3A_279 = arith.index_cast %parallel_loop3A_260 : i32 to index
              %parallel_loop3A_280 = arith.constant 16 : index
              %parallel_loop3A_281 = tpu.vector_load %arg12[%parallel_loop3A_278, %parallel_loop3A_279, %parallel_loop3A_280] {strides = array<i32>} : memref<5x64x64xf32, #tpu.memory_space<vmem>>, vector<16xf32>,
              %parallel_loop3A_282 = arith.constant 0 : i32
              %parallel_loop3A_283 = arith.index_cast %parallel_loop3A_282 : i32 to index
              %parallel_loop3A_284 = arith.index_cast %parallel_loop3A_260 : i32 to index
              %parallel_loop3A_285 = arith.constant 16 : index
              %parallel_loop3A_286 = tpu.vector_load %arg13[%parallel_loop3A_283, %parallel_loop3A_284, %parallel_loop3A_285] {strides = array<i32>} : memref<5x64x64xf32, #tpu.memory_space<vmem>>, vector<16xf32>,
              %parallel_loop3A_287 = arith.mulf %parallel_loop3A_281, %parallel_loop3A_286 : vector<16xf32>
              %parallel_loop3A_288 = arith.constant 0 : i32
              %parallel_loop3A_289 = arith.index_cast %parallel_loop3A_288 : i32 to index
              %parallel_loop3A_290 = arith.index_cast %parallel_loop3A_260 : i32 to index
              %parallel_loop3A_291 = arith.constant 16 : index
              %parallel_loop3A_292 = tpu.vector_load %arg12[%parallel_loop3A_289, %parallel_loop3A_290, %parallel_loop3A_291] {strides = array<i32>} : memref<5x64x64xf32, #tpu.memory_space<vmem>>, vector<16xf32>,
              tpu.vector_store %arg12[%parallel_loop3A_289, %parallel_loop3A_290, %parallel_loop3A_291], %parallel_loop3A_287 {strides = array<i32>} : memref<5x64x64xf32, #tpu.memory_space<vmem>>, vector<16xf32>,
              %parallel_loop3A_293 = arith.constant 0 : i32
              %parallel_loop3A_294 = arith.index_cast %parallel_loop3A_293 : i32 to index
              %parallel_loop3A_295 = arith.index_cast %parallel_loop3A_260 : i32 to index
              %parallel_loop3A_296 = arith.constant 32 : index
              %parallel_loop3A_297 = tpu.vector_load %arg12[%parallel_loop3A_294, %parallel_loop3A_295, %parallel_loop3A_296] {strides = array<i32>} : memref<5x64x64xf32, #tpu.memory_space<vmem>>, vector<16xf32>,
              %parallel_loop3A_298 = arith.constant 0 : i32
              %parallel_loop3A_299 = arith.index_cast %parallel_loop3A_298 : i32 to index
              %parallel_loop3A_300 = arith.index_cast %parallel_loop3A_260 : i32 to index
              %parallel_loop3A_301 = arith.constant 32 : index
              %parallel_loop3A_302 = tpu.vector_load %arg13[%parallel_loop3A_299, %parallel_loop3A_300, %parallel_loop3A_301] {strides = array<i32>} : memref<5x64x64xf32, #tpu.memory_space<vmem>>, vector<16xf32>,
              %parallel_loop3A_303 = arith.mulf %parallel_loop3A_297, %parallel_loop3A_302 : vector<16xf32>
              %parallel_loop3A_304 = arith.constant 0 : i32
              %parallel_loop3A_305 = arith.index_cast %parallel_loop3A_304 : i32 to index
              %parallel_loop3A_306 = arith.index_cast %parallel_loop3A_260 : i32 to index
              %parallel_loop3A_307 = arith.constant 32 : index
              %parallel_loop3A_308 = tpu.vector_load %arg12[%parallel_loop3A_305, %parallel_loop3A_306, %parallel_loop3A_307] {strides = array<i32>} : memref<5x64x64xf32, #tpu.memory_space<vmem>>, vector<16xf32>,
              tpu.vector_store %arg12[%parallel_loop3A_305, %parallel_loop3A_306, %parallel_loop3A_307], %parallel_loop3A_303 {strides = array<i32>} : memref<5x64x64xf32, #tpu.memory_space<vmem>>, vector<16xf32>,
              %parallel_loop3A_309 = arith.constant 0 : i32
              %parallel_loop3A_310 = arith.index_cast %parallel_loop3A_309 : i32 to index
              %parallel_loop3A_311 = arith.index_cast %parallel_loop3A_260 : i32 to index
              %parallel_loop3A_312 = arith.constant 48 : index
              %parallel_loop3A_313 = tpu.vector_load %arg12[%parallel_loop3A_310, %parallel_loop3A_311, %parallel_loop3A_312] {strides = array<i32>} : memref<5x64x64xf32, #tpu.memory_space<vmem>>, vector<16xf32>,
              %parallel_loop3A_314 = arith.constant 0 : i32
              %parallel_loop3A_315 = arith.index_cast %parallel_loop3A_314 : i32 to index
              %parallel_loop3A_316 = arith.index_cast %parallel_loop3A_260 : i32 to index
              %parallel_loop3A_317 = arith.constant 48 : index
              %parallel_loop3A_318 = tpu.vector_load %arg13[%parallel_loop3A_315, %parallel_loop3A_316, %parallel_loop3A_317] {strides = array<i32>} : memref<5x64x64xf32, #tpu.memory_space<vmem>>, vector<16xf32>,
              %parallel_loop3A_319 = arith.mulf %parallel_loop3A_313, %parallel_loop3A_318 : vector<16xf32>
              %parallel_loop3A_320 = arith.constant 0 : i32
              %parallel_loop3A_321 = arith.index_cast %parallel_loop3A_320 : i32 to index
              %parallel_loop3A_322 = arith.index_cast %parallel_loop3A_260 : i32 to index
              %parallel_loop3A_323 = arith.constant 48 : index
              %parallel_loop3A_324 = tpu.vector_load %arg12[%parallel_loop3A_321, %parallel_loop3A_322, %parallel_loop3A_323] {strides = array<i32>} : memref<5x64x64xf32, #tpu.memory_space<vmem>>, vector<16xf32>,
              tpu.vector_store %arg12[%parallel_loop3A_321, %parallel_loop3A_322, %parallel_loop3A_323], %parallel_loop3A_319 {strides = array<i32>} : memref<5x64x64xf32, #tpu.memory_space<vmem>>, vector<16xf32>,
            } {sc.loop_unroll_factor = 8 : i64, sc.parallel_access}
            %dma_start3A = arith.constant 0 : i32
            %dma_start3A_250 = arith.constant 0 : i32
            %dma_start3A_251 = arith.constant 0 : i32
            %dma_start3A_252 = tpu.memref_slice %arg12[%dma_start3A, %dma_start3A_250, %dma_start3A_251] : memref<5x64x64xf32, #tpu.memory_space<vmem>> -> memref<1x64x64xf32, #tpu.memory_space<vmem>>
            %dma_start3A_253 = tpu.memref_squeeze %dma_start3A_252 : memref<1x64x64xf32, #tpu.memory_space<vmem>> -> memref<64x64xf32, #tpu.memory_space<vmem>>
            %dma_start3A_254 = arith.constant 0 : i32
            %dma_start3A_255 = tpu.memref_slice %arg11[%add3A_179, %dma_start3A_254] : memref<64x64xi32, #tpu.memory_space<vmem>> -> memref<1x64xi32, #tpu.memory_space<vmem>>
            %dma_start3A_256 = tpu.memref_squeeze %dma_start3A_255 : memref<1x64xi32, #tpu.memory_space<vmem>> -> memref<64xi32, #tpu.memory_space<vmem>>
            %dma_start3A_257 = arith.constant 0 : i32
            %dma_start3A_258 = arith.constant 0 : i32
            %dma_start3A_259 = tpu.memref_slice %arg15[%dma_start3A_257, %dma_start3A_258] : memref<16016x64xf32, #tpu.memory_space<vmem_shared>> -> memref<16016x64xf32, #tpu.memory_space<vmem_shared>>
            tpu.enqueue_indirect_dma source(%dma_start3A_253 : memref<64x64xf32, #tpu.memory_space<vmem>>) target(%dma_start3A_259 : memref<16016x64xf32, #tpu.memory_space<vmem_shared>>) offsets(%dma_start3A_256 : memref<64xi32, #tpu.memory_space<vmem>>) semaphore(%arg26 : memref<!tpu.dma_semaphore, #tpu.memory_space<semaphore_mem>>) {add = true}
          } else {
          }
          %mul3A_183 = arith.constant 5 : i32
          %mul3A_184 = arith.muli %while3A_175, %mul3A_183 : i32
          %add3A_185 = arith.constant 1 : i32
          %add3A_186 = arith.addi %mul3A_184, %add3A_185 : i32
          %lt3A_187 = arith.cmpi slt, %add3A_186, %select_n3A : i32
          %convert_element_type3A_188 = arith.extui %lt3A_187 : i1 to i32
          %cond3A_189 = arith.constant 0 : i32
          %cond3A_190 = arith.cmpi ne, %convert_element_type3A_188, %cond3A_189 : i32
          scf.if %cond3A_190 {
            %ge3A_215 = arith.constant 2 : i32
            %ge3A_216 = arith.cmpi sge, %add3A_186, %ge3A_215 : i32
            %convert_element_type3A_217 = arith.extui %ge3A_216 : i1 to i32
            %cond3A_218 = arith.constant 0 : i32
            %cond3A_219 = arith.cmpi ne, %convert_element_type3A_217, %cond3A_218 : i32
            scf.if %cond3A_219 {
              %dma_wait3A_260 = arith.constant 0 : i32
              %dma_wait3A_261 = arith.constant 0 : i32
              %dma_wait3A_262 = arith.constant 0 : i32
              %dma_wait3A_263 = arith.constant 0 : i32
              %dma_wait3A_264 = tpu.memref_slice %arg12[%dma_wait3A_260, %dma_wait3A_262, %dma_wait3A_263] : memref<5x64x64xf32, #tpu.memory_space<vmem>> -> memref<1x64x64xf32, #tpu.memory_space<vmem>>
              %dma_wait3A_265 = tpu.memref_squeeze %dma_wait3A_264 : memref<1x64x64xf32, #tpu.memory_space<vmem>> -> memref<64x64xf32, #tpu.memory_space<vmem>>
              %dma_wait3A_266 = arith.constant 0 : i32
              %dma_wait3A_267 = tpu.memref_slice %arg11[%dma_wait3A_261, %dma_wait3A_266] : memref<64x64xi32, #tpu.memory_space<vmem>> -> memref<1x64xi32, #tpu.memory_space<vmem>>
              %dma_wait3A_268 = tpu.memref_squeeze %dma_wait3A_267 : memref<1x64xi32, #tpu.memory_space<vmem>> -> memref<64xi32, #tpu.memory_space<vmem>>
              %dma_wait3A_269 = arith.constant 0 : i32
              %dma_wait3A_270 = arith.constant 0 : i32
              %dma_wait3A_271 = tpu.memref_slice %arg15[%dma_wait3A_269, %dma_wait3A_270] : memref<16016x64xf32, #tpu.memory_space<vmem_shared>> -> memref<16016x64xf32, #tpu.memory_space<vmem_shared>>
              tpu.wait_indirect_dma semaphore(%arg26 : memref<!tpu.dma_semaphore, #tpu.memory_space<semaphore_mem>>) src(%dma_wait3A_265 : memref<64x64xf32, #tpu.memory_space<vmem>>) dst(%dma_wait3A_271 : memref<16016x64xf32, #tpu.memory_space<vmem_shared>>)
            } else {
            }
            %add3A_220 = arith.constant 3 : i32
            %add3A_221 = arith.addi %add3A_186, %add3A_220 : i32
            %lt3A_222 = arith.cmpi slt, %add3A_221, %select_n3A : i32
            %convert_element_type3A_223 = arith.extui %lt3A_222 : i1 to i32
            %cond3A_224 = arith.constant 0 : i32
            %cond3A_225 = arith.cmpi ne, %convert_element_type3A_223, %cond3A_224 : i32
            scf.if %cond3A_225 {
              %add3A_260 = arith.constant 3 : i32
              %add3A_261 = arith.addi %add3A_186, %add3A_260 : i32
              %dma_start3A_262 = arith.constant 4 : i32
              %dma_start3A_263 = arith.constant 0 : i32
              %dma_start3A_264 = arith.constant 0 : i32
              %dma_start3A_265 = tpu.memref_slice %arg12[%dma_start3A_262, %dma_start3A_263, %dma_start3A_264] : memref<5x64x64xf32, #tpu.memory_space<vmem>> -> memref<1x64x64xf32, #tpu.memory_space<vmem>>
              %dma_start3A_266 = tpu.memref_squeeze %dma_start3A_265 : memref<1x64x64xf32, #tpu.memory_space<vmem>> -> memref<64x64xf32, #tpu.memory_space<vmem>>
              %dma_start3A_267 = arith.constant 0 : i32
              %dma_start3A_268 = tpu.memref_slice %arg9[%add3A_261, %dma_start3A_267] : memref<64x64xi32, #tpu.memory_space<vmem>> -> memref<1x64xi32, #tpu.memory_space<vmem>>
              %dma_start3A_269 = tpu.memref_squeeze %dma_start3A_268 : memref<1x64xi32, #tpu.memory_space<vmem>> -> memref<64xi32, #tpu.memory_space<vmem>>
              %dma_start3A_270 = arith.constant 0 : i32
              %dma_start3A_271 = arith.constant 0 : i32
              %dma_start3A_272 = tpu.memref_slice %arg2[%dma_start3A_270, %dma_start3A_271] : memref<160000x64xf32, #tpu.memory_space<hbm>> -> memref<160000x64xf32, #tpu.memory_space<hbm>>
              tpu.enqueue_indirect_dma source(%dma_start3A_272 : memref<160000x64xf32, #tpu.memory_space<hbm>>) target(%dma_start3A_266 : memref<64x64xf32, #tpu.memory_space<vmem>>) offsets(%dma_start3A_269 : memref<64xi32, #tpu.memory_space<vmem>>) semaphore(%arg24 : memref<!tpu.dma_semaphore, #tpu.memory_space<semaphore_mem>>)
              %dma_start3A_273 = arith.constant 4 : i32
              %dma_start3A_274 = arith.constant 0 : i32
              %dma_start3A_275 = arith.constant 0 : i32
              %dma_start3A_276 = tpu.memref_slice %arg13[%dma_start3A_273, %dma_start3A_274, %dma_start3A_275] : memref<5x64x64xf32, #tpu.memory_space<vmem>> -> memref<1x64x64xf32, #tpu.memory_space<vmem>>
              %dma_start3A_277 = tpu.memref_squeeze %dma_start3A_276 : memref<1x64x64xf32, #tpu.memory_space<vmem>> -> memref<64x64xf32, #tpu.memory_space<vmem>>
              %dma_start3A_278 = arith.constant 0 : i32
              %dma_start3A_279 = tpu.memref_slice %arg10[%add3A_261, %dma_start3A_278] : memref<64x64xi32, #tpu.memory_space<vmem>> -> memref<1x64xi32, #tpu.memory_space<vmem>>
              %dma_start3A_280 = tpu.memref_squeeze %dma_start3A_279 : memref<1x64xi32, #tpu.memory_space<vmem>> -> memref<64xi32, #tpu.memory_space<vmem>>
              %dma_start3A_281 = arith.constant 0 : i32
              %dma_start3A_282 = arith.constant 0 : i32
              %dma_start3A_283 = tpu.memref_slice %arg3[%dma_start3A_281, %dma_start3A_282] : memref<640000x64xf32, #tpu.memory_space<hbm>> -> memref<640000x64xf32, #tpu.memory_space<hbm>>
              tpu.enqueue_indirect_dma source(%dma_start3A_283 : memref<640000x64xf32, #tpu.memory_space<hbm>>) target(%dma_start3A_277 : memref<64x64xf32, #tpu.memory_space<vmem>>) offsets(%dma_start3A_280 : memref<64xi32, #tpu.memory_space<vmem>>) semaphore(%arg25 : memref<!tpu.dma_semaphore, #tpu.memory_space<semaphore_mem>>)
            } else {
            }
            %dma_wait3A = arith.constant 1 : i32
            %dma_wait3A_226 = arith.constant 0 : i32
            %dma_wait3A_227 = arith.constant 0 : i32
            %dma_wait3A_228 = tpu.memref_slice %arg12[%dma_wait3A, %dma_wait3A_226, %dma_wait3A_227] : memref<5x64x64xf32, #tpu.memory_space<vmem>> -> memref<1x64x64xf32, #tpu.memory_space<vmem>>
            %dma_wait3A_229 = tpu.memref_squeeze %dma_wait3A_228 : memref<1x64x64xf32, #tpu.memory_space<vmem>> -> memref<64x64xf32, #tpu.memory_space<vmem>>
            %dma_wait3A_230 = arith.constant 0 : i32
            %dma_wait3A_231 = tpu.memref_slice %arg9[%add3A_186, %dma_wait3A_230] : memref<64x64xi32, #tpu.memory_space<vmem>> -> memref<1x64xi32, #tpu.memory_space<vmem>>
            %dma_wait3A_232 = tpu.memref_squeeze %dma_wait3A_231 : memref<1x64xi32, #tpu.memory_space<vmem>> -> memref<64xi32, #tpu.memory_space<vmem>>
            %dma_wait3A_233 = arith.constant 0 : i32
            %dma_wait3A_234 = arith.constant 0 : i32
            %dma_wait3A_235 = tpu.memref_slice %arg2[%dma_wait3A_233, %dma_wait3A_234] : memref<160000x64xf32, #tpu.memory_space<hbm>> -> memref<160000x64xf32, #tpu.memory_space<hbm>>
            tpu.wait_indirect_dma semaphore(%arg18 : memref<!tpu.dma_semaphore, #tpu.memory_space<semaphore_mem>>) src(%dma_wait3A_235 : memref<160000x64xf32, #tpu.memory_space<hbm>>) dst(%dma_wait3A_229 : memref<64x64xf32, #tpu.memory_space<vmem>>)
            %dma_wait3A_236 = arith.constant 1 : i32
            %dma_wait3A_237 = arith.constant 0 : i32
            %dma_wait3A_238 = arith.constant 0 : i32
            %dma_wait3A_239 = tpu.memref_slice %arg13[%dma_wait3A_236, %dma_wait3A_237, %dma_wait3A_238] : memref<5x64x64xf32, #tpu.memory_space<vmem>> -> memref<1x64x64xf32, #tpu.memory_space<vmem>>
            %dma_wait3A_240 = tpu.memref_squeeze %dma_wait3A_239 : memref<1x64x64xf32, #tpu.memory_space<vmem>> -> memref<64x64xf32, #tpu.memory_space<vmem>>
            %dma_wait3A_241 = arith.constant 0 : i32
            %dma_wait3A_242 = tpu.memref_slice %arg10[%add3A_186, %dma_wait3A_241] : memref<64x64xi32, #tpu.memory_space<vmem>> -> memref<1x64xi32, #tpu.memory_space<vmem>>
            %dma_wait3A_243 = tpu.memref_squeeze %dma_wait3A_242 : memref<1x64xi32, #tpu.memory_space<vmem>> -> memref<64xi32, #tpu.memory_space<vmem>>
            %dma_wait3A_244 = arith.constant 0 : i32
            %dma_wait3A_245 = arith.constant 0 : i32
            %dma_wait3A_246 = tpu.memref_slice %arg3[%dma_wait3A_244, %dma_wait3A_245] : memref<640000x64xf32, #tpu.memory_space<hbm>> -> memref<640000x64xf32, #tpu.memory_space<hbm>>
            tpu.wait_indirect_dma semaphore(%arg19 : memref<!tpu.dma_semaphore, #tpu.memory_space<semaphore_mem>>) src(%dma_wait3A_246 : memref<640000x64xf32, #tpu.memory_space<hbm>>) dst(%dma_wait3A_240 : memref<64x64xf32, #tpu.memory_space<vmem>>)
            %parallel_loop3A_247 = arith.constant 0 : i32
            %parallel_loop3A_248 = arith.constant 64 : i32
            %parallel_loop3A_249 = arith.constant 1 : i32
            scf.for %parallel_loop3A_260 = %parallel_loop3A_247 to %parallel_loop3A_248 step %parallel_loop3A_249  : i32 {
              %parallel_loop3A_261 = arith.constant 1 : i32
              %parallel_loop3A_262 = arith.index_cast %parallel_loop3A_261 : i32 to index
              %parallel_loop3A_263 = arith.index_cast %parallel_loop3A_260 : i32 to index
              %parallel_loop3A_264 = arith.constant 0 : index
              %parallel_loop3A_265 = tpu.vector_load %arg12[%parallel_loop3A_262, %parallel_loop3A_263, %parallel_loop3A_264] {strides = array<i32>} : memref<5x64x64xf32, #tpu.memory_space<vmem>>, vector<16xf32>,
              %parallel_loop3A_266 = arith.constant 1 : i32
              %parallel_loop3A_267 = arith.index_cast %parallel_loop3A_266 : i32 to index
              %parallel_loop3A_268 = arith.index_cast %parallel_loop3A_260 : i32 to index
              %parallel_loop3A_269 = arith.constant 0 : index
              %parallel_loop3A_270 = tpu.vector_load %arg13[%parallel_loop3A_267, %parallel_loop3A_268, %parallel_loop3A_269] {strides = array<i32>} : memref<5x64x64xf32, #tpu.memory_space<vmem>>, vector<16xf32>,
              %parallel_loop3A_271 = arith.mulf %parallel_loop3A_265, %parallel_loop3A_270 : vector<16xf32>
              %parallel_loop3A_272 = arith.constant 1 : i32
              %parallel_loop3A_273 = arith.index_cast %parallel_loop3A_272 : i32 to index
              %parallel_loop3A_274 = arith.index_cast %parallel_loop3A_260 : i32 to index
              %parallel_loop3A_275 = arith.constant 0 : index
              %parallel_loop3A_276 = tpu.vector_load %arg12[%parallel_loop3A_273, %parallel_loop3A_274, %parallel_loop3A_275] {strides = array<i32>} : memref<5x64x64xf32, #tpu.memory_space<vmem>>, vector<16xf32>,
              tpu.vector_store %arg12[%parallel_loop3A_273, %parallel_loop3A_274, %parallel_loop3A_275], %parallel_loop3A_271 {strides = array<i32>} : memref<5x64x64xf32, #tpu.memory_space<vmem>>, vector<16xf32>,
              %parallel_loop3A_277 = arith.constant 1 : i32
              %parallel_loop3A_278 = arith.index_cast %parallel_loop3A_277 : i32 to index
              %parallel_loop3A_279 = arith.index_cast %parallel_loop3A_260 : i32 to index
              %parallel_loop3A_280 = arith.constant 16 : index
              %parallel_loop3A_281 = tpu.vector_load %arg12[%parallel_loop3A_278, %parallel_loop3A_279, %parallel_loop3A_280] {strides = array<i32>} : memref<5x64x64xf32, #tpu.memory_space<vmem>>, vector<16xf32>,
              %parallel_loop3A_282 = arith.constant 1 : i32
              %parallel_loop3A_283 = arith.index_cast %parallel_loop3A_282 : i32 to index
              %parallel_loop3A_284 = arith.index_cast %parallel_loop3A_260 : i32 to index
              %parallel_loop3A_285 = arith.constant 16 : index
              %parallel_loop3A_286 = tpu.vector_load %arg13[%parallel_loop3A_283, %parallel_loop3A_284, %parallel_loop3A_285] {strides = array<i32>} : memref<5x64x64xf32, #tpu.memory_space<vmem>>, vector<16xf32>,
              %parallel_loop3A_287 = arith.mulf %parallel_loop3A_281, %parallel_loop3A_286 : vector<16xf32>
              %parallel_loop3A_288 = arith.constant 1 : i32
              %parallel_loop3A_289 = arith.index_cast %parallel_loop3A_288 : i32 to index
              %parallel_loop3A_290 = arith.index_cast %parallel_loop3A_260 : i32 to index
              %parallel_loop3A_291 = arith.constant 16 : index
              %parallel_loop3A_292 = tpu.vector_load %arg12[%parallel_loop3A_289, %parallel_loop3A_290, %parallel_loop3A_291] {strides = array<i32>} : memref<5x64x64xf32, #tpu.memory_space<vmem>>, vector<16xf32>,
              tpu.vector_store %arg12[%parallel_loop3A_289, %parallel_loop3A_290, %parallel_loop3A_291], %parallel_loop3A_287 {strides = array<i32>} : memref<5x64x64xf32, #tpu.memory_space<vmem>>, vector<16xf32>,
              %parallel_loop3A_293 = arith.constant 1 : i32
              %parallel_loop3A_294 = arith.index_cast %parallel_loop3A_293 : i32 to index
              %parallel_loop3A_295 = arith.index_cast %parallel_loop3A_260 : i32 to index
              %parallel_loop3A_296 = arith.constant 32 : index
              %parallel_loop3A_297 = tpu.vector_load %arg12[%parallel_loop3A_294, %parallel_loop3A_295, %parallel_loop3A_296] {strides = array<i32>} : memref<5x64x64xf32, #tpu.memory_space<vmem>>, vector<16xf32>,
              %parallel_loop3A_298 = arith.constant 1 : i32
              %parallel_loop3A_299 = arith.index_cast %parallel_loop3A_298 : i32 to index
              %parallel_loop3A_300 = arith.index_cast %parallel_loop3A_260 : i32 to index
              %parallel_loop3A_301 = arith.constant 32 : index
              %parallel_loop3A_302 = tpu.vector_load %arg13[%parallel_loop3A_299, %parallel_loop3A_300, %parallel_loop3A_301] {strides = array<i32>} : memref<5x64x64xf32, #tpu.memory_space<vmem>>, vector<16xf32>,
              %parallel_loop3A_303 = arith.mulf %parallel_loop3A_297, %parallel_loop3A_302 : vector<16xf32>
              %parallel_loop3A_304 = arith.constant 1 : i32
              %parallel_loop3A_305 = arith.index_cast %parallel_loop3A_304 : i32 to index
              %parallel_loop3A_306 = arith.index_cast %parallel_loop3A_260 : i32 to index
              %parallel_loop3A_307 = arith.constant 32 : index
              %parallel_loop3A_308 = tpu.vector_load %arg12[%parallel_loop3A_305, %parallel_loop3A_306, %parallel_loop3A_307] {strides = array<i32>} : memref<5x64x64xf32, #tpu.memory_space<vmem>>, vector<16xf32>,
              tpu.vector_store %arg12[%parallel_loop3A_305, %parallel_loop3A_306, %parallel_loop3A_307], %parallel_loop3A_303 {strides = array<i32>} : memref<5x64x64xf32, #tpu.memory_space<vmem>>, vector<16xf32>,
              %parallel_loop3A_309 = arith.constant 1 : i32
              %parallel_loop3A_310 = arith.index_cast %parallel_loop3A_309 : i32 to index
              %parallel_loop3A_311 = arith.index_cast %parallel_loop3A_260 : i32 to index
              %parallel_loop3A_312 = arith.constant 48 : index
              %parallel_loop3A_313 = tpu.vector_load %arg12[%parallel_loop3A_310, %parallel_loop3A_311, %parallel_loop3A_312] {strides = array<i32>} : memref<5x64x64xf32, #tpu.memory_space<vmem>>, vector<16xf32>,
              %parallel_loop3A_314 = arith.constant 1 : i32
              %parallel_loop3A_315 = arith.index_cast %parallel_loop3A_314 : i32 to index
              %parallel_loop3A_316 = arith.index_cast %parallel_loop3A_260 : i32 to index
              %parallel_loop3A_317 = arith.constant 48 : index
              %parallel_loop3A_318 = tpu.vector_load %arg13[%parallel_loop3A_315, %parallel_loop3A_316, %parallel_loop3A_317] {strides = array<i32>} : memref<5x64x64xf32, #tpu.memory_space<vmem>>, vector<16xf32>,
              %parallel_loop3A_319 = arith.mulf %parallel_loop3A_313, %parallel_loop3A_318 : vector<16xf32>
              %parallel_loop3A_320 = arith.constant 1 : i32
              %parallel_loop3A_321 = arith.index_cast %parallel_loop3A_320 : i32 to index
              %parallel_loop3A_322 = arith.index_cast %parallel_loop3A_260 : i32 to index
              %parallel_loop3A_323 = arith.constant 48 : index
              %parallel_loop3A_324 = tpu.vector_load %arg12[%parallel_loop3A_321, %parallel_loop3A_322, %parallel_loop3A_323] {strides = array<i32>} : memref<5x64x64xf32, #tpu.memory_space<vmem>>, vector<16xf32>,
              tpu.vector_store %arg12[%parallel_loop3A_321, %parallel_loop3A_322, %parallel_loop3A_323], %parallel_loop3A_319 {strides = array<i32>} : memref<5x64x64xf32, #tpu.memory_space<vmem>>, vector<16xf32>,
            } {sc.loop_unroll_factor = 8 : i64, sc.parallel_access}
            %dma_start3A = arith.constant 1 : i32
            %dma_start3A_250 = arith.constant 0 : i32
            %dma_start3A_251 = arith.constant 0 : i32
            %dma_start3A_252 = tpu.memref_slice %arg12[%dma_start3A, %dma_start3A_250, %dma_start3A_251] : memref<5x64x64xf32, #tpu.memory_space<vmem>> -> memref<1x64x64xf32, #tpu.memory_space<vmem>>
            %dma_start3A_253 = tpu.memref_squeeze %dma_start3A_252 : memref<1x64x64xf32, #tpu.memory_space<vmem>> -> memref<64x64xf32, #tpu.memory_space<vmem>>
            %dma_start3A_254 = arith.constant 0 : i32
            %dma_start3A_255 = tpu.memref_slice %arg11[%add3A_186, %dma_start3A_254] : memref<64x64xi32, #tpu.memory_space<vmem>> -> memref<1x64xi32, #tpu.memory_space<vmem>>
            %dma_start3A_256 = tpu.memref_squeeze %dma_start3A_255 : memref<1x64xi32, #tpu.memory_space<vmem>> -> memref<64xi32, #tpu.memory_space<vmem>>
            %dma_start3A_257 = arith.constant 0 : i32
            %dma_start3A_258 = arith.constant 0 : i32
            %dma_start3A_259 = tpu.memref_slice %arg15[%dma_start3A_257, %dma_start3A_258] : memref<16016x64xf32, #tpu.memory_space<vmem_shared>> -> memref<16016x64xf32, #tpu.memory_space<vmem_shared>>
            tpu.enqueue_indirect_dma source(%dma_start3A_253 : memref<64x64xf32, #tpu.memory_space<vmem>>) target(%dma_start3A_259 : memref<16016x64xf32, #tpu.memory_space<vmem_shared>>) offsets(%dma_start3A_256 : memref<64xi32, #tpu.memory_space<vmem>>) semaphore(%arg26 : memref<!tpu.dma_semaphore, #tpu.memory_space<semaphore_mem>>) {add = true}
          } else {
          }
          %mul3A_191 = arith.constant 5 : i32
          %mul3A_192 = arith.muli %while3A_175, %mul3A_191 : i32
          %add3A_193 = arith.constant 2 : i32
          %add3A_194 = arith.addi %mul3A_192, %add3A_193 : i32
          %lt3A_195 = arith.cmpi slt, %add3A_194, %select_n3A : i32
          %convert_element_type3A_196 = arith.extui %lt3A_195 : i1 to i32
          %cond3A_197 = arith.constant 0 : i32
          %cond3A_198 = arith.cmpi ne, %convert_element_type3A_196, %cond3A_197 : i32
          scf.if %cond3A_198 {
            %ge3A_215 = arith.constant 2 : i32
            %ge3A_216 = arith.cmpi sge, %add3A_194, %ge3A_215 : i32
            %convert_element_type3A_217 = arith.extui %ge3A_216 : i1 to i32
            %cond3A_218 = arith.constant 0 : i32
            %cond3A_219 = arith.cmpi ne, %convert_element_type3A_217, %cond3A_218 : i32
            scf.if %cond3A_219 {
              %dma_wait3A_260 = arith.constant 0 : i32
              %dma_wait3A_261 = arith.constant 0 : i32
              %dma_wait3A_262 = arith.constant 0 : i32
              %dma_wait3A_263 = arith.constant 0 : i32
              %dma_wait3A_264 = tpu.memref_slice %arg12[%dma_wait3A_260, %dma_wait3A_262, %dma_wait3A_263] : memref<5x64x64xf32, #tpu.memory_space<vmem>> -> memref<1x64x64xf32, #tpu.memory_space<vmem>>
              %dma_wait3A_265 = tpu.memref_squeeze %dma_wait3A_264 : memref<1x64x64xf32, #tpu.memory_space<vmem>> -> memref<64x64xf32, #tpu.memory_space<vmem>>
              %dma_wait3A_266 = arith.constant 0 : i32
              %dma_wait3A_267 = tpu.memref_slice %arg11[%dma_wait3A_261, %dma_wait3A_266] : memref<64x64xi32, #tpu.memory_space<vmem>> -> memref<1x64xi32, #tpu.memory_space<vmem>>
              %dma_wait3A_268 = tpu.memref_squeeze %dma_wait3A_267 : memref<1x64xi32, #tpu.memory_space<vmem>> -> memref<64xi32, #tpu.memory_space<vmem>>
              %dma_wait3A_269 = arith.constant 0 : i32
              %dma_wait3A_270 = arith.constant 0 : i32
              %dma_wait3A_271 = tpu.memref_slice %arg15[%dma_wait3A_269, %dma_wait3A_270] : memref<16016x64xf32, #tpu.memory_space<vmem_shared>> -> memref<16016x64xf32, #tpu.memory_space<vmem_shared>>
              tpu.wait_indirect_dma semaphore(%arg26 : memref<!tpu.dma_semaphore, #tpu.memory_space<semaphore_mem>>) src(%dma_wait3A_265 : memref<64x64xf32, #tpu.memory_space<vmem>>) dst(%dma_wait3A_271 : memref<16016x64xf32, #tpu.memory_space<vmem_shared>>)
            } else {
            }
            %add3A_220 = arith.constant 3 : i32
            %add3A_221 = arith.addi %add3A_194, %add3A_220 : i32
            %lt3A_222 = arith.cmpi slt, %add3A_221, %select_n3A : i32
            %convert_element_type3A_223 = arith.extui %lt3A_222 : i1 to i32
            %cond3A_224 = arith.constant 0 : i32
            %cond3A_225 = arith.cmpi ne, %convert_element_type3A_223, %cond3A_224 : i32
            scf.if %cond3A_225 {
              %add3A_260 = arith.constant 3 : i32
              %add3A_261 = arith.addi %add3A_194, %add3A_260 : i32
              %dma_start3A_262 = arith.constant 0 : i32
              %dma_start3A_263 = arith.constant 0 : i32
              %dma_start3A_264 = arith.constant 0 : i32
              %dma_start3A_265 = tpu.memref_slice %arg12[%dma_start3A_262, %dma_start3A_263, %dma_start3A_264] : memref<5x64x64xf32, #tpu.memory_space<vmem>> -> memref<1x64x64xf32, #tpu.memory_space<vmem>>
              %dma_start3A_266 = tpu.memref_squeeze %dma_start3A_265 : memref<1x64x64xf32, #tpu.memory_space<vmem>> -> memref<64x64xf32, #tpu.memory_space<vmem>>
              %dma_start3A_267 = arith.constant 0 : i32
              %dma_start3A_268 = tpu.memref_slice %arg9[%add3A_261, %dma_start3A_267] : memref<64x64xi32, #tpu.memory_space<vmem>> -> memref<1x64xi32, #tpu.memory_space<vmem>>
              %dma_start3A_269 = tpu.memref_squeeze %dma_start3A_268 : memref<1x64xi32, #tpu.memory_space<vmem>> -> memref<64xi32, #tpu.memory_space<vmem>>
              %dma_start3A_270 = arith.constant 0 : i32
              %dma_start3A_271 = arith.constant 0 : i32
              %dma_start3A_272 = tpu.memref_slice %arg2[%dma_start3A_270, %dma_start3A_271] : memref<160000x64xf32, #tpu.memory_space<hbm>> -> memref<160000x64xf32, #tpu.memory_space<hbm>>
              tpu.enqueue_indirect_dma source(%dma_start3A_272 : memref<160000x64xf32, #tpu.memory_space<hbm>>) target(%dma_start3A_266 : memref<64x64xf32, #tpu.memory_space<vmem>>) offsets(%dma_start3A_269 : memref<64xi32, #tpu.memory_space<vmem>>) semaphore(%arg16 : memref<!tpu.dma_semaphore, #tpu.memory_space<semaphore_mem>>)
              %dma_start3A_273 = arith.constant 0 : i32
              %dma_start3A_274 = arith.constant 0 : i32
              %dma_start3A_275 = arith.constant 0 : i32
              %dma_start3A_276 = tpu.memref_slice %arg13[%dma_start3A_273, %dma_start3A_274, %dma_start3A_275] : memref<5x64x64xf32, #tpu.memory_space<vmem>> -> memref<1x64x64xf32, #tpu.memory_space<vmem>>
              %dma_start3A_277 = tpu.memref_squeeze %dma_start3A_276 : memref<1x64x64xf32, #tpu.memory_space<vmem>> -> memref<64x64xf32, #tpu.memory_space<vmem>>
              %dma_start3A_278 = arith.constant 0 : i32
              %dma_start3A_279 = tpu.memref_slice %arg10[%add3A_261, %dma_start3A_278] : memref<64x64xi32, #tpu.memory_space<vmem>> -> memref<1x64xi32, #tpu.memory_space<vmem>>
              %dma_start3A_280 = tpu.memref_squeeze %dma_start3A_279 : memref<1x64xi32, #tpu.memory_space<vmem>> -> memref<64xi32, #tpu.memory_space<vmem>>
              %dma_start3A_281 = arith.constant 0 : i32
              %dma_start3A_282 = arith.constant 0 : i32
              %dma_start3A_283 = tpu.memref_slice %arg3[%dma_start3A_281, %dma_start3A_282] : memref<640000x64xf32, #tpu.memory_space<hbm>> -> memref<640000x64xf32, #tpu.memory_space<hbm>>
              tpu.enqueue_indirect_dma source(%dma_start3A_283 : memref<640000x64xf32, #tpu.memory_space<hbm>>) target(%dma_start3A_277 : memref<64x64xf32, #tpu.memory_space<vmem>>) offsets(%dma_start3A_280 : memref<64xi32, #tpu.memory_space<vmem>>) semaphore(%arg17 : memref<!tpu.dma_semaphore, #tpu.memory_space<semaphore_mem>>)
            } else {
            }
            %dma_wait3A = arith.constant 2 : i32
            %dma_wait3A_226 = arith.constant 0 : i32
            %dma_wait3A_227 = arith.constant 0 : i32
            %dma_wait3A_228 = tpu.memref_slice %arg12[%dma_wait3A, %dma_wait3A_226, %dma_wait3A_227] : memref<5x64x64xf32, #tpu.memory_space<vmem>> -> memref<1x64x64xf32, #tpu.memory_space<vmem>>
            %dma_wait3A_229 = tpu.memref_squeeze %dma_wait3A_228 : memref<1x64x64xf32, #tpu.memory_space<vmem>> -> memref<64x64xf32, #tpu.memory_space<vmem>>
            %dma_wait3A_230 = arith.constant 0 : i32
            %dma_wait3A_231 = tpu.memref_slice %arg9[%add3A_194, %dma_wait3A_230] : memref<64x64xi32, #tpu.memory_space<vmem>> -> memref<1x64xi32, #tpu.memory_space<vmem>>
            %dma_wait3A_232 = tpu.memref_squeeze %dma_wait3A_231 : memref<1x64xi32, #tpu.memory_space<vmem>> -> memref<64xi32, #tpu.memory_space<vmem>>
            %dma_wait3A_233 = arith.constant 0 : i32
            %dma_wait3A_234 = arith.constant 0 : i32
            %dma_wait3A_235 = tpu.memref_slice %arg2[%dma_wait3A_233, %dma_wait3A_234] : memref<160000x64xf32, #tpu.memory_space<hbm>> -> memref<160000x64xf32, #tpu.memory_space<hbm>>
            tpu.wait_indirect_dma semaphore(%arg20 : memref<!tpu.dma_semaphore, #tpu.memory_space<semaphore_mem>>) src(%dma_wait3A_235 : memref<160000x64xf32, #tpu.memory_space<hbm>>) dst(%dma_wait3A_229 : memref<64x64xf32, #tpu.memory_space<vmem>>)
            %dma_wait3A_236 = arith.constant 2 : i32
            %dma_wait3A_237 = arith.constant 0 : i32
            %dma_wait3A_238 = arith.constant 0 : i32
            %dma_wait3A_239 = tpu.memref_slice %arg13[%dma_wait3A_236, %dma_wait3A_237, %dma_wait3A_238] : memref<5x64x64xf32, #tpu.memory_space<vmem>> -> memref<1x64x64xf32, #tpu.memory_space<vmem>>
            %dma_wait3A_240 = tpu.memref_squeeze %dma_wait3A_239 : memref<1x64x64xf32, #tpu.memory_space<vmem>> -> memref<64x64xf32, #tpu.memory_space<vmem>>
            %dma_wait3A_241 = arith.constant 0 : i32
            %dma_wait3A_242 = tpu.memref_slice %arg10[%add3A_194, %dma_wait3A_241] : memref<64x64xi32, #tpu.memory_space<vmem>> -> memref<1x64xi32, #tpu.memory_space<vmem>>
            %dma_wait3A_243 = tpu.memref_squeeze %dma_wait3A_242 : memref<1x64xi32, #tpu.memory_space<vmem>> -> memref<64xi32, #tpu.memory_space<vmem>>
            %dma_wait3A_244 = arith.constant 0 : i32
            %dma_wait3A_245 = arith.constant 0 : i32
            %dma_wait3A_246 = tpu.memref_slice %arg3[%dma_wait3A_244, %dma_wait3A_245] : memref<640000x64xf32, #tpu.memory_space<hbm>> -> memref<640000x64xf32, #tpu.memory_space<hbm>>
            tpu.wait_indirect_dma semaphore(%arg21 : memref<!tpu.dma_semaphore, #tpu.memory_space<semaphore_mem>>) src(%dma_wait3A_246 : memref<640000x64xf32, #tpu.memory_space<hbm>>) dst(%dma_wait3A_240 : memref<64x64xf32, #tpu.memory_space<vmem>>)
            %parallel_loop3A_247 = arith.constant 0 : i32
            %parallel_loop3A_248 = arith.constant 64 : i32
            %parallel_loop3A_249 = arith.constant 1 : i32
            scf.for %parallel_loop3A_260 = %parallel_loop3A_247 to %parallel_loop3A_248 step %parallel_loop3A_249  : i32 {
              %parallel_loop3A_261 = arith.constant 2 : i32
              %parallel_loop3A_262 = arith.index_cast %parallel_loop3A_261 : i32 to index
              %parallel_loop3A_263 = arith.index_cast %parallel_loop3A_260 : i32 to index
              %parallel_loop3A_264 = arith.constant 0 : index
              %parallel_loop3A_265 = tpu.vector_load %arg12[%parallel_loop3A_262, %parallel_loop3A_263, %parallel_loop3A_264] {strides = array<i32>} : memref<5x64x64xf32, #tpu.memory_space<vmem>>, vector<16xf32>,
              %parallel_loop3A_266 = arith.constant 2 : i32
              %parallel_loop3A_267 = arith.index_cast %parallel_loop3A_266 : i32 to index
              %parallel_loop3A_268 = arith.index_cast %parallel_loop3A_260 : i32 to index
              %parallel_loop3A_269 = arith.constant 0 : index
              %parallel_loop3A_270 = tpu.vector_load %arg13[%parallel_loop3A_267, %parallel_loop3A_268, %parallel_loop3A_269] {strides = array<i32>} : memref<5x64x64xf32, #tpu.memory_space<vmem>>, vector<16xf32>,
              %parallel_loop3A_271 = arith.mulf %parallel_loop3A_265, %parallel_loop3A_270 : vector<16xf32>
              %parallel_loop3A_272 = arith.constant 2 : i32
              %parallel_loop3A_273 = arith.index_cast %parallel_loop3A_272 : i32 to index
              %parallel_loop3A_274 = arith.index_cast %parallel_loop3A_260 : i32 to index
              %parallel_loop3A_275 = arith.constant 0 : index
              %parallel_loop3A_276 = tpu.vector_load %arg12[%parallel_loop3A_273, %parallel_loop3A_274, %parallel_loop3A_275] {strides = array<i32>} : memref<5x64x64xf32, #tpu.memory_space<vmem>>, vector<16xf32>,
              tpu.vector_store %arg12[%parallel_loop3A_273, %parallel_loop3A_274, %parallel_loop3A_275], %parallel_loop3A_271 {strides = array<i32>} : memref<5x64x64xf32, #tpu.memory_space<vmem>>, vector<16xf32>,
              %parallel_loop3A_277 = arith.constant 2 : i32
              %parallel_loop3A_278 = arith.index_cast %parallel_loop3A_277 : i32 to index
              %parallel_loop3A_279 = arith.index_cast %parallel_loop3A_260 : i32 to index
              %parallel_loop3A_280 = arith.constant 16 : index
              %parallel_loop3A_281 = tpu.vector_load %arg12[%parallel_loop3A_278, %parallel_loop3A_279, %parallel_loop3A_280] {strides = array<i32>} : memref<5x64x64xf32, #tpu.memory_space<vmem>>, vector<16xf32>,
              %parallel_loop3A_282 = arith.constant 2 : i32
              %parallel_loop3A_283 = arith.index_cast %parallel_loop3A_282 : i32 to index
              %parallel_loop3A_284 = arith.index_cast %parallel_loop3A_260 : i32 to index
              %parallel_loop3A_285 = arith.constant 16 : index
              %parallel_loop3A_286 = tpu.vector_load %arg13[%parallel_loop3A_283, %parallel_loop3A_284, %parallel_loop3A_285] {strides = array<i32>} : memref<5x64x64xf32, #tpu.memory_space<vmem>>, vector<16xf32>,
              %parallel_loop3A_287 = arith.mulf %parallel_loop3A_281, %parallel_loop3A_286 : vector<16xf32>
              %parallel_loop3A_288 = arith.constant 2 : i32
              %parallel_loop3A_289 = arith.index_cast %parallel_loop3A_288 : i32 to index
              %parallel_loop3A_290 = arith.index_cast %parallel_loop3A_260 : i32 to index
              %parallel_loop3A_291 = arith.constant 16 : index
              %parallel_loop3A_292 = tpu.vector_load %arg12[%parallel_loop3A_289, %parallel_loop3A_290, %parallel_loop3A_291] {strides = array<i32>} : memref<5x64x64xf32, #tpu.memory_space<vmem>>, vector<16xf32>,
              tpu.vector_store %arg12[%parallel_loop3A_289, %parallel_loop3A_290, %parallel_loop3A_291], %parallel_loop3A_287 {strides = array<i32>} : memref<5x64x64xf32, #tpu.memory_space<vmem>>, vector<16xf32>,
              %parallel_loop3A_293 = arith.constant 2 : i32
              %parallel_loop3A_294 = arith.index_cast %parallel_loop3A_293 : i32 to index
              %parallel_loop3A_295 = arith.index_cast %parallel_loop3A_260 : i32 to index
              %parallel_loop3A_296 = arith.constant 32 : index
              %parallel_loop3A_297 = tpu.vector_load %arg12[%parallel_loop3A_294, %parallel_loop3A_295, %parallel_loop3A_296] {strides = array<i32>} : memref<5x64x64xf32, #tpu.memory_space<vmem>>, vector<16xf32>,
              %parallel_loop3A_298 = arith.constant 2 : i32
              %parallel_loop3A_299 = arith.index_cast %parallel_loop3A_298 : i32 to index
              %parallel_loop3A_300 = arith.index_cast %parallel_loop3A_260 : i32 to index
              %parallel_loop3A_301 = arith.constant 32 : index
              %parallel_loop3A_302 = tpu.vector_load %arg13[%parallel_loop3A_299, %parallel_loop3A_300, %parallel_loop3A_301] {strides = array<i32>} : memref<5x64x64xf32, #tpu.memory_space<vmem>>, vector<16xf32>,
              %parallel_loop3A_303 = arith.mulf %parallel_loop3A_297, %parallel_loop3A_302 : vector<16xf32>
              %parallel_loop3A_304 = arith.constant 2 : i32
              %parallel_loop3A_305 = arith.index_cast %parallel_loop3A_304 : i32 to index
              %parallel_loop3A_306 = arith.index_cast %parallel_loop3A_260 : i32 to index
              %parallel_loop3A_307 = arith.constant 32 : index
              %parallel_loop3A_308 = tpu.vector_load %arg12[%parallel_loop3A_305, %parallel_loop3A_306, %parallel_loop3A_307] {strides = array<i32>} : memref<5x64x64xf32, #tpu.memory_space<vmem>>, vector<16xf32>,
              tpu.vector_store %arg12[%parallel_loop3A_305, %parallel_loop3A_306, %parallel_loop3A_307], %parallel_loop3A_303 {strides = array<i32>} : memref<5x64x64xf32, #tpu.memory_space<vmem>>, vector<16xf32>,
              %parallel_loop3A_309 = arith.constant 2 : i32
              %parallel_loop3A_310 = arith.index_cast %parallel_loop3A_309 : i32 to index
              %parallel_loop3A_311 = arith.index_cast %parallel_loop3A_260 : i32 to index
              %parallel_loop3A_312 = arith.constant 48 : index
              %parallel_loop3A_313 = tpu.vector_load %arg12[%parallel_loop3A_310, %parallel_loop3A_311, %parallel_loop3A_312] {strides = array<i32>} : memref<5x64x64xf32, #tpu.memory_space<vmem>>, vector<16xf32>,
              %parallel_loop3A_314 = arith.constant 2 : i32
              %parallel_loop3A_315 = arith.index_cast %parallel_loop3A_314 : i32 to index
              %parallel_loop3A_316 = arith.index_cast %parallel_loop3A_260 : i32 to index
              %parallel_loop3A_317 = arith.constant 48 : index
              %parallel_loop3A_318 = tpu.vector_load %arg13[%parallel_loop3A_315, %parallel_loop3A_316, %parallel_loop3A_317] {strides = array<i32>} : memref<5x64x64xf32, #tpu.memory_space<vmem>>, vector<16xf32>,
              %parallel_loop3A_319 = arith.mulf %parallel_loop3A_313, %parallel_loop3A_318 : vector<16xf32>
              %parallel_loop3A_320 = arith.constant 2 : i32
              %parallel_loop3A_321 = arith.index_cast %parallel_loop3A_320 : i32 to index
              %parallel_loop3A_322 = arith.index_cast %parallel_loop3A_260 : i32 to index
              %parallel_loop3A_323 = arith.constant 48 : index
              %parallel_loop3A_324 = tpu.vector_load %arg12[%parallel_loop3A_321, %parallel_loop3A_322, %parallel_loop3A_323] {strides = array<i32>} : memref<5x64x64xf32, #tpu.memory_space<vmem>>, vector<16xf32>,
              tpu.vector_store %arg12[%parallel_loop3A_321, %parallel_loop3A_322, %parallel_loop3A_323], %parallel_loop3A_319 {strides = array<i32>} : memref<5x64x64xf32, #tpu.memory_space<vmem>>, vector<16xf32>,
            } {sc.loop_unroll_factor = 8 : i64, sc.parallel_access}
            %dma_start3A = arith.constant 2 : i32
            %dma_start3A_250 = arith.constant 0 : i32
            %dma_start3A_251 = arith.constant 0 : i32
            %dma_start3A_252 = tpu.memref_slice %arg12[%dma_start3A, %dma_start3A_250, %dma_start3A_251] : memref<5x64x64xf32, #tpu.memory_space<vmem>> -> memref<1x64x64xf32, #tpu.memory_space<vmem>>
            %dma_start3A_253 = tpu.memref_squeeze %dma_start3A_252 : memref<1x64x64xf32, #tpu.memory_space<vmem>> -> memref<64x64xf32, #tpu.memory_space<vmem>>
            %dma_start3A_254 = arith.constant 0 : i32
            %dma_start3A_255 = tpu.memref_slice %arg11[%add3A_194, %dma_start3A_254] : memref<64x64xi32, #tpu.memory_space<vmem>> -> memref<1x64xi32, #tpu.memory_space<vmem>>
            %dma_start3A_256 = tpu.memref_squeeze %dma_start3A_255 : memref<1x64xi32, #tpu.memory_space<vmem>> -> memref<64xi32, #tpu.memory_space<vmem>>
            %dma_start3A_257 = arith.constant 0 : i32
            %dma_start3A_258 = arith.constant 0 : i32
            %dma_start3A_259 = tpu.memref_slice %arg15[%dma_start3A_257, %dma_start3A_258] : memref<16016x64xf32, #tpu.memory_space<vmem_shared>> -> memref<16016x64xf32, #tpu.memory_space<vmem_shared>>
            tpu.enqueue_indirect_dma source(%dma_start3A_253 : memref<64x64xf32, #tpu.memory_space<vmem>>) target(%dma_start3A_259 : memref<16016x64xf32, #tpu.memory_space<vmem_shared>>) offsets(%dma_start3A_256 : memref<64xi32, #tpu.memory_space<vmem>>) semaphore(%arg26 : memref<!tpu.dma_semaphore, #tpu.memory_space<semaphore_mem>>) {add = true}
          } else {
          }
          %mul3A_199 = arith.constant 5 : i32
          %mul3A_200 = arith.muli %while3A_175, %mul3A_199 : i32
          %add3A_201 = arith.constant 3 : i32
          %add3A_202 = arith.addi %mul3A_200, %add3A_201 : i32
          %lt3A_203 = arith.cmpi slt, %add3A_202, %select_n3A : i32
          %convert_element_type3A_204 = arith.extui %lt3A_203 : i1 to i32
          %cond3A_205 = arith.constant 0 : i32
          %cond3A_206 = arith.cmpi ne, %convert_element_type3A_204, %cond3A_205 : i32
          scf.if %cond3A_206 {
            %ge3A_215 = arith.constant 2 : i32
            %ge3A_216 = arith.cmpi sge, %add3A_202, %ge3A_215 : i32
            %convert_element_type3A_217 = arith.extui %ge3A_216 : i1 to i32
            %cond3A_218 = arith.constant 0 : i32
            %cond3A_219 = arith.cmpi ne, %convert_element_type3A_217, %cond3A_218 : i32
            scf.if %cond3A_219 {
              %dma_wait3A_260 = arith.constant 0 : i32
              %dma_wait3A_261 = arith.constant 0 : i32
              %dma_wait3A_262 = arith.constant 0 : i32
              %dma_wait3A_263 = arith.constant 0 : i32
              %dma_wait3A_264 = tpu.memref_slice %arg12[%dma_wait3A_260, %dma_wait3A_262, %dma_wait3A_263] : memref<5x64x64xf32, #tpu.memory_space<vmem>> -> memref<1x64x64xf32, #tpu.memory_space<vmem>>
              %dma_wait3A_265 = tpu.memref_squeeze %dma_wait3A_264 : memref<1x64x64xf32, #tpu.memory_space<vmem>> -> memref<64x64xf32, #tpu.memory_space<vmem>>
              %dma_wait3A_266 = arith.constant 0 : i32
              %dma_wait3A_267 = tpu.memref_slice %arg11[%dma_wait3A_261, %dma_wait3A_266] : memref<64x64xi32, #tpu.memory_space<vmem>> -> memref<1x64xi32, #tpu.memory_space<vmem>>
              %dma_wait3A_268 = tpu.memref_squeeze %dma_wait3A_267 : memref<1x64xi32, #tpu.memory_space<vmem>> -> memref<64xi32, #tpu.memory_space<vmem>>
              %dma_wait3A_269 = arith.constant 0 : i32
              %dma_wait3A_270 = arith.constant 0 : i32
              %dma_wait3A_271 = tpu.memref_slice %arg15[%dma_wait3A_269, %dma_wait3A_270] : memref<16016x64xf32, #tpu.memory_space<vmem_shared>> -> memref<16016x64xf32, #tpu.memory_space<vmem_shared>>
              tpu.wait_indirect_dma semaphore(%arg26 : memref<!tpu.dma_semaphore, #tpu.memory_space<semaphore_mem>>) src(%dma_wait3A_265 : memref<64x64xf32, #tpu.memory_space<vmem>>) dst(%dma_wait3A_271 : memref<16016x64xf32, #tpu.memory_space<vmem_shared>>)
            } else {
            }
            %add3A_220 = arith.constant 3 : i32
            %add3A_221 = arith.addi %add3A_202, %add3A_220 : i32
            %lt3A_222 = arith.cmpi slt, %add3A_221, %select_n3A : i32
            %convert_element_type3A_223 = arith.extui %lt3A_222 : i1 to i32
            %cond3A_224 = arith.constant 0 : i32
            %cond3A_225 = arith.cmpi ne, %convert_element_type3A_223, %cond3A_224 : i32
            scf.if %cond3A_225 {
              %add3A_260 = arith.constant 3 : i32
              %add3A_261 = arith.addi %add3A_202, %add3A_260 : i32
              %dma_start3A_262 = arith.constant 1 : i32
              %dma_start3A_263 = arith.constant 0 : i32
              %dma_start3A_264 = arith.constant 0 : i32
              %dma_start3A_265 = tpu.memref_slice %arg12[%dma_start3A_262, %dma_start3A_263, %dma_start3A_264] : memref<5x64x64xf32, #tpu.memory_space<vmem>> -> memref<1x64x64xf32, #tpu.memory_space<vmem>>
              %dma_start3A_266 = tpu.memref_squeeze %dma_start3A_265 : memref<1x64x64xf32, #tpu.memory_space<vmem>> -> memref<64x64xf32, #tpu.memory_space<vmem>>
              %dma_start3A_267 = arith.constant 0 : i32
              %dma_start3A_268 = tpu.memref_slice %arg9[%add3A_261, %dma_start3A_267] : memref<64x64xi32, #tpu.memory_space<vmem>> -> memref<1x64xi32, #tpu.memory_space<vmem>>
              %dma_start3A_269 = tpu.memref_squeeze %dma_start3A_268 : memref<1x64xi32, #tpu.memory_space<vmem>> -> memref<64xi32, #tpu.memory_space<vmem>>
              %dma_start3A_270 = arith.constant 0 : i32
              %dma_start3A_271 = arith.constant 0 : i32
              %dma_start3A_272 = tpu.memref_slice %arg2[%dma_start3A_270, %dma_start3A_271] : memref<160000x64xf32, #tpu.memory_space<hbm>> -> memref<160000x64xf32, #tpu.memory_space<hbm>>
              tpu.enqueue_indirect_dma source(%dma_start3A_272 : memref<160000x64xf32, #tpu.memory_space<hbm>>) target(%dma_start3A_266 : memref<64x64xf32, #tpu.memory_space<vmem>>) offsets(%dma_start3A_269 : memref<64xi32, #tpu.memory_space<vmem>>) semaphore(%arg18 : memref<!tpu.dma_semaphore, #tpu.memory_space<semaphore_mem>>)
              %dma_start3A_273 = arith.constant 1 : i32
              %dma_start3A_274 = arith.constant 0 : i32
              %dma_start3A_275 = arith.constant 0 : i32
              %dma_start3A_276 = tpu.memref_slice %arg13[%dma_start3A_273, %dma_start3A_274, %dma_start3A_275] : memref<5x64x64xf32, #tpu.memory_space<vmem>> -> memref<1x64x64xf32, #tpu.memory_space<vmem>>
              %dma_start3A_277 = tpu.memref_squeeze %dma_start3A_276 : memref<1x64x64xf32, #tpu.memory_space<vmem>> -> memref<64x64xf32, #tpu.memory_space<vmem>>
              %dma_start3A_278 = arith.constant 0 : i32
              %dma_start3A_279 = tpu.memref_slice %arg10[%add3A_261, %dma_start3A_278] : memref<64x64xi32, #tpu.memory_space<vmem>> -> memref<1x64xi32, #tpu.memory_space<vmem>>
              %dma_start3A_280 = tpu.memref_squeeze %dma_start3A_279 : memref<1x64xi32, #tpu.memory_space<vmem>> -> memref<64xi32, #tpu.memory_space<vmem>>
              %dma_start3A_281 = arith.constant 0 : i32
              %dma_start3A_282 = arith.constant 0 : i32
              %dma_start3A_283 = tpu.memref_slice %arg3[%dma_start3A_281, %dma_start3A_282] : memref<640000x64xf32, #tpu.memory_space<hbm>> -> memref<640000x64xf32, #tpu.memory_space<hbm>>
              tpu.enqueue_indirect_dma source(%dma_start3A_283 : memref<640000x64xf32, #tpu.memory_space<hbm>>) target(%dma_start3A_277 : memref<64x64xf32, #tpu.memory_space<vmem>>) offsets(%dma_start3A_280 : memref<64xi32, #tpu.memory_space<vmem>>) semaphore(%arg19 : memref<!tpu.dma_semaphore, #tpu.memory_space<semaphore_mem>>)
            } else {
            }
            %dma_wait3A = arith.constant 3 : i32
            %dma_wait3A_226 = arith.constant 0 : i32
            %dma_wait3A_227 = arith.constant 0 : i32
            %dma_wait3A_228 = tpu.memref_slice %arg12[%dma_wait3A, %dma_wait3A_226, %dma_wait3A_227] : memref<5x64x64xf32, #tpu.memory_space<vmem>> -> memref<1x64x64xf32, #tpu.memory_space<vmem>>
            %dma_wait3A_229 = tpu.memref_squeeze %dma_wait3A_228 : memref<1x64x64xf32, #tpu.memory_space<vmem>> -> memref<64x64xf32, #tpu.memory_space<vmem>>
            %dma_wait3A_230 = arith.constant 0 : i32
            %dma_wait3A_231 = tpu.memref_slice %arg9[%add3A_202, %dma_wait3A_230] : memref<64x64xi32, #tpu.memory_space<vmem>> -> memref<1x64xi32, #tpu.memory_space<vmem>>
            %dma_wait3A_232 = tpu.memref_squeeze %dma_wait3A_231 : memref<1x64xi32, #tpu.memory_space<vmem>> -> memref<64xi32, #tpu.memory_space<vmem>>
            %dma_wait3A_233 = arith.constant 0 : i32
            %dma_wait3A_234 = arith.constant 0 : i32
            %dma_wait3A_235 = tpu.memref_slice %arg2[%dma_wait3A_233, %dma_wait3A_234] : memref<160000x64xf32, #tpu.memory_space<hbm>> -> memref<160000x64xf32, #tpu.memory_space<hbm>>
            tpu.wait_indirect_dma semaphore(%arg22 : memref<!tpu.dma_semaphore, #tpu.memory_space<semaphore_mem>>) src(%dma_wait3A_235 : memref<160000x64xf32, #tpu.memory_space<hbm>>) dst(%dma_wait3A_229 : memref<64x64xf32, #tpu.memory_space<vmem>>)
            %dma_wait3A_236 = arith.constant 3 : i32
            %dma_wait3A_237 = arith.constant 0 : i32
            %dma_wait3A_238 = arith.constant 0 : i32
            %dma_wait3A_239 = tpu.memref_slice %arg13[%dma_wait3A_236, %dma_wait3A_237, %dma_wait3A_238] : memref<5x64x64xf32, #tpu.memory_space<vmem>> -> memref<1x64x64xf32, #tpu.memory_space<vmem>>
            %dma_wait3A_240 = tpu.memref_squeeze %dma_wait3A_239 : memref<1x64x64xf32, #tpu.memory_space<vmem>> -> memref<64x64xf32, #tpu.memory_space<vmem>>
            %dma_wait3A_241 = arith.constant 0 : i32
            %dma_wait3A_242 = tpu.memref_slice %arg10[%add3A_202, %dma_wait3A_241] : memref<64x64xi32, #tpu.memory_space<vmem>> -> memref<1x64xi32, #tpu.memory_space<vmem>>
            %dma_wait3A_243 = tpu.memref_squeeze %dma_wait3A_242 : memref<1x64xi32, #tpu.memory_space<vmem>> -> memref<64xi32, #tpu.memory_space<vmem>>
            %dma_wait3A_244 = arith.constant 0 : i32
            %dma_wait3A_245 = arith.constant 0 : i32
            %dma_wait3A_246 = tpu.memref_slice %arg3[%dma_wait3A_244, %dma_wait3A_245] : memref<640000x64xf32, #tpu.memory_space<hbm>> -> memref<640000x64xf32, #tpu.memory_space<hbm>>
            tpu.wait_indirect_dma semaphore(%arg23 : memref<!tpu.dma_semaphore, #tpu.memory_space<semaphore_mem>>) src(%dma_wait3A_246 : memref<640000x64xf32, #tpu.memory_space<hbm>>) dst(%dma_wait3A_240 : memref<64x64xf32, #tpu.memory_space<vmem>>)
            %parallel_loop3A_247 = arith.constant 0 : i32
            %parallel_loop3A_248 = arith.constant 64 : i32
            %parallel_loop3A_249 = arith.constant 1 : i32
            scf.for %parallel_loop3A_260 = %parallel_loop3A_247 to %parallel_loop3A_248 step %parallel_loop3A_249  : i32 {
              %parallel_loop3A_261 = arith.constant 3 : i32
              %parallel_loop3A_262 = arith.index_cast %parallel_loop3A_261 : i32 to index
              %parallel_loop3A_263 = arith.index_cast %parallel_loop3A_260 : i32 to index
              %parallel_loop3A_264 = arith.constant 0 : index
              %parallel_loop3A_265 = tpu.vector_load %arg12[%parallel_loop3A_262, %parallel_loop3A_263, %parallel_loop3A_264] {strides = array<i32>} : memref<5x64x64xf32, #tpu.memory_space<vmem>>, vector<16xf32>,
              %parallel_loop3A_266 = arith.constant 3 : i32
              %parallel_loop3A_267 = arith.index_cast %parallel_loop3A_266 : i32 to index
              %parallel_loop3A_268 = arith.index_cast %parallel_loop3A_260 : i32 to index
              %parallel_loop3A_269 = arith.constant 0 : index
              %parallel_loop3A_270 = tpu.vector_load %arg13[%parallel_loop3A_267, %parallel_loop3A_268, %parallel_loop3A_269] {strides = array<i32>} : memref<5x64x64xf32, #tpu.memory_space<vmem>>, vector<16xf32>,
              %parallel_loop3A_271 = arith.mulf %parallel_loop3A_265, %parallel_loop3A_270 : vector<16xf32>
              %parallel_loop3A_272 = arith.constant 3 : i32
              %parallel_loop3A_273 = arith.index_cast %parallel_loop3A_272 : i32 to index
              %parallel_loop3A_274 = arith.index_cast %parallel_loop3A_260 : i32 to index
              %parallel_loop3A_275 = arith.constant 0 : index
              %parallel_loop3A_276 = tpu.vector_load %arg12[%parallel_loop3A_273, %parallel_loop3A_274, %parallel_loop3A_275] {strides = array<i32>} : memref<5x64x64xf32, #tpu.memory_space<vmem>>, vector<16xf32>,
              tpu.vector_store %arg12[%parallel_loop3A_273, %parallel_loop3A_274, %parallel_loop3A_275], %parallel_loop3A_271 {strides = array<i32>} : memref<5x64x64xf32, #tpu.memory_space<vmem>>, vector<16xf32>,
              %parallel_loop3A_277 = arith.constant 3 : i32
              %parallel_loop3A_278 = arith.index_cast %parallel_loop3A_277 : i32 to index
              %parallel_loop3A_279 = arith.index_cast %parallel_loop3A_260 : i32 to index
              %parallel_loop3A_280 = arith.constant 16 : index
              %parallel_loop3A_281 = tpu.vector_load %arg12[%parallel_loop3A_278, %parallel_loop3A_279, %parallel_loop3A_280] {strides = array<i32>} : memref<5x64x64xf32, #tpu.memory_space<vmem>>, vector<16xf32>,
              %parallel_loop3A_282 = arith.constant 3 : i32
              %parallel_loop3A_283 = arith.index_cast %parallel_loop3A_282 : i32 to index
              %parallel_loop3A_284 = arith.index_cast %parallel_loop3A_260 : i32 to index
              %parallel_loop3A_285 = arith.constant 16 : index
              %parallel_loop3A_286 = tpu.vector_load %arg13[%parallel_loop3A_283, %parallel_loop3A_284, %parallel_loop3A_285] {strides = array<i32>} : memref<5x64x64xf32, #tpu.memory_space<vmem>>, vector<16xf32>,
              %parallel_loop3A_287 = arith.mulf %parallel_loop3A_281, %parallel_loop3A_286 : vector<16xf32>
              %parallel_loop3A_288 = arith.constant 3 : i32
              %parallel_loop3A_289 = arith.index_cast %parallel_loop3A_288 : i32 to index
              %parallel_loop3A_290 = arith.index_cast %parallel_loop3A_260 : i32 to index
              %parallel_loop3A_291 = arith.constant 16 : index
              %parallel_loop3A_292 = tpu.vector_load %arg12[%parallel_loop3A_289, %parallel_loop3A_290, %parallel_loop3A_291] {strides = array<i32>} : memref<5x64x64xf32, #tpu.memory_space<vmem>>, vector<16xf32>,
              tpu.vector_store %arg12[%parallel_loop3A_289, %parallel_loop3A_290, %parallel_loop3A_291], %parallel_loop3A_287 {strides = array<i32>} : memref<5x64x64xf32, #tpu.memory_space<vmem>>, vector<16xf32>,
              %parallel_loop3A_293 = arith.constant 3 : i32
              %parallel_loop3A_294 = arith.index_cast %parallel_loop3A_293 : i32 to index
              %parallel_loop3A_295 = arith.index_cast %parallel_loop3A_260 : i32 to index
              %parallel_loop3A_296 = arith.constant 32 : index
              %parallel_loop3A_297 = tpu.vector_load %arg12[%parallel_loop3A_294, %parallel_loop3A_295, %parallel_loop3A_296] {strides = array<i32>} : memref<5x64x64xf32, #tpu.memory_space<vmem>>, vector<16xf32>,
              %parallel_loop3A_298 = arith.constant 3 : i32
              %parallel_loop3A_299 = arith.index_cast %parallel_loop3A_298 : i32 to index
              %parallel_loop3A_300 = arith.index_cast %parallel_loop3A_260 : i32 to index
              %parallel_loop3A_301 = arith.constant 32 : index
              %parallel_loop3A_302 = tpu.vector_load %arg13[%parallel_loop3A_299, %parallel_loop3A_300, %parallel_loop3A_301] {strides = array<i32>} : memref<5x64x64xf32, #tpu.memory_space<vmem>>, vector<16xf32>,
              %parallel_loop3A_303 = arith.mulf %parallel_loop3A_297, %parallel_loop3A_302 : vector<16xf32>
              %parallel_loop3A_304 = arith.constant 3 : i32
              %parallel_loop3A_305 = arith.index_cast %parallel_loop3A_304 : i32 to index
              %parallel_loop3A_306 = arith.index_cast %parallel_loop3A_260 : i32 to index
              %parallel_loop3A_307 = arith.constant 32 : index
              %parallel_loop3A_308 = tpu.vector_load %arg12[%parallel_loop3A_305, %parallel_loop3A_306, %parallel_loop3A_307] {strides = array<i32>} : memref<5x64x64xf32, #tpu.memory_space<vmem>>, vector<16xf32>,
              tpu.vector_store %arg12[%parallel_loop3A_305, %parallel_loop3A_306, %parallel_loop3A_307], %parallel_loop3A_303 {strides = array<i32>} : memref<5x64x64xf32, #tpu.memory_space<vmem>>, vector<16xf32>,
              %parallel_loop3A_309 = arith.constant 3 : i32
              %parallel_loop3A_310 = arith.index_cast %parallel_loop3A_309 : i32 to index
              %parallel_loop3A_311 = arith.index_cast %parallel_loop3A_260 : i32 to index
              %parallel_loop3A_312 = arith.constant 48 : index
              %parallel_loop3A_313 = tpu.vector_load %arg12[%parallel_loop3A_310, %parallel_loop3A_311, %parallel_loop3A_312] {strides = array<i32>} : memref<5x64x64xf32, #tpu.memory_space<vmem>>, vector<16xf32>,
              %parallel_loop3A_314 = arith.constant 3 : i32
              %parallel_loop3A_315 = arith.index_cast %parallel_loop3A_314 : i32 to index
              %parallel_loop3A_316 = arith.index_cast %parallel_loop3A_260 : i32 to index
              %parallel_loop3A_317 = arith.constant 48 : index
              %parallel_loop3A_318 = tpu.vector_load %arg13[%parallel_loop3A_315, %parallel_loop3A_316, %parallel_loop3A_317] {strides = array<i32>} : memref<5x64x64xf32, #tpu.memory_space<vmem>>, vector<16xf32>,
              %parallel_loop3A_319 = arith.mulf %parallel_loop3A_313, %parallel_loop3A_318 : vector<16xf32>
              %parallel_loop3A_320 = arith.constant 3 : i32
              %parallel_loop3A_321 = arith.index_cast %parallel_loop3A_320 : i32 to index
              %parallel_loop3A_322 = arith.index_cast %parallel_loop3A_260 : i32 to index
              %parallel_loop3A_323 = arith.constant 48 : index
              %parallel_loop3A_324 = tpu.vector_load %arg12[%parallel_loop3A_321, %parallel_loop3A_322, %parallel_loop3A_323] {strides = array<i32>} : memref<5x64x64xf32, #tpu.memory_space<vmem>>, vector<16xf32>,
              tpu.vector_store %arg12[%parallel_loop3A_321, %parallel_loop3A_322, %parallel_loop3A_323], %parallel_loop3A_319 {strides = array<i32>} : memref<5x64x64xf32, #tpu.memory_space<vmem>>, vector<16xf32>,
            } {sc.loop_unroll_factor = 8 : i64, sc.parallel_access}
            %dma_start3A = arith.constant 3 : i32
            %dma_start3A_250 = arith.constant 0 : i32
            %dma_start3A_251 = arith.constant 0 : i32
            %dma_start3A_252 = tpu.memref_slice %arg12[%dma_start3A, %dma_start3A_250, %dma_start3A_251] : memref<5x64x64xf32, #tpu.memory_space<vmem>> -> memref<1x64x64xf32, #tpu.memory_space<vmem>>
            %dma_start3A_253 = tpu.memref_squeeze %dma_start3A_252 : memref<1x64x64xf32, #tpu.memory_space<vmem>> -> memref<64x64xf32, #tpu.memory_space<vmem>>
            %dma_start3A_254 = arith.constant 0 : i32
            %dma_start3A_255 = tpu.memref_slice %arg11[%add3A_202, %dma_start3A_254] : memref<64x64xi32, #tpu.memory_space<vmem>> -> memref<1x64xi32, #tpu.memory_space<vmem>>
            %dma_start3A_256 = tpu.memref_squeeze %dma_start3A_255 : memref<1x64xi32, #tpu.memory_space<vmem>> -> memref<64xi32, #tpu.memory_space<vmem>>
            %dma_start3A_257 = arith.constant 0 : i32
            %dma_start3A_258 = arith.constant 0 : i32
            %dma_start3A_259 = tpu.memref_slice %arg15[%dma_start3A_257, %dma_start3A_258] : memref<16016x64xf32, #tpu.memory_space<vmem_shared>> -> memref<16016x64xf32, #tpu.memory_space<vmem_shared>>
            tpu.enqueue_indirect_dma source(%dma_start3A_253 : memref<64x64xf32, #tpu.memory_space<vmem>>) target(%dma_start3A_259 : memref<16016x64xf32, #tpu.memory_space<vmem_shared>>) offsets(%dma_start3A_256 : memref<64xi32, #tpu.memory_space<vmem>>) semaphore(%arg26 : memref<!tpu.dma_semaphore, #tpu.memory_space<semaphore_mem>>) {add = true}
          } else {
          }
          %mul3A_207 = arith.constant 5 : i32
          %mul3A_208 = arith.muli %while3A_175, %mul3A_207 : i32
          %add3A_209 = arith.constant 4 : i32
          %add3A_210 = arith.addi %mul3A_208, %add3A_209 : i32
          %lt3A_211 = arith.cmpi slt, %add3A_210, %select_n3A : i32
          %convert_element_type3A_212 = arith.extui %lt3A_211 : i1 to i32
          %cond3A_213 = arith.constant 0 : i32
          %cond3A_214 = arith.cmpi ne, %convert_element_type3A_212, %cond3A_213 : i32
          scf.if %cond3A_214 {
            %ge3A_215 = arith.constant 2 : i32
            %ge3A_216 = arith.cmpi sge, %add3A_210, %ge3A_215 : i32
            %convert_element_type3A_217 = arith.extui %ge3A_216 : i1 to i32
            %cond3A_218 = arith.constant 0 : i32
            %cond3A_219 = arith.cmpi ne, %convert_element_type3A_217, %cond3A_218 : i32
            scf.if %cond3A_219 {
              %dma_wait3A_260 = arith.constant 0 : i32
              %dma_wait3A_261 = arith.constant 0 : i32
              %dma_wait3A_262 = arith.constant 0 : i32
              %dma_wait3A_263 = arith.constant 0 : i32
              %dma_wait3A_264 = tpu.memref_slice %arg12[%dma_wait3A_260, %dma_wait3A_262, %dma_wait3A_263] : memref<5x64x64xf32, #tpu.memory_space<vmem>> -> memref<1x64x64xf32, #tpu.memory_space<vmem>>
              %dma_wait3A_265 = tpu.memref_squeeze %dma_wait3A_264 : memref<1x64x64xf32, #tpu.memory_space<vmem>> -> memref<64x64xf32, #tpu.memory_space<vmem>>
              %dma_wait3A_266 = arith.constant 0 : i32
              %dma_wait3A_267 = tpu.memref_slice %arg11[%dma_wait3A_261, %dma_wait3A_266] : memref<64x64xi32, #tpu.memory_space<vmem>> -> memref<1x64xi32, #tpu.memory_space<vmem>>
              %dma_wait3A_268 = tpu.memref_squeeze %dma_wait3A_267 : memref<1x64xi32, #tpu.memory_space<vmem>> -> memref<64xi32, #tpu.memory_space<vmem>>
              %dma_wait3A_269 = arith.constant 0 : i32
              %dma_wait3A_270 = arith.constant 0 : i32
              %dma_wait3A_271 = tpu.memref_slice %arg15[%dma_wait3A_269, %dma_wait3A_270] : memref<16016x64xf32, #tpu.memory_space<vmem_shared>> -> memref<16016x64xf32, #tpu.memory_space<vmem_shared>>
              tpu.wait_indirect_dma semaphore(%arg26 : memref<!tpu.dma_semaphore, #tpu.memory_space<semaphore_mem>>) src(%dma_wait3A_265 : memref<64x64xf32, #tpu.memory_space<vmem>>) dst(%dma_wait3A_271 : memref<16016x64xf32, #tpu.memory_space<vmem_shared>>)
            } else {
            }
            %add3A_220 = arith.constant 3 : i32
            %add3A_221 = arith.addi %add3A_210, %add3A_220 : i32
            %lt3A_222 = arith.cmpi slt, %add3A_221, %select_n3A : i32
            %convert_element_type3A_223 = arith.extui %lt3A_222 : i1 to i32
            %cond3A_224 = arith.constant 0 : i32
            %cond3A_225 = arith.cmpi ne, %convert_element_type3A_223, %cond3A_224 : i32
            scf.if %cond3A_225 {
              %add3A_260 = arith.constant 3 : i32
              %add3A_261 = arith.addi %add3A_210, %add3A_260 : i32
              %dma_start3A_262 = arith.constant 2 : i32
              %dma_start3A_263 = arith.constant 0 : i32
              %dma_start3A_264 = arith.constant 0 : i32
              %dma_start3A_265 = tpu.memref_slice %arg12[%dma_start3A_262, %dma_start3A_263, %dma_start3A_264] : memref<5x64x64xf32, #tpu.memory_space<vmem>> -> memref<1x64x64xf32, #tpu.memory_space<vmem>>
              %dma_start3A_266 = tpu.memref_squeeze %dma_start3A_265 : memref<1x64x64xf32, #tpu.memory_space<vmem>> -> memref<64x64xf32, #tpu.memory_space<vmem>>
              %dma_start3A_267 = arith.constant 0 : i32
              %dma_start3A_268 = tpu.memref_slice %arg9[%add3A_261, %dma_start3A_267] : memref<64x64xi32, #tpu.memory_space<vmem>> -> memref<1x64xi32, #tpu.memory_space<vmem>>
              %dma_start3A_269 = tpu.memref_squeeze %dma_start3A_268 : memref<1x64xi32, #tpu.memory_space<vmem>> -> memref<64xi32, #tpu.memory_space<vmem>>
              %dma_start3A_270 = arith.constant 0 : i32
              %dma_start3A_271 = arith.constant 0 : i32
              %dma_start3A_272 = tpu.memref_slice %arg2[%dma_start3A_270, %dma_start3A_271] : memref<160000x64xf32, #tpu.memory_space<hbm>> -> memref<160000x64xf32, #tpu.memory_space<hbm>>
              tpu.enqueue_indirect_dma source(%dma_start3A_272 : memref<160000x64xf32, #tpu.memory_space<hbm>>) target(%dma_start3A_266 : memref<64x64xf32, #tpu.memory_space<vmem>>) offsets(%dma_start3A_269 : memref<64xi32, #tpu.memory_space<vmem>>) semaphore(%arg20 : memref<!tpu.dma_semaphore, #tpu.memory_space<semaphore_mem>>)
              %dma_start3A_273 = arith.constant 2 : i32
              %dma_start3A_274 = arith.constant 0 : i32
              %dma_start3A_275 = arith.constant 0 : i32
              %dma_start3A_276 = tpu.memref_slice %arg13[%dma_start3A_273, %dma_start3A_274, %dma_start3A_275] : memref<5x64x64xf32, #tpu.memory_space<vmem>> -> memref<1x64x64xf32, #tpu.memory_space<vmem>>
              %dma_start3A_277 = tpu.memref_squeeze %dma_start3A_276 : memref<1x64x64xf32, #tpu.memory_space<vmem>> -> memref<64x64xf32, #tpu.memory_space<vmem>>
              %dma_start3A_278 = arith.constant 0 : i32
              %dma_start3A_279 = tpu.memref_slice %arg10[%add3A_261, %dma_start3A_278] : memref<64x64xi32, #tpu.memory_space<vmem>> -> memref<1x64xi32, #tpu.memory_space<vmem>>
              %dma_start3A_280 = tpu.memref_squeeze %dma_start3A_279 : memref<1x64xi32, #tpu.memory_space<vmem>> -> memref<64xi32, #tpu.memory_space<vmem>>
              %dma_start3A_281 = arith.constant 0 : i32
              %dma_start3A_282 = arith.constant 0 : i32
              %dma_start3A_283 = tpu.memref_slice %arg3[%dma_start3A_281, %dma_start3A_282] : memref<640000x64xf32, #tpu.memory_space<hbm>> -> memref<640000x64xf32, #tpu.memory_space<hbm>>
              tpu.enqueue_indirect_dma source(%dma_start3A_283 : memref<640000x64xf32, #tpu.memory_space<hbm>>) target(%dma_start3A_277 : memref<64x64xf32, #tpu.memory_space<vmem>>) offsets(%dma_start3A_280 : memref<64xi32, #tpu.memory_space<vmem>>) semaphore(%arg21 : memref<!tpu.dma_semaphore, #tpu.memory_space<semaphore_mem>>)
            } else {
            }
            %dma_wait3A = arith.constant 4 : i32
            %dma_wait3A_226 = arith.constant 0 : i32
            %dma_wait3A_227 = arith.constant 0 : i32
            %dma_wait3A_228 = tpu.memref_slice %arg12[%dma_wait3A, %dma_wait3A_226, %dma_wait3A_227] : memref<5x64x64xf32, #tpu.memory_space<vmem>> -> memref<1x64x64xf32, #tpu.memory_space<vmem>>
            %dma_wait3A_229 = tpu.memref_squeeze %dma_wait3A_228 : memref<1x64x64xf32, #tpu.memory_space<vmem>> -> memref<64x64xf32, #tpu.memory_space<vmem>>
            %dma_wait3A_230 = arith.constant 0 : i32
            %dma_wait3A_231 = tpu.memref_slice %arg9[%add3A_210, %dma_wait3A_230] : memref<64x64xi32, #tpu.memory_space<vmem>> -> memref<1x64xi32, #tpu.memory_space<vmem>>
            %dma_wait3A_232 = tpu.memref_squeeze %dma_wait3A_231 : memref<1x64xi32, #tpu.memory_space<vmem>> -> memref<64xi32, #tpu.memory_space<vmem>>
            %dma_wait3A_233 = arith.constant 0 : i32
            %dma_wait3A_234 = arith.constant 0 : i32
            %dma_wait3A_235 = tpu.memref_slice %arg2[%dma_wait3A_233, %dma_wait3A_234] : memref<160000x64xf32, #tpu.memory_space<hbm>> -> memref<160000x64xf32, #tpu.memory_space<hbm>>
            tpu.wait_indirect_dma semaphore(%arg24 : memref<!tpu.dma_semaphore, #tpu.memory_space<semaphore_mem>>) src(%dma_wait3A_235 : memref<160000x64xf32, #tpu.memory_space<hbm>>) dst(%dma_wait3A_229 : memref<64x64xf32, #tpu.memory_space<vmem>>)
            %dma_wait3A_236 = arith.constant 4 : i32
            %dma_wait3A_237 = arith.constant 0 : i32
            %dma_wait3A_238 = arith.constant 0 : i32
            %dma_wait3A_239 = tpu.memref_slice %arg13[%dma_wait3A_236, %dma_wait3A_237, %dma_wait3A_238] : memref<5x64x64xf32, #tpu.memory_space<vmem>> -> memref<1x64x64xf32, #tpu.memory_space<vmem>>
            %dma_wait3A_240 = tpu.memref_squeeze %dma_wait3A_239 : memref<1x64x64xf32, #tpu.memory_space<vmem>> -> memref<64x64xf32, #tpu.memory_space<vmem>>
            %dma_wait3A_241 = arith.constant 0 : i32
            %dma_wait3A_242 = tpu.memref_slice %arg10[%add3A_210, %dma_wait3A_241] : memref<64x64xi32, #tpu.memory_space<vmem>> -> memref<1x64xi32, #tpu.memory_space<vmem>>
            %dma_wait3A_243 = tpu.memref_squeeze %dma_wait3A_242 : memref<1x64xi32, #tpu.memory_space<vmem>> -> memref<64xi32, #tpu.memory_space<vmem>>
            %dma_wait3A_244 = arith.constant 0 : i32
            %dma_wait3A_245 = arith.constant 0 : i32
            %dma_wait3A_246 = tpu.memref_slice %arg3[%dma_wait3A_244, %dma_wait3A_245] : memref<640000x64xf32, #tpu.memory_space<hbm>> -> memref<640000x64xf32, #tpu.memory_space<hbm>>
            tpu.wait_indirect_dma semaphore(%arg25 : memref<!tpu.dma_semaphore, #tpu.memory_space<semaphore_mem>>) src(%dma_wait3A_246 : memref<640000x64xf32, #tpu.memory_space<hbm>>) dst(%dma_wait3A_240 : memref<64x64xf32, #tpu.memory_space<vmem>>)
            %parallel_loop3A_247 = arith.constant 0 : i32
            %parallel_loop3A_248 = arith.constant 64 : i32
            %parallel_loop3A_249 = arith.constant 1 : i32
            scf.for %parallel_loop3A_260 = %parallel_loop3A_247 to %parallel_loop3A_248 step %parallel_loop3A_249  : i32 {
              %parallel_loop3A_261 = arith.constant 4 : i32
              %parallel_loop3A_262 = arith.index_cast %parallel_loop3A_261 : i32 to index
              %parallel_loop3A_263 = arith.index_cast %parallel_loop3A_260 : i32 to index
              %parallel_loop3A_264 = arith.constant 0 : index
              %parallel_loop3A_265 = tpu.vector_load %arg12[%parallel_loop3A_262, %parallel_loop3A_263, %parallel_loop3A_264] {strides = array<i32>} : memref<5x64x64xf32, #tpu.memory_space<vmem>>, vector<16xf32>,
              %parallel_loop3A_266 = arith.constant 4 : i32
              %parallel_loop3A_267 = arith.index_cast %parallel_loop3A_266 : i32 to index
              %parallel_loop3A_268 = arith.index_cast %parallel_loop3A_260 : i32 to index
              %parallel_loop3A_269 = arith.constant 0 : index
              %parallel_loop3A_270 = tpu.vector_load %arg13[%parallel_loop3A_267, %parallel_loop3A_268, %parallel_loop3A_269] {strides = array<i32>} : memref<5x64x64xf32, #tpu.memory_space<vmem>>, vector<16xf32>,
              %parallel_loop3A_271 = arith.mulf %parallel_loop3A_265, %parallel_loop3A_270 : vector<16xf32>
              %parallel_loop3A_272 = arith.constant 4 : i32
              %parallel_loop3A_273 = arith.index_cast %parallel_loop3A_272 : i32 to index
              %parallel_loop3A_274 = arith.index_cast %parallel_loop3A_260 : i32 to index
              %parallel_loop3A_275 = arith.constant 0 : index
              %parallel_loop3A_276 = tpu.vector_load %arg12[%parallel_loop3A_273, %parallel_loop3A_274, %parallel_loop3A_275] {strides = array<i32>} : memref<5x64x64xf32, #tpu.memory_space<vmem>>, vector<16xf32>,
              tpu.vector_store %arg12[%parallel_loop3A_273, %parallel_loop3A_274, %parallel_loop3A_275], %parallel_loop3A_271 {strides = array<i32>} : memref<5x64x64xf32, #tpu.memory_space<vmem>>, vector<16xf32>,
              %parallel_loop3A_277 = arith.constant 4 : i32
              %parallel_loop3A_278 = arith.index_cast %parallel_loop3A_277 : i32 to index
              %parallel_loop3A_279 = arith.index_cast %parallel_loop3A_260 : i32 to index
              %parallel_loop3A_280 = arith.constant 16 : index
              %parallel_loop3A_281 = tpu.vector_load %arg12[%parallel_loop3A_278, %parallel_loop3A_279, %parallel_loop3A_280] {strides = array<i32>} : memref<5x64x64xf32, #tpu.memory_space<vmem>>, vector<16xf32>,
              %parallel_loop3A_282 = arith.constant 4 : i32
              %parallel_loop3A_283 = arith.index_cast %parallel_loop3A_282 : i32 to index
              %parallel_loop3A_284 = arith.index_cast %parallel_loop3A_260 : i32 to index
              %parallel_loop3A_285 = arith.constant 16 : index
              %parallel_loop3A_286 = tpu.vector_load %arg13[%parallel_loop3A_283, %parallel_loop3A_284, %parallel_loop3A_285] {strides = array<i32>} : memref<5x64x64xf32, #tpu.memory_space<vmem>>, vector<16xf32>,
              %parallel_loop3A_287 = arith.mulf %parallel_loop3A_281, %parallel_loop3A_286 : vector<16xf32>
              %parallel_loop3A_288 = arith.constant 4 : i32
              %parallel_loop3A_289 = arith.index_cast %parallel_loop3A_288 : i32 to index
              %parallel_loop3A_290 = arith.index_cast %parallel_loop3A_260 : i32 to index
              %parallel_loop3A_291 = arith.constant 16 : index
              %parallel_loop3A_292 = tpu.vector_load %arg12[%parallel_loop3A_289, %parallel_loop3A_290, %parallel_loop3A_291] {strides = array<i32>} : memref<5x64x64xf32, #tpu.memory_space<vmem>>, vector<16xf32>,
              tpu.vector_store %arg12[%parallel_loop3A_289, %parallel_loop3A_290, %parallel_loop3A_291], %parallel_loop3A_287 {strides = array<i32>} : memref<5x64x64xf32, #tpu.memory_space<vmem>>, vector<16xf32>,
              %parallel_loop3A_293 = arith.constant 4 : i32
              %parallel_loop3A_294 = arith.index_cast %parallel_loop3A_293 : i32 to index
              %parallel_loop3A_295 = arith.index_cast %parallel_loop3A_260 : i32 to index
              %parallel_loop3A_296 = arith.constant 32 : index
              %parallel_loop3A_297 = tpu.vector_load %arg12[%parallel_loop3A_294, %parallel_loop3A_295, %parallel_loop3A_296] {strides = array<i32>} : memref<5x64x64xf32, #tpu.memory_space<vmem>>, vector<16xf32>,
              %parallel_loop3A_298 = arith.constant 4 : i32
              %parallel_loop3A_299 = arith.index_cast %parallel_loop3A_298 : i32 to index
              %parallel_loop3A_300 = arith.index_cast %parallel_loop3A_260 : i32 to index
              %parallel_loop3A_301 = arith.constant 32 : index
              %parallel_loop3A_302 = tpu.vector_load %arg13[%parallel_loop3A_299, %parallel_loop3A_300, %parallel_loop3A_301] {strides = array<i32>} : memref<5x64x64xf32, #tpu.memory_space<vmem>>, vector<16xf32>,
              %parallel_loop3A_303 = arith.mulf %parallel_loop3A_297, %parallel_loop3A_302 : vector<16xf32>
              %parallel_loop3A_304 = arith.constant 4 : i32
              %parallel_loop3A_305 = arith.index_cast %parallel_loop3A_304 : i32 to index
              %parallel_loop3A_306 = arith.index_cast %parallel_loop3A_260 : i32 to index
              %parallel_loop3A_307 = arith.constant 32 : index
              %parallel_loop3A_308 = tpu.vector_load %arg12[%parallel_loop3A_305, %parallel_loop3A_306, %parallel_loop3A_307] {strides = array<i32>} : memref<5x64x64xf32, #tpu.memory_space<vmem>>, vector<16xf32>,
              tpu.vector_store %arg12[%parallel_loop3A_305, %parallel_loop3A_306, %parallel_loop3A_307], %parallel_loop3A_303 {strides = array<i32>} : memref<5x64x64xf32, #tpu.memory_space<vmem>>, vector<16xf32>,
              %parallel_loop3A_309 = arith.constant 4 : i32
              %parallel_loop3A_310 = arith.index_cast %parallel_loop3A_309 : i32 to index
              %parallel_loop3A_311 = arith.index_cast %parallel_loop3A_260 : i32 to index
              %parallel_loop3A_312 = arith.constant 48 : index
              %parallel_loop3A_313 = tpu.vector_load %arg12[%parallel_loop3A_310, %parallel_loop3A_311, %parallel_loop3A_312] {strides = array<i32>} : memref<5x64x64xf32, #tpu.memory_space<vmem>>, vector<16xf32>,
              %parallel_loop3A_314 = arith.constant 4 : i32
              %parallel_loop3A_315 = arith.index_cast %parallel_loop3A_314 : i32 to index
              %parallel_loop3A_316 = arith.index_cast %parallel_loop3A_260 : i32 to index
              %parallel_loop3A_317 = arith.constant 48 : index
              %parallel_loop3A_318 = tpu.vector_load %arg13[%parallel_loop3A_315, %parallel_loop3A_316, %parallel_loop3A_317] {strides = array<i32>} : memref<5x64x64xf32, #tpu.memory_space<vmem>>, vector<16xf32>,
              %parallel_loop3A_319 = arith.mulf %parallel_loop3A_313, %parallel_loop3A_318 : vector<16xf32>
              %parallel_loop3A_320 = arith.constant 4 : i32
              %parallel_loop3A_321 = arith.index_cast %parallel_loop3A_320 : i32 to index
              %parallel_loop3A_322 = arith.index_cast %parallel_loop3A_260 : i32 to index
              %parallel_loop3A_323 = arith.constant 48 : index
              %parallel_loop3A_324 = tpu.vector_load %arg12[%parallel_loop3A_321, %parallel_loop3A_322, %parallel_loop3A_323] {strides = array<i32>} : memref<5x64x64xf32, #tpu.memory_space<vmem>>, vector<16xf32>,
              tpu.vector_store %arg12[%parallel_loop3A_321, %parallel_loop3A_322, %parallel_loop3A_323], %parallel_loop3A_319 {strides = array<i32>} : memref<5x64x64xf32, #tpu.memory_space<vmem>>, vector<16xf32>,
            } {sc.loop_unroll_factor = 8 : i64, sc.parallel_access}
            %dma_start3A = arith.constant 4 : i32
            %dma_start3A_250 = arith.constant 0 : i32
            %dma_start3A_251 = arith.constant 0 : i32
            %dma_start3A_252 = tpu.memref_slice %arg12[%dma_start3A, %dma_start3A_250, %dma_start3A_251] : memref<5x64x64xf32, #tpu.memory_space<vmem>> -> memref<1x64x64xf32, #tpu.memory_space<vmem>>
            %dma_start3A_253 = tpu.memref_squeeze %dma_start3A_252 : memref<1x64x64xf32, #tpu.memory_space<vmem>> -> memref<64x64xf32, #tpu.memory_space<vmem>>
            %dma_start3A_254 = arith.constant 0 : i32
            %dma_start3A_255 = tpu.memref_slice %arg11[%add3A_210, %dma_start3A_254] : memref<64x64xi32, #tpu.memory_space<vmem>> -> memref<1x64xi32, #tpu.memory_space<vmem>>
            %dma_start3A_256 = tpu.memref_squeeze %dma_start3A_255 : memref<1x64xi32, #tpu.memory_space<vmem>> -> memref<64xi32, #tpu.memory_space<vmem>>
            %dma_start3A_257 = arith.constant 0 : i32
            %dma_start3A_258 = arith.constant 0 : i32
            %dma_start3A_259 = tpu.memref_slice %arg15[%dma_start3A_257, %dma_start3A_258] : memref<16016x64xf32, #tpu.memory_space<vmem_shared>> -> memref<16016x64xf32, #tpu.memory_space<vmem_shared>>
            tpu.enqueue_indirect_dma source(%dma_start3A_253 : memref<64x64xf32, #tpu.memory_space<vmem>>) target(%dma_start3A_259 : memref<16016x64xf32, #tpu.memory_space<vmem_shared>>) offsets(%dma_start3A_256 : memref<64xi32, #tpu.memory_space<vmem>>) semaphore(%arg26 : memref<!tpu.dma_semaphore, #tpu.memory_space<semaphore_mem>>) {add = true}
          } else {
          }
        }
        %while3A_165 = arith.constant 1 : i32
        scf.for %while3A_175 = %while3A_163 to %while3A_159 step %while3A_165  : i32 {
          %mul3A_176 = arith.constant 5 : i32
          %mul3A_177 = arith.muli %while3A_175, %mul3A_176 : i32
          %add3A_178 = arith.constant 0 : i32
          %add3A_179 = arith.addi %mul3A_177, %add3A_178 : i32
          %lt3A = arith.cmpi slt, %add3A_179, %select_n3A : i32
          %convert_element_type3A_180 = arith.extui %lt3A : i1 to i32
          %cond3A_181 = arith.constant 0 : i32
          %cond3A_182 = arith.cmpi ne, %convert_element_type3A_180, %cond3A_181 : i32
          scf.if %cond3A_182 {
            %ge3A_215 = arith.constant 2 : i32
            %ge3A_216 = arith.cmpi sge, %add3A_179, %ge3A_215 : i32
            %convert_element_type3A_217 = arith.extui %ge3A_216 : i1 to i32
            %cond3A_218 = arith.constant 0 : i32
            %cond3A_219 = arith.cmpi ne, %convert_element_type3A_217, %cond3A_218 : i32
            scf.if %cond3A_219 {
              %dma_wait3A_260 = arith.constant 0 : i32
              %dma_wait3A_261 = arith.constant 0 : i32
              %dma_wait3A_262 = arith.constant 0 : i32
              %dma_wait3A_263 = arith.constant 0 : i32
              %dma_wait3A_264 = tpu.memref_slice %arg12[%dma_wait3A_260, %dma_wait3A_262, %dma_wait3A_263] : memref<5x64x64xf32, #tpu.memory_space<vmem>> -> memref<1x64x64xf32, #tpu.memory_space<vmem>>
              %dma_wait3A_265 = tpu.memref_squeeze %dma_wait3A_264 : memref<1x64x64xf32, #tpu.memory_space<vmem>> -> memref<64x64xf32, #tpu.memory_space<vmem>>
              %dma_wait3A_266 = arith.constant 0 : i32
              %dma_wait3A_267 = tpu.memref_slice %arg11[%dma_wait3A_261, %dma_wait3A_266] : memref<64x64xi32, #tpu.memory_space<vmem>> -> memref<1x64xi32, #tpu.memory_space<vmem>>
              %dma_wait3A_268 = tpu.memref_squeeze %dma_wait3A_267 : memref<1x64xi32, #tpu.memory_space<vmem>> -> memref<64xi32, #tpu.memory_space<vmem>>
              %dma_wait3A_269 = arith.constant 0 : i32
              %dma_wait3A_270 = arith.constant 0 : i32
              %dma_wait3A_271 = tpu.memref_slice %arg15[%dma_wait3A_269, %dma_wait3A_270] : memref<16016x64xf32, #tpu.memory_space<vmem_shared>> -> memref<16016x64xf32, #tpu.memory_space<vmem_shared>>
              tpu.wait_indirect_dma semaphore(%arg26 : memref<!tpu.dma_semaphore, #tpu.memory_space<semaphore_mem>>) src(%dma_wait3A_265 : memref<64x64xf32, #tpu.memory_space<vmem>>) dst(%dma_wait3A_271 : memref<16016x64xf32, #tpu.memory_space<vmem_shared>>)
            } else {
            }
            %add3A_220 = arith.constant 3 : i32
            %add3A_221 = arith.addi %add3A_179, %add3A_220 : i32
            %lt3A_222 = arith.cmpi slt, %add3A_221, %select_n3A : i32
            %convert_element_type3A_223 = arith.extui %lt3A_222 : i1 to i32
            %cond3A_224 = arith.constant 0 : i32
            %cond3A_225 = arith.cmpi ne, %convert_element_type3A_223, %cond3A_224 : i32
            scf.if %cond3A_225 {
              %add3A_260 = arith.constant 3 : i32
              %add3A_261 = arith.addi %add3A_179, %add3A_260 : i32
              %dma_start3A_262 = arith.constant 3 : i32
              %dma_start3A_263 = arith.constant 0 : i32
              %dma_start3A_264 = arith.constant 0 : i32
              %dma_start3A_265 = tpu.memref_slice %arg12[%dma_start3A_262, %dma_start3A_263, %dma_start3A_264] : memref<5x64x64xf32, #tpu.memory_space<vmem>> -> memref<1x64x64xf32, #tpu.memory_space<vmem>>
              %dma_start3A_266 = tpu.memref_squeeze %dma_start3A_265 : memref<1x64x64xf32, #tpu.memory_space<vmem>> -> memref<64x64xf32, #tpu.memory_space<vmem>>
              %dma_start3A_267 = arith.constant 0 : i32
              %dma_start3A_268 = tpu.memref_slice %arg9[%add3A_261, %dma_start3A_267] : memref<64x64xi32, #tpu.memory_space<vmem>> -> memref<1x64xi32, #tpu.memory_space<vmem>>
              %dma_start3A_269 = tpu.memref_squeeze %dma_start3A_268 : memref<1x64xi32, #tpu.memory_space<vmem>> -> memref<64xi32, #tpu.memory_space<vmem>>
              %dma_start3A_270 = arith.constant 0 : i32
              %dma_start3A_271 = arith.constant 0 : i32
              %dma_start3A_272 = tpu.memref_slice %arg2[%dma_start3A_270, %dma_start3A_271] : memref<160000x64xf32, #tpu.memory_space<hbm>> -> memref<160000x64xf32, #tpu.memory_space<hbm>>
              tpu.enqueue_indirect_dma source(%dma_start3A_272 : memref<160000x64xf32, #tpu.memory_space<hbm>>) target(%dma_start3A_266 : memref<64x64xf32, #tpu.memory_space<vmem>>) offsets(%dma_start3A_269 : memref<64xi32, #tpu.memory_space<vmem>>) semaphore(%arg22 : memref<!tpu.dma_semaphore, #tpu.memory_space<semaphore_mem>>)
              %dma_start3A_273 = arith.constant 3 : i32
              %dma_start3A_274 = arith.constant 0 : i32
              %dma_start3A_275 = arith.constant 0 : i32
              %dma_start3A_276 = tpu.memref_slice %arg13[%dma_start3A_273, %dma_start3A_274, %dma_start3A_275] : memref<5x64x64xf32, #tpu.memory_space<vmem>> -> memref<1x64x64xf32, #tpu.memory_space<vmem>>
              %dma_start3A_277 = tpu.memref_squeeze %dma_start3A_276 : memref<1x64x64xf32, #tpu.memory_space<vmem>> -> memref<64x64xf32, #tpu.memory_space<vmem>>
              %dma_start3A_278 = arith.constant 0 : i32
              %dma_start3A_279 = tpu.memref_slice %arg10[%add3A_261, %dma_start3A_278] : memref<64x64xi32, #tpu.memory_space<vmem>> -> memref<1x64xi32, #tpu.memory_space<vmem>>
              %dma_start3A_280 = tpu.memref_squeeze %dma_start3A_279 : memref<1x64xi32, #tpu.memory_space<vmem>> -> memref<64xi32, #tpu.memory_space<vmem>>
              %dma_start3A_281 = arith.constant 0 : i32
              %dma_start3A_282 = arith.constant 0 : i32
              %dma_start3A_283 = tpu.memref_slice %arg3[%dma_start3A_281, %dma_start3A_282] : memref<640000x64xf32, #tpu.memory_space<hbm>> -> memref<640000x64xf32, #tpu.memory_space<hbm>>
              tpu.enqueue_indirect_dma source(%dma_start3A_283 : memref<640000x64xf32, #tpu.memory_space<hbm>>) target(%dma_start3A_277 : memref<64x64xf32, #tpu.memory_space<vmem>>) offsets(%dma_start3A_280 : memref<64xi32, #tpu.memory_space<vmem>>) semaphore(%arg23 : memref<!tpu.dma_semaphore, #tpu.memory_space<semaphore_mem>>)
            } else {
            }
            %dma_wait3A = arith.constant 0 : i32
            %dma_wait3A_226 = arith.constant 0 : i32
            %dma_wait3A_227 = arith.constant 0 : i32
            %dma_wait3A_228 = tpu.memref_slice %arg12[%dma_wait3A, %dma_wait3A_226, %dma_wait3A_227] : memref<5x64x64xf32, #tpu.memory_space<vmem>> -> memref<1x64x64xf32, #tpu.memory_space<vmem>>
            %dma_wait3A_229 = tpu.memref_squeeze %dma_wait3A_228 : memref<1x64x64xf32, #tpu.memory_space<vmem>> -> memref<64x64xf32, #tpu.memory_space<vmem>>
            %dma_wait3A_230 = arith.constant 0 : i32
            %dma_wait3A_231 = tpu.memref_slice %arg9[%add3A_179, %dma_wait3A_230] : memref<64x64xi32, #tpu.memory_space<vmem>> -> memref<1x64xi32, #tpu.memory_space<vmem>>
            %dma_wait3A_232 = tpu.memref_squeeze %dma_wait3A_231 : memref<1x64xi32, #tpu.memory_space<vmem>> -> memref<64xi32, #tpu.memory_space<vmem>>
            %dma_wait3A_233 = arith.constant 0 : i32
            %dma_wait3A_234 = arith.constant 0 : i32
            %dma_wait3A_235 = tpu.memref_slice %arg2[%dma_wait3A_233, %dma_wait3A_234] : memref<160000x64xf32, #tpu.memory_space<hbm>> -> memref<160000x64xf32, #tpu.memory_space<hbm>>
            tpu.wait_indirect_dma semaphore(%arg16 : memref<!tpu.dma_semaphore, #tpu.memory_space<semaphore_mem>>) src(%dma_wait3A_235 : memref<160000x64xf32, #tpu.memory_space<hbm>>) dst(%dma_wait3A_229 : memref<64x64xf32, #tpu.memory_space<vmem>>)
            %dma_wait3A_236 = arith.constant 0 : i32
            %dma_wait3A_237 = arith.constant 0 : i32
            %dma_wait3A_238 = arith.constant 0 : i32
            %dma_wait3A_239 = tpu.memref_slice %arg13[%dma_wait3A_236, %dma_wait3A_237, %dma_wait3A_238] : memref<5x64x64xf32, #tpu.memory_space<vmem>> -> memref<1x64x64xf32, #tpu.memory_space<vmem>>
            %dma_wait3A_240 = tpu.memref_squeeze %dma_wait3A_239 : memref<1x64x64xf32, #tpu.memory_space<vmem>> -> memref<64x64xf32, #tpu.memory_space<vmem>>
            %dma_wait3A_241 = arith.constant 0 : i32
            %dma_wait3A_242 = tpu.memref_slice %arg10[%add3A_179, %dma_wait3A_241] : memref<64x64xi32, #tpu.memory_space<vmem>> -> memref<1x64xi32, #tpu.memory_space<vmem>>
            %dma_wait3A_243 = tpu.memref_squeeze %dma_wait3A_242 : memref<1x64xi32, #tpu.memory_space<vmem>> -> memref<64xi32, #tpu.memory_space<vmem>>
            %dma_wait3A_244 = arith.constant 0 : i32
            %dma_wait3A_245 = arith.constant 0 : i32
            %dma_wait3A_246 = tpu.memref_slice %arg3[%dma_wait3A_244, %dma_wait3A_245] : memref<640000x64xf32, #tpu.memory_space<hbm>> -> memref<640000x64xf32, #tpu.memory_space<hbm>>
            tpu.wait_indirect_dma semaphore(%arg17 : memref<!tpu.dma_semaphore, #tpu.memory_space<semaphore_mem>>) src(%dma_wait3A_246 : memref<640000x64xf32, #tpu.memory_space<hbm>>) dst(%dma_wait3A_240 : memref<64x64xf32, #tpu.memory_space<vmem>>)
            %parallel_loop3A_247 = arith.constant 0 : i32
            %parallel_loop3A_248 = arith.constant 64 : i32
            %parallel_loop3A_249 = arith.constant 1 : i32
            scf.for %parallel_loop3A_260 = %parallel_loop3A_247 to %parallel_loop3A_248 step %parallel_loop3A_249  : i32 {
              %parallel_loop3A_261 = arith.constant 0 : i32
              %parallel_loop3A_262 = arith.index_cast %parallel_loop3A_261 : i32 to index
              %parallel_loop3A_263 = arith.index_cast %parallel_loop3A_260 : i32 to index
              %parallel_loop3A_264 = arith.constant 0 : index
              %parallel_loop3A_265 = tpu.vector_load %arg12[%parallel_loop3A_262, %parallel_loop3A_263, %parallel_loop3A_264] {strides = array<i32>} : memref<5x64x64xf32, #tpu.memory_space<vmem>>, vector<16xf32>,
              %parallel_loop3A_266 = arith.constant 0 : i32
              %parallel_loop3A_267 = arith.index_cast %parallel_loop3A_266 : i32 to index
              %parallel_loop3A_268 = arith.index_cast %parallel_loop3A_260 : i32 to index
              %parallel_loop3A_269 = arith.constant 0 : index
              %parallel_loop3A_270 = tpu.vector_load %arg13[%parallel_loop3A_267, %parallel_loop3A_268, %parallel_loop3A_269] {strides = array<i32>} : memref<5x64x64xf32, #tpu.memory_space<vmem>>, vector<16xf32>,
              %parallel_loop3A_271 = arith.mulf %parallel_loop3A_265, %parallel_loop3A_270 : vector<16xf32>
              %parallel_loop3A_272 = arith.constant 0 : i32
              %parallel_loop3A_273 = arith.index_cast %parallel_loop3A_272 : i32 to index
              %parallel_loop3A_274 = arith.index_cast %parallel_loop3A_260 : i32 to index
              %parallel_loop3A_275 = arith.constant 0 : index
              %parallel_loop3A_276 = tpu.vector_load %arg12[%parallel_loop3A_273, %parallel_loop3A_274, %parallel_loop3A_275] {strides = array<i32>} : memref<5x64x64xf32, #tpu.memory_space<vmem>>, vector<16xf32>,
              tpu.vector_store %arg12[%parallel_loop3A_273, %parallel_loop3A_274, %parallel_loop3A_275], %parallel_loop3A_271 {strides = array<i32>} : memref<5x64x64xf32, #tpu.memory_space<vmem>>, vector<16xf32>,
              %parallel_loop3A_277 = arith.constant 0 : i32
              %parallel_loop3A_278 = arith.index_cast %parallel_loop3A_277 : i32 to index
              %parallel_loop3A_279 = arith.index_cast %parallel_loop3A_260 : i32 to index
              %parallel_loop3A_280 = arith.constant 16 : index
              %parallel_loop3A_281 = tpu.vector_load %arg12[%parallel_loop3A_278, %parallel_loop3A_279, %parallel_loop3A_280] {strides = array<i32>} : memref<5x64x64xf32, #tpu.memory_space<vmem>>, vector<16xf32>,
              %parallel_loop3A_282 = arith.constant 0 : i32
              %parallel_loop3A_283 = arith.index_cast %parallel_loop3A_282 : i32 to index
              %parallel_loop3A_284 = arith.index_cast %parallel_loop3A_260 : i32 to index
              %parallel_loop3A_285 = arith.constant 16 : index
              %parallel_loop3A_286 = tpu.vector_load %arg13[%parallel_loop3A_283, %parallel_loop3A_284, %parallel_loop3A_285] {strides = array<i32>} : memref<5x64x64xf32, #tpu.memory_space<vmem>>, vector<16xf32>,
              %parallel_loop3A_287 = arith.mulf %parallel_loop3A_281, %parallel_loop3A_286 : vector<16xf32>
              %parallel_loop3A_288 = arith.constant 0 : i32
              %parallel_loop3A_289 = arith.index_cast %parallel_loop3A_288 : i32 to index
              %parallel_loop3A_290 = arith.index_cast %parallel_loop3A_260 : i32 to index
              %parallel_loop3A_291 = arith.constant 16 : index
              %parallel_loop3A_292 = tpu.vector_load %arg12[%parallel_loop3A_289, %parallel_loop3A_290, %parallel_loop3A_291] {strides = array<i32>} : memref<5x64x64xf32, #tpu.memory_space<vmem>>, vector<16xf32>,
              tpu.vector_store %arg12[%parallel_loop3A_289, %parallel_loop3A_290, %parallel_loop3A_291], %parallel_loop3A_287 {strides = array<i32>} : memref<5x64x64xf32, #tpu.memory_space<vmem>>, vector<16xf32>,
              %parallel_loop3A_293 = arith.constant 0 : i32
              %parallel_loop3A_294 = arith.index_cast %parallel_loop3A_293 : i32 to index
              %parallel_loop3A_295 = arith.index_cast %parallel_loop3A_260 : i32 to index
              %parallel_loop3A_296 = arith.constant 32 : index
              %parallel_loop3A_297 = tpu.vector_load %arg12[%parallel_loop3A_294, %parallel_loop3A_295, %parallel_loop3A_296] {strides = array<i32>} : memref<5x64x64xf32, #tpu.memory_space<vmem>>, vector<16xf32>,
              %parallel_loop3A_298 = arith.constant 0 : i32
              %parallel_loop3A_299 = arith.index_cast %parallel_loop3A_298 : i32 to index
              %parallel_loop3A_300 = arith.index_cast %parallel_loop3A_260 : i32 to index
              %parallel_loop3A_301 = arith.constant 32 : index
              %parallel_loop3A_302 = tpu.vector_load %arg13[%parallel_loop3A_299, %parallel_loop3A_300, %parallel_loop3A_301] {strides = array<i32>} : memref<5x64x64xf32, #tpu.memory_space<vmem>>, vector<16xf32>,
              %parallel_loop3A_303 = arith.mulf %parallel_loop3A_297, %parallel_loop3A_302 : vector<16xf32>
              %parallel_loop3A_304 = arith.constant 0 : i32
              %parallel_loop3A_305 = arith.index_cast %parallel_loop3A_304 : i32 to index
              %parallel_loop3A_306 = arith.index_cast %parallel_loop3A_260 : i32 to index
              %parallel_loop3A_307 = arith.constant 32 : index
              %parallel_loop3A_308 = tpu.vector_load %arg12[%parallel_loop3A_305, %parallel_loop3A_306, %parallel_loop3A_307] {strides = array<i32>} : memref<5x64x64xf32, #tpu.memory_space<vmem>>, vector<16xf32>,
              tpu.vector_store %arg12[%parallel_loop3A_305, %parallel_loop3A_306, %parallel_loop3A_307], %parallel_loop3A_303 {strides = array<i32>} : memref<5x64x64xf32, #tpu.memory_space<vmem>>, vector<16xf32>,
              %parallel_loop3A_309 = arith.constant 0 : i32
              %parallel_loop3A_310 = arith.index_cast %parallel_loop3A_309 : i32 to index
              %parallel_loop3A_311 = arith.index_cast %parallel_loop3A_260 : i32 to index
              %parallel_loop3A_312 = arith.constant 48 : index
              %parallel_loop3A_313 = tpu.vector_load %arg12[%parallel_loop3A_310, %parallel_loop3A_311, %parallel_loop3A_312] {strides = array<i32>} : memref<5x64x64xf32, #tpu.memory_space<vmem>>, vector<16xf32>,
              %parallel_loop3A_314 = arith.constant 0 : i32
              %parallel_loop3A_315 = arith.index_cast %parallel_loop3A_314 : i32 to index
              %parallel_loop3A_316 = arith.index_cast %parallel_loop3A_260 : i32 to index
              %parallel_loop3A_317 = arith.constant 48 : index
              %parallel_loop3A_318 = tpu.vector_load %arg13[%parallel_loop3A_315, %parallel_loop3A_316, %parallel_loop3A_317] {strides = array<i32>} : memref<5x64x64xf32, #tpu.memory_space<vmem>>, vector<16xf32>,
              %parallel_loop3A_319 = arith.mulf %parallel_loop3A_313, %parallel_loop3A_318 : vector<16xf32>
              %parallel_loop3A_320 = arith.constant 0 : i32
              %parallel_loop3A_321 = arith.index_cast %parallel_loop3A_320 : i32 to index
              %parallel_loop3A_322 = arith.index_cast %parallel_loop3A_260 : i32 to index
              %parallel_loop3A_323 = arith.constant 48 : index
              %parallel_loop3A_324 = tpu.vector_load %arg12[%parallel_loop3A_321, %parallel_loop3A_322, %parallel_loop3A_323] {strides = array<i32>} : memref<5x64x64xf32, #tpu.memory_space<vmem>>, vector<16xf32>,
              tpu.vector_store %arg12[%parallel_loop3A_321, %parallel_loop3A_322, %parallel_loop3A_323], %parallel_loop3A_319 {strides = array<i32>} : memref<5x64x64xf32, #tpu.memory_space<vmem>>, vector<16xf32>,
            } {sc.loop_unroll_factor = 8 : i64, sc.parallel_access}
            %dma_start3A = arith.constant 0 : i32
            %dma_start3A_250 = arith.constant 0 : i32
            %dma_start3A_251 = arith.constant 0 : i32
            %dma_start3A_252 = tpu.memref_slice %arg12[%dma_start3A, %dma_start3A_250, %dma_start3A_251] : memref<5x64x64xf32, #tpu.memory_space<vmem>> -> memref<1x64x64xf32, #tpu.memory_space<vmem>>
            %dma_start3A_253 = tpu.memref_squeeze %dma_start3A_252 : memref<1x64x64xf32, #tpu.memory_space<vmem>> -> memref<64x64xf32, #tpu.memory_space<vmem>>
            %dma_start3A_254 = arith.constant 0 : i32
            %dma_start3A_255 = tpu.memref_slice %arg11[%add3A_179, %dma_start3A_254] : memref<64x64xi32, #tpu.memory_space<vmem>> -> memref<1x64xi32, #tpu.memory_space<vmem>>
            %dma_start3A_256 = tpu.memref_squeeze %dma_start3A_255 : memref<1x64xi32, #tpu.memory_space<vmem>> -> memref<64xi32, #tpu.memory_space<vmem>>
            %dma_start3A_257 = arith.constant 0 : i32
            %dma_start3A_258 = arith.constant 0 : i32
            %dma_start3A_259 = tpu.memref_slice %arg15[%dma_start3A_257, %dma_start3A_258] : memref<16016x64xf32, #tpu.memory_space<vmem_shared>> -> memref<16016x64xf32, #tpu.memory_space<vmem_shared>>
            tpu.enqueue_indirect_dma source(%dma_start3A_253 : memref<64x64xf32, #tpu.memory_space<vmem>>) target(%dma_start3A_259 : memref<16016x64xf32, #tpu.memory_space<vmem_shared>>) offsets(%dma_start3A_256 : memref<64xi32, #tpu.memory_space<vmem>>) semaphore(%arg26 : memref<!tpu.dma_semaphore, #tpu.memory_space<semaphore_mem>>) {add = true}
          } else {
          }
          %mul3A_183 = arith.constant 5 : i32
          %mul3A_184 = arith.muli %while3A_175, %mul3A_183 : i32
          %add3A_185 = arith.constant 1 : i32
          %add3A_186 = arith.addi %mul3A_184, %add3A_185 : i32
          %lt3A_187 = arith.cmpi slt, %add3A_186, %select_n3A : i32
          %convert_element_type3A_188 = arith.extui %lt3A_187 : i1 to i32
          %cond3A_189 = arith.constant 0 : i32
          %cond3A_190 = arith.cmpi ne, %convert_element_type3A_188, %cond3A_189 : i32
          scf.if %cond3A_190 {
            %ge3A_215 = arith.constant 2 : i32
            %ge3A_216 = arith.cmpi sge, %add3A_186, %ge3A_215 : i32
            %convert_element_type3A_217 = arith.extui %ge3A_216 : i1 to i32
            %cond3A_218 = arith.constant 0 : i32
            %cond3A_219 = arith.cmpi ne, %convert_element_type3A_217, %cond3A_218 : i32
            scf.if %cond3A_219 {
              %dma_wait3A_260 = arith.constant 0 : i32
              %dma_wait3A_261 = arith.constant 0 : i32
              %dma_wait3A_262 = arith.constant 0 : i32
              %dma_wait3A_263 = arith.constant 0 : i32
              %dma_wait3A_264 = tpu.memref_slice %arg12[%dma_wait3A_260, %dma_wait3A_262, %dma_wait3A_263] : memref<5x64x64xf32, #tpu.memory_space<vmem>> -> memref<1x64x64xf32, #tpu.memory_space<vmem>>
              %dma_wait3A_265 = tpu.memref_squeeze %dma_wait3A_264 : memref<1x64x64xf32, #tpu.memory_space<vmem>> -> memref<64x64xf32, #tpu.memory_space<vmem>>
              %dma_wait3A_266 = arith.constant 0 : i32
              %dma_wait3A_267 = tpu.memref_slice %arg11[%dma_wait3A_261, %dma_wait3A_266] : memref<64x64xi32, #tpu.memory_space<vmem>> -> memref<1x64xi32, #tpu.memory_space<vmem>>
              %dma_wait3A_268 = tpu.memref_squeeze %dma_wait3A_267 : memref<1x64xi32, #tpu.memory_space<vmem>> -> memref<64xi32, #tpu.memory_space<vmem>>
              %dma_wait3A_269 = arith.constant 0 : i32
              %dma_wait3A_270 = arith.constant 0 : i32
              %dma_wait3A_271 = tpu.memref_slice %arg15[%dma_wait3A_269, %dma_wait3A_270] : memref<16016x64xf32, #tpu.memory_space<vmem_shared>> -> memref<16016x64xf32, #tpu.memory_space<vmem_shared>>
              tpu.wait_indirect_dma semaphore(%arg26 : memref<!tpu.dma_semaphore, #tpu.memory_space<semaphore_mem>>) src(%dma_wait3A_265 : memref<64x64xf32, #tpu.memory_space<vmem>>) dst(%dma_wait3A_271 : memref<16016x64xf32, #tpu.memory_space<vmem_shared>>)
            } else {
            }
            %add3A_220 = arith.constant 3 : i32
            %add3A_221 = arith.addi %add3A_186, %add3A_220 : i32
            %lt3A_222 = arith.cmpi slt, %add3A_221, %select_n3A : i32
            %convert_element_type3A_223 = arith.extui %lt3A_222 : i1 to i32
            %cond3A_224 = arith.constant 0 : i32
            %cond3A_225 = arith.cmpi ne, %convert_element_type3A_223, %cond3A_224 : i32
            scf.if %cond3A_225 {
              %add3A_260 = arith.constant 3 : i32
              %add3A_261 = arith.addi %add3A_186, %add3A_260 : i32
              %dma_start3A_262 = arith.constant 4 : i32
              %dma_start3A_263 = arith.constant 0 : i32
              %dma_start3A_264 = arith.constant 0 : i32
              %dma_start3A_265 = tpu.memref_slice %arg12[%dma_start3A_262, %dma_start3A_263, %dma_start3A_264] : memref<5x64x64xf32, #tpu.memory_space<vmem>> -> memref<1x64x64xf32, #tpu.memory_space<vmem>>
              %dma_start3A_266 = tpu.memref_squeeze %dma_start3A_265 : memref<1x64x64xf32, #tpu.memory_space<vmem>> -> memref<64x64xf32, #tpu.memory_space<vmem>>
              %dma_start3A_267 = arith.constant 0 : i32
              %dma_start3A_268 = tpu.memref_slice %arg9[%add3A_261, %dma_start3A_267] : memref<64x64xi32, #tpu.memory_space<vmem>> -> memref<1x64xi32, #tpu.memory_space<vmem>>
              %dma_start3A_269 = tpu.memref_squeeze %dma_start3A_268 : memref<1x64xi32, #tpu.memory_space<vmem>> -> memref<64xi32, #tpu.memory_space<vmem>>
              %dma_start3A_270 = arith.constant 0 : i32
              %dma_start3A_271 = arith.constant 0 : i32
              %dma_start3A_272 = tpu.memref_slice %arg2[%dma_start3A_270, %dma_start3A_271] : memref<160000x64xf32, #tpu.memory_space<hbm>> -> memref<160000x64xf32, #tpu.memory_space<hbm>>
              tpu.enqueue_indirect_dma source(%dma_start3A_272 : memref<160000x64xf32, #tpu.memory_space<hbm>>) target(%dma_start3A_266 : memref<64x64xf32, #tpu.memory_space<vmem>>) offsets(%dma_start3A_269 : memref<64xi32, #tpu.memory_space<vmem>>) semaphore(%arg24 : memref<!tpu.dma_semaphore, #tpu.memory_space<semaphore_mem>>)
              %dma_start3A_273 = arith.constant 4 : i32
              %dma_start3A_274 = arith.constant 0 : i32
              %dma_start3A_275 = arith.constant 0 : i32
              %dma_start3A_276 = tpu.memref_slice %arg13[%dma_start3A_273, %dma_start3A_274, %dma_start3A_275] : memref<5x64x64xf32, #tpu.memory_space<vmem>> -> memref<1x64x64xf32, #tpu.memory_space<vmem>>
              %dma_start3A_277 = tpu.memref_squeeze %dma_start3A_276 : memref<1x64x64xf32, #tpu.memory_space<vmem>> -> memref<64x64xf32, #tpu.memory_space<vmem>>
              %dma_start3A_278 = arith.constant 0 : i32
              %dma_start3A_279 = tpu.memref_slice %arg10[%add3A_261, %dma_start3A_278] : memref<64x64xi32, #tpu.memory_space<vmem>> -> memref<1x64xi32, #tpu.memory_space<vmem>>
              %dma_start3A_280 = tpu.memref_squeeze %dma_start3A_279 : memref<1x64xi32, #tpu.memory_space<vmem>> -> memref<64xi32, #tpu.memory_space<vmem>>
              %dma_start3A_281 = arith.constant 0 : i32
              %dma_start3A_282 = arith.constant 0 : i32
              %dma_start3A_283 = tpu.memref_slice %arg3[%dma_start3A_281, %dma_start3A_282] : memref<640000x64xf32, #tpu.memory_space<hbm>> -> memref<640000x64xf32, #tpu.memory_space<hbm>>
              tpu.enqueue_indirect_dma source(%dma_start3A_283 : memref<640000x64xf32, #tpu.memory_space<hbm>>) target(%dma_start3A_277 : memref<64x64xf32, #tpu.memory_space<vmem>>) offsets(%dma_start3A_280 : memref<64xi32, #tpu.memory_space<vmem>>) semaphore(%arg25 : memref<!tpu.dma_semaphore, #tpu.memory_space<semaphore_mem>>)
            } else {
            }
            %dma_wait3A = arith.constant 1 : i32
            %dma_wait3A_226 = arith.constant 0 : i32
            %dma_wait3A_227 = arith.constant 0 : i32
            %dma_wait3A_228 = tpu.memref_slice %arg12[%dma_wait3A, %dma_wait3A_226, %dma_wait3A_227] : memref<5x64x64xf32, #tpu.memory_space<vmem>> -> memref<1x64x64xf32, #tpu.memory_space<vmem>>
            %dma_wait3A_229 = tpu.memref_squeeze %dma_wait3A_228 : memref<1x64x64xf32, #tpu.memory_space<vmem>> -> memref<64x64xf32, #tpu.memory_space<vmem>>
            %dma_wait3A_230 = arith.constant 0 : i32
            %dma_wait3A_231 = tpu.memref_slice %arg9[%add3A_186, %dma_wait3A_230] : memref<64x64xi32, #tpu.memory_space<vmem>> -> memref<1x64xi32, #tpu.memory_space<vmem>>
            %dma_wait3A_232 = tpu.memref_squeeze %dma_wait3A_231 : memref<1x64xi32, #tpu.memory_space<vmem>> -> memref<64xi32, #tpu.memory_space<vmem>>
            %dma_wait3A_233 = arith.constant 0 : i32
            %dma_wait3A_234 = arith.constant 0 : i32
            %dma_wait3A_235 = tpu.memref_slice %arg2[%dma_wait3A_233, %dma_wait3A_234] : memref<160000x64xf32, #tpu.memory_space<hbm>> -> memref<160000x64xf32, #tpu.memory_space<hbm>>
            tpu.wait_indirect_dma semaphore(%arg18 : memref<!tpu.dma_semaphore, #tpu.memory_space<semaphore_mem>>) src(%dma_wait3A_235 : memref<160000x64xf32, #tpu.memory_space<hbm>>) dst(%dma_wait3A_229 : memref<64x64xf32, #tpu.memory_space<vmem>>)
            %dma_wait3A_236 = arith.constant 1 : i32
            %dma_wait3A_237 = arith.constant 0 : i32
            %dma_wait3A_238 = arith.constant 0 : i32
            %dma_wait3A_239 = tpu.memref_slice %arg13[%dma_wait3A_236, %dma_wait3A_237, %dma_wait3A_238] : memref<5x64x64xf32, #tpu.memory_space<vmem>> -> memref<1x64x64xf32, #tpu.memory_space<vmem>>
            %dma_wait3A_240 = tpu.memref_squeeze %dma_wait3A_239 : memref<1x64x64xf32, #tpu.memory_space<vmem>> -> memref<64x64xf32, #tpu.memory_space<vmem>>
            %dma_wait3A_241 = arith.constant 0 : i32
            %dma_wait3A_242 = tpu.memref_slice %arg10[%add3A_186, %dma_wait3A_241] : memref<64x64xi32, #tpu.memory_space<vmem>> -> memref<1x64xi32, #tpu.memory_space<vmem>>
            %dma_wait3A_243 = tpu.memref_squeeze %dma_wait3A_242 : memref<1x64xi32, #tpu.memory_space<vmem>> -> memref<64xi32, #tpu.memory_space<vmem>>
            %dma_wait3A_244 = arith.constant 0 : i32
            %dma_wait3A_245 = arith.constant 0 : i32
            %dma_wait3A_246 = tpu.memref_slice %arg3[%dma_wait3A_244, %dma_wait3A_245] : memref<640000x64xf32, #tpu.memory_space<hbm>> -> memref<640000x64xf32, #tpu.memory_space<hbm>>
            tpu.wait_indirect_dma semaphore(%arg19 : memref<!tpu.dma_semaphore, #tpu.memory_space<semaphore_mem>>) src(%dma_wait3A_246 : memref<640000x64xf32, #tpu.memory_space<hbm>>) dst(%dma_wait3A_240 : memref<64x64xf32, #tpu.memory_space<vmem>>)
            %parallel_loop3A_247 = arith.constant 0 : i32
            %parallel_loop3A_248 = arith.constant 64 : i32
            %parallel_loop3A_249 = arith.constant 1 : i32
            scf.for %parallel_loop3A_260 = %parallel_loop3A_247 to %parallel_loop3A_248 step %parallel_loop3A_249  : i32 {
              %parallel_loop3A_261 = arith.constant 1 : i32
              %parallel_loop3A_262 = arith.index_cast %parallel_loop3A_261 : i32 to index
              %parallel_loop3A_263 = arith.index_cast %parallel_loop3A_260 : i32 to index
              %parallel_loop3A_264 = arith.constant 0 : index
              %parallel_loop3A_265 = tpu.vector_load %arg12[%parallel_loop3A_262, %parallel_loop3A_263, %parallel_loop3A_264] {strides = array<i32>} : memref<5x64x64xf32, #tpu.memory_space<vmem>>, vector<16xf32>,
              %parallel_loop3A_266 = arith.constant 1 : i32
              %parallel_loop3A_267 = arith.index_cast %parallel_loop3A_266 : i32 to index
              %parallel_loop3A_268 = arith.index_cast %parallel_loop3A_260 : i32 to index
              %parallel_loop3A_269 = arith.constant 0 : index
              %parallel_loop3A_270 = tpu.vector_load %arg13[%parallel_loop3A_267, %parallel_loop3A_268, %parallel_loop3A_269] {strides = array<i32>} : memref<5x64x64xf32, #tpu.memory_space<vmem>>, vector<16xf32>,
              %parallel_loop3A_271 = arith.mulf %parallel_loop3A_265, %parallel_loop3A_270 : vector<16xf32>
              %parallel_loop3A_272 = arith.constant 1 : i32
              %parallel_loop3A_273 = arith.index_cast %parallel_loop3A_272 : i32 to index
              %parallel_loop3A_274 = arith.index_cast %parallel_loop3A_260 : i32 to index
              %parallel_loop3A_275 = arith.constant 0 : index
              %parallel_loop3A_276 = tpu.vector_load %arg12[%parallel_loop3A_273, %parallel_loop3A_274, %parallel_loop3A_275] {strides = array<i32>} : memref<5x64x64xf32, #tpu.memory_space<vmem>>, vector<16xf32>,
              tpu.vector_store %arg12[%parallel_loop3A_273, %parallel_loop3A_274, %parallel_loop3A_275], %parallel_loop3A_271 {strides = array<i32>} : memref<5x64x64xf32, #tpu.memory_space<vmem>>, vector<16xf32>,
              %parallel_loop3A_277 = arith.constant 1 : i32
              %parallel_loop3A_278 = arith.index_cast %parallel_loop3A_277 : i32 to index
              %parallel_loop3A_279 = arith.index_cast %parallel_loop3A_260 : i32 to index
              %parallel_loop3A_280 = arith.constant 16 : index
              %parallel_loop3A_281 = tpu.vector_load %arg12[%parallel_loop3A_278, %parallel_loop3A_279, %parallel_loop3A_280] {strides = array<i32>} : memref<5x64x64xf32, #tpu.memory_space<vmem>>, vector<16xf32>,
              %parallel_loop3A_282 = arith.constant 1 : i32
              %parallel_loop3A_283 = arith.index_cast %parallel_loop3A_282 : i32 to index
              %parallel_loop3A_284 = arith.index_cast %parallel_loop3A_260 : i32 to index
              %parallel_loop3A_285 = arith.constant 16 : index
              %parallel_loop3A_286 = tpu.vector_load %arg13[%parallel_loop3A_283, %parallel_loop3A_284, %parallel_loop3A_285] {strides = array<i32>} : memref<5x64x64xf32, #tpu.memory_space<vmem>>, vector<16xf32>,
              %parallel_loop3A_287 = arith.mulf %parallel_loop3A_281, %parallel_loop3A_286 : vector<16xf32>
              %parallel_loop3A_288 = arith.constant 1 : i32
              %parallel_loop3A_289 = arith.index_cast %parallel_loop3A_288 : i32 to index
              %parallel_loop3A_290 = arith.index_cast %parallel_loop3A_260 : i32 to index
              %parallel_loop3A_291 = arith.constant 16 : index
              %parallel_loop3A_292 = tpu.vector_load %arg12[%parallel_loop3A_289, %parallel_loop3A_290, %parallel_loop3A_291] {strides = array<i32>} : memref<5x64x64xf32, #tpu.memory_space<vmem>>, vector<16xf32>,
              tpu.vector_store %arg12[%parallel_loop3A_289, %parallel_loop3A_290, %parallel_loop3A_291], %parallel_loop3A_287 {strides = array<i32>} : memref<5x64x64xf32, #tpu.memory_space<vmem>>, vector<16xf32>,
              %parallel_loop3A_293 = arith.constant 1 : i32
              %parallel_loop3A_294 = arith.index_cast %parallel_loop3A_293 : i32 to index
              %parallel_loop3A_295 = arith.index_cast %parallel_loop3A_260 : i32 to index
              %parallel_loop3A_296 = arith.constant 32 : index
              %parallel_loop3A_297 = tpu.vector_load %arg12[%parallel_loop3A_294, %parallel_loop3A_295, %parallel_loop3A_296] {strides = array<i32>} : memref<5x64x64xf32, #tpu.memory_space<vmem>>, vector<16xf32>,
              %parallel_loop3A_298 = arith.constant 1 : i32
              %parallel_loop3A_299 = arith.index_cast %parallel_loop3A_298 : i32 to index
              %parallel_loop3A_300 = arith.index_cast %parallel_loop3A_260 : i32 to index
              %parallel_loop3A_301 = arith.constant 32 : index
              %parallel_loop3A_302 = tpu.vector_load %arg13[%parallel_loop3A_299, %parallel_loop3A_300, %parallel_loop3A_301] {strides = array<i32>} : memref<5x64x64xf32, #tpu.memory_space<vmem>>, vector<16xf32>,
              %parallel_loop3A_303 = arith.mulf %parallel_loop3A_297, %parallel_loop3A_302 : vector<16xf32>
              %parallel_loop3A_304 = arith.constant 1 : i32
              %parallel_loop3A_305 = arith.index_cast %parallel_loop3A_304 : i32 to index
              %parallel_loop3A_306 = arith.index_cast %parallel_loop3A_260 : i32 to index
              %parallel_loop3A_307 = arith.constant 32 : index
              %parallel_loop3A_308 = tpu.vector_load %arg12[%parallel_loop3A_305, %parallel_loop3A_306, %parallel_loop3A_307] {strides = array<i32>} : memref<5x64x64xf32, #tpu.memory_space<vmem>>, vector<16xf32>,
              tpu.vector_store %arg12[%parallel_loop3A_305, %parallel_loop3A_306, %parallel_loop3A_307], %parallel_loop3A_303 {strides = array<i32>} : memref<5x64x64xf32, #tpu.memory_space<vmem>>, vector<16xf32>,
              %parallel_loop3A_309 = arith.constant 1 : i32
              %parallel_loop3A_310 = arith.index_cast %parallel_loop3A_309 : i32 to index
              %parallel_loop3A_311 = arith.index_cast %parallel_loop3A_260 : i32 to index
              %parallel_loop3A_312 = arith.constant 48 : index
              %parallel_loop3A_313 = tpu.vector_load %arg12[%parallel_loop3A_310, %parallel_loop3A_311, %parallel_loop3A_312] {strides = array<i32>} : memref<5x64x64xf32, #tpu.memory_space<vmem>>, vector<16xf32>,
              %parallel_loop3A_314 = arith.constant 1 : i32
              %parallel_loop3A_315 = arith.index_cast %parallel_loop3A_314 : i32 to index
              %parallel_loop3A_316 = arith.index_cast %parallel_loop3A_260 : i32 to index
              %parallel_loop3A_317 = arith.constant 48 : index
              %parallel_loop3A_318 = tpu.vector_load %arg13[%parallel_loop3A_315, %parallel_loop3A_316, %parallel_loop3A_317] {strides = array<i32>} : memref<5x64x64xf32, #tpu.memory_space<vmem>>, vector<16xf32>,
              %parallel_loop3A_319 = arith.mulf %parallel_loop3A_313, %parallel_loop3A_318 : vector<16xf32>
              %parallel_loop3A_320 = arith.constant 1 : i32
              %parallel_loop3A_321 = arith.index_cast %parallel_loop3A_320 : i32 to index
              %parallel_loop3A_322 = arith.index_cast %parallel_loop3A_260 : i32 to index
              %parallel_loop3A_323 = arith.constant 48 : index
              %parallel_loop3A_324 = tpu.vector_load %arg12[%parallel_loop3A_321, %parallel_loop3A_322, %parallel_loop3A_323] {strides = array<i32>} : memref<5x64x64xf32, #tpu.memory_space<vmem>>, vector<16xf32>,
              tpu.vector_store %arg12[%parallel_loop3A_321, %parallel_loop3A_322, %parallel_loop3A_323], %parallel_loop3A_319 {strides = array<i32>} : memref<5x64x64xf32, #tpu.memory_space<vmem>>, vector<16xf32>,
            } {sc.loop_unroll_factor = 8 : i64, sc.parallel_access}
            %dma_start3A = arith.constant 1 : i32
            %dma_start3A_250 = arith.constant 0 : i32
            %dma_start3A_251 = arith.constant 0 : i32
            %dma_start3A_252 = tpu.memref_slice %arg12[%dma_start3A, %dma_start3A_250, %dma_start3A_251] : memref<5x64x64xf32, #tpu.memory_space<vmem>> -> memref<1x64x64xf32, #tpu.memory_space<vmem>>
            %dma_start3A_253 = tpu.memref_squeeze %dma_start3A_252 : memref<1x64x64xf32, #tpu.memory_space<vmem>> -> memref<64x64xf32, #tpu.memory_space<vmem>>
            %dma_start3A_254 = arith.constant 0 : i32
            %dma_start3A_255 = tpu.memref_slice %arg11[%add3A_186, %dma_start3A_254] : memref<64x64xi32, #tpu.memory_space<vmem>> -> memref<1x64xi32, #tpu.memory_space<vmem>>
            %dma_start3A_256 = tpu.memref_squeeze %dma_start3A_255 : memref<1x64xi32, #tpu.memory_space<vmem>> -> memref<64xi32, #tpu.memory_space<vmem>>
            %dma_start3A_257 = arith.constant 0 : i32
            %dma_start3A_258 = arith.constant 0 : i32
            %dma_start3A_259 = tpu.memref_slice %arg15[%dma_start3A_257, %dma_start3A_258] : memref<16016x64xf32, #tpu.memory_space<vmem_shared>> -> memref<16016x64xf32, #tpu.memory_space<vmem_shared>>
            tpu.enqueue_indirect_dma source(%dma_start3A_253 : memref<64x64xf32, #tpu.memory_space<vmem>>) target(%dma_start3A_259 : memref<16016x64xf32, #tpu.memory_space<vmem_shared>>) offsets(%dma_start3A_256 : memref<64xi32, #tpu.memory_space<vmem>>) semaphore(%arg26 : memref<!tpu.dma_semaphore, #tpu.memory_space<semaphore_mem>>) {add = true}
          } else {
          }
          %mul3A_191 = arith.constant 5 : i32
          %mul3A_192 = arith.muli %while3A_175, %mul3A_191 : i32
          %add3A_193 = arith.constant 2 : i32
          %add3A_194 = arith.addi %mul3A_192, %add3A_193 : i32
          %lt3A_195 = arith.cmpi slt, %add3A_194, %select_n3A : i32
          %convert_element_type3A_196 = arith.extui %lt3A_195 : i1 to i32
          %cond3A_197 = arith.constant 0 : i32
          %cond3A_198 = arith.cmpi ne, %convert_element_type3A_196, %cond3A_197 : i32
          scf.if %cond3A_198 {
            %ge3A_215 = arith.constant 2 : i32
            %ge3A_216 = arith.cmpi sge, %add3A_194, %ge3A_215 : i32
            %convert_element_type3A_217 = arith.extui %ge3A_216 : i1 to i32
            %cond3A_218 = arith.constant 0 : i32
            %cond3A_219 = arith.cmpi ne, %convert_element_type3A_217, %cond3A_218 : i32
            scf.if %cond3A_219 {
              %dma_wait3A_260 = arith.constant 0 : i32
              %dma_wait3A_261 = arith.constant 0 : i32
              %dma_wait3A_262 = arith.constant 0 : i32
              %dma_wait3A_263 = arith.constant 0 : i32
              %dma_wait3A_264 = tpu.memref_slice %arg12[%dma_wait3A_260, %dma_wait3A_262, %dma_wait3A_263] : memref<5x64x64xf32, #tpu.memory_space<vmem>> -> memref<1x64x64xf32, #tpu.memory_space<vmem>>
              %dma_wait3A_265 = tpu.memref_squeeze %dma_wait3A_264 : memref<1x64x64xf32, #tpu.memory_space<vmem>> -> memref<64x64xf32, #tpu.memory_space<vmem>>
              %dma_wait3A_266 = arith.constant 0 : i32
              %dma_wait3A_267 = tpu.memref_slice %arg11[%dma_wait3A_261, %dma_wait3A_266] : memref<64x64xi32, #tpu.memory_space<vmem>> -> memref<1x64xi32, #tpu.memory_space<vmem>>
              %dma_wait3A_268 = tpu.memref_squeeze %dma_wait3A_267 : memref<1x64xi32, #tpu.memory_space<vmem>> -> memref<64xi32, #tpu.memory_space<vmem>>
              %dma_wait3A_269 = arith.constant 0 : i32
              %dma_wait3A_270 = arith.constant 0 : i32
              %dma_wait3A_271 = tpu.memref_slice %arg15[%dma_wait3A_269, %dma_wait3A_270] : memref<16016x64xf32, #tpu.memory_space<vmem_shared>> -> memref<16016x64xf32, #tpu.memory_space<vmem_shared>>
              tpu.wait_indirect_dma semaphore(%arg26 : memref<!tpu.dma_semaphore, #tpu.memory_space<semaphore_mem>>) src(%dma_wait3A_265 : memref<64x64xf32, #tpu.memory_space<vmem>>) dst(%dma_wait3A_271 : memref<16016x64xf32, #tpu.memory_space<vmem_shared>>)
            } else {
            }
            %add3A_220 = arith.constant 3 : i32
            %add3A_221 = arith.addi %add3A_194, %add3A_220 : i32
            %lt3A_222 = arith.cmpi slt, %add3A_221, %select_n3A : i32
            %convert_element_type3A_223 = arith.extui %lt3A_222 : i1 to i32
            %cond3A_224 = arith.constant 0 : i32
            %cond3A_225 = arith.cmpi ne, %convert_element_type3A_223, %cond3A_224 : i32
            scf.if %cond3A_225 {
              %add3A_260 = arith.constant 3 : i32
              %add3A_261 = arith.addi %add3A_194, %add3A_260 : i32
              %dma_start3A_262 = arith.constant 0 : i32
              %dma_start3A_263 = arith.constant 0 : i32
              %dma_start3A_264 = arith.constant 0 : i32
              %dma_start3A_265 = tpu.memref_slice %arg12[%dma_start3A_262, %dma_start3A_263, %dma_start3A_264] : memref<5x64x64xf32, #tpu.memory_space<vmem>> -> memref<1x64x64xf32, #tpu.memory_space<vmem>>
              %dma_start3A_266 = tpu.memref_squeeze %dma_start3A_265 : memref<1x64x64xf32, #tpu.memory_space<vmem>> -> memref<64x64xf32, #tpu.memory_space<vmem>>
              %dma_start3A_267 = arith.constant 0 : i32
              %dma_start3A_268 = tpu.memref_slice %arg9[%add3A_261, %dma_start3A_267] : memref<64x64xi32, #tpu.memory_space<vmem>> -> memref<1x64xi32, #tpu.memory_space<vmem>>
              %dma_start3A_269 = tpu.memref_squeeze %dma_start3A_268 : memref<1x64xi32, #tpu.memory_space<vmem>> -> memref<64xi32, #tpu.memory_space<vmem>>
              %dma_start3A_270 = arith.constant 0 : i32
              %dma_start3A_271 = arith.constant 0 : i32
              %dma_start3A_272 = tpu.memref_slice %arg2[%dma_start3A_270, %dma_start3A_271] : memref<160000x64xf32, #tpu.memory_space<hbm>> -> memref<160000x64xf32, #tpu.memory_space<hbm>>
              tpu.enqueue_indirect_dma source(%dma_start3A_272 : memref<160000x64xf32, #tpu.memory_space<hbm>>) target(%dma_start3A_266 : memref<64x64xf32, #tpu.memory_space<vmem>>) offsets(%dma_start3A_269 : memref<64xi32, #tpu.memory_space<vmem>>) semaphore(%arg16 : memref<!tpu.dma_semaphore, #tpu.memory_space<semaphore_mem>>)
              %dma_start3A_273 = arith.constant 0 : i32
              %dma_start3A_274 = arith.constant 0 : i32
              %dma_start3A_275 = arith.constant 0 : i32
              %dma_start3A_276 = tpu.memref_slice %arg13[%dma_start3A_273, %dma_start3A_274, %dma_start3A_275] : memref<5x64x64xf32, #tpu.memory_space<vmem>> -> memref<1x64x64xf32, #tpu.memory_space<vmem>>
              %dma_start3A_277 = tpu.memref_squeeze %dma_start3A_276 : memref<1x64x64xf32, #tpu.memory_space<vmem>> -> memref<64x64xf32, #tpu.memory_space<vmem>>
              %dma_start3A_278 = arith.constant 0 : i32
              %dma_start3A_279 = tpu.memref_slice %arg10[%add3A_261, %dma_start3A_278] : memref<64x64xi32, #tpu.memory_space<vmem>> -> memref<1x64xi32, #tpu.memory_space<vmem>>
              %dma_start3A_280 = tpu.memref_squeeze %dma_start3A_279 : memref<1x64xi32, #tpu.memory_space<vmem>> -> memref<64xi32, #tpu.memory_space<vmem>>
              %dma_start3A_281 = arith.constant 0 : i32
              %dma_start3A_282 = arith.constant 0 : i32
              %dma_start3A_283 = tpu.memref_slice %arg3[%dma_start3A_281, %dma_start3A_282] : memref<640000x64xf32, #tpu.memory_space<hbm>> -> memref<640000x64xf32, #tpu.memory_space<hbm>>
              tpu.enqueue_indirect_dma source(%dma_start3A_283 : memref<640000x64xf32, #tpu.memory_space<hbm>>) target(%dma_start3A_277 : memref<64x64xf32, #tpu.memory_space<vmem>>) offsets(%dma_start3A_280 : memref<64xi32, #tpu.memory_space<vmem>>) semaphore(%arg17 : memref<!tpu.dma_semaphore, #tpu.memory_space<semaphore_mem>>)
            } else {
            }
            %dma_wait3A = arith.constant 2 : i32
            %dma_wait3A_226 = arith.constant 0 : i32
            %dma_wait3A_227 = arith.constant 0 : i32
            %dma_wait3A_228 = tpu.memref_slice %arg12[%dma_wait3A, %dma_wait3A_226, %dma_wait3A_227] : memref<5x64x64xf32, #tpu.memory_space<vmem>> -> memref<1x64x64xf32, #tpu.memory_space<vmem>>
            %dma_wait3A_229 = tpu.memref_squeeze %dma_wait3A_228 : memref<1x64x64xf32, #tpu.memory_space<vmem>> -> memref<64x64xf32, #tpu.memory_space<vmem>>
            %dma_wait3A_230 = arith.constant 0 : i32
            %dma_wait3A_231 = tpu.memref_slice %arg9[%add3A_194, %dma_wait3A_230] : memref<64x64xi32, #tpu.memory_space<vmem>> -> memref<1x64xi32, #tpu.memory_space<vmem>>
            %dma_wait3A_232 = tpu.memref_squeeze %dma_wait3A_231 : memref<1x64xi32, #tpu.memory_space<vmem>> -> memref<64xi32, #tpu.memory_space<vmem>>
            %dma_wait3A_233 = arith.constant 0 : i32
            %dma_wait3A_234 = arith.constant 0 : i32
            %dma_wait3A_235 = tpu.memref_slice %arg2[%dma_wait3A_233, %dma_wait3A_234] : memref<160000x64xf32, #tpu.memory_space<hbm>> -> memref<160000x64xf32, #tpu.memory_space<hbm>>
            tpu.wait_indirect_dma semaphore(%arg20 : memref<!tpu.dma_semaphore, #tpu.memory_space<semaphore_mem>>) src(%dma_wait3A_235 : memref<160000x64xf32, #tpu.memory_space<hbm>>) dst(%dma_wait3A_229 : memref<64x64xf32, #tpu.memory_space<vmem>>)
            %dma_wait3A_236 = arith.constant 2 : i32
            %dma_wait3A_237 = arith.constant 0 : i32
            %dma_wait3A_238 = arith.constant 0 : i32
            %dma_wait3A_239 = tpu.memref_slice %arg13[%dma_wait3A_236, %dma_wait3A_237, %dma_wait3A_238] : memref<5x64x64xf32, #tpu.memory_space<vmem>> -> memref<1x64x64xf32, #tpu.memory_space<vmem>>
            %dma_wait3A_240 = tpu.memref_squeeze %dma_wait3A_239 : memref<1x64x64xf32, #tpu.memory_space<vmem>> -> memref<64x64xf32, #tpu.memory_space<vmem>>
            %dma_wait3A_241 = arith.constant 0 : i32
            %dma_wait3A_242 = tpu.memref_slice %arg10[%add3A_194, %dma_wait3A_241] : memref<64x64xi32, #tpu.memory_space<vmem>> -> memref<1x64xi32, #tpu.memory_space<vmem>>
            %dma_wait3A_243 = tpu.memref_squeeze %dma_wait3A_242 : memref<1x64xi32, #tpu.memory_space<vmem>> -> memref<64xi32, #tpu.memory_space<vmem>>
            %dma_wait3A_244 = arith.constant 0 : i32
            %dma_wait3A_245 = arith.constant 0 : i32
            %dma_wait3A_246 = tpu.memref_slice %arg3[%dma_wait3A_244, %dma_wait3A_245] : memref<640000x64xf32, #tpu.memory_space<hbm>> -> memref<640000x64xf32, #tpu.memory_space<hbm>>
            tpu.wait_indirect_dma semaphore(%arg21 : memref<!tpu.dma_semaphore, #tpu.memory_space<semaphore_mem>>) src(%dma_wait3A_246 : memref<640000x64xf32, #tpu.memory_space<hbm>>) dst(%dma_wait3A_240 : memref<64x64xf32, #tpu.memory_space<vmem>>)
            %parallel_loop3A_247 = arith.constant 0 : i32
            %parallel_loop3A_248 = arith.constant 64 : i32
            %parallel_loop3A_249 = arith.constant 1 : i32
            scf.for %parallel_loop3A_260 = %parallel_loop3A_247 to %parallel_loop3A_248 step %parallel_loop3A_249  : i32 {
              %parallel_loop3A_261 = arith.constant 2 : i32
              %parallel_loop3A_262 = arith.index_cast %parallel_loop3A_261 : i32 to index
              %parallel_loop3A_263 = arith.index_cast %parallel_loop3A_260 : i32 to index
              %parallel_loop3A_264 = arith.constant 0 : index
              %parallel_loop3A_265 = tpu.vector_load %arg12[%parallel_loop3A_262, %parallel_loop3A_263, %parallel_loop3A_264] {strides = array<i32>} : memref<5x64x64xf32, #tpu.memory_space<vmem>>, vector<16xf32>,
              %parallel_loop3A_266 = arith.constant 2 : i32
              %parallel_loop3A_267 = arith.index_cast %parallel_loop3A_266 : i32 to index
              %parallel_loop3A_268 = arith.index_cast %parallel_loop3A_260 : i32 to index
              %parallel_loop3A_269 = arith.constant 0 : index
              %parallel_loop3A_270 = tpu.vector_load %arg13[%parallel_loop3A_267, %parallel_loop3A_268, %parallel_loop3A_269] {strides = array<i32>} : memref<5x64x64xf32, #tpu.memory_space<vmem>>, vector<16xf32>,
              %parallel_loop3A_271 = arith.mulf %parallel_loop3A_265, %parallel_loop3A_270 : vector<16xf32>
              %parallel_loop3A_272 = arith.constant 2 : i32
              %parallel_loop3A_273 = arith.index_cast %parallel_loop3A_272 : i32 to index
              %parallel_loop3A_274 = arith.index_cast %parallel_loop3A_260 : i32 to index
              %parallel_loop3A_275 = arith.constant 0 : index
              %parallel_loop3A_276 = tpu.vector_load %arg12[%parallel_loop3A_273, %parallel_loop3A_274, %parallel_loop3A_275] {strides = array<i32>} : memref<5x64x64xf32, #tpu.memory_space<vmem>>, vector<16xf32>,
              tpu.vector_store %arg12[%parallel_loop3A_273, %parallel_loop3A_274, %parallel_loop3A_275], %parallel_loop3A_271 {strides = array<i32>} : memref<5x64x64xf32, #tpu.memory_space<vmem>>, vector<16xf32>,
              %parallel_loop3A_277 = arith.constant 2 : i32
              %parallel_loop3A_278 = arith.index_cast %parallel_loop3A_277 : i32 to index
              %parallel_loop3A_279 = arith.index_cast %parallel_loop3A_260 : i32 to index
              %parallel_loop3A_280 = arith.constant 16 : index
              %parallel_loop3A_281 = tpu.vector_load %arg12[%parallel_loop3A_278, %parallel_loop3A_279, %parallel_loop3A_280] {strides = array<i32>} : memref<5x64x64xf32, #tpu.memory_space<vmem>>, vector<16xf32>,
              %parallel_loop3A_282 = arith.constant 2 : i32
              %parallel_loop3A_283 = arith.index_cast %parallel_loop3A_282 : i32 to index
              %parallel_loop3A_284 = arith.index_cast %parallel_loop3A_260 : i32 to index
              %parallel_loop3A_285 = arith.constant 16 : index
              %parallel_loop3A_286 = tpu.vector_load %arg13[%parallel_loop3A_283, %parallel_loop3A_284, %parallel_loop3A_285] {strides = array<i32>} : memref<5x64x64xf32, #tpu.memory_space<vmem>>, vector<16xf32>,
              %parallel_loop3A_287 = arith.mulf %parallel_loop3A_281, %parallel_loop3A_286 : vector<16xf32>
              %parallel_loop3A_288 = arith.constant 2 : i32
              %parallel_loop3A_289 = arith.index_cast %parallel_loop3A_288 : i32 to index
              %parallel_loop3A_290 = arith.index_cast %parallel_loop3A_260 : i32 to index
              %parallel_loop3A_291 = arith.constant 16 : index
              %parallel_loop3A_292 = tpu.vector_load %arg12[%parallel_loop3A_289, %parallel_loop3A_290, %parallel_loop3A_291] {strides = array<i32>} : memref<5x64x64xf32, #tpu.memory_space<vmem>>, vector<16xf32>,
              tpu.vector_store %arg12[%parallel_loop3A_289, %parallel_loop3A_290, %parallel_loop3A_291], %parallel_loop3A_287 {strides = array<i32>} : memref<5x64x64xf32, #tpu.memory_space<vmem>>, vector<16xf32>,
              %parallel_loop3A_293 = arith.constant 2 : i32
              %parallel_loop3A_294 = arith.index_cast %parallel_loop3A_293 : i32 to index
              %parallel_loop3A_295 = arith.index_cast %parallel_loop3A_260 : i32 to index
              %parallel_loop3A_296 = arith.constant 32 : index
              %parallel_loop3A_297 = tpu.vector_load %arg12[%parallel_loop3A_294, %parallel_loop3A_295, %parallel_loop3A_296] {strides = array<i32>} : memref<5x64x64xf32, #tpu.memory_space<vmem>>, vector<16xf32>,
              %parallel_loop3A_298 = arith.constant 2 : i32
              %parallel_loop3A_299 = arith.index_cast %parallel_loop3A_298 : i32 to index
              %parallel_loop3A_300 = arith.index_cast %parallel_loop3A_260 : i32 to index
              %parallel_loop3A_301 = arith.constant 32 : index
              %parallel_loop3A_302 = tpu.vector_load %arg13[%parallel_loop3A_299, %parallel_loop3A_300, %parallel_loop3A_301] {strides = array<i32>} : memref<5x64x64xf32, #tpu.memory_space<vmem>>, vector<16xf32>,
              %parallel_loop3A_303 = arith.mulf %parallel_loop3A_297, %parallel_loop3A_302 : vector<16xf32>
              %parallel_loop3A_304 = arith.constant 2 : i32
              %parallel_loop3A_305 = arith.index_cast %parallel_loop3A_304 : i32 to index
              %parallel_loop3A_306 = arith.index_cast %parallel_loop3A_260 : i32 to index
              %parallel_loop3A_307 = arith.constant 32 : index
              %parallel_loop3A_308 = tpu.vector_load %arg12[%parallel_loop3A_305, %parallel_loop3A_306, %parallel_loop3A_307] {strides = array<i32>} : memref<5x64x64xf32, #tpu.memory_space<vmem>>, vector<16xf32>,
              tpu.vector_store %arg12[%parallel_loop3A_305, %parallel_loop3A_306, %parallel_loop3A_307], %parallel_loop3A_303 {strides = array<i32>} : memref<5x64x64xf32, #tpu.memory_space<vmem>>, vector<16xf32>,
              %parallel_loop3A_309 = arith.constant 2 : i32
              %parallel_loop3A_310 = arith.index_cast %parallel_loop3A_309 : i32 to index
              %parallel_loop3A_311 = arith.index_cast %parallel_loop3A_260 : i32 to index
              %parallel_loop3A_312 = arith.constant 48 : index
              %parallel_loop3A_313 = tpu.vector_load %arg12[%parallel_loop3A_310, %parallel_loop3A_311, %parallel_loop3A_312] {strides = array<i32>} : memref<5x64x64xf32, #tpu.memory_space<vmem>>, vector<16xf32>,
              %parallel_loop3A_314 = arith.constant 2 : i32
              %parallel_loop3A_315 = arith.index_cast %parallel_loop3A_314 : i32 to index
              %parallel_loop3A_316 = arith.index_cast %parallel_loop3A_260 : i32 to index
              %parallel_loop3A_317 = arith.constant 48 : index
              %parallel_loop3A_318 = tpu.vector_load %arg13[%parallel_loop3A_315, %parallel_loop3A_316, %parallel_loop3A_317] {strides = array<i32>} : memref<5x64x64xf32, #tpu.memory_space<vmem>>, vector<16xf32>,
              %parallel_loop3A_319 = arith.mulf %parallel_loop3A_313, %parallel_loop3A_318 : vector<16xf32>
              %parallel_loop3A_320 = arith.constant 2 : i32
              %parallel_loop3A_321 = arith.index_cast %parallel_loop3A_320 : i32 to index
              %parallel_loop3A_322 = arith.index_cast %parallel_loop3A_260 : i32 to index
              %parallel_loop3A_323 = arith.constant 48 : index
              %parallel_loop3A_324 = tpu.vector_load %arg12[%parallel_loop3A_321, %parallel_loop3A_322, %parallel_loop3A_323] {strides = array<i32>} : memref<5x64x64xf32, #tpu.memory_space<vmem>>, vector<16xf32>,
              tpu.vector_store %arg12[%parallel_loop3A_321, %parallel_loop3A_322, %parallel_loop3A_323], %parallel_loop3A_319 {strides = array<i32>} : memref<5x64x64xf32, #tpu.memory_space<vmem>>, vector<16xf32>,
            } {sc.loop_unroll_factor = 8 : i64, sc.parallel_access}
            %dma_start3A = arith.constant 2 : i32
            %dma_start3A_250 = arith.constant 0 : i32
            %dma_start3A_251 = arith.constant 0 : i32
            %dma_start3A_252 = tpu.memref_slice %arg12[%dma_start3A, %dma_start3A_250, %dma_start3A_251] : memref<5x64x64xf32, #tpu.memory_space<vmem>> -> memref<1x64x64xf32, #tpu.memory_space<vmem>>
            %dma_start3A_253 = tpu.memref_squeeze %dma_start3A_252 : memref<1x64x64xf32, #tpu.memory_space<vmem>> -> memref<64x64xf32, #tpu.memory_space<vmem>>
            %dma_start3A_254 = arith.constant 0 : i32
            %dma_start3A_255 = tpu.memref_slice %arg11[%add3A_194, %dma_start3A_254] : memref<64x64xi32, #tpu.memory_space<vmem>> -> memref<1x64xi32, #tpu.memory_space<vmem>>
            %dma_start3A_256 = tpu.memref_squeeze %dma_start3A_255 : memref<1x64xi32, #tpu.memory_space<vmem>> -> memref<64xi32, #tpu.memory_space<vmem>>
            %dma_start3A_257 = arith.constant 0 : i32
            %dma_start3A_258 = arith.constant 0 : i32
            %dma_start3A_259 = tpu.memref_slice %arg15[%dma_start3A_257, %dma_start3A_258] : memref<16016x64xf32, #tpu.memory_space<vmem_shared>> -> memref<16016x64xf32, #tpu.memory_space<vmem_shared>>
            tpu.enqueue_indirect_dma source(%dma_start3A_253 : memref<64x64xf32, #tpu.memory_space<vmem>>) target(%dma_start3A_259 : memref<16016x64xf32, #tpu.memory_space<vmem_shared>>) offsets(%dma_start3A_256 : memref<64xi32, #tpu.memory_space<vmem>>) semaphore(%arg26 : memref<!tpu.dma_semaphore, #tpu.memory_space<semaphore_mem>>) {add = true}
          } else {
          }
          %mul3A_199 = arith.constant 5 : i32
          %mul3A_200 = arith.muli %while3A_175, %mul3A_199 : i32
          %add3A_201 = arith.constant 3 : i32
          %add3A_202 = arith.addi %mul3A_200, %add3A_201 : i32
          %lt3A_203 = arith.cmpi slt, %add3A_202, %select_n3A : i32
          %convert_element_type3A_204 = arith.extui %lt3A_203 : i1 to i32
          %cond3A_205 = arith.constant 0 : i32
          %cond3A_206 = arith.cmpi ne, %convert_element_type3A_204, %cond3A_205 : i32
          scf.if %cond3A_206 {
            %ge3A_215 = arith.constant 2 : i32
            %ge3A_216 = arith.cmpi sge, %add3A_202, %ge3A_215 : i32
            %convert_element_type3A_217 = arith.extui %ge3A_216 : i1 to i32
            %cond3A_218 = arith.constant 0 : i32
            %cond3A_219 = arith.cmpi ne, %convert_element_type3A_217, %cond3A_218 : i32
            scf.if %cond3A_219 {
              %dma_wait3A_260 = arith.constant 0 : i32
              %dma_wait3A_261 = arith.constant 0 : i32
              %dma_wait3A_262 = arith.constant 0 : i32
              %dma_wait3A_263 = arith.constant 0 : i32
              %dma_wait3A_264 = tpu.memref_slice %arg12[%dma_wait3A_260, %dma_wait3A_262, %dma_wait3A_263] : memref<5x64x64xf32, #tpu.memory_space<vmem>> -> memref<1x64x64xf32, #tpu.memory_space<vmem>>
              %dma_wait3A_265 = tpu.memref_squeeze %dma_wait3A_264 : memref<1x64x64xf32, #tpu.memory_space<vmem>> -> memref<64x64xf32, #tpu.memory_space<vmem>>
              %dma_wait3A_266 = arith.constant 0 : i32
              %dma_wait3A_267 = tpu.memref_slice %arg11[%dma_wait3A_261, %dma_wait3A_266] : memref<64x64xi32, #tpu.memory_space<vmem>> -> memref<1x64xi32, #tpu.memory_space<vmem>>
              %dma_wait3A_268 = tpu.memref_squeeze %dma_wait3A_267 : memref<1x64xi32, #tpu.memory_space<vmem>> -> memref<64xi32, #tpu.memory_space<vmem>>
              %dma_wait3A_269 = arith.constant 0 : i32
              %dma_wait3A_270 = arith.constant 0 : i32
              %dma_wait3A_271 = tpu.memref_slice %arg15[%dma_wait3A_269, %dma_wait3A_270] : memref<16016x64xf32, #tpu.memory_space<vmem_shared>> -> memref<16016x64xf32, #tpu.memory_space<vmem_shared>>
              tpu.wait_indirect_dma semaphore(%arg26 : memref<!tpu.dma_semaphore, #tpu.memory_space<semaphore_mem>>) src(%dma_wait3A_265 : memref<64x64xf32, #tpu.memory_space<vmem>>) dst(%dma_wait3A_271 : memref<16016x64xf32, #tpu.memory_space<vmem_shared>>)
            } else {
            }
            %add3A_220 = arith.constant 3 : i32
            %add3A_221 = arith.addi %add3A_202, %add3A_220 : i32
            %lt3A_222 = arith.cmpi slt, %add3A_221, %select_n3A : i32
            %convert_element_type3A_223 = arith.extui %lt3A_222 : i1 to i32
            %cond3A_224 = arith.constant 0 : i32
            %cond3A_225 = arith.cmpi ne, %convert_element_type3A_223, %cond3A_224 : i32
            scf.if %cond3A_225 {
              %add3A_260 = arith.constant 3 : i32
              %add3A_261 = arith.addi %add3A_202, %add3A_260 : i32
              %dma_start3A_262 = arith.constant 1 : i32
              %dma_start3A_263 = arith.constant 0 : i32
              %dma_start3A_264 = arith.constant 0 : i32
              %dma_start3A_265 = tpu.memref_slice %arg12[%dma_start3A_262, %dma_start3A_263, %dma_start3A_264] : memref<5x64x64xf32, #tpu.memory_space<vmem>> -> memref<1x64x64xf32, #tpu.memory_space<vmem>>
              %dma_start3A_266 = tpu.memref_squeeze %dma_start3A_265 : memref<1x64x64xf32, #tpu.memory_space<vmem>> -> memref<64x64xf32, #tpu.memory_space<vmem>>
              %dma_start3A_267 = arith.constant 0 : i32
              %dma_start3A_268 = tpu.memref_slice %arg9[%add3A_261, %dma_start3A_267] : memref<64x64xi32, #tpu.memory_space<vmem>> -> memref<1x64xi32, #tpu.memory_space<vmem>>
              %dma_start3A_269 = tpu.memref_squeeze %dma_start3A_268 : memref<1x64xi32, #tpu.memory_space<vmem>> -> memref<64xi32, #tpu.memory_space<vmem>>
              %dma_start3A_270 = arith.constant 0 : i32
              %dma_start3A_271 = arith.constant 0 : i32
              %dma_start3A_272 = tpu.memref_slice %arg2[%dma_start3A_270, %dma_start3A_271] : memref<160000x64xf32, #tpu.memory_space<hbm>> -> memref<160000x64xf32, #tpu.memory_space<hbm>>
              tpu.enqueue_indirect_dma source(%dma_start3A_272 : memref<160000x64xf32, #tpu.memory_space<hbm>>) target(%dma_start3A_266 : memref<64x64xf32, #tpu.memory_space<vmem>>) offsets(%dma_start3A_269 : memref<64xi32, #tpu.memory_space<vmem>>) semaphore(%arg18 : memref<!tpu.dma_semaphore, #tpu.memory_space<semaphore_mem>>)
              %dma_start3A_273 = arith.constant 1 : i32
              %dma_start3A_274 = arith.constant 0 : i32
              %dma_start3A_275 = arith.constant 0 : i32
              %dma_start3A_276 = tpu.memref_slice %arg13[%dma_start3A_273, %dma_start3A_274, %dma_start3A_275] : memref<5x64x64xf32, #tpu.memory_space<vmem>> -> memref<1x64x64xf32, #tpu.memory_space<vmem>>
              %dma_start3A_277 = tpu.memref_squeeze %dma_start3A_276 : memref<1x64x64xf32, #tpu.memory_space<vmem>> -> memref<64x64xf32, #tpu.memory_space<vmem>>
              %dma_start3A_278 = arith.constant 0 : i32
              %dma_start3A_279 = tpu.memref_slice %arg10[%add3A_261, %dma_start3A_278] : memref<64x64xi32, #tpu.memory_space<vmem>> -> memref<1x64xi32, #tpu.memory_space<vmem>>
              %dma_start3A_280 = tpu.memref_squeeze %dma_start3A_279 : memref<1x64xi32, #tpu.memory_space<vmem>> -> memref<64xi32, #tpu.memory_space<vmem>>
              %dma_start3A_281 = arith.constant 0 : i32
              %dma_start3A_282 = arith.constant 0 : i32
              %dma_start3A_283 = tpu.memref_slice %arg3[%dma_start3A_281, %dma_start3A_282] : memref<640000x64xf32, #tpu.memory_space<hbm>> -> memref<640000x64xf32, #tpu.memory_space<hbm>>
              tpu.enqueue_indirect_dma source(%dma_start3A_283 : memref<640000x64xf32, #tpu.memory_space<hbm>>) target(%dma_start3A_277 : memref<64x64xf32, #tpu.memory_space<vmem>>) offsets(%dma_start3A_280 : memref<64xi32, #tpu.memory_space<vmem>>) semaphore(%arg19 : memref<!tpu.dma_semaphore, #tpu.memory_space<semaphore_mem>>)
            } else {
            }
            %dma_wait3A = arith.constant 3 : i32
            %dma_wait3A_226 = arith.constant 0 : i32
            %dma_wait3A_227 = arith.constant 0 : i32
            %dma_wait3A_228 = tpu.memref_slice %arg12[%dma_wait3A, %dma_wait3A_226, %dma_wait3A_227] : memref<5x64x64xf32, #tpu.memory_space<vmem>> -> memref<1x64x64xf32, #tpu.memory_space<vmem>>
            %dma_wait3A_229 = tpu.memref_squeeze %dma_wait3A_228 : memref<1x64x64xf32, #tpu.memory_space<vmem>> -> memref<64x64xf32, #tpu.memory_space<vmem>>
            %dma_wait3A_230 = arith.constant 0 : i32
            %dma_wait3A_231 = tpu.memref_slice %arg9[%add3A_202, %dma_wait3A_230] : memref<64x64xi32, #tpu.memory_space<vmem>> -> memref<1x64xi32, #tpu.memory_space<vmem>>
            %dma_wait3A_232 = tpu.memref_squeeze %dma_wait3A_231 : memref<1x64xi32, #tpu.memory_space<vmem>> -> memref<64xi32, #tpu.memory_space<vmem>>
            %dma_wait3A_233 = arith.constant 0 : i32
            %dma_wait3A_234 = arith.constant 0 : i32
            %dma_wait3A_235 = tpu.memref_slice %arg2[%dma_wait3A_233, %dma_wait3A_234] : memref<160000x64xf32, #tpu.memory_space<hbm>> -> memref<160000x64xf32, #tpu.memory_space<hbm>>
            tpu.wait_indirect_dma semaphore(%arg22 : memref<!tpu.dma_semaphore, #tpu.memory_space<semaphore_mem>>) src(%dma_wait3A_235 : memref<160000x64xf32, #tpu.memory_space<hbm>>) dst(%dma_wait3A_229 : memref<64x64xf32, #tpu.memory_space<vmem>>)
            %dma_wait3A_236 = arith.constant 3 : i32
            %dma_wait3A_237 = arith.constant 0 : i32
            %dma_wait3A_238 = arith.constant 0 : i32
            %dma_wait3A_239 = tpu.memref_slice %arg13[%dma_wait3A_236, %dma_wait3A_237, %dma_wait3A_238] : memref<5x64x64xf32, #tpu.memory_space<vmem>> -> memref<1x64x64xf32, #tpu.memory_space<vmem>>
            %dma_wait3A_240 = tpu.memref_squeeze %dma_wait3A_239 : memref<1x64x64xf32, #tpu.memory_space<vmem>> -> memref<64x64xf32, #tpu.memory_space<vmem>>
            %dma_wait3A_241 = arith.constant 0 : i32
            %dma_wait3A_242 = tpu.memref_slice %arg10[%add3A_202, %dma_wait3A_241] : memref<64x64xi32, #tpu.memory_space<vmem>> -> memref<1x64xi32, #tpu.memory_space<vmem>>
            %dma_wait3A_243 = tpu.memref_squeeze %dma_wait3A_242 : memref<1x64xi32, #tpu.memory_space<vmem>> -> memref<64xi32, #tpu.memory_space<vmem>>
            %dma_wait3A_244 = arith.constant 0 : i32
            %dma_wait3A_245 = arith.constant 0 : i32
            %dma_wait3A_246 = tpu.memref_slice %arg3[%dma_wait3A_244, %dma_wait3A_245] : memref<640000x64xf32, #tpu.memory_space<hbm>> -> memref<640000x64xf32, #tpu.memory_space<hbm>>
            tpu.wait_indirect_dma semaphore(%arg23 : memref<!tpu.dma_semaphore, #tpu.memory_space<semaphore_mem>>) src(%dma_wait3A_246 : memref<640000x64xf32, #tpu.memory_space<hbm>>) dst(%dma_wait3A_240 : memref<64x64xf32, #tpu.memory_space<vmem>>)
            %parallel_loop3A_247 = arith.constant 0 : i32
            %parallel_loop3A_248 = arith.constant 64 : i32
            %parallel_loop3A_249 = arith.constant 1 : i32
            scf.for %parallel_loop3A_260 = %parallel_loop3A_247 to %parallel_loop3A_248 step %parallel_loop3A_249  : i32 {
              %parallel_loop3A_261 = arith.constant 3 : i32
              %parallel_loop3A_262 = arith.index_cast %parallel_loop3A_261 : i32 to index
              %parallel_loop3A_263 = arith.index_cast %parallel_loop3A_260 : i32 to index
              %parallel_loop3A_264 = arith.constant 0 : index
              %parallel_loop3A_265 = tpu.vector_load %arg12[%parallel_loop3A_262, %parallel_loop3A_263, %parallel_loop3A_264] {strides = array<i32>} : memref<5x64x64xf32, #tpu.memory_space<vmem>>, vector<16xf32>,
              %parallel_loop3A_266 = arith.constant 3 : i32
              %parallel_loop3A_267 = arith.index_cast %parallel_loop3A_266 : i32 to index
              %parallel_loop3A_268 = arith.index_cast %parallel_loop3A_260 : i32 to index
              %parallel_loop3A_269 = arith.constant 0 : index
              %parallel_loop3A_270 = tpu.vector_load %arg13[%parallel_loop3A_267, %parallel_loop3A_268, %parallel_loop3A_269] {strides = array<i32>} : memref<5x64x64xf32, #tpu.memory_space<vmem>>, vector<16xf32>,
              %parallel_loop3A_271 = arith.mulf %parallel_loop3A_265, %parallel_loop3A_270 : vector<16xf32>
              %parallel_loop3A_272 = arith.constant 3 : i32
              %parallel_loop3A_273 = arith.index_cast %parallel_loop3A_272 : i32 to index
              %parallel_loop3A_274 = arith.index_cast %parallel_loop3A_260 : i32 to index
              %parallel_loop3A_275 = arith.constant 0 : index
              %parallel_loop3A_276 = tpu.vector_load %arg12[%parallel_loop3A_273, %parallel_loop3A_274, %parallel_loop3A_275] {strides = array<i32>} : memref<5x64x64xf32, #tpu.memory_space<vmem>>, vector<16xf32>,
              tpu.vector_store %arg12[%parallel_loop3A_273, %parallel_loop3A_274, %parallel_loop3A_275], %parallel_loop3A_271 {strides = array<i32>} : memref<5x64x64xf32, #tpu.memory_space<vmem>>, vector<16xf32>,
              %parallel_loop3A_277 = arith.constant 3 : i32
              %parallel_loop3A_278 = arith.index_cast %parallel_loop3A_277 : i32 to index
              %parallel_loop3A_279 = arith.index_cast %parallel_loop3A_260 : i32 to index
              %parallel_loop3A_280 = arith.constant 16 : index
              %parallel_loop3A_281 = tpu.vector_load %arg12[%parallel_loop3A_278, %parallel_loop3A_279, %parallel_loop3A_280] {strides = array<i32>} : memref<5x64x64xf32, #tpu.memory_space<vmem>>, vector<16xf32>,
              %parallel_loop3A_282 = arith.constant 3 : i32
              %parallel_loop3A_283 = arith.index_cast %parallel_loop3A_282 : i32 to index
              %parallel_loop3A_284 = arith.index_cast %parallel_loop3A_260 : i32 to index
              %parallel_loop3A_285 = arith.constant 16 : index
              %parallel_loop3A_286 = tpu.vector_load %arg13[%parallel_loop3A_283, %parallel_loop3A_284, %parallel_loop3A_285] {strides = array<i32>} : memref<5x64x64xf32, #tpu.memory_space<vmem>>, vector<16xf32>,
              %parallel_loop3A_287 = arith.mulf %parallel_loop3A_281, %parallel_loop3A_286 : vector<16xf32>
              %parallel_loop3A_288 = arith.constant 3 : i32
              %parallel_loop3A_289 = arith.index_cast %parallel_loop3A_288 : i32 to index
              %parallel_loop3A_290 = arith.index_cast %parallel_loop3A_260 : i32 to index
              %parallel_loop3A_291 = arith.constant 16 : index
              %parallel_loop3A_292 = tpu.vector_load %arg12[%parallel_loop3A_289, %parallel_loop3A_290, %parallel_loop3A_291] {strides = array<i32>} : memref<5x64x64xf32, #tpu.memory_space<vmem>>, vector<16xf32>,
              tpu.vector_store %arg12[%parallel_loop3A_289, %parallel_loop3A_290, %parallel_loop3A_291], %parallel_loop3A_287 {strides = array<i32>} : memref<5x64x64xf32, #tpu.memory_space<vmem>>, vector<16xf32>,
              %parallel_loop3A_293 = arith.constant 3 : i32
              %parallel_loop3A_294 = arith.index_cast %parallel_loop3A_293 : i32 to index
              %parallel_loop3A_295 = arith.index_cast %parallel_loop3A_260 : i32 to index
              %parallel_loop3A_296 = arith.constant 32 : index
              %parallel_loop3A_297 = tpu.vector_load %arg12[%parallel_loop3A_294, %parallel_loop3A_295, %parallel_loop3A_296] {strides = array<i32>} : memref<5x64x64xf32, #tpu.memory_space<vmem>>, vector<16xf32>,
              %parallel_loop3A_298 = arith.constant 3 : i32
              %parallel_loop3A_299 = arith.index_cast %parallel_loop3A_298 : i32 to index
              %parallel_loop3A_300 = arith.index_cast %parallel_loop3A_260 : i32 to index
              %parallel_loop3A_301 = arith.constant 32 : index
              %parallel_loop3A_302 = tpu.vector_load %arg13[%parallel_loop3A_299, %parallel_loop3A_300, %parallel_loop3A_301] {strides = array<i32>} : memref<5x64x64xf32, #tpu.memory_space<vmem>>, vector<16xf32>,
              %parallel_loop3A_303 = arith.mulf %parallel_loop3A_297, %parallel_loop3A_302 : vector<16xf32>
              %parallel_loop3A_304 = arith.constant 3 : i32
              %parallel_loop3A_305 = arith.index_cast %parallel_loop3A_304 : i32 to index
              %parallel_loop3A_306 = arith.index_cast %parallel_loop3A_260 : i32 to index
              %parallel_loop3A_307 = arith.constant 32 : index
              %parallel_loop3A_308 = tpu.vector_load %arg12[%parallel_loop3A_305, %parallel_loop3A_306, %parallel_loop3A_307] {strides = array<i32>} : memref<5x64x64xf32, #tpu.memory_space<vmem>>, vector<16xf32>,
              tpu.vector_store %arg12[%parallel_loop3A_305, %parallel_loop3A_306, %parallel_loop3A_307], %parallel_loop3A_303 {strides = array<i32>} : memref<5x64x64xf32, #tpu.memory_space<vmem>>, vector<16xf32>,
              %parallel_loop3A_309 = arith.constant 3 : i32
              %parallel_loop3A_310 = arith.index_cast %parallel_loop3A_309 : i32 to index
              %parallel_loop3A_311 = arith.index_cast %parallel_loop3A_260 : i32 to index
              %parallel_loop3A_312 = arith.constant 48 : index
              %parallel_loop3A_313 = tpu.vector_load %arg12[%parallel_loop3A_310, %parallel_loop3A_311, %parallel_loop3A_312] {strides = array<i32>} : memref<5x64x64xf32, #tpu.memory_space<vmem>>, vector<16xf32>,
              %parallel_loop3A_314 = arith.constant 3 : i32
              %parallel_loop3A_315 = arith.index_cast %parallel_loop3A_314 : i32 to index
              %parallel_loop3A_316 = arith.index_cast %parallel_loop3A_260 : i32 to index
              %parallel_loop3A_317 = arith.constant 48 : index
              %parallel_loop3A_318 = tpu.vector_load %arg13[%parallel_loop3A_315, %parallel_loop3A_316, %parallel_loop3A_317] {strides = array<i32>} : memref<5x64x64xf32, #tpu.memory_space<vmem>>, vector<16xf32>,
              %parallel_loop3A_319 = arith.mulf %parallel_loop3A_313, %parallel_loop3A_318 : vector<16xf32>
              %parallel_loop3A_320 = arith.constant 3 : i32
              %parallel_loop3A_321 = arith.index_cast %parallel_loop3A_320 : i32 to index
              %parallel_loop3A_322 = arith.index_cast %parallel_loop3A_260 : i32 to index
              %parallel_loop3A_323 = arith.constant 48 : index
              %parallel_loop3A_324 = tpu.vector_load %arg12[%parallel_loop3A_321, %parallel_loop3A_322, %parallel_loop3A_323] {strides = array<i32>} : memref<5x64x64xf32, #tpu.memory_space<vmem>>, vector<16xf32>,
              tpu.vector_store %arg12[%parallel_loop3A_321, %parallel_loop3A_322, %parallel_loop3A_323], %parallel_loop3A_319 {strides = array<i32>} : memref<5x64x64xf32, #tpu.memory_space<vmem>>, vector<16xf32>,
            } {sc.loop_unroll_factor = 8 : i64, sc.parallel_access}
            %dma_start3A = arith.constant 3 : i32
            %dma_start3A_250 = arith.constant 0 : i32
            %dma_start3A_251 = arith.constant 0 : i32
            %dma_start3A_252 = tpu.memref_slice %arg12[%dma_start3A, %dma_start3A_250, %dma_start3A_251] : memref<5x64x64xf32, #tpu.memory_space<vmem>> -> memref<1x64x64xf32, #tpu.memory_space<vmem>>
            %dma_start3A_253 = tpu.memref_squeeze %dma_start3A_252 : memref<1x64x64xf32, #tpu.memory_space<vmem>> -> memref<64x64xf32, #tpu.memory_space<vmem>>
            %dma_start3A_254 = arith.constant 0 : i32
            %dma_start3A_255 = tpu.memref_slice %arg11[%add3A_202, %dma_start3A_254] : memref<64x64xi32, #tpu.memory_space<vmem>> -> memref<1x64xi32, #tpu.memory_space<vmem>>
            %dma_start3A_256 = tpu.memref_squeeze %dma_start3A_255 : memref<1x64xi32, #tpu.memory_space<vmem>> -> memref<64xi32, #tpu.memory_space<vmem>>
            %dma_start3A_257 = arith.constant 0 : i32
            %dma_start3A_258 = arith.constant 0 : i32
            %dma_start3A_259 = tpu.memref_slice %arg15[%dma_start3A_257, %dma_start3A_258] : memref<16016x64xf32, #tpu.memory_space<vmem_shared>> -> memref<16016x64xf32, #tpu.memory_space<vmem_shared>>
            tpu.enqueue_indirect_dma source(%dma_start3A_253 : memref<64x64xf32, #tpu.memory_space<vmem>>) target(%dma_start3A_259 : memref<16016x64xf32, #tpu.memory_space<vmem_shared>>) offsets(%dma_start3A_256 : memref<64xi32, #tpu.memory_space<vmem>>) semaphore(%arg26 : memref<!tpu.dma_semaphore, #tpu.memory_space<semaphore_mem>>) {add = true}
          } else {
          }
          %mul3A_207 = arith.constant 5 : i32
          %mul3A_208 = arith.muli %while3A_175, %mul3A_207 : i32
          %add3A_209 = arith.constant 4 : i32
          %add3A_210 = arith.addi %mul3A_208, %add3A_209 : i32
          %lt3A_211 = arith.cmpi slt, %add3A_210, %select_n3A : i32
          %convert_element_type3A_212 = arith.extui %lt3A_211 : i1 to i32
          %cond3A_213 = arith.constant 0 : i32
          %cond3A_214 = arith.cmpi ne, %convert_element_type3A_212, %cond3A_213 : i32
          scf.if %cond3A_214 {
            %ge3A_215 = arith.constant 2 : i32
            %ge3A_216 = arith.cmpi sge, %add3A_210, %ge3A_215 : i32
            %convert_element_type3A_217 = arith.extui %ge3A_216 : i1 to i32
            %cond3A_218 = arith.constant 0 : i32
            %cond3A_219 = arith.cmpi ne, %convert_element_type3A_217, %cond3A_218 : i32
            scf.if %cond3A_219 {
              %dma_wait3A_260 = arith.constant 0 : i32
              %dma_wait3A_261 = arith.constant 0 : i32
              %dma_wait3A_262 = arith.constant 0 : i32
              %dma_wait3A_263 = arith.constant 0 : i32
              %dma_wait3A_264 = tpu.memref_slice %arg12[%dma_wait3A_260, %dma_wait3A_262, %dma_wait3A_263] : memref<5x64x64xf32, #tpu.memory_space<vmem>> -> memref<1x64x64xf32, #tpu.memory_space<vmem>>
              %dma_wait3A_265 = tpu.memref_squeeze %dma_wait3A_264 : memref<1x64x64xf32, #tpu.memory_space<vmem>> -> memref<64x64xf32, #tpu.memory_space<vmem>>
              %dma_wait3A_266 = arith.constant 0 : i32
              %dma_wait3A_267 = tpu.memref_slice %arg11[%dma_wait3A_261, %dma_wait3A_266] : memref<64x64xi32, #tpu.memory_space<vmem>> -> memref<1x64xi32, #tpu.memory_space<vmem>>
              %dma_wait3A_268 = tpu.memref_squeeze %dma_wait3A_267 : memref<1x64xi32, #tpu.memory_space<vmem>> -> memref<64xi32, #tpu.memory_space<vmem>>
              %dma_wait3A_269 = arith.constant 0 : i32
              %dma_wait3A_270 = arith.constant 0 : i32
              %dma_wait3A_271 = tpu.memref_slice %arg15[%dma_wait3A_269, %dma_wait3A_270] : memref<16016x64xf32, #tpu.memory_space<vmem_shared>> -> memref<16016x64xf32, #tpu.memory_space<vmem_shared>>
              tpu.wait_indirect_dma semaphore(%arg26 : memref<!tpu.dma_semaphore, #tpu.memory_space<semaphore_mem>>) src(%dma_wait3A_265 : memref<64x64xf32, #tpu.memory_space<vmem>>) dst(%dma_wait3A_271 : memref<16016x64xf32, #tpu.memory_space<vmem_shared>>)
            } else {
            }
            %add3A_220 = arith.constant 3 : i32
            %add3A_221 = arith.addi %add3A_210, %add3A_220 : i32
            %lt3A_222 = arith.cmpi slt, %add3A_221, %select_n3A : i32
            %convert_element_type3A_223 = arith.extui %lt3A_222 : i1 to i32
            %cond3A_224 = arith.constant 0 : i32
            %cond3A_225 = arith.cmpi ne, %convert_element_type3A_223, %cond3A_224 : i32
            scf.if %cond3A_225 {
              %add3A_260 = arith.constant 3 : i32
              %add3A_261 = arith.addi %add3A_210, %add3A_260 : i32
              %dma_start3A_262 = arith.constant 2 : i32
              %dma_start3A_263 = arith.constant 0 : i32
              %dma_start3A_264 = arith.constant 0 : i32
              %dma_start3A_265 = tpu.memref_slice %arg12[%dma_start3A_262, %dma_start3A_263, %dma_start3A_264] : memref<5x64x64xf32, #tpu.memory_space<vmem>> -> memref<1x64x64xf32, #tpu.memory_space<vmem>>
              %dma_start3A_266 = tpu.memref_squeeze %dma_start3A_265 : memref<1x64x64xf32, #tpu.memory_space<vmem>> -> memref<64x64xf32, #tpu.memory_space<vmem>>
              %dma_start3A_267 = arith.constant 0 : i32
              %dma_start3A_268 = tpu.memref_slice %arg9[%add3A_261, %dma_start3A_267] : memref<64x64xi32, #tpu.memory_space<vmem>> -> memref<1x64xi32, #tpu.memory_space<vmem>>
              %dma_start3A_269 = tpu.memref_squeeze %dma_start3A_268 : memref<1x64xi32, #tpu.memory_space<vmem>> -> memref<64xi32, #tpu.memory_space<vmem>>
              %dma_start3A_270 = arith.constant 0 : i32
              %dma_start3A_271 = arith.constant 0 : i32
              %dma_start3A_272 = tpu.memref_slice %arg2[%dma_start3A_270, %dma_start3A_271] : memref<160000x64xf32, #tpu.memory_space<hbm>> -> memref<160000x64xf32, #tpu.memory_space<hbm>>
              tpu.enqueue_indirect_dma source(%dma_start3A_272 : memref<160000x64xf32, #tpu.memory_space<hbm>>) target(%dma_start3A_266 : memref<64x64xf32, #tpu.memory_space<vmem>>) offsets(%dma_start3A_269 : memref<64xi32, #tpu.memory_space<vmem>>) semaphore(%arg20 : memref<!tpu.dma_semaphore, #tpu.memory_space<semaphore_mem>>)
              %dma_start3A_273 = arith.constant 2 : i32
              %dma_start3A_274 = arith.constant 0 : i32
              %dma_start3A_275 = arith.constant 0 : i32
              %dma_start3A_276 = tpu.memref_slice %arg13[%dma_start3A_273, %dma_start3A_274, %dma_start3A_275] : memref<5x64x64xf32, #tpu.memory_space<vmem>> -> memref<1x64x64xf32, #tpu.memory_space<vmem>>
              %dma_start3A_277 = tpu.memref_squeeze %dma_start3A_276 : memref<1x64x64xf32, #tpu.memory_space<vmem>> -> memref<64x64xf32, #tpu.memory_space<vmem>>
              %dma_start3A_278 = arith.constant 0 : i32
              %dma_start3A_279 = tpu.memref_slice %arg10[%add3A_261, %dma_start3A_278] : memref<64x64xi32, #tpu.memory_space<vmem>> -> memref<1x64xi32, #tpu.memory_space<vmem>>
              %dma_start3A_280 = tpu.memref_squeeze %dma_start3A_279 : memref<1x64xi32, #tpu.memory_space<vmem>> -> memref<64xi32, #tpu.memory_space<vmem>>
              %dma_start3A_281 = arith.constant 0 : i32
              %dma_start3A_282 = arith.constant 0 : i32
              %dma_start3A_283 = tpu.memref_slice %arg3[%dma_start3A_281, %dma_start3A_282] : memref<640000x64xf32, #tpu.memory_space<hbm>> -> memref<640000x64xf32, #tpu.memory_space<hbm>>
              tpu.enqueue_indirect_dma source(%dma_start3A_283 : memref<640000x64xf32, #tpu.memory_space<hbm>>) target(%dma_start3A_277 : memref<64x64xf32, #tpu.memory_space<vmem>>) offsets(%dma_start3A_280 : memref<64xi32, #tpu.memory_space<vmem>>) semaphore(%arg21 : memref<!tpu.dma_semaphore, #tpu.memory_space<semaphore_mem>>)
            } else {
            }
            %dma_wait3A = arith.constant 4 : i32
            %dma_wait3A_226 = arith.constant 0 : i32
            %dma_wait3A_227 = arith.constant 0 : i32
            %dma_wait3A_228 = tpu.memref_slice %arg12[%dma_wait3A, %dma_wait3A_226, %dma_wait3A_227] : memref<5x64x64xf32, #tpu.memory_space<vmem>> -> memref<1x64x64xf32, #tpu.memory_space<vmem>>
            %dma_wait3A_229 = tpu.memref_squeeze %dma_wait3A_228 : memref<1x64x64xf32, #tpu.memory_space<vmem>> -> memref<64x64xf32, #tpu.memory_space<vmem>>
            %dma_wait3A_230 = arith.constant 0 : i32
            %dma_wait3A_231 = tpu.memref_slice %arg9[%add3A_210, %dma_wait3A_230] : memref<64x64xi32, #tpu.memory_space<vmem>> -> memref<1x64xi32, #tpu.memory_space<vmem>>
            %dma_wait3A_232 = tpu.memref_squeeze %dma_wait3A_231 : memref<1x64xi32, #tpu.memory_space<vmem>> -> memref<64xi32, #tpu.memory_space<vmem>>
            %dma_wait3A_233 = arith.constant 0 : i32
            %dma_wait3A_234 = arith.constant 0 : i32
            %dma_wait3A_235 = tpu.memref_slice %arg2[%dma_wait3A_233, %dma_wait3A_234] : memref<160000x64xf32, #tpu.memory_space<hbm>> -> memref<160000x64xf32, #tpu.memory_space<hbm>>
            tpu.wait_indirect_dma semaphore(%arg24 : memref<!tpu.dma_semaphore, #tpu.memory_space<semaphore_mem>>) src(%dma_wait3A_235 : memref<160000x64xf32, #tpu.memory_space<hbm>>) dst(%dma_wait3A_229 : memref<64x64xf32, #tpu.memory_space<vmem>>)
            %dma_wait3A_236 = arith.constant 4 : i32
            %dma_wait3A_237 = arith.constant 0 : i32
            %dma_wait3A_238 = arith.constant 0 : i32
            %dma_wait3A_239 = tpu.memref_slice %arg13[%dma_wait3A_236, %dma_wait3A_237, %dma_wait3A_238] : memref<5x64x64xf32, #tpu.memory_space<vmem>> -> memref<1x64x64xf32, #tpu.memory_space<vmem>>
            %dma_wait3A_240 = tpu.memref_squeeze %dma_wait3A_239 : memref<1x64x64xf32, #tpu.memory_space<vmem>> -> memref<64x64xf32, #tpu.memory_space<vmem>>
            %dma_wait3A_241 = arith.constant 0 : i32
            %dma_wait3A_242 = tpu.memref_slice %arg10[%add3A_210, %dma_wait3A_241] : memref<64x64xi32, #tpu.memory_space<vmem>> -> memref<1x64xi32, #tpu.memory_space<vmem>>
            %dma_wait3A_243 = tpu.memref_squeeze %dma_wait3A_242 : memref<1x64xi32, #tpu.memory_space<vmem>> -> memref<64xi32, #tpu.memory_space<vmem>>
            %dma_wait3A_244 = arith.constant 0 : i32
            %dma_wait3A_245 = arith.constant 0 : i32
            %dma_wait3A_246 = tpu.memref_slice %arg3[%dma_wait3A_244, %dma_wait3A_245] : memref<640000x64xf32, #tpu.memory_space<hbm>> -> memref<640000x64xf32, #tpu.memory_space<hbm>>
            tpu.wait_indirect_dma semaphore(%arg25 : memref<!tpu.dma_semaphore, #tpu.memory_space<semaphore_mem>>) src(%dma_wait3A_246 : memref<640000x64xf32, #tpu.memory_space<hbm>>) dst(%dma_wait3A_240 : memref<64x64xf32, #tpu.memory_space<vmem>>)
            %parallel_loop3A_247 = arith.constant 0 : i32
            %parallel_loop3A_248 = arith.constant 64 : i32
            %parallel_loop3A_249 = arith.constant 1 : i32
            scf.for %parallel_loop3A_260 = %parallel_loop3A_247 to %parallel_loop3A_248 step %parallel_loop3A_249  : i32 {
              %parallel_loop3A_261 = arith.constant 4 : i32
              %parallel_loop3A_262 = arith.index_cast %parallel_loop3A_261 : i32 to index
              %parallel_loop3A_263 = arith.index_cast %parallel_loop3A_260 : i32 to index
              %parallel_loop3A_264 = arith.constant 0 : index
              %parallel_loop3A_265 = tpu.vector_load %arg12[%parallel_loop3A_262, %parallel_loop3A_263, %parallel_loop3A_264] {strides = array<i32>} : memref<5x64x64xf32, #tpu.memory_space<vmem>>, vector<16xf32>,
              %parallel_loop3A_266 = arith.constant 4 : i32
              %parallel_loop3A_267 = arith.index_cast %parallel_loop3A_266 : i32 to index
              %parallel_loop3A_268 = arith.index_cast %parallel_loop3A_260 : i32 to index
              %parallel_loop3A_269 = arith.constant 0 : index
              %parallel_loop3A_270 = tpu.vector_load %arg13[%parallel_loop3A_267, %parallel_loop3A_268, %parallel_loop3A_269] {strides = array<i32>} : memref<5x64x64xf32, #tpu.memory_space<vmem>>, vector<16xf32>,
              %parallel_loop3A_271 = arith.mulf %parallel_loop3A_265, %parallel_loop3A_270 : vector<16xf32>
              %parallel_loop3A_272 = arith.constant 4 : i32
              %parallel_loop3A_273 = arith.index_cast %parallel_loop3A_272 : i32 to index
              %parallel_loop3A_274 = arith.index_cast %parallel_loop3A_260 : i32 to index
              %parallel_loop3A_275 = arith.constant 0 : index
              %parallel_loop3A_276 = tpu.vector_load %arg12[%parallel_loop3A_273, %parallel_loop3A_274, %parallel_loop3A_275] {strides = array<i32>} : memref<5x64x64xf32, #tpu.memory_space<vmem>>, vector<16xf32>,
              tpu.vector_store %arg12[%parallel_loop3A_273, %parallel_loop3A_274, %parallel_loop3A_275], %parallel_loop3A_271 {strides = array<i32>} : memref<5x64x64xf32, #tpu.memory_space<vmem>>, vector<16xf32>,
              %parallel_loop3A_277 = arith.constant 4 : i32
              %parallel_loop3A_278 = arith.index_cast %parallel_loop3A_277 : i32 to index
              %parallel_loop3A_279 = arith.index_cast %parallel_loop3A_260 : i32 to index
              %parallel_loop3A_280 = arith.constant 16 : index
              %parallel_loop3A_281 = tpu.vector_load %arg12[%parallel_loop3A_278, %parallel_loop3A_279, %parallel_loop3A_280] {strides = array<i32>} : memref<5x64x64xf32, #tpu.memory_space<vmem>>, vector<16xf32>,
              %parallel_loop3A_282 = arith.constant 4 : i32
              %parallel_loop3A_283 = arith.index_cast %parallel_loop3A_282 : i32 to index
              %parallel_loop3A_284 = arith.index_cast %parallel_loop3A_260 : i32 to index
              %parallel_loop3A_285 = arith.constant 16 : index
              %parallel_loop3A_286 = tpu.vector_load %arg13[%parallel_loop3A_283, %parallel_loop3A_284, %parallel_loop3A_285] {strides = array<i32>} : memref<5x64x64xf32, #tpu.memory_space<vmem>>, vector<16xf32>,
              %parallel_loop3A_287 = arith.mulf %parallel_loop3A_281, %parallel_loop3A_286 : vector<16xf32>
              %parallel_loop3A_288 = arith.constant 4 : i32
              %parallel_loop3A_289 = arith.index_cast %parallel_loop3A_288 : i32 to index
              %parallel_loop3A_290 = arith.index_cast %parallel_loop3A_260 : i32 to index
              %parallel_loop3A_291 = arith.constant 16 : index
              %parallel_loop3A_292 = tpu.vector_load %arg12[%parallel_loop3A_289, %parallel_loop3A_290, %parallel_loop3A_291] {strides = array<i32>} : memref<5x64x64xf32, #tpu.memory_space<vmem>>, vector<16xf32>,
              tpu.vector_store %arg12[%parallel_loop3A_289, %parallel_loop3A_290, %parallel_loop3A_291], %parallel_loop3A_287 {strides = array<i32>} : memref<5x64x64xf32, #tpu.memory_space<vmem>>, vector<16xf32>,
              %parallel_loop3A_293 = arith.constant 4 : i32
              %parallel_loop3A_294 = arith.index_cast %parallel_loop3A_293 : i32 to index
              %parallel_loop3A_295 = arith.index_cast %parallel_loop3A_260 : i32 to index
              %parallel_loop3A_296 = arith.constant 32 : index
              %parallel_loop3A_297 = tpu.vector_load %arg12[%parallel_loop3A_294, %parallel_loop3A_295, %parallel_loop3A_296] {strides = array<i32>} : memref<5x64x64xf32, #tpu.memory_space<vmem>>, vector<16xf32>,
              %parallel_loop3A_298 = arith.constant 4 : i32
              %parallel_loop3A_299 = arith.index_cast %parallel_loop3A_298 : i32 to index
              %parallel_loop3A_300 = arith.index_cast %parallel_loop3A_260 : i32 to index
              %parallel_loop3A_301 = arith.constant 32 : index
              %parallel_loop3A_302 = tpu.vector_load %arg13[%parallel_loop3A_299, %parallel_loop3A_300, %parallel_loop3A_301] {strides = array<i32>} : memref<5x64x64xf32, #tpu.memory_space<vmem>>, vector<16xf32>,
              %parallel_loop3A_303 = arith.mulf %parallel_loop3A_297, %parallel_loop3A_302 : vector<16xf32>
              %parallel_loop3A_304 = arith.constant 4 : i32
              %parallel_loop3A_305 = arith.index_cast %parallel_loop3A_304 : i32 to index
              %parallel_loop3A_306 = arith.index_cast %parallel_loop3A_260 : i32 to index
              %parallel_loop3A_307 = arith.constant 32 : index
              %parallel_loop3A_308 = tpu.vector_load %arg12[%parallel_loop3A_305, %parallel_loop3A_306, %parallel_loop3A_307] {strides = array<i32>} : memref<5x64x64xf32, #tpu.memory_space<vmem>>, vector<16xf32>,
              tpu.vector_store %arg12[%parallel_loop3A_305, %parallel_loop3A_306, %parallel_loop3A_307], %parallel_loop3A_303 {strides = array<i32>} : memref<5x64x64xf32, #tpu.memory_space<vmem>>, vector<16xf32>,
              %parallel_loop3A_309 = arith.constant 4 : i32
              %parallel_loop3A_310 = arith.index_cast %parallel_loop3A_309 : i32 to index
              %parallel_loop3A_311 = arith.index_cast %parallel_loop3A_260 : i32 to index
              %parallel_loop3A_312 = arith.constant 48 : index
              %parallel_loop3A_313 = tpu.vector_load %arg12[%parallel_loop3A_310, %parallel_loop3A_311, %parallel_loop3A_312] {strides = array<i32>} : memref<5x64x64xf32, #tpu.memory_space<vmem>>, vector<16xf32>,
              %parallel_loop3A_314 = arith.constant 4 : i32
              %parallel_loop3A_315 = arith.index_cast %parallel_loop3A_314 : i32 to index
              %parallel_loop3A_316 = arith.index_cast %parallel_loop3A_260 : i32 to index
              %parallel_loop3A_317 = arith.constant 48 : index
              %parallel_loop3A_318 = tpu.vector_load %arg13[%parallel_loop3A_315, %parallel_loop3A_316, %parallel_loop3A_317] {strides = array<i32>} : memref<5x64x64xf32, #tpu.memory_space<vmem>>, vector<16xf32>,
              %parallel_loop3A_319 = arith.mulf %parallel_loop3A_313, %parallel_loop3A_318 : vector<16xf32>
              %parallel_loop3A_320 = arith.constant 4 : i32
              %parallel_loop3A_321 = arith.index_cast %parallel_loop3A_320 : i32 to index
              %parallel_loop3A_322 = arith.index_cast %parallel_loop3A_260 : i32 to index
              %parallel_loop3A_323 = arith.constant 48 : index
              %parallel_loop3A_324 = tpu.vector_load %arg12[%parallel_loop3A_321, %parallel_loop3A_322, %parallel_loop3A_323] {strides = array<i32>} : memref<5x64x64xf32, #tpu.memory_space<vmem>>, vector<16xf32>,
              tpu.vector_store %arg12[%parallel_loop3A_321, %parallel_loop3A_322, %parallel_loop3A_323], %parallel_loop3A_319 {strides = array<i32>} : memref<5x64x64xf32, #tpu.memory_space<vmem>>, vector<16xf32>,
            } {sc.loop_unroll_factor = 8 : i64, sc.parallel_access}
            %dma_start3A = arith.constant 4 : i32
            %dma_start3A_250 = arith.constant 0 : i32
            %dma_start3A_251 = arith.constant 0 : i32
            %dma_start3A_252 = tpu.memref_slice %arg12[%dma_start3A, %dma_start3A_250, %dma_start3A_251] : memref<5x64x64xf32, #tpu.memory_space<vmem>> -> memref<1x64x64xf32, #tpu.memory_space<vmem>>
            %dma_start3A_253 = tpu.memref_squeeze %dma_start3A_252 : memref<1x64x64xf32, #tpu.memory_space<vmem>> -> memref<64x64xf32, #tpu.memory_space<vmem>>
            %dma_start3A_254 = arith.constant 0 : i32
            %dma_start3A_255 = tpu.memref_slice %arg11[%add3A_210, %dma_start3A_254] : memref<64x64xi32, #tpu.memory_space<vmem>> -> memref<1x64xi32, #tpu.memory_space<vmem>>
            %dma_start3A_256 = tpu.memref_squeeze %dma_start3A_255 : memref<1x64xi32, #tpu.memory_space<vmem>> -> memref<64xi32, #tpu.memory_space<vmem>>
            %dma_start3A_257 = arith.constant 0 : i32
            %dma_start3A_258 = arith.constant 0 : i32
            %dma_start3A_259 = tpu.memref_slice %arg15[%dma_start3A_257, %dma_start3A_258] : memref<16016x64xf32, #tpu.memory_space<vmem_shared>> -> memref<16016x64xf32, #tpu.memory_space<vmem_shared>>
            tpu.enqueue_indirect_dma source(%dma_start3A_253 : memref<64x64xf32, #tpu.memory_space<vmem>>) target(%dma_start3A_259 : memref<16016x64xf32, #tpu.memory_space<vmem_shared>>) offsets(%dma_start3A_256 : memref<64xi32, #tpu.memory_space<vmem>>) semaphore(%arg26 : memref<!tpu.dma_semaphore, #tpu.memory_space<semaphore_mem>>) {add = true}
          } else {
          }
        }
        %ge3A = arith.constant 1 : i32
        %ge3A_166 = arith.cmpi sge, %select_n3A, %ge3A : i32
        %convert_element_type3A_167 = arith.extui %ge3A_166 : i1 to i32
        %cond3A_168 = arith.constant 0 : i32
        %cond3A_169 = arith.cmpi ne, %convert_element_type3A_167, %cond3A_168 : i32
        scf.if %cond3A_169 {
          %dma_wait3A = arith.constant 0 : i32
          %dma_wait3A_175 = arith.constant 0 : i32
          %dma_wait3A_176 = arith.constant 0 : i32
          %dma_wait3A_177 = arith.constant 0 : i32
          %dma_wait3A_178 = tpu.memref_slice %arg12[%dma_wait3A, %dma_wait3A_176, %dma_wait3A_177] : memref<5x64x64xf32, #tpu.memory_space<vmem>> -> memref<1x64x64xf32, #tpu.memory_space<vmem>>
          %dma_wait3A_179 = tpu.memref_squeeze %dma_wait3A_178 : memref<1x64x64xf32, #tpu.memory_space<vmem>> -> memref<64x64xf32, #tpu.memory_space<vmem>>
          %dma_wait3A_180 = arith.constant 0 : i32
          %dma_wait3A_181 = tpu.memref_slice %arg11[%dma_wait3A_175, %dma_wait3A_180] : memref<64x64xi32, #tpu.memory_space<vmem>> -> memref<1x64xi32, #tpu.memory_space<vmem>>
          %dma_wait3A_182 = tpu.memref_squeeze %dma_wait3A_181 : memref<1x64xi32, #tpu.memory_space<vmem>> -> memref<64xi32, #tpu.memory_space<vmem>>
          %dma_wait3A_183 = arith.constant 0 : i32
          %dma_wait3A_184 = arith.constant 0 : i32
          %dma_wait3A_185 = tpu.memref_slice %arg15[%dma_wait3A_183, %dma_wait3A_184] : memref<16016x64xf32, #tpu.memory_space<vmem_shared>> -> memref<16016x64xf32, #tpu.memory_space<vmem_shared>>
          tpu.wait_indirect_dma semaphore(%arg26 : memref<!tpu.dma_semaphore, #tpu.memory_space<semaphore_mem>>) src(%dma_wait3A_179 : memref<64x64xf32, #tpu.memory_space<vmem>>) dst(%dma_wait3A_185 : memref<16016x64xf32, #tpu.memory_space<vmem_shared>>)
        } else {
        }
        %ge3A_170 = arith.constant 2 : i32
        %ge3A_171 = arith.cmpi sge, %select_n3A, %ge3A_170 : i32
        %convert_element_type3A_172 = arith.extui %ge3A_171 : i1 to i32
        %cond3A_173 = arith.constant 0 : i32
        %cond3A_174 = arith.cmpi ne, %convert_element_type3A_172, %cond3A_173 : i32
        scf.if %cond3A_174 {
          %dma_wait3A = arith.constant 0 : i32
          %dma_wait3A_175 = arith.constant 0 : i32
          %dma_wait3A_176 = arith.constant 0 : i32
          %dma_wait3A_177 = arith.constant 0 : i32
          %dma_wait3A_178 = tpu.memref_slice %arg12[%dma_wait3A, %dma_wait3A_176, %dma_wait3A_177] : memref<5x64x64xf32, #tpu.memory_space<vmem>> -> memref<1x64x64xf32, #tpu.memory_space<vmem>>
          %dma_wait3A_179 = tpu.memref_squeeze %dma_wait3A_178 : memref<1x64x64xf32, #tpu.memory_space<vmem>> -> memref<64x64xf32, #tpu.memory_space<vmem>>
          %dma_wait3A_180 = arith.constant 0 : i32
          %dma_wait3A_181 = tpu.memref_slice %arg11[%dma_wait3A_175, %dma_wait3A_180] : memref<64x64xi32, #tpu.memory_space<vmem>> -> memref<1x64xi32, #tpu.memory_space<vmem>>
          %dma_wait3A_182 = tpu.memref_squeeze %dma_wait3A_181 : memref<1x64xi32, #tpu.memory_space<vmem>> -> memref<64xi32, #tpu.memory_space<vmem>>
          %dma_wait3A_183 = arith.constant 0 : i32
          %dma_wait3A_184 = arith.constant 0 : i32
          %dma_wait3A_185 = tpu.memref_slice %arg15[%dma_wait3A_183, %dma_wait3A_184] : memref<16016x64xf32, #tpu.memory_space<vmem_shared>> -> memref<16016x64xf32, #tpu.memory_space<vmem_shared>>
          tpu.wait_indirect_dma semaphore(%arg26 : memref<!tpu.dma_semaphore, #tpu.memory_space<semaphore_mem>>) src(%dma_wait3A_179 : memref<64x64xf32, #tpu.memory_space<vmem>>) dst(%dma_wait3A_185 : memref<16016x64xf32, #tpu.memory_space<vmem_shared>>)
        } else {
        }
      }
      %scan3A_26 = arith.constant 10 : i32
      %barrier3A_27 = arith.constant 0 : index
      tpu.barrier barrier_id(%barrier3A_27)
      %mul3A_28 = arith.constant 1000 : i32
      %mul3A_29 = arith.muli %arg1, %mul3A_28 : i32
      %mul3A_30 = arith.constant 1000 : i32
      %mul3A_31 = arith.muli %arg1, %mul3A_30 : i32
      %add3A_32 = arith.addi %mul3A_14, %mul3A_31 : i32
      "tpu.region"() ({
        %run_scoped3A = tpu.sem_alloc : memref<!tpu.dma_semaphore, #tpu.memory_space<semaphore_mem>>
        %dma_start3A = arith.constant 0 : i32
        %dma_start3A_33 = tpu.memref_slice %arg6[%add3A_32, %dma_start3A] : memref<160000x64xf32, #tpu.memory_space<hbm>> -> memref<1000x64xf32, #tpu.memory_space<hbm>>
        %dma_start3A_34 = arith.constant 0 : i32
        %dma_start3A_35 = tpu.memref_slice %arg15[%mul3A_29, %dma_start3A_34] : memref<16016x64xf32, #tpu.memory_space<vmem_shared>> -> memref<1000x64xf32, #tpu.memory_space<vmem_shared>>
        tpu.enqueue_dma source(%dma_start3A_35 : memref<1000x64xf32, #tpu.memory_space<vmem_shared>>) target(%dma_start3A_33 : memref<1000x64xf32, #tpu.memory_space<hbm>>) target_semaphore(%run_scoped3A : memref<!tpu.dma_semaphore, #tpu.memory_space<semaphore_mem>>)
        %dma_wait3A = arith.constant 0 : i32
        %dma_wait3A_36 = tpu.memref_slice %arg6[%add3A_32, %dma_wait3A] : memref<160000x64xf32, #tpu.memory_space<hbm>> -> memref<1000x64xf32, #tpu.memory_space<hbm>>
        %dma_wait3A_37 = arith.constant 0 : i32
        %dma_wait3A_38 = tpu.memref_slice %arg15[%mul3A_29, %dma_wait3A_37] : memref<16016x64xf32, #tpu.memory_space<vmem_shared>> -> memref<1000x64xf32, #tpu.memory_space<vmem_shared>>
        tpu.wait_dma2 semaphore(%run_scoped3A : memref<!tpu.dma_semaphore, #tpu.memory_space<semaphore_mem>>) src(%dma_wait3A_38 : memref<1000x64xf32, #tpu.memory_space<vmem_shared>>) dst(%dma_wait3A_36 : memref<1000x64xf32, #tpu.memory_space<hbm>>)
        tpu.yield
      }) : () -> ()
    }
    %scan3A_10 = arith.constant 5 : i32
    return
  }
}

module attributes {stable_mosaic.version = 14 : i64} {
  func.func @_sbf_body(%arg0: i32, %arg1: memref<42x5120xf32, #tpu.memory_space<vmem>>, %arg2: memref<42x64xf32, #tpu.memory_space<vmem>>, %arg3: memref<5120x64xf32, #tpu.memory_space<vmem>>) attributes {dimension_semantics = [#tpu.dimension_semantics<arbitrary>], iteration_bounds = array<i64: 125>, scalar_prefetch = 0 : i64, scratch_operands = 0 : i64, tpu.core_type = #tpu.core_type<tc>, window_params = [{transform_indices = @transform_0, window_bounds = array<i64: 42, 5120>}, {pipeline_mode = #tpu.pipeline_mode<synchronous>, transform_indices = @transform_1, window_bounds = array<i64: 42, 64>}, {transform_indices = @transform_2, window_bounds = array<i64: 5120, 64>}]} {
    %get3A = arith.constant 0 : index
    %get3A_0 = arith.constant 0 : index
    %get3A_1 = vector.load %arg1[%get3A, %get3A_0] : memref<42x5120xf32, #tpu.memory_space<vmem>>, vector<42x5120xf32>
    %get3A_2 = arith.constant 0 : index
    %get3A_3 = arith.constant 0 : index
    %get3A_4 = vector.load %arg2[%get3A_2, %get3A_3] : memref<42x64xf32, #tpu.memory_space<vmem>>, vector<42x64xf32>
    %dot_general3A = arith.constant dense<0.000000e+00> : vector<5120x64xf32>
    %dot_general3A_5 = tpu.matmul %get3A_1, %get3A_4, %dot_general3A {dimension_numbers = #tpu.dot_dimension_numbers<[0], [0], [1], [1], [0, 1, 1, 1], [], []>, transpose_lhs_hint = false} : vector<42x5120xf32>, vector<42x64xf32>, vector<5120x64xf32> -> vector<5120x64xf32>
    %swap3A = arith.constant 0 : index
    %swap3A_6 = arith.constant 0 : index
    %swap3A_7 = vector.load %arg3[%swap3A, %swap3A_6] : memref<5120x64xf32, #tpu.memory_space<vmem>>, vector<5120x64xf32>
    tpu.vector_store %arg3[%swap3A, %swap3A_6], %dot_general3A_5 {strides = array<i32>} : memref<5120x64xf32, #tpu.memory_space<vmem>>, vector<5120x64xf32>,
    return
  }
  func.func @transform_0(%arg0: i32) -> (i32, i32) {
    %c0_i32 = arith.constant 0 : i32
    %c0_i32_0 = arith.constant 0 : i32
    return %c0_i32, %arg0 : i32, i32
  }
  func.func @transform_1(%arg0: i32) -> (i32, i32) {
    %c0_i32 = arith.constant 0 : i32
    %c0_i32_0 = arith.constant 0 : i32
    %c0_i32_1 = arith.constant 0 : i32
    return %c0_i32, %c0_i32_0 : i32, i32
  }
  func.func @transform_2(%arg0: i32) -> (i32, i32) {
    %c0_i32 = arith.constant 0 : i32
    %c0_i32_0 = arith.constant 0 : i32
    return %arg0, %c0_i32 : i32, i32
  }
}

module attributes {stable_mosaic.version = 14 : i64} {
  func.func @_edge_body(%arg0: i32, %arg1: memref<3200x128xf32, #tpu.memory_space<vmem>>, %arg2: memref<6x3200xf32, #tpu.memory_space<vmem>>, %arg3: memref<6x128xf32, #tpu.memory_space<vmem>>, %arg4: memref<128x128xf32, #tpu.memory_space<vmem>>, %arg5: memref<1x128xf32, #tpu.memory_space<vmem>>, %arg6: memref<128x64xf32, #tpu.memory_space<vmem>>, %arg7: memref<3200x64xf32, #tpu.memory_space<vmem>>) attributes {dimension_semantics = [#tpu.dimension_semantics<arbitrary>], iteration_bounds = array<i64: 50>, scalar_prefetch = 0 : i64, scratch_operands = 0 : i64, tpu.core_type = #tpu.core_type<tc>, window_params = [{transform_indices = @transform_0, window_bounds = array<i64: 3200, 128>}, {transform_indices = @transform_1, window_bounds = array<i64: 6, 3200>}, {pipeline_mode = #tpu.pipeline_mode<synchronous>, transform_indices = @transform_2, window_bounds = array<i64: 6, 128>}, {pipeline_mode = #tpu.pipeline_mode<synchronous>, transform_indices = @transform_3, window_bounds = array<i64: 128, 128>}, {pipeline_mode = #tpu.pipeline_mode<synchronous>, transform_indices = @transform_4, window_bounds = array<i64: 1, 128>}, {pipeline_mode = #tpu.pipeline_mode<synchronous>, transform_indices = @transform_5, window_bounds = array<i64: 128, 64>}, {transform_indices = @transform_6, window_bounds = array<i64: 3200, 64>}]} {
    %get3A = arith.constant 0 : index
    %get3A_0 = arith.constant 0 : index
    %get3A_1 = vector.load %arg1[%get3A, %get3A_0] : memref<3200x128xf32, #tpu.memory_space<vmem>>, vector<3200x128xf32>
    %get3A_2 = arith.constant 0 : index
    %get3A_3 = arith.constant 0 : index
    %get3A_4 = vector.load %arg4[%get3A_2, %get3A_3] : memref<128x128xf32, #tpu.memory_space<vmem>>, vector<128x128xf32>
    %dot_general3A = arith.constant dense<0.000000e+00> : vector<3200x128xf32>
    %dot_general3A_5 = tpu.matmul %get3A_1, %get3A_4, %dot_general3A {dimension_numbers = #tpu.dot_dimension_numbers<[1], [0], [0], [1], [0, 0, 1, 1], [], []>, transpose_lhs_hint = false} : vector<3200x128xf32>, vector<128x128xf32>, vector<3200x128xf32> -> vector<3200x128xf32>
    %get3A_6 = arith.constant 0 : index
    %get3A_7 = arith.constant 0 : index
    %get3A_8 = vector.load %arg5[%get3A_6, %get3A_7] : memref<1x128xf32, #tpu.memory_space<vmem>>, vector<1x128xf32>
    %add3A = vector.broadcast %get3A_8 : vector<1x128xf32> to vector<3200x128xf32>
    %add3A_9 = arith.addf %dot_general3A_5, %add3A : vector<3200x128xf32>
    %get3A_10 = arith.constant 0 : index
    %get3A_11 = arith.constant 0 : index
    %get3A_12 = vector.load %arg2[%get3A_10, %get3A_11] : memref<6x3200xf32, #tpu.memory_space<vmem>>, vector<6x3200xf32>
    %get3A_13 = arith.constant 0 : index
    %get3A_14 = arith.constant 0 : index
    %get3A_15 = vector.load %arg3[%get3A_13, %get3A_14] : memref<6x128xf32, #tpu.memory_space<vmem>>, vector<6x128xf32>
    %dot_general3A_16 = arith.constant dense<0.000000e+00> : vector<3200x128xf32>
    %dot_general3A_17 = tpu.matmul %get3A_12, %get3A_15, %dot_general3A_16 {dimension_numbers = #tpu.dot_dimension_numbers<[0], [0], [1], [1], [0, 1, 1, 1], [], []>, transpose_lhs_hint = false} : vector<6x3200xf32>, vector<6x128xf32>, vector<3200x128xf32> -> vector<3200x128xf32>
    %mul3A = arith.mulf %add3A_9, %dot_general3A_17 : vector<3200x128xf32>
    %get3A_18 = arith.constant 0 : index
    %get3A_19 = arith.constant 0 : index
    %get3A_20 = vector.load %arg6[%get3A_18, %get3A_19] : memref<128x64xf32, #tpu.memory_space<vmem>>, vector<128x64xf32>
    %dot_general3A_21 = arith.constant dense<0.000000e+00> : vector<3200x64xf32>
    %dot_general3A_22 = tpu.matmul %mul3A, %get3A_20, %dot_general3A_21 {dimension_numbers = #tpu.dot_dimension_numbers<[1], [0], [0], [1], [0, 0, 1, 1], [], []>, transpose_lhs_hint = false} : vector<3200x128xf32>, vector<128x64xf32>, vector<3200x64xf32> -> vector<3200x64xf32>
    %swap3A = arith.constant 0 : index
    %swap3A_23 = arith.constant 0 : index
    %swap3A_24 = vector.load %arg7[%swap3A, %swap3A_23] : memref<3200x64xf32, #tpu.memory_space<vmem>>, vector<3200x64xf32>
    tpu.vector_store %arg7[%swap3A, %swap3A_23], %dot_general3A_22 {strides = array<i32>} : memref<3200x64xf32, #tpu.memory_space<vmem>>, vector<3200x64xf32>,
    return
  }
  func.func @transform_0(%arg0: i32) -> (i32, i32) {
    %c0_i32 = arith.constant 0 : i32
    %c0_i32_0 = arith.constant 0 : i32
    return %arg0, %c0_i32 : i32, i32
  }
  func.func @transform_1(%arg0: i32) -> (i32, i32) {
    %c0_i32 = arith.constant 0 : i32
    %c0_i32_0 = arith.constant 0 : i32
    return %c0_i32, %arg0 : i32, i32
  }
  func.func @transform_2(%arg0: i32) -> (i32, i32) {
    %c0_i32 = arith.constant 0 : i32
    %c0_i32_0 = arith.constant 0 : i32
    %c0_i32_1 = arith.constant 0 : i32
    return %c0_i32, %c0_i32_0 : i32, i32
  }
  func.func @transform_3(%arg0: i32) -> (i32, i32) {
    %c0_i32 = arith.constant 0 : i32
    %c0_i32_0 = arith.constant 0 : i32
    %c0_i32_1 = arith.constant 0 : i32
    return %c0_i32, %c0_i32_0 : i32, i32
  }
  func.func @transform_4(%arg0: i32) -> (i32, i32) {
    %c0_i32 = arith.constant 0 : i32
    %c0_i32_0 = arith.constant 0 : i32
    %c0_i32_1 = arith.constant 0 : i32
    return %c0_i32, %c0_i32_0 : i32, i32
  }
  func.func @transform_5(%arg0: i32) -> (i32, i32) {
    %c0_i32 = arith.constant 0 : i32
    %c0_i32_0 = arith.constant 0 : i32
    %c0_i32_1 = arith.constant 0 : i32
    return %c0_i32, %c0_i32_0 : i32, i32
  }
  func.func @transform_6(%arg0: i32) -> (i32, i32) {
    %c0_i32 = arith.constant 0 : i32
    %c0_i32_0 = arith.constant 0 : i32
    return %arg0, %c0_i32 : i32, i32
  }
}

module attributes {stable_mosaic.version = 14 : i64} {
  func.func @_tail_body(%arg0: i32, %arg1: memref<3200x64xf32, #tpu.memory_space<vmem>>, %arg2: memref<3200x128xf32, #tpu.memory_space<vmem>>, %arg3: memref<128x128xf32, #tpu.memory_space<vmem>>, %arg4: memref<1x128xf32, #tpu.memory_space<vmem>>, %arg5: memref<64x128xf32, #tpu.memory_space<vmem>>, %arg6: memref<128x128xf32, #tpu.memory_space<vmem>>, %arg7: memref<1x128xf32, #tpu.memory_space<vmem>>, %arg8: memref<128x128xf32, #tpu.memory_space<vmem>>, %arg9: memref<1x128xf32, #tpu.memory_space<vmem>>, %arg10: memref<128x128xf32, #tpu.memory_space<vmem>>, %arg11: memref<1x128xf32, #tpu.memory_space<vmem>>, %arg12: memref<128x128xf32, #tpu.memory_space<vmem>>, %arg13: memref<1x128xf32, #tpu.memory_space<vmem>>, %arg14: memref<128x128xf32, #tpu.memory_space<vmem>>, %arg15: memref<1x128xf32, #tpu.memory_space<vmem>>, %arg16: memref<128x128xf32, #tpu.memory_space<vmem>>, %arg17: memref<1x128xf32, #tpu.memory_space<vmem>>, %arg18: memref<128x128xf32, #tpu.memory_space<vmem>>, %arg19: memref<1x128xf32, #tpu.memory_space<vmem>>, %arg20: memref<3200x128xf32, #tpu.memory_space<vmem>>) attributes {dimension_semantics = [#tpu.dimension_semantics<arbitrary>], iteration_bounds = array<i64: 50>, scalar_prefetch = 0 : i64, scratch_operands = 0 : i64, tpu.core_type = #tpu.core_type<tc>, window_params = [{transform_indices = @transform_0, window_bounds = array<i64: 3200, 64>}, {transform_indices = @transform_1, window_bounds = array<i64: 3200, 128>}, {pipeline_mode = #tpu.pipeline_mode<synchronous>, transform_indices = @transform_2, window_bounds = array<i64: 128, 128>}, {pipeline_mode = #tpu.pipeline_mode<synchronous>, transform_indices = @transform_3, window_bounds = array<i64: 1, 128>}, {pipeline_mode = #tpu.pipeline_mode<synchronous>, transform_indices = @transform_4, window_bounds = array<i64: 64, 128>}, {pipeline_mode = #tpu.pipeline_mode<synchronous>, transform_indices = @transform_5, window_bounds = array<i64: 128, 128>}, {pipeline_mode = #tpu.pipeline_mode<synchronous>, transform_indices = @transform_6, window_bounds = array<i64: 1, 128>}, {pipeline_mode = #tpu.pipeline_mode<synchronous>, transform_indices = @transform_7, window_bounds = array<i64: 128, 128>}, {pipeline_mode = #tpu.pipeline_mode<synchronous>, transform_indices = @transform_8, window_bounds = array<i64: 1, 128>}, {pipeline_mode = #tpu.pipeline_mode<synchronous>, transform_indices = @transform_9, window_bounds = array<i64: 128, 128>}, {pipeline_mode = #tpu.pipeline_mode<synchronous>, transform_indices = @transform_10, window_bounds = array<i64: 1, 128>}, {pipeline_mode = #tpu.pipeline_mode<synchronous>, transform_indices = @transform_11, window_bounds = array<i64: 128, 128>}, {pipeline_mode = #tpu.pipeline_mode<synchronous>, transform_indices = @transform_12, window_bounds = array<i64: 1, 128>}, {pipeline_mode = #tpu.pipeline_mode<synchronous>, transform_indices = @transform_13, window_bounds = array<i64: 128, 128>}, {pipeline_mode = #tpu.pipeline_mode<synchronous>, transform_indices = @transform_14, window_bounds = array<i64: 1, 128>}, {pipeline_mode = #tpu.pipeline_mode<synchronous>, transform_indices = @transform_15, window_bounds = array<i64: 128, 128>}, {pipeline_mode = #tpu.pipeline_mode<synchronous>, transform_indices = @transform_16, window_bounds = array<i64: 1, 128>}, {pipeline_mode = #tpu.pipeline_mode<synchronous>, transform_indices = @transform_17, window_bounds = array<i64: 128, 128>}, {pipeline_mode = #tpu.pipeline_mode<synchronous>, transform_indices = @transform_18, window_bounds = array<i64: 1, 128>}, {transform_indices = @transform_19, window_bounds = array<i64: 3200, 128>}]} {
    %get3A = arith.constant 0 : index
    %get3A_0 = arith.constant 0 : index
    %get3A_1 = vector.load %arg2[%get3A, %get3A_0] : memref<3200x128xf32, #tpu.memory_space<vmem>>, vector<3200x128xf32>
    %get3A_2 = arith.constant 0 : index
    %get3A_3 = arith.constant 0 : index
    %get3A_4 = vector.load %arg3[%get3A_2, %get3A_3] : memref<128x128xf32, #tpu.memory_space<vmem>>, vector<128x128xf32>
    %dot_general3A = arith.constant dense<0.000000e+00> : vector<3200x128xf32>
    %dot_general3A_5 = tpu.matmul %get3A_1, %get3A_4, %dot_general3A {dimension_numbers = #tpu.dot_dimension_numbers<[1], [0], [0], [1], [0, 0, 1, 1], [], []>, transpose_lhs_hint = false} : vector<3200x128xf32>, vector<128x128xf32>, vector<3200x128xf32> -> vector<3200x128xf32>
    %get3A_6 = arith.constant 0 : index
    %get3A_7 = arith.constant 0 : index
    %get3A_8 = vector.load %arg4[%get3A_6, %get3A_7] : memref<1x128xf32, #tpu.memory_space<vmem>>, vector<1x128xf32>
    %add3A = vector.broadcast %get3A_8 : vector<1x128xf32> to vector<3200x128xf32>
    %add3A_9 = arith.addf %dot_general3A_5, %add3A : vector<3200x128xf32>
    %get3A_10 = arith.constant 0 : index
    %get3A_11 = arith.constant 0 : index
    %get3A_12 = vector.load %arg1[%get3A_10, %get3A_11] : memref<3200x64xf32, #tpu.memory_space<vmem>>, vector<3200x64xf32>
    %get3A_13 = arith.constant 0 : index
    %get3A_14 = arith.constant 0 : index
    %get3A_15 = vector.load %arg5[%get3A_13, %get3A_14] : memref<64x128xf32, #tpu.memory_space<vmem>>, vector<64x128xf32>
    %dot_general3A_16 = arith.constant dense<0.000000e+00> : vector<3200x128xf32>
    %dot_general3A_17 = tpu.matmul %get3A_12, %get3A_15, %dot_general3A_16 {dimension_numbers = #tpu.dot_dimension_numbers<[1], [0], [0], [1], [0, 0, 1, 1], [], []>, transpose_lhs_hint = false} : vector<3200x64xf32>, vector<64x128xf32>, vector<3200x128xf32> -> vector<3200x128xf32>
    %add3A_18 = arith.addf %dot_general3A_17, %add3A_9 : vector<3200x128xf32>
    %get3A_19 = arith.constant 0 : index
    %get3A_20 = arith.constant 0 : index
    %get3A_21 = vector.load %arg6[%get3A_19, %get3A_20] : memref<128x128xf32, #tpu.memory_space<vmem>>, vector<128x128xf32>
    %dot_general3A_22 = arith.constant dense<0.000000e+00> : vector<3200x128xf32>
    %dot_general3A_23 = tpu.matmul %add3A_18, %get3A_21, %dot_general3A_22 {dimension_numbers = #tpu.dot_dimension_numbers<[1], [0], [0], [1], [0, 0, 1, 1], [], []>, transpose_lhs_hint = false} : vector<3200x128xf32>, vector<128x128xf32>, vector<3200x128xf32> -> vector<3200x128xf32>
    %get3A_24 = arith.constant 0 : index
    %get3A_25 = arith.constant 0 : index
    %get3A_26 = vector.load %arg7[%get3A_24, %get3A_25] : memref<1x128xf32, #tpu.memory_space<vmem>>, vector<1x128xf32>
    %add3A_27 = vector.broadcast %get3A_26 : vector<1x128xf32> to vector<3200x128xf32>
    %add3A_28 = arith.addf %dot_general3A_23, %add3A_27 : vector<3200x128xf32>
    %get3A_29 = arith.constant 0 : index
    %get3A_30 = arith.constant 0 : index
    %get3A_31 = vector.load %arg8[%get3A_29, %get3A_30] : memref<128x128xf32, #tpu.memory_space<vmem>>, vector<128x128xf32>
    %dot_general3A_32 = arith.constant dense<0.000000e+00> : vector<3200x128xf32>
    %dot_general3A_33 = tpu.matmul %add3A_28, %get3A_31, %dot_general3A_32 {dimension_numbers = #tpu.dot_dimension_numbers<[1], [0], [0], [1], [0, 0, 1, 1], [], []>, transpose_lhs_hint = false} : vector<3200x128xf32>, vector<128x128xf32>, vector<3200x128xf32> -> vector<3200x128xf32>
    %add3A_34 = arith.addf %add3A_18, %dot_general3A_33 : vector<3200x128xf32>
    %get3A_35 = arith.constant 0 : index
    %get3A_36 = arith.constant 0 : index
    %get3A_37 = vector.load %arg9[%get3A_35, %get3A_36] : memref<1x128xf32, #tpu.memory_space<vmem>>, vector<1x128xf32>
    %add3A_38 = vector.broadcast %get3A_37 : vector<1x128xf32> to vector<3200x128xf32>
    %add3A_39 = arith.addf %add3A_34, %add3A_38 : vector<3200x128xf32>
    %get3A_40 = arith.constant 0 : index
    %get3A_41 = arith.constant 0 : index
    %get3A_42 = vector.load %arg10[%get3A_40, %get3A_41] : memref<128x128xf32, #tpu.memory_space<vmem>>, vector<128x128xf32>
    %dot_general3A_43 = arith.constant dense<0.000000e+00> : vector<3200x128xf32>
    %dot_general3A_44 = tpu.matmul %add3A_39, %get3A_42, %dot_general3A_43 {dimension_numbers = #tpu.dot_dimension_numbers<[1], [0], [0], [1], [0, 0, 1, 1], [], []>, transpose_lhs_hint = false} : vector<3200x128xf32>, vector<128x128xf32>, vector<3200x128xf32> -> vector<3200x128xf32>
    %get3A_45 = arith.constant 0 : index
    %get3A_46 = arith.constant 0 : index
    %get3A_47 = vector.load %arg11[%get3A_45, %get3A_46] : memref<1x128xf32, #tpu.memory_space<vmem>>, vector<1x128xf32>
    %add3A_48 = vector.broadcast %get3A_47 : vector<1x128xf32> to vector<3200x128xf32>
    %add3A_49 = arith.addf %dot_general3A_44, %add3A_48 : vector<3200x128xf32>
    %get3A_50 = arith.constant 0 : index
    %get3A_51 = arith.constant 0 : index
    %get3A_52 = vector.load %arg2[%get3A_50, %get3A_51] : memref<3200x128xf32, #tpu.memory_space<vmem>>, vector<3200x128xf32>
    %add3A_53 = arith.addf %get3A_52, %add3A_49 : vector<3200x128xf32>
    %get3A_54 = arith.constant 0 : index
    %get3A_55 = arith.constant 0 : index
    %get3A_56 = vector.load %arg12[%get3A_54, %get3A_55] : memref<128x128xf32, #tpu.memory_space<vmem>>, vector<128x128xf32>
    %dot_general3A_57 = arith.constant dense<0.000000e+00> : vector<3200x128xf32>
    %dot_general3A_58 = tpu.matmul %add3A_53, %get3A_56, %dot_general3A_57 {dimension_numbers = #tpu.dot_dimension_numbers<[1], [0], [0], [1], [0, 0, 1, 1], [], []>, transpose_lhs_hint = false} : vector<3200x128xf32>, vector<128x128xf32>, vector<3200x128xf32> -> vector<3200x128xf32>
    %get3A_59 = arith.constant 0 : index
    %get3A_60 = arith.constant 0 : index
    %get3A_61 = vector.load %arg13[%get3A_59, %get3A_60] : memref<1x128xf32, #tpu.memory_space<vmem>>, vector<1x128xf32>
    %add3A_62 = vector.broadcast %get3A_61 : vector<1x128xf32> to vector<3200x128xf32>
    %add3A_63 = arith.addf %dot_general3A_58, %add3A_62 : vector<3200x128xf32>
    %get3A_64 = arith.constant 0 : index
    %get3A_65 = arith.constant 0 : index
    %get3A_66 = vector.load %arg14[%get3A_64, %get3A_65] : memref<128x128xf32, #tpu.memory_space<vmem>>, vector<128x128xf32>
    %dot_general3A_67 = arith.constant dense<0.000000e+00> : vector<3200x128xf32>
    %dot_general3A_68 = tpu.matmul %add3A_63, %get3A_66, %dot_general3A_67 {dimension_numbers = #tpu.dot_dimension_numbers<[1], [0], [0], [1], [0, 0, 1, 1], [], []>, transpose_lhs_hint = false} : vector<3200x128xf32>, vector<128x128xf32>, vector<3200x128xf32> -> vector<3200x128xf32>
    %add3A_69 = arith.addf %add3A_53, %dot_general3A_68 : vector<3200x128xf32>
    %get3A_70 = arith.constant 0 : index
    %get3A_71 = arith.constant 0 : index
    %get3A_72 = vector.load %arg15[%get3A_70, %get3A_71] : memref<1x128xf32, #tpu.memory_space<vmem>>, vector<1x128xf32>
    %add3A_73 = vector.broadcast %get3A_72 : vector<1x128xf32> to vector<3200x128xf32>
    %add3A_74 = arith.addf %add3A_69, %add3A_73 : vector<3200x128xf32>
    %get3A_75 = arith.constant 0 : index
    %get3A_76 = arith.constant 0 : index
    %get3A_77 = vector.load %arg16[%get3A_75, %get3A_76] : memref<128x128xf32, #tpu.memory_space<vmem>>, vector<128x128xf32>
    %dot_general3A_78 = arith.constant dense<0.000000e+00> : vector<3200x128xf32>
    %dot_general3A_79 = tpu.matmul %add3A_74, %get3A_77, %dot_general3A_78 {dimension_numbers = #tpu.dot_dimension_numbers<[1], [0], [0], [1], [0, 0, 1, 1], [], []>, transpose_lhs_hint = false} : vector<3200x128xf32>, vector<128x128xf32>, vector<3200x128xf32> -> vector<3200x128xf32>
    %get3A_80 = arith.constant 0 : index
    %get3A_81 = arith.constant 0 : index
    %get3A_82 = vector.load %arg17[%get3A_80, %get3A_81] : memref<1x128xf32, #tpu.memory_space<vmem>>, vector<1x128xf32>
    %add3A_83 = vector.broadcast %get3A_82 : vector<1x128xf32> to vector<3200x128xf32>
    %add3A_84 = arith.addf %dot_general3A_79, %add3A_83 : vector<3200x128xf32>
    %get3A_85 = arith.constant 0 : index
    %get3A_86 = arith.constant 0 : index
    %get3A_87 = vector.load %arg18[%get3A_85, %get3A_86] : memref<128x128xf32, #tpu.memory_space<vmem>>, vector<128x128xf32>
    %dot_general3A_88 = arith.constant dense<0.000000e+00> : vector<3200x128xf32>
    %dot_general3A_89 = tpu.matmul %add3A_84, %get3A_87, %dot_general3A_88 {dimension_numbers = #tpu.dot_dimension_numbers<[1], [0], [0], [1], [0, 0, 1, 1], [], []>, transpose_lhs_hint = false} : vector<3200x128xf32>, vector<128x128xf32>, vector<3200x128xf32> -> vector<3200x128xf32>
    %add3A_90 = arith.addf %add3A_74, %dot_general3A_89 : vector<3200x128xf32>
    %get3A_91 = arith.constant 0 : index
    %get3A_92 = arith.constant 0 : index
    %get3A_93 = vector.load %arg19[%get3A_91, %get3A_92] : memref<1x128xf32, #tpu.memory_space<vmem>>, vector<1x128xf32>
    %add3A_94 = vector.broadcast %get3A_93 : vector<1x128xf32> to vector<3200x128xf32>
    %add3A_95 = arith.addf %add3A_90, %add3A_94 : vector<3200x128xf32>
    %swap3A = arith.constant 0 : index
    %swap3A_96 = arith.constant 0 : index
    %swap3A_97 = vector.load %arg20[%swap3A, %swap3A_96] : memref<3200x128xf32, #tpu.memory_space<vmem>>, vector<3200x128xf32>
    tpu.vector_store %arg20[%swap3A, %swap3A_96], %add3A_95 {strides = array<i32>} : memref<3200x128xf32, #tpu.memory_space<vmem>>, vector<3200x128xf32>,
    return
  }
  func.func @transform_0(%arg0: i32) -> (i32, i32) {
    %c0_i32 = arith.constant 0 : i32
    %c0_i32_0 = arith.constant 0 : i32
    return %arg0, %c0_i32 : i32, i32
  }
  func.func @transform_1(%arg0: i32) -> (i32, i32) {
    %c0_i32 = arith.constant 0 : i32
    %c0_i32_0 = arith.constant 0 : i32
    return %arg0, %c0_i32 : i32, i32
  }
  func.func @transform_2(%arg0: i32) -> (i32, i32) {
    %c0_i32 = arith.constant 0 : i32
    %c0_i32_0 = arith.constant 0 : i32
    %c0_i32_1 = arith.constant 0 : i32
    return %c0_i32, %c0_i32_0 : i32, i32
  }
  func.func @transform_3(%arg0: i32) -> (i32, i32) {
    %c0_i32 = arith.constant 0 : i32
    %c0_i32_0 = arith.constant 0 : i32
    %c0_i32_1 = arith.constant 0 : i32
    return %c0_i32, %c0_i32_0 : i32, i32
  }
  func.func @transform_4(%arg0: i32) -> (i32, i32) {
    %c0_i32 = arith.constant 0 : i32
    %c0_i32_0 = arith.constant 0 : i32
    %c0_i32_1 = arith.constant 0 : i32
    return %c0_i32, %c0_i32_0 : i32, i32
  }
  func.func @transform_5(%arg0: i32) -> (i32, i32) {
    %c0_i32 = arith.constant 0 : i32
    %c0_i32_0 = arith.constant 0 : i32
    %c0_i32_1 = arith.constant 0 : i32
    return %c0_i32, %c0_i32_0 : i32, i32
  }
  func.func @transform_6(%arg0: i32) -> (i32, i32) {
    %c0_i32 = arith.constant 0 : i32
    %c0_i32_0 = arith.constant 0 : i32
    %c0_i32_1 = arith.constant 0 : i32
    return %c0_i32, %c0_i32_0 : i32, i32
  }
  func.func @transform_7(%arg0: i32) -> (i32, i32) {
    %c0_i32 = arith.constant 0 : i32
    %c0_i32_0 = arith.constant 0 : i32
    %c0_i32_1 = arith.constant 0 : i32
    return %c0_i32, %c0_i32_0 : i32, i32
  }
  func.func @transform_8(%arg0: i32) -> (i32, i32) {
    %c0_i32 = arith.constant 0 : i32
    %c0_i32_0 = arith.constant 0 : i32
    %c0_i32_1 = arith.constant 0 : i32
    return %c0_i32, %c0_i32_0 : i32, i32
  }
  func.func @transform_9(%arg0: i32) -> (i32, i32) {
    %c0_i32 = arith.constant 0 : i32
    %c0_i32_0 = arith.constant 0 : i32
    %c0_i32_1 = arith.constant 0 : i32
    return %c0_i32, %c0_i32_0 : i32, i32
  }
  func.func @transform_10(%arg0: i32) -> (i32, i32) {
    %c0_i32 = arith.constant 0 : i32
    %c0_i32_0 = arith.constant 0 : i32
    %c0_i32_1 = arith.constant 0 : i32
    return %c0_i32, %c0_i32_0 : i32, i32
  }
  func.func @transform_11(%arg0: i32) -> (i32, i32) {
    %c0_i32 = arith.constant 0 : i32
    %c0_i32_0 = arith.constant 0 : i32
    %c0_i32_1 = arith.constant 0 : i32
    return %c0_i32, %c0_i32_0 : i32, i32
  }
  func.func @transform_12(%arg0: i32) -> (i32, i32) {
    %c0_i32 = arith.constant 0 : i32
    %c0_i32_0 = arith.constant 0 : i32
    %c0_i32_1 = arith.constant 0 : i32
    return %c0_i32, %c0_i32_0 : i32, i32
  }
  func.func @transform_13(%arg0: i32) -> (i32, i32) {
    %c0_i32 = arith.constant 0 : i32
    %c0_i32_0 = arith.constant 0 : i32
    %c0_i32_1 = arith.constant 0 : i32
    return %c0_i32, %c0_i32_0 : i32, i32
  }
  func.func @transform_14(%arg0: i32) -> (i32, i32) {
    %c0_i32 = arith.constant 0 : i32
    %c0_i32_0 = arith.constant 0 : i32
    %c0_i32_1 = arith.constant 0 : i32
    return %c0_i32, %c0_i32_0 : i32, i32
  }
  func.func @transform_15(%arg0: i32) -> (i32, i32) {
    %c0_i32 = arith.constant 0 : i32
    %c0_i32_0 = arith.constant 0 : i32
    %c0_i32_1 = arith.constant 0 : i32
    return %c0_i32, %c0_i32_0 : i32, i32
  }
  func.func @transform_16(%arg0: i32) -> (i32, i32) {
    %c0_i32 = arith.constant 0 : i32
    %c0_i32_0 = arith.constant 0 : i32
    %c0_i32_1 = arith.constant 0 : i32
    return %c0_i32, %c0_i32_0 : i32, i32
  }
  func.func @transform_17(%arg0: i32) -> (i32, i32) {
    %c0_i32 = arith.constant 0 : i32
    %c0_i32_0 = arith.constant 0 : i32
    %c0_i32_1 = arith.constant 0 : i32
    return %c0_i32, %c0_i32_0 : i32, i32
  }
  func.func @transform_18(%arg0: i32) -> (i32, i32) {
    %c0_i32 = arith.constant 0 : i32
    %c0_i32_0 = arith.constant 0 : i32
    %c0_i32_1 = arith.constant 0 : i32
    return %c0_i32, %c0_i32_0 : i32, i32
  }
  func.func @transform_19(%arg0: i32) -> (i32, i32) {
    %c0_i32 = arith.constant 0 : i32
    %c0_i32_0 = arith.constant 0 : i32
    return %arg0, %c0_i32 : i32, i32
  }
}

</mosaic_0001>

<sc_bundles>
// kernel: kernel.6.cloned.1.call-start
scs
__scs_entry_jumppad:
0x0: {  	(pc) =	sbr.rel $0x88, $3  }
0x1: {  	(tag) =	ssettag $0x0;
	lr =	simm.s32 $0x1  }
0x2: {  	[smem:$0x3F85] =	sst lr;
	_ =	strace $0xD0000000  }
0x3: {  	_ = 	snop  }
0x4: {  	_ = 	snop  }
0x5: {  	_ = 	snop  }
0x6: {  	_ = 	snop  }
0x7: {  	_ = 	snop  }
__scs_overlays_trampoline_lowered:
0x8: {  	[smem:$0x3F94] =	sst s0  }
0x9: {  	[smem:$0x3F95] =	sst s1  }
0xa: {  	[smem:$0x3F96] =	sst s2  }
0xb: {  	[smem:$0x3F97] =	sst s3  }
0xc: {  	[smem:$0x3F98] =	sst s4  }
0xd: {  	[smem:$0x3F99] =	sst s5  }
0xe: {  	[smem:$0x3F9A] =	sst s6  }
0xf: {  	[smem:$0x3F9B] =	sst s7  }
0x10: {  	[smem:$0x3F9C] =	sst s8  }
0x11: {  	[smem:$0x3F9D] =	sst s9;
	s0 =	simm.s32 @!p0 $0x0  }
0x12: {  	s1 =	sld [smem:$0x3F83];
	s0 =	simm.s32 @p0 $0x1  }
0x13: {  	[smem:$0x3F9E] =	sst s0;
	s0 =	simm.s32 @!p1 $0x0  }
0x14: {  	s2 =	sld [smem:$0x3F82];
	s0 =	simm.s32 @p1 $0x1  }
0x15: {  	[smem:$0x3F9F] =	sst s0;
	s0 =	simm.s32 @!p2 $0x0  }
0x16: {  	s3 =	sld [smem:$0x3FDB];
	s0 =	simm.s32 @p2 $0x1  }
0x17: {  	s4 =	simm.s32 $0x1BF5;
	[smem:$0x3FA1] =	sst s0  }
0x18: {  	s0 =	sld [smem:$0x3F84];
	_ =	swait.ge [sflag:s4], $0x0  }
0x19: {  	s7 =	sld [smem:$0x3F85]  }
0x1a: {  	s8 =	sadd.s32 $0xFFFFE003, lr  }
0x1b: {  	s9 =	sadd.s32 $0xFFFFFEF7, lr;
	s5 =	simm.s32 $0xFFFFFFFF;
	p2 =	slt.u32 s8, $0xFFFFF086  }
0x1c: {  	p1 =	slt.u32 s9, $0xF7A;
	s5 =	simm.s32 @!p2 $0x0  }
0x1d: {  	s5 =	simm.s32 @p1 $0x1;
	p0 =	seq.s32 s7, s2  }
0x1e: {  	s7 =	smul.u32 @!p0 $0xF7A, s2;
	p2 =	seq.s32 @!p0 s5, $0x0  }
0x1f: {  	s9 =	smul.u32 $0xF7A, s1;
	s8 =	simm.s32 @!p0 $0x1BF5;
	p2 =	por !p2, p0  }
0x20: {  	[sflag:s8] =	ssyncset.s32 @!p0 $0xFFFFF086;
	s6 =	sadd.s32 @!p0 s3, s7;
	s7 =	simm.s32 @!p0 $0x108  }
0x21: {  	s3 =	sadd.s32 s3, s9;
	s6 =	sadd.s32 @!p0 $0x88, s6;
	s7 =	simm.s32 @p2 $0x1082  }
0x22: {  	[simem:s7], [sflag:s8] =	dma.local @!p0 [hbm:s6], $0xF7A  }
0x23: {  	s9 =	sor.u32 $0xD0000000, s2;
	s6 =	simm.s32 $0x108;
	_ =	swait.ge @!p0 [sflag:s8], $0x0  }
0x24: {  	s3 =	sadd.s32 $0x88, s3;
	s6 =	simm.s32 @!p1 $0x1082;
	[sflag:s4] =	ssyncset.s32 $0xFFFFF086  }
0x25: {  	[simem:s6], [sflag:s4] =	dma.local [hbm:s3], $0xF7A  }
0x26: {  	[smem:$0x3F85] =	sst s1;
	(tag) =	ssettag s2;
	_ =	strace s9  }
0x27: {  	s1 =	sld [smem:$0x3F95]  }
0x28: {  	s2 =	sld [smem:$0x3F96]  }
0x29: {  	s4 =	sld [smem:$0x3F98]  }
0x2a: {  	p0 =	seq.s32 s5, $0x0;
	s5 =	sld [smem:$0x3F99]  }
0x2b: {  	s6 =	sld [smem:$0x3F9A]  }
0x2c: {  	s7 =	sld [smem:$0x3F9B]  }
0x2d: {  	s3 =	simm.s32 $0x108;
	s8 =	sld [smem:$0x3F9C]  }
0x2e: {  	s3 =	simm.s32 @!p0 $0x1082;
	s9 =	sld [smem:$0x3F9D]  }
0x2f: {  	lr =	sadd.s32 s0, s3;
	s0 =	sld [smem:$0x3F94]  }
0x30: {  	s3 =	sld [smem:$0x3F97]  }
0x31: {  	[smem:$0x3FA0] =	sst s10  }
0x32: {  	s10 =	sld [smem:$0x3F9E];
	_ =	sdelay $0x3  }
0x33: {  	p0 =	seq.s32 s10, $0x1;
	s10 =	sld [smem:$0x3FA0];
	_ =	sdelay $0x3  }
0x34: {  	[smem:$0x3FA0] =	sst s10  }
0x35: {  	s10 =	sld [smem:$0x3F9F];
	_ =	sdelay $0x3  }
0x36: {  	p1 =	seq.s32 s10, $0x1;
	s10 =	sld [smem:$0x3FA0];
	_ =	sdelay $0x3  }
0x37: {  	[smem:$0x3FA0] =	sst s10  }
0x38: {  	s10 =	sld [smem:$0x3FA1]  }
0x39: {  	_ = 	snop;
	(pc) =	sbr.ind lr, $3  }
0x3a: {  	_ = 	snop  }
0x3b: {  	_ = 	snop  }
0x3c: {  	p2 =	seq.s32 s10, $0x1;
	s10 =	sld [smem:$0x3FA0]  }
0x3d: {  	_ =	shalt  }
0x3e: {  	_ =	shalt  }
0x3f: {  	_ =	shalt  }
0x40: {  	_ =	shalt  }
0x41: {  	_ =	shalt  }
0x42: {  	_ =	shalt  }
0x43: {  	_ =	shalt  }
0x44: {  	_ =	shalt  }
0x45: {  	_ =	shalt  }
0x46: {  	_ =	shalt  }
0x47: {  	_ =	shalt  }
0x48: {  	_ =	shalt  }
0x49: {  	_ =	shalt  }
0x4a: {  	_ =	shalt  }
0x4b: {  	_ =	shalt  }
0x4c: {  	_ =	shalt  }
0x4d: {  	_ =	shalt  }
0x4e: {  	_ =	shalt  }
0x4f: {  	_ =	shalt  }
0x50: {  	_ =	shalt  }
0x51: {  	_ =	shalt  }
0x52: {  	_ =	shalt  }
0x53: {  	_ =	shalt  }
0x54: {  	_ =	shalt  }
0x55: {  	_ =	shalt  }
0x56: {  	_ =	shalt  }
0x57: {  	_ =	shalt  }
0x58: {  	_ =	shalt  }
0x59: {  	_ =	shalt  }
0x5a: {  	_ =	shalt  }
0x5b: {  	_ =	shalt  }
0x5c: {  	_ =	shalt  }
0x5d: {  	_ =	shalt  }
0x5e: {  	_ =	shalt  }
0x5f: {  	_ =	shalt  }
0x60: {  	_ =	shalt  }
0x61: {  	_ =	shalt  }
0x62: {  	_ =	shalt  }
0x63: {  	_ =	shalt  }
0x64: {  	_ =	shalt  }
0x65: {  	_ =	shalt  }
0x66: {  	_ =	shalt  }
0x67: {  	_ =	shalt  }
0x68: {  	_ =	shalt  }
0x69: {  	_ =	shalt  }
0x6a: {  	_ =	shalt  }
0x6b: {  	_ =	shalt  }
0x6c: {  	_ =	shalt  }
0x6d: {  	_ =	shalt  }
0x6e: {  	_ =	shalt  }
0x6f: {  	_ =	shalt  }
0x70: {  	_ =	shalt  }
0x71: {  	_ =	shalt  }
0x72: {  	_ =	shalt  }
0x73: {  	_ =	shalt  }
0x74: {  	_ =	shalt  }
0x75: {  	_ =	shalt  }
0x76: {  	_ =	shalt  }
0x77: {  	_ =	shalt  }
0x78: {  	_ =	shalt  }
0x79: {  	_ =	shalt  }
0x7a: {  	_ =	shalt  }
0x7b: {  	_ =	shalt  }
0x7c: {  	_ =	shalt  }
0x7d: {  	_ =	shalt  }
0x7e: {  	_ =	shalt  }
0x7f: {  	_ =	shalt  }
0x80: {  	_ =	shalt  }
0x81: {  	_ =	shalt  }
0x82: {  	_ =	shalt  }
0x83: {  	_ =	shalt  }
0x84: {  	_ =	shalt  }
0x85: {  	_ =	shalt  }
0x86: {  	_ =	shalt  }
0x87: {  	_ =	shalt  }
.Lfunc_end0:
.L_simem_size_0:
called_computation_lowered:
.L_overlay_start_0:
0x88: {  	s2 =	sld [smem:$0x3FD9]  }
0x89: {  	s3 =	sld [smem:$0x3FFE];
	_ =	sdelay $0x1  }
0x8a: {  	s1 =	srdreg.scid  }
0x8b: {  	s0 =	sand.u32 $0x1, s1  }
0x8c: {  	s17 =	sshll.u32 s0, $0xA;
	s2 =	sadd.s32 s3, s2  }
0x8d: {  	s2 =	sadd.s32 s2, s17  }
0x8e: {  	[smem:$0x3FAC] =	sst s2  }
0x8f: {  	_ = 	snop  }
0x90: {  	s2 =	sld [smem:$0x3FD0];
	(tm) =	ssettm $0x1  }
0x91: {  	s18 =	sld [smem:$0x3FFB];
	_ =	sdelay $0x3  }
0x92: {  	_ =	strace s18  }
0x93: {  	s3 =	sld [smem:$0x3FFC];
	_ =	sdelay $0x3  }
0x94: {  	_ =	strace s3  }
0x95: {  	s3 =	sld [smem:$0x3FFD];
	_ =	sdelay $0x3  }
0x96: {  	_ =	strace s3  }
0x97: {  	_ =	strace $0x8FFFFFFF  }
0x98: {  	s19 =	sld [smem:$0x3FDB];
	_ =	sdelay $0x1  }
0x99: {  	s4 =	simm.s32 $_scs_section_size  }
0x9a: {  	s5 =	simm.s32 $_size__tile_overlayer_lowered;
	s6 =	simm.s32 $_tile_overlayer_lowered  }
0x9b: {  	s22 =	simm.s32 $0x1BFF;
	s21 =	sshll.u32 s6, $0x1;
	s3 =	sadd.s32 s4, s19  }
0x9c: {  	s7 =	simm.s32 $0x0;
	s20 =	sshll.u32 s5, $0x1;
	s5 =	sadd.s32 s21, s3  }
0x9d: {  	[timem:s7], [sflag:s22] =	dma.local [hbm:s5], s20  }
0x9e: {  	_ =	swait.ge [sflag:s22], s20  }
0x9f: {  	s4 =	ssub.s32 $0x0, s20;
	[sflag:s22] =	ssyncset.done $0x0  }
0xa0: {  	[sflag:s22] =	ssyncadd.s32 s4;
	_ =	sdelay $0x1  }
0xa1: {  	s23 =	simm.s32 $0x1B8B  }
0xa2: {  	_ =	swait.ge [sflag:s23], $0x1  }
0xa3: {  	[sflag:s23] =	ssyncset.done $0x0  }
0xa4: {  	s25 =	simm.s32 $0x1B8E;
	s24 =	sld [smem:$0x3FFE];
	[sflag:s23] =	ssyncadd.s32 $0xFFFFFFFF  }
0xa5: {  	s26 =	simm.s32 $execute0_lowered;
	[smem:$0x3FD2] =	sst s25  }
0xa6: {  	s5 =	sshll.u32 s26, $0x1;
	_ =	strace $0x80000046;
	[dreg:$0x1] =	wrdreg $0xFFFFFFFF  }
0xa7: {  	s28 =	simm.s32 $_size_execute0_lowered;
	s3 =	sadd.s32 s3, s5;
	[dreg:$0x0] =	wrdreg $0x0  }
0xa8: {  	s5 =	sshll.u32 s28, $0x1;
	[dreg:$0x2] =	wrdreg s3  }
0xa9: {  	[dreg:$0x3] =	wrdreg s5  }
0xaa: {  	[dreg:$0x4] =	wrdreg $0xC0  }
0xab: {  	_ =	task [dreg:s7], $0x5FFFF  }
0xac: {  	[dreg:$0x1] =	wrdreg $0xFFFFFFFF  }
0xad: {  	[dreg:$0x0] =	wrdreg $0x60  }
0xae: {  	[dreg:$0x2] =	wrdreg s24  }
0xaf: {  	[dreg:$0x3] =	wrdreg s2  }
0xb0: {  	[dreg:$0x4] =	wrdreg $0xF9400  }
0xb1: {  	[dreg:$0x5] =	wrdreg $0x9  }
0xb2: {  	_ =	task.clear_ibuf [dreg:s7], $0x6FFFF;
	_ =	strace $0x90000046  }
0xb3: {  	s29 =	simm.s32 $0x9;
	_ =	strace $0x80000049  }
0xb4: {  	_ =	swait.ge [sflag:s29], $0x1  }
0xb5: {  	[sflag:s29] =	ssyncadd.s32 $0xFFFFFFFF  }
0xb6: {  	_ =	strace $0x90000049  }
0xb7: {  	_ =	sfence  }
0xb8: {  	s30 =	sld [smem:$0x0];
	_ =	sdelay $0x2  }
0xb9: {  	s31 =	sshll.u32 s1, $0xD;
	s1 =	sshrl.u32 s1, $0x2  }
0xba: {  	s3 =	sand.u32 $0x4000, s31;
	s1 =	sadd.s32 s1, s30  }
0xbb: {  	s0 =	sor.u32 s3, s0;
	s1 =	sshll.u32 s1, $0x11  }
0xbc: {  	s0 =	sor.u32 s1, s0  }
0xbd: {  	s0 =	sadd.s32 $0x8F2B, s0  }
0xbe: {  	[sflag:s0] =	ssyncadd.remote.s32 $0x1  }
0xbf: {  	_ =	sfence.sel $0xFFFF  }
0xc0: {  	[dreg:$0x0] =	wrdreg $0xFFFFFFFF;
	(pc) =	sbr.abs _section_cstart, $3  }
0xc1: {  	[dreg:$0x1] =	wrdreg $0xFFFFFFFF  }
0xc2: {  	_ =	task.clear_ibuf [dreg:s7], $0x2FFFF;
	_ =	strace $0x9FFFFFFF  }
0xc3: {  	(tm) =	ssettm $0x7FFFFFFF  }
tec
execute0_lowered:
.L_overlay_start_1:
0x0: {  	(tag) =	ssettag $0x1  }
0x1: {  	s0 =	rddreg [dreg:$0x0]  }
0x2: {  	s2 =	rddreg [dreg:$0x2];
	s1 =	simm.s32 $0x0;
	s21 =	srdreg.scid  }
0x3: {  	s4 =	stileid.u32;
	s15 =	simm.s32 $0xEF40;
	s16 =	simm.s32 $0xC  }
0x4: {  	s18 =	simm.s32 $0x1F40;
	s19 =	simm.s32 $0x2F40;
	s20 =	simm.s32 $0x3F40  }
0x5: {  	s29 =	simm.s32 $0xB;
	s30 =	simm.s32 $0x5;
	s31 =	simm.s32 $0x6  }
0x6: {  	s13 =	simm.s32 $0x7;
	s11 =	simm.s32 $0xA;
	[smem:$0x7FF] =	sst s1  }
0x7: {  	s5 =	sadd.s32 $0x2AC00, s0;
	s1 =	sand.u32 $0x1, s21;
	s23 =	smul.u32 $0x3E800, s4  }
0x8: {  	s6 =	sadd.s32 $0x9EEC00, s0;
	s22 =	sadd.s32 $0x17200, s0;
	s7 =	smul.u32 $0x9C40, s4  }
0x9: {  	s0 =	sadd.s32 $0x3800, s0;
	s25 =	smul.u32 $0x3E8, s4;
	s21 =	simm.s32 $0x1  }
0xa: {  	_ =	strace $0x80000047;
	s3 =	smul.u32 $0x5, s1;
	[dreg:$0x5] =	wrdreg s22  }
0xb: {  	s1 =	ssub.s32 $0x2, s1;
	[dreg:$0x6] =	wrdreg s0;
	s22 =	simm.s32 $0x2  }
0xc: {  	s24 =	sshrl.u32 s1, $0x1;
	[dreg:$0x8] =	wrdreg s25;
	s26 =	sshrl.u32 s23, $0x2  }
.Ltmp0:
0xd: {  	[dreg:$0x7] =	wrdreg s7;
	s28 =	sadd.s32 $0xF80, s7;
	(pc) =	sbr.rel .LBB2_1-.Ltmp0, $4  }
0xe: {  	s23 =	simm.s32 $0x40;
	s25 =	simm.s32 $0x3;
	s7 =	simm.s32 $0x9  }
0xf: {  	v0 =	vimm.f32 $0.0e+00;
	[dreg:$0x4] =	wrdreg s3;
	s0 =	ssub.s32 s1, s24;
	s12 =	sadd.s32 s26, s2  }
0x10: {  	v1 =	vimm.s32 $0x0;
	v2 =	vlaneseq.u32;
	v3 =	vimm.s32 $0x3E80;
	[dreg:$0xa] =	wrdreg s28;
	s26 =	simm.s32 $0x4;
	s0 =	smax.u32 s0, $0x1  }
0x11: {  	v4 =	vor.u32 $0x10, v2;
	v5 =	vor.u32 $0x20, v2;
	v6 =	vor.u32 $0x30, v2;
	s1 =	simm.s32 $0x8;
	s3 =	simm.s32 $0x0;
	[dreg:$0x9] =	wrdreg s0  }
.LBB2_35:
0x12: {  	s3 =	rddreg [dreg:$0xb]  }
0x13: {  	s0 =	rddreg [dreg:$0x9];
	s3 =	sadd.s32 $0x1, s3  }
0x14: {  	p0 =	sne.s32 s3, s0  }
.Ltmp1:
0x15: {  	_ = 	snop;
	(pc) =	sbr.rel @!p0 .LBB2_36-.Ltmp1, $1  }
0x16: {  	_ =	sdelay $0x3  }
.LBB2_1:
0x17: {  	[dreg:$0xb] =	wrdreg s3;
	s3 =	simm.s32 $0x100;
	s0 =	simm.s32 $0x0  }
.LBB2_2:
0x18: {  	p0 =	sne.s32 s3, $0x2700;
	[tilespmem:s0+$0xEF70] =	vst v0;
	s4 =	smov.u32 s3;
	s3 =	sadd.s32 $0x100, s3  }
.Ltmp2:
0x19: {  	[tilespmem:s0+$0xEF60] =	vst v0;
	(pc) =	sbr.rel @p0 .LBB2_2-.Ltmp2, $3  }
0x1a: {  	[tilespmem:s0+$0xEF40] =	vst v0  }
0x1b: {  	[tilespmem:s0+$0xEF50] =	vst v0;
	_ =	sdelay $0x1  }
0x1c: {  	s0 =	sshra.s32 s4, $0x2  }
.Ltmp3:
0x1d: {  	(pc) =	sbr.rel .LBB2_4-.Ltmp3, $4  }
0x1e: {  	[tilespmem:s0+$0xEF70] =	vst v0  }
0x1f: {  	[tilespmem:s0+$0xEF60] =	vst v0  }
0x20: {  	[tilespmem:s0+$0xEF40] =	vst v0  }
0x21: {  	s4 =	simm.s32 $0x0;
	[tilespmem:s0+$0xEF50] =	vst v0  }
.LBB2_34:
0x22: {  	s0 =	rddreg [dreg:$0x8]  }
0x23: {  	s3 =	rddreg [dreg:$0xd]  }
0x24: {  	[bflag:$0x0] =	sbarrier.arrive $0xFFFF;
	s17 =	stileid.u32;
	s0 =	sadd.s32 s0, s3  }
0x25: {  	s3 =	sshll.u32 s17, $0x6;
	s4 =	rddreg [dreg:$0x1];
	s0 =	sshll.u32 s0, $0x3  }
0x26: {  	s24 =	sshrl.u32 s12, $0x3;
	s3 =	sor.u32 $0x1C0C, s3;
	s0 =	sadd.s32 s4, s0  }
0x27: {  	[hbm:s0], [sflag:s3] =	dma.local [spmem:s24], $0x1F40  }
0x28: {  	_ =	swait.ge [sflag:s16], $0x1F40  }
0x29: {  	s28 =	rddreg [dreg:$0xc]  }
0x2a: {  	s4 =	sadd.s32 $0x1, s28  }
0x2b: {  	p0 =	sne.s32 s4, $0x5  }
.Ltmp4:
0x2c: {  	_ = 	snop;
	(pc) =	sbr.rel @!p0 .LBB2_35-.Ltmp4, $3  }
0x2d: {  	_ =	sdelay $0x1  }
0x2e: {  	[sflag:s16] =	ssyncset.done $0x0  }
0x2f: {  	[sflag:s16] =	ssyncadd.s32 $0xFFFFE0C0  }
.LBB2_4:
0x30: {  	s0 =	sadd.s32 $0x0, s12  }
0x31: {  	[spmem:s0] =	stream.linear.scatter [tilespmem:s15], [sflag:$0xC], $0xA00, $0x38;
	[tilespmem:$0x1F380] =	vst v63  }
0x32: {  	s0 =	simm.s32 $0x2800;
	_ =	swait.ge [sflag:s16], $0xA00  }
.LBB2_5:
0x33: {  	s3 =	sshra.s32 s0, $0x2;
	[sflag:s16] =	ssyncset.done $0x0;
	p0 =	sne.s32 s0, $0x3C000  }
.Ltmp5:
0x34: {  	s3 =	sadd.s32 s3, s12;
	[sflag:s16] =	ssyncadd.s32 $0xFFFFF600;
	(pc) =	sbr.rel @p0 .LBB2_5-.Ltmp5, $3  }
0x35: {  	[spmem:s3] =	stream.linear.scatter [tilespmem:s15], [sflag:$0xC], $0xA00, $0x38;
	[tilespmem:$0x1F380] =	vst v63  }
0x36: {  	s0 =	sadd.s32 $0x2800, s0;
	_ =	sdelay $0x1  }
0x37: {  	_ =	swait.ge [sflag:s16], $0xA00  }
0x38: {  	s0 =	rddreg [dreg:$0x4];
	[sflag:s16] =	ssyncset.done $0x0  }
.Ltmp6:
0x39: {  	[dreg:$0xc] =	wrdreg s4;
	[sflag:s16] =	ssyncadd.s32 $0xFFFFF600;
	(pc) =	sbr.rel .LBB2_7-.Ltmp6, $4  }
0x3a: {  	s0 =	sadd.s32 s0, s4;
	[bflag:$0x0] =	sbarrier.arrive $0xFFFF  }
0x3b: {  	s0 =	smul.u32 $0x3E80, s0;
	s17 =	rddreg [dreg:$0xa]  }
0x3c: {  	s10 =	rddreg [dreg:$0x7]  }
0x3d: {  	s3 =	simm.s32 $0x0;
	[dreg:$0xd] =	wrdreg s0;
	v7 =	vmov s0  }
.LBB2_33:
0x3e: {  	p5 =	por @!p0 $0x0, $0x0;
	p3 =	por @!p0 !p3, p1  }
0x3f: {  	p2 =	por @!p2 $0x1, $0x1;
	p4 =	por @!p4 $0x1, $0x1;
	p3 =	por !p3, p0  }
0x40: {  	p1 =	por !p1, p0;
	s0 =	simm.s32 @!p0 $0xB;
	p2 =	por @!p3 p4, p4  }
0x41: {  	_ =	swait.ge @!p0 [sflag:s0], $0x1000;
	p2 =	por @!p1 p5, p5;
	p1 =	por $0x0, $0x0  }
0x42: {  	[sflag:s0] =	ssyncset.done @!p0 $0x0;
	p1 =	por @!p0 p2, p2  }
0x43: {  	[sflag:s0] =	ssyncadd.s32 @!p0 $0xFFFFF000;
	s0 =	simm.s32 @p1 $0xB  }
0x44: {  	_ =	swait.ge @p1 [sflag:s0], $0x1000  }
0x45: {  	s3 =	rddreg [dreg:$0xe]  }
0x46: {  	s3 =	sadd.s32 $0x1, s3  }
0x47: {  	p0 =	sne.s32 s3, $0xA  }
.Ltmp7:
0x48: {  	_ = 	snop;
	(pc) =	sbr.rel @!p0 .LBB2_34-.Ltmp7, $3  }
0x49: {  	_ =	sdelay $0x1  }
0x4a: {  	[sflag:s0] =	ssyncset.done @p1 $0x0;
	s17 =	rddreg [dreg:$0xf]  }
0x4b: {  	s10 =	sadd.s32 $0xFA0, s10;
	[sflag:s0] =	ssyncadd.s32 @p1 $0xFFFFF000;
	s17 =	sadd.s32 $0xFA0, s17  }
.LBB2_7:
0x4c: {  	[dreg:$0xe] =	wrdreg s3;
	s0 =	smul.u32 $0xFA0, s3  }
0x4d: {  	s9 =	rddreg [dreg:$0x7]  }
0x4e: {  	_ =	strace $0x80000048;
	s0 =	sadd.s32 s9, s0  }
0x4f: {  	s14 =	rddreg [dreg:$0x6];
	s0 =	sshrl.u32 s0, $0x3  }
0x50: {  	s4 =	simm.s32 $0x0;
	s3 =	sadd.s32 s14, s0  }
0x51: {  	[tilespmem:s4], [sflag:$0xC] =	stream.linear.gather [hbm4b:s3+s4], $0xFA0, $0x200038;
	[tilespmem:$0x1F380] =	vst v63  }
0x52: {  	_ =	swait.ge [sflag:s16], $0xFA0  }
0x53: {  	[sflag:s16] =	ssyncset.done $0x0;
	s24 =	rddreg [dreg:$0x5]  }
0x54: {  	s28 =	simm.s32 $0xFA0;
	[sflag:s16] =	ssyncadd.s32 $0xFFFFF060;
	s0 =	sadd.s32 s24, s0  }
0x55: {  	[tilespmem:s28], [sflag:$0xC] =	stream.linear.gather [hbm4b:s0+s4], $0xFA0, $0x200038;
	[tilespmem:$0x1F380] =	vst v63  }
0x56: {  	_ =	swait.ge [sflag:s16], $0xFA0  }
0x57: {  	[sflag:s16] =	ssyncset.done $0x0  }
0x58: {  	s4 =	simm.s32 $0x20;
	[sflag:s16] =	ssyncadd.s32 $0xFFFFF060  }
0x59: {  	v8 =	vld [tilespmem:s4+$0xFFFFFFE0]  }
0x5a: {  	v9 =	vld [tilespmem:s4+$0xFFFFFFF0]  }
0x5b: {  	v10 =	vld [tilespmem:s4+$0x0]  }
0x5c: {  	v11 =	vld [tilespmem:s4+$0x10];
	_ =	sdelay $0x1  }
0x5d: {  	v13 =	vsub.s32 v8, v7  }
0x5e: {  	v14 =	vsub.s32 v9, v7;
	vm1 =	vlt.u32 v13, $0x3E80  }
0x5f: {  	v15 =	vsub.s32 v10, v7;
	vm4 =	vlt.u32 v14, $0x3E80;
	v8 =	vsel vm1, $0x1, v1  }
0x60: {  	v9 =	vsub.s32 v11, v7;
	vm0 =	vlt.u32 v15, $0x3E80;
	v10 =	vsel vm4, $0x1, v1;
	(xrf0) =	vadd.scan.msk.s32 $0xffff, v8  }
0x61: {  	vm2 =	vlt.u32 v9, $0x3E80;
	v11 =	vsel vm0, $0x1, v1;
	v8 =	vmpcnt.ones.xlane vm1;
	(xrf0) =	vadd.scan.msk.s32 $0xffff, v10  }
0x62: {  	v12 =	vimm.s32 $0x0;
	v10 =	vmpcnt.ones.xlane vm4;
	(xrf0) =	vadd.scan.msk.s32 $0xffff, v11;
	v11 =	vmpcnt.ones.xlane vm2  }
0x63: {  	v16 =	vmpcnt.ones.xlane vm0;
	v8 =	vadd.s32 v12, v8  }
0x64: {  	s8 =	simm.s32 $0x60;
	v17 =	vsel vm2, $0x1, v1;
	v10 =	vadd.s32 v8, v10  }
0x65: {  	(xrf0) =	vadd.scan.msk.s32 $0xffff, v17;
	v17 =	vld [tilespmem:s8+$0xFFFFFFE0];
	v16 =	vadd.s32 v10, v16  }
0x66: {  	v19 =	vadd.s32 v16, v11;
	v11, _, _ =	vpop (xrf0)  }
0x67: {  	v18 =	vld [tilespmem:s8+$0xFFFFFFF0];
	v21, _, _ =	vpop (xrf0);
	v11 =	vadd.s32 v11, v12  }
0x68: {  	v8 =	vadd.s32 v21, v8  }
0x69: {  	v23 =	vor.u32 s10, v2;
	v20 =	vld [tilespmem:s8+$0x0];
	vm3 =	vmmov vm1  }
0x6a: {  	s9 =	simm.s32 $0xFC0;
	v22 =	vld [tilespmem:s8+$0x10];
	vm5 =	vmmov vm0;
	v21 =	vadd.s32 $0xFFFFFFFF, v11;
	v12 =	vsub.s32 v17, v7;
	v11, _, _ =	vpop (xrf0)  }
0x6b: {  	v17 =	vld [tilespmem:s9+$0xFFFFFFE0];
	v24 =	vadd.s32 $0xFFFFFFFF, v8;
	vm7 =	vlt.u32 v12, $0x3E80;
	v25 =	vadd.s32 v11, v10;
	v8, _, _ =	vpop (xrf0)  }
0x6c: {  	v11 =	vsub.s32 v18, v7;
	v18 =	vadd.s32 v8, v16;
	v16 =	vmpcnt.ones.xlane vm7  }
0x6d: {  	vm1 =	vmmov vm4;
	vm2 =	vmmov vm2;
	v27 =	vsel vm7, $0x1, v1  }
0x6e: {  	v10 =	vsub.s32 v20, v7;
	vm6 =	vlt.u32 v11, $0x3E80;
	v26 =	vadd.s32 v19, v16;
	v16 =	vld [tilespmem:s9+$0xFFFFFFF0]  }
0x6f: {  	(xrf0) =	vadd.scan.msk.s32 $0xffff, v27;
	v27 =	vld [tilespmem:s9+$0x0];
	v8 =	vsub.s32 v22, v7;
	v25 =	vadd.s32 $0xFFFFFFFF, v25;
	v20 =	vmpcnt.ones.xlane vm6  }
0x70: {  	vm0 =	vlt.u32 v10, $0x3E80;
	vm8 =	vlt.u32 v8, $0x3E80;
	[tilespmem:v21+s18+$0x0] =	vst.idx.msk vm3, v17;
	v17 =	vsel vm6, $0x1, v1  }
0x71: {  	[tilespmem:v21+s19+$0x0] =	vst.idx.msk vm3, v23;
	(xrf0) =	vadd.scan.msk.s32 $0xffff, v17;
	v28 =	vadd.s32 v26, v20;
	v20 =	vsel vm0, $0x1, v1  }
0x72: {  	v22 =	vmpcnt.ones.xlane vm0;
	v17 =	vsel vm8, $0x1, v1;
	[tilespmem:v21+s20+$0x0] =	vst.idx.msk vm3, v13;
	(xrf0) =	vadd.scan.msk.s32 $0xffff, v20  }
0x73: {  	s14 =	sadd.s32 $0x10, s10;
	v29 =	vld [tilespmem:s9+$0x10];
	s8 =	simm.s32 $0xA0;
	v23 =	vmpcnt.ones.xlane vm8;
	(xrf0) =	vadd.scan.msk.s32 $0xffff, v17;
	[tilespmem:v24+s18+$0x0] =	vst.idx.msk vm4, v16;
	vm4 =	vmmov vm2  }
0x74: {  	v13 =	vor.u32 s14, v2;
	v17 =	vadd.s32 $0xFFFFFFFF, v18;
	v18 =	vld [tilespmem:s8+$0xFFFFFFE0];
	[tilespmem:v25+s18+$0x0] =	vst.idx.msk vm5, v27;
	v16 =	vadd.s32 v28, v22  }
0x75: {  	s24 =	sadd.s32 $0x20, s10;
	s0 =	sadd.s32 $0x40, s10;
	s28 =	sadd.s32 $0x30, s10;
	vm3 =	vmmov vm7;
	[tilespmem:v24+s19+$0x0] =	vst.idx.msk vm1, v13;
	v13 =	vadd.s32 v16, v23;
	v23 =	vld [tilespmem:s8+$0xFFFFFFF0]  }
0x76: {  	v21 =	vor.u32 s0, v2;
	v20 =	vor.u32 s24, v2;
	v27 =	vor.u32 s28, v2;
	[tilespmem:v24+s20+$0x0] =	vst.idx.msk vm1, v14;
	v14, _, _ =	vpop (xrf0)  }
0x77: {  	[tilespmem:v25+s19+$0x0] =	vst.idx.msk vm5, v20;
	vm2 =	vmmov vm8;
	v22 =	vld [tilespmem:s8+$0x0];
	vm1 =	vmmov vm6;
	v14 =	vadd.s32 v14, v19;
	v24, _, _ =	vpop (xrf0)  }
0x78: {  	s3 =	simm.s32 $0x1000;
	v20 =	vld [tilespmem:s8+$0x10];
	[tilespmem:v25+s20+$0x0] =	vst.idx.msk vm5, v15;
	v15 =	vmov v13;
	v19 =	vadd.s32 $0xFFFFFFFF, v14;
	v24 =	vadd.s32 v24, v26;
	v26, _, _ =	vpop (xrf0)  }
0x79: {  	s4 =	smov.u32 s0;
	s9 =	simm.s32 $0x8;
	v25 =	vld [tilespmem:s3+$0xFFFFFFE0];
	v14 =	vsub.s32 v18, v7;
	v18 =	vadd.s32 $0xFFFFFFFF, v24;
	v24 =	vadd.s32 v26, v28;
	v26, _, _ =	vpop (xrf0);
	[tilespmem:v17+s18+$0x0] =	vst.idx.msk vm4, v29  }
.LBB2_8:
0x7a: {  	v28 =	vsub.s32 v23, v7  }
0x7b: {  	s9 =	sadd.s32 $0x4, s9;
	vm7 =	vlt.u32 v14, $0x3E80;
	v23 =	vadd.s32 v26, v16;
	[tilespmem:v17+s19+$0x0] =	vst.idx.msk vm4, v27;
	v26 =	vmovc v10;
	vm5 =	vmmov vm0  }
0x7c: {  	p0 =	slt.u32 s9, $0xF4;
	v16 =	vmpcnt.ones.xlane vm7;
	vm6 =	vlt.u32 v28, $0x3E80;
	v10 =	vsub.s32 v22, v7;
	[tilespmem:v17+s20+$0x0] =	vst.idx.msk vm4, v9;
	v9 =	vmovc v8  }
0x7d: {  	v17 =	vmpcnt.ones.xlane vm6;
	vm0 =	vlt.u32 v10, $0x3E80;
	v8 =	vsub.s32 v20, v7  }
0x7e: {  	v27 =	vadd.s32 v13, v16;
	v13 =	vmpcnt.ones.xlane vm0;
	vm8 =	vlt.u32 v8, $0x3E80;
	[tilespmem:v19+s18+$0x0] =	vst.idx.msk vm3, v25;
	v20 =	vld [tilespmem:s3+$0xFFFFFFF0]  }
0x7f: {  	v22 =	vsel vm7, $0x1, v1;
	v29 =	vadd.s32 v27, v17;
	v17 =	vmpcnt.ones.xlane vm8;
	[tilespmem:v19+s19+$0x0] =	vst.idx.msk vm3, v21  }
0x80: {  	v25 =	vsel vm0, $0x1, v1;
	v21 =	vsel vm6, $0x1, v1;
	v16 =	vadd.s32 v29, v13;
	(xrf0) =	vadd.scan.msk.s32 $0xffff, v22  }
0x81: {  	v24 =	vadd.s32 $0xFFFFFFFF, v24;
	v22 =	vsel vm8, $0x1, v1;
	v13 =	vadd.s32 v16, v17;
	(xrf0) =	vadd.scan.msk.s32 $0xffff, v21;
	v21 =	vld [tilespmem:s3+$0x0]  }
0x82: {  	s14 =	sadd.s32 $0x10, s0;
	v17 =	vadd.s32 $0xFFFFFFFF, v23;
	(xrf0) =	vadd.scan.msk.s32 $0xffff, v25;
	[tilespmem:v19+s20+$0x0] =	vst.idx.msk vm3, v12;
	v12 =	vmovc v14;
	vm3 =	vmmov vm7  }
0x83: {  	s8 =	sadd.s32 $0x40, s8;
	vm4 =	vmmov vm2;
	v14 =	vor.u32 s14, v2;
	(xrf0) =	vadd.scan.msk.s32 $0xffff, v22;
	[tilespmem:v18+s18+$0x0] =	vst.idx.msk vm1, v20;
	v30 =	vld [tilespmem:s3+$0x10]  }
0x84: {  	vm2 =	vmmov vm8;
	v31 =	vld [tilespmem:s8+$0xFFFFFFE0];
	[tilespmem:v18+s19+$0x0] =	vst.idx.msk vm1, v14  }
.Ltmp8:
0x85: {  	s14 =	sadd.s32 $0x20, s0;
	v23 =	vld [tilespmem:s8+$0xFFFFFFF0];
	[tilespmem:v18+s20+$0x0] =	vst.idx.msk vm1, v11;
	v11 =	vmov v28;
	vm1 =	vmmov vm6;
	(pc) =	sbr.rel @p0 .LBB2_8-.Ltmp8, $4  }
0x86: {  	s0 =	sadd.s32 $0x40, s0;
	v18 =	vor.u32 s14, v2;
	v22 =	vld [tilespmem:s8+$0x0];
	v14, _, _ =	vpop (xrf0);
	[tilespmem:v24+s18+$0x0] =	vst.idx.msk vm5, v21  }
0x87: {  	s3 =	sadd.s32 $0x40, s3;
	s14 =	sadd.s32 $0x30, s4;
	s4 =	smov.u32 s0;
	v21 =	vor.u32 s0, v2;
	v20 =	vld [tilespmem:s8+$0x10];
	v14 =	vadd.s32 v14, v15;
	v28, _, _ =	vpop (xrf0);
	[tilespmem:v24+s19+$0x0] =	vst.idx.msk vm5, v18;
	v15 =	vmov v13  }
0x88: {  	v25 =	vld [tilespmem:s3+$0xFFFFFFE0];
	v19 =	vadd.s32 $0xFFFFFFFF, v14;
	v18 =	vadd.s32 v28, v27;
	v28, _, _ =	vpop (xrf0);
	[tilespmem:v24+s20+$0x0] =	vst.idx.msk vm5, v26;
	v27 =	vor.u32 s14, v2  }
0x89: {  	v14 =	vsub.s32 v31, v7;
	v18 =	vadd.s32 $0xFFFFFFFF, v18;
	v24 =	vadd.s32 v28, v29;
	v26, _, _ =	vpop (xrf0);
	[tilespmem:v17+s18+$0x0] =	vst.idx.msk vm4, v30  }
0x8a: {  	_ =	sdelay $0x3  }
0x8b: {  	vm6 =	vlt.u32 v14, $0x3E80  }
0x8c: {  	[tilespmem:v17+s19+$0x0] =	vst.idx.msk vm4, v27;
	v45 =	vld [tilespmem:s3+$0xFFFFFFF0];
	v23 =	vsub.s32 v23, v7;
	v28 =	vsel vm6, $0x1, v1  }
0x8d: {  	[tilespmem:v17+s20+$0x0] =	vst.idx.msk vm4, v9;
	vm5 =	vlt.u32 v23, $0x3E80;
	(xrf0) =	vadd.scan.msk.s32 $0xffff, v28  }
0x8e: {  	vm9 =	vmmov vm0;
	v9 =	vsel vm5, $0x1, v1;
	[tilespmem:v19+s18+$0x0] =	vst.idx.msk vm3, v25  }
0x8f: {  	v46 =	vld [tilespmem:s3+$0x0];
	v47 =	vadd.s32 $0xFFFFFFFF, v24;
	(xrf0) =	vadd.scan.msk.s32 $0xffff, v9;
	[tilespmem:v19+s19+$0x0] =	vst.idx.msk vm3, v21  }
0x90: {  	v16 =	vadd.s32 v26, v16;
	s8 =	sadd.s32 $0x10, s0;
	v22 =	vsub.s32 v22, v7;
	[tilespmem:v19+s20+$0x0] =	vst.idx.msk vm3, v12  }
0x91: {  	vm2 =	vmmov vm2;
	vm10 =	vlt.u32 v22, $0x3E80;
	v9 =	vor.u32 s8, v2;
	[tilespmem:v18+s18+$0x0] =	vst.idx.msk vm1, v45  }
0x92: {  	v50 =	vld [tilespmem:s3+$0x10];
	v16 =	vadd.s32 $0xFFFFFFFF, v16;
	v49 =	vsel vm10, $0x1, v1;
	[tilespmem:v18+s19+$0x0] =	vst.idx.msk vm1, v9  }
0x93: {  	s28 =	sadd.s32 $0x20, s0;
	v48 =	vsub.s32 v20, v7;
	(xrf0) =	vadd.scan.msk.s32 $0xffff, v49;
	v9 =	vmpcnt.ones.xlane vm6;
	[tilespmem:v18+s20+$0x0] =	vst.idx.msk vm1, v11;
	v11, _, _ =	vpop (xrf0)  }
0x94: {  	s9 =	sadd.s32 $0x40, s3;
	v51 =	vor.u32 s28, v2;
	vm11 =	vlt.u32 v48, $0x3E80;
	[tilespmem:v47+s18+$0x0] =	vst.idx.msk vm9, v46;
	v11 =	vadd.s32 v11, v15  }
0x95: {  	v53 =	vld [tilespmem:s9+$0xFFFFFFE0];
	v52 =	vsel vm11, $0x1, v1;
	[tilespmem:v47+s19+$0x0] =	vst.idx.msk vm9, v51;
	v9 =	vadd.s32 v13, v9;
	v55, _, _ =	vpop (xrf0);
	v11 =	vadd.s32 $0xFFFFFFFF, v11  }
0x96: {  	s4 =	sadd.s32 $0x30, s4;
	(xrf0) =	vadd.scan.msk.s32 $0xffff, v52;
	[tilespmem:v47+s20+$0x0] =	vst.idx.msk vm9, v10;
	v10 =	vadd.s32 v55, v9  }
0x97: {  	v56 =	vor.u32 s4, v2;
	v57 =	vld [tilespmem:s9+$0xFFFFFFF0];
	v54 =	vmpcnt.ones.xlane vm5;
	[tilespmem:v16+s18+$0x0] =	vst.idx.msk vm2, v50;
	v10 =	vadd.s32 $0xFFFFFFFF, v10  }
0x98: {  	[tilespmem:v16+s19+$0x0] =	vst.idx.msk vm2, v56  }
0x99: {  	s14 =	sadd.s32 $0x40, s0;
	v58 =	vmpcnt.ones.xlane vm10;
	[tilespmem:v16+s20+$0x0] =	vst.idx.msk vm2, v8;
	v9 =	vadd.s32 v9, v54;
	v59, _, _ =	vpop (xrf0)  }
0x9a: {  	vm14 =	vmmov vm10;
	v8 =	vor.u32 s14, v2;
	v60 =	vadd.s32 v59, v9;
	[tilespmem:v11+s18+$0x0] =	vst.idx.msk vm6, v53  }
0x9b: {  	v16 =	vadd.s32 $0xFFFFFFFF, v60;
	[tilespmem:v11+s19+$0x0] =	vst.idx.msk vm6, v8;
	v8 =	vld [tilespmem:s9+$0x0]  }
0x9c: {  	s24 =	sadd.s32 $0x10, s14;
	v9 =	vadd.s32 v9, v58;
	v61, _, _ =	vpop (xrf0);
	[tilespmem:v10+s18+$0x0] =	vst.idx.msk vm5, v57  }
0x9d: {  	v62 =	vor.u32 s24, v2;
	vm15 =	vmmov vm11;
	[tilespmem:v11+s20+$0x0] =	vst.idx.msk vm6, v14;
	v11 =	vadd.s32 v61, v9  }
0x9e: {  	v63 =	vld [tilespmem:s9+$0x10];
	[tilespmem:v10+s19+$0x0] =	vst.idx.msk vm5, v62;
	v11 =	vadd.s32 $0xFFFFFFFF, v11  }
0x9f: {  	s28 =	sadd.s32 $0x20, s14;
	[tilespmem:v10+s20+$0x0] =	vst.idx.msk vm5, v23  }
0xa0: {  	v10 =	vor.u32 s28, v2;
	[tilespmem:v16+s18+$0x0] =	vst.idx.msk vm14, v8  }
0xa1: {  	[tilespmem:v16+s19+$0x0] =	vst.idx.msk vm14, v10  }
0xa2: {  	s0 =	sadd.s32 $0x30, s14;
	[tilespmem:v16+s20+$0x0] =	vst.idx.msk vm14, v22  }
0xa3: {  	v10 =	vor.u32 s0, v2;
	[tilespmem:v11+s18+$0x0] =	vst.idx.msk vm15, v63  }
0xa4: {  	v8 =	vmpcnt.ones.xlane vm11;
	[tilespmem:v11+s19+$0x0] =	vst.idx.msk vm15, v10  }
0xa5: {  	vm12 =	vmmov vm6;
	[tilespmem:v11+s20+$0x0] =	vst.idx.msk vm15, v48  }
0xa6: {  	s3 =	smov.u32 s17;
	vm13 =	vmmov vm5;
	vm1 =	vmmov vm15;
	s0 =	simm.s32 $0x0;
	v8 =	vadd.s32 v9, v8;
	[dreg:$0xf] =	wrdreg s17  }
.LBB2_10:
0xa7: {  	s4 =	sshra.s32 s0, $0x2  }
0xa8: {  	v9 =	vld [tilespmem:s4+$0xF80];
	_ =	sdelay $0x4  }
0xa9: {  	v9 =	vsub.s32 v9, v7  }
0xaa: {  	vm0 =	vlt.u32 v9, $0x3E80  }
0xab: {  	v10 =	vsel vm0, $0x1, v1  }
0xac: {  	(xrf0) =	vadd.scan.msk.s32 $0xffff, v10;
	_ =	sdelay $0x5  }
0xad: {  	v10, _, _ =	vpop (xrf0)  }
0xae: {  	v10 =	vadd.s32 v10, v8  }
0xaf: {  	v11 =	vld [tilespmem:s4+$0x1F20];
	v10 =	vadd.s32 $0xFFFFFFFF, v10;
	_ =	sdelay $0x1  }
0xb0: {  	p0 =	sne.s32 s0, $0x40  }
.Ltmp9:
0xb1: {  	_ = 	snop;
	(pc) =	sbr.rel @p0 .LBB2_10-.Ltmp9, $4  }
0xb2: {  	_ = 	snop  }
0xb3: {  	v12 =	vor.u32 s3, v2;
	[tilespmem:v10+s18+$0x0] =	vst.idx.msk vm0, v11;
	v11 =	vmpcnt.ones.xlane vm0  }
0xb4: {  	[tilespmem:v10+s19+$0x0] =	vst.idx.msk vm0, v12  }
0xb5: {  	s3 =	sadd.s32 $0x10, s3;
	s0 =	sadd.s32 $0x40, s0;
	[tilespmem:v10+s20+$0x0] =	vst.idx.msk vm0, v9;
	v8 =	vadd.s32 v8, v11  }
0xb6: {  	_ =	strace $0x90000048;
	v8 =	vxor.u32 $0x80000000, v8  }
0xb7: {  	(xrf0) =	vmax.scan.msk.u32 $0xffff, v8;
	_ =	sdelay $0x5  }
0xb8: {  	v8, _, _ =	vpop (xrf0)  }
0xb9: {  	(v2sf) =	vpush v8, $0xF;
	_ =	sdelay $0xe  }
0xba: {  	s0 =	spop (v2sf)  }
0xbb: {  	s3 =	sxor.u32 $0x80000000, s0  }
0xbc: {  	v8 =	vadd.s32 s3, v2;
	_ =	sdelay $0x2  }
0xbd: {  	v9 =	vadd.s32 s3, v4;
	_ =	sdelay $0x1  }
0xbe: {  	[tilespmem:v8+s18+$0x0] =	vst.idx.msk $0xffff, v1  }
0xbf: {  	s0 =	sadd.s32 $0x8000003F, s0;
	v10 =	vadd.s32 s3, v5;
	[tilespmem:v8+s19+$0x0] =	vst.idx.msk $0xffff, v1  }
0xc0: {  	s8 =	sand.u32 $0x3F, s0;
	[tilespmem:v8+s20+$0x0] =	vst.idx.msk $0xffff, v3  }
0xc1: {  	s4 =	sshra.s32 s0, $0x1F;
	p0 =	slt.s32 s0, $0x1;
	p1 =	sne.s32 s8, $0x0;
	[tilespmem:v9+s18+$0x0] =	vst.idx.msk $0xffff, v1  }
0xc2: {  	s9 =	sshrl.u32 s4, $0x1A;
	p0 =	por !p0, !p1;
	v8 =	vadd.s32 s3, v6;
	[tilespmem:v9+s19+$0x0] =	vst.idx.msk $0xffff, v1  }
0xc3: {  	s0 =	sadd.s32 s9, s0;
	p0 =	por !p0, !p0;
	s3 =	simm.s32 $0x1;
	[tilespmem:v9+s20+$0x0] =	vst.idx.msk $0xffff, v3  }
0xc4: {  	s0 =	sshra.s32 s0, $0x6;
	s3 =	simm.s32 @!p0 $0x0;
	[tilespmem:v10+s18+$0x0] =	vst.idx.msk $0xffff, v1  }
0xc5: {  	s9 =	ssub.s32 s0, s3;
	[tilespmem:v10+s19+$0x0] =	vst.idx.msk $0xffff, v1  }
0xc6: {  	p0 =	slt.s32 s9, $0x1;
	[tilespmem:v10+s20+$0x0] =	vst.idx.msk $0xffff, v3  }
0xc7: {  	p1 =	seq.s32 @!p0 s9, $0x1;
	[tilespmem:v8+s18+$0x0] =	vst.idx.msk $0xffff, v1  }
0xc8: {  	s14 =	sadd.s32 $0x4, s9;
	s0 =	simm.s32 @!p0 $0x40;
	p2 =	por p1, p0;
	[tilespmem:v8+s19+$0x0] =	vst.idx.msk $0xffff, v1  }
0xc9: {  	s3 =	simm.s32 @!p0 $0x1F40;
	s4 =	simm.s32 @!p0 $0x4F40;
	p3 =	slt.u32 @!p2 s9, $0x3;
	[tilespmem:v8+s20+$0x0] =	vst.idx.msk $0xffff, v3  }
0xca: {  	[tilespmem:s4], [sflag:$0x1] =	stream.indirect.gather @!p0 [hbm4b:s5+s0], $0x40, s3, s0, $0xb8;
	[tilespmem:$0x1F380] =	vst v63  }
0xcb: {  	p4 =	por @!p0 p3, p1;
	s3 =	simm.s32 @!p0 $0x2F40;
	s4 =	simm.s32 @!p0 $0x9F40  }
0xcc: {  	[tilespmem:s4], [sflag:$0x2] =	stream.indirect.gather @!p0 [hbm4b:s6+s0], $0x40, s3, s0, $0xb8;
	[tilespmem:$0x1F380] =	vst v63  }
0xcd: {  	s0 =	simm.s32 @!p2 $0x40;
	s3 =	simm.s32 @!p2 $0x1F80;
	s4 =	simm.s32 @!p2 $0x5F40  }
0xce: {  	[tilespmem:s4], [sflag:$0x3] =	stream.indirect.gather @!p2 [hbm4b:s5+s0], $0x40, s3, s0, $0xb8;
	[tilespmem:$0x1F380] =	vst v63  }
0xcf: {  	p4 =	por p4, p0;
	s3 =	simm.s32 @!p2 $0x2F80;
	s4 =	simm.s32 @!p2 $0xAF40  }
0xd0: {  	[tilespmem:s4], [sflag:$0x4] =	stream.indirect.gather @!p2 [hbm4b:s6+s0], $0x40, s3, s0, $0xb8;
	[tilespmem:$0x1F380] =	vst v63  }
0xd1: {  	s0 =	simm.s32 @!p4 $0x40;
	s3 =	simm.s32 @!p4 $0x1FC0;
	s4 =	simm.s32 @!p4 $0x6F40  }
0xd2: {  	[tilespmem:s4], [sflag:$0x5] =	stream.indirect.gather @!p4 [hbm4b:s5+s0], $0x40, s3, s0, $0xb8;
	[tilespmem:$0x1F380] =	vst v63  }
0xd3: {  	s17 =	smulhi.u32 $0x66666667, s14;
	s3 =	sshra.s32 s14, $0x1F  }
0xd4: {  	s8 =	simm.s32 @!p4 $0x2FC0;
	s14 =	simm.s32 @!p4 $0xBF40;
	s3 =	smul.u32 $0x66666667, s3  }
0xd5: {  	[tilespmem:s14], [sflag:$0x6] =	stream.indirect.gather @!p4 [hbm4b:s6+s0], $0x40, s8, s0, $0xb8;
	[tilespmem:$0x1F380] =	vst v63  }
0xd6: {  	s24 =	sadd.s32 s3, s17  }
0xd7: {  	s3 =	sshrl.u32 s24, $0x1F;
	s0 =	sshra.s32 s24, $0x1  }
0xd8: {  	s0 =	sadd.s32 s3, s0  }
0xd9: {  	s3 =	smul.u32 $0xFFFFFFFB, s0  }
0xda: {  	s28 =	ssub.s32 $0xFFFFFFFC, s9  }
0xdb: {  	p5 =	slt.s32 s9, $0xFFFFFFFD;
	p6 =	sne.s32 s3, s28  }
0xdc: {  	p5 =	por !p5, !p6  }
0xdd: {  	s3 =	simm.s32 $0x1;
	p5 =	por !p5, !p5  }
0xde: {  	s3 =	simm.s32 @!p5 $0x0  }
0xdf: {  	s8 =	ssub.s32 s0, s3  }
0xe0: {  	p5 =	slt.s32 s8, $0x1  }
.Ltmp10:
0xe1: {  	_ = 	snop;
	(pc) =	sbr.rel @!p5 .LBB2_12-.Ltmp10, $4  }
.Ltmp11:
0xe2: {  	_ = 	snop;
	(pc) =	sbr.rel @p5 .LBB2_33-.Ltmp11, $4  }
0xe3: {  	_ = 	snop  }
0xe4: {  	_ = 	snop  }
0xe5: {  	s24 =	simm.s32 $0x0  }
0xe6: {  	_ = 	snop  }
.LBB2_32:
0xe7: {  	s24 =	sadd.s32 $0x1, s24  }
0xe8: {  	p5 =	sne.s32 s24, s8  }
.Ltmp12:
0xe9: {  	_ = 	snop;
	(pc) =	sbr.rel @!p5 .LBB2_33-.Ltmp12, $1  }
0xea: {  	_ =	sdelay $0x3  }
.LBB2_12:
0xeb: {  	s28 =	smul.u32 $0x5, s24;
	_ =	sdelay $0x1  }
0xec: {  	p6 =	sge.s32 s28, s9  }
.Ltmp13:
0xed: {  	_ = 	snop;
	(pc) =	sbr.rel @p6 .LBB2_16-.Ltmp13, $2  }
0xee: {  	_ =	sdelay $0x2  }
0xef: {  	p5 =	seq.s32 s24, $0x0  }
0xf0: {  	s0 =	simm.s32 @!p5 $0xB  }
0xf1: {  	s3 =	sadd.s32 $0x3, s28;
	_ =	swait.ge @!p5 [sflag:s0], $0x1000  }
0xf2: {  	p6 =	sge.u32 s3, s9;
	[sflag:s0] =	ssyncset.done @!p5 $0x0  }
0xf3: {  	[sflag:s0] =	ssyncadd.s32 @!p5 $0xFFFFF000;
	s0 =	sshll.u32 @!p6 s3, $0x6  }
0xf4: {  	s4 =	simm.s32 @!p6 $0x40;
	s14 =	simm.s32 @!p6 $0x7F40;
	s3 =	sadd.s32 @!p6 $0x1F40, s0  }
0xf5: {  	[tilespmem:s14], [sflag:$0x7] =	stream.indirect.gather @!p6 [hbm4b:s5+s4], $0x40, s3, s4, $0xb8;
	[tilespmem:$0x1F380] =	vst v63  }
0xf6: {  	s0 =	sadd.s32 @!p6 $0x2F40, s0;
	s3 =	simm.s32 @!p6 $0xCF40  }
0xf7: {  	[tilespmem:s3], [sflag:$0x8] =	stream.indirect.gather @!p6 [hbm4b:s6+s4], $0x40, s0, s4, $0xb8;
	[tilespmem:$0x1F380] =	vst v63  }
0xf8: {  	_ =	swait.ge [sflag:s21], $0x1000  }
0xf9: {  	[sflag:s21] =	ssyncset.done $0x0  }
0xfa: {  	[sflag:s21] =	ssyncadd.s32 $0xFFFFF000  }
0xfb: {  	_ =	swait.ge [sflag:s22], $0x1000  }
0xfc: {  	[sflag:s22] =	ssyncset.done $0x0  }
0xfd: {  	s0 =	simm.s32 $0x5040;
	[sflag:s22] =	ssyncadd.s32 $0xFFFFF000  }
0xfe: {  	s4 =	simm.s32 $0xA040;
	v8 =	vld [tilespmem:s0+$0xC0]  }
0xff: {  	v9 =	vld [tilespmem:s4+$0xC0]  }
0x100: {  	v10 =	vld [tilespmem:s4+$0xFFFFFF00]  }
0x101: {  	v11 =	vld [tilespmem:s0+$0xFFFFFF40]  }
0x102: {  	v12 =	vld [tilespmem:s0+$0xFFFFFF80]  }
0x103: {  	v14 =	vld [tilespmem:s4+$0xFFFFFF80]  }
0x104: {  	v15 =	vld [tilespmem:s0+$0xFFFFFFC0]  }
0x105: {  	v16 =	vld [tilespmem:s4+$0xFFFFFFC0]  }
0x106: {  	v17 =	vld [tilespmem:s0+$0x0]  }
0x107: {  	v18 =	vld [tilespmem:s4+$0x0]  }
0x108: {  	v19 =	vld [tilespmem:s4+$0x40]  }
0x109: {  	v21 =	vld [tilespmem:s0+$0x10]  }
0x10a: {  	v63 =	vld [tilespmem:s0+$0x60]  }
0x10b: {  	v8 =	vmul.f32 v9, v8;
	v9 =	vld [tilespmem:s4+$0xFFFFFF40]  }
0x10c: {  	v12 =	vmul.f32 v14, v12;
	v14 =	vld [tilespmem:s4+$0x80]  }
0x10d: {  	[tilespmem:s0+$0xC0] =	vst v8;
	v8 =	vld [tilespmem:s0+$0xD0]  }
0x10e: {  	[tilespmem:s0+$0xFFFFFF80] =	vst v12;
	v12 =	vmul.f32 v18, v17;
	v13 =	vld [tilespmem:s4+$0xD0]  }
0x10f: {  	v18 =	vld [tilespmem:s0+$0xFFFFFF50]  }
0x110: {  	[tilespmem:s0+$0x0] =	vst v12;
	v9 =	vmul.f32 v9, v11;
	v11 =	vld [tilespmem:s0+$0x80]  }
0x111: {  	v17 =	vld [tilespmem:s4+$0x10]  }
0x112: {  	[tilespmem:s0+$0xFFFFFF40] =	vst v9;
	v9 =	vmul.f32 v16, v15;
	v15 =	vld [tilespmem:s0+$0xFFFFFF00]  }
0x113: {  	v8 =	vmul.f32 v13, v8;
	v13 =	vld [tilespmem:s0+$0x40]  }
0x114: {  	v16 =	vld [tilespmem:s4+$0xFFFFFF50]  }
0x115: {  	[tilespmem:s0+$0xD0] =	vst v8;
	v8 =	vld [tilespmem:s0+$0xE0]  }
0x116: {  	v20 =	vld [tilespmem:s4+$0xE0]  }
0x117: {  	[tilespmem:s0+$0xFFFFFFC0] =	vst v9;
	v9 =	vld [tilespmem:s4+$0xFFFFFF90]  }
0x118: {  	v12 =	vld [tilespmem:s4+$0xFFFFFFD0]  }
0x119: {  	v13 =	vmul.f32 v19, v13;
	v19 =	vld [tilespmem:s0+$0xFFFFFF90];
	v16 =	vmul.f32 v16, v18  }
0x11a: {  	v18 =	vld [tilespmem:s0+$0x90]  }
0x11b: {  	[tilespmem:s0+$0xFFFFFF50] =	vst v16;
	v8 =	vmul.f32 v20, v8;
	v20 =	vld [tilespmem:s0+$0xFFFFFFD0]  }
0x11c: {  	v16 =	vld [tilespmem:s4+$0xFFFFFF60]  }
0x11d: {  	[tilespmem:s0+$0xE0] =	vst v8;
	v8 =	vmul.f32 v10, v15;
	v15 =	vld [tilespmem:s0+$0xF0]  }
0x11e: {  	[tilespmem:s0+$0x40] =	vst v13;
	v10 =	vmul.f32 v14, v11;
	v13 =	vld [tilespmem:s4+$0xF0]  }
0x11f: {  	[tilespmem:s0+$0xFFFFFF00] =	vst v8;
	v8 =	vld [tilespmem:s4+$0x50]  }
0x120: {  	v9 =	vmul.f32 v9, v19;
	[tilespmem:s0+$0x80] =	vst v10;
	v10 =	vld [tilespmem:s0+$0xFFFFFF10]  }
0x121: {  	v11 =	vld [tilespmem:s4+$0xFFFFFF10]  }
0x122: {  	[tilespmem:s0+$0xFFFFFF90] =	vst v9;
	v9 =	vmul.f32 v17, v21;
	v14 =	vld [tilespmem:s4+$0x90]  }
0x123: {  	v12 =	vmul.f32 v12, v20;
	v17 =	vld [tilespmem:s4+$0xFFFFFFA0]  }
0x124: {  	v20 =	vld [tilespmem:s0+$0xFFFFFFE0];
	[tilespmem:s0+$0x10] =	vst v9  }
0x125: {  	[tilespmem:s0+$0xFFFFFFD0] =	vst v12;
	v12 =	vld [tilespmem:s4+$0x20]  }
0x126: {  	v10 =	vmul.f32 v11, v10;
	v11 =	vld [tilespmem:s0+$0x50]  }
0x127: {  	v9 =	vmul.f32 v14, v18;
	v18 =	vld [tilespmem:s0+$0xFFFFFFA0]  }
0x128: {  	[tilespmem:s0+$0xFFFFFF10] =	vst v10;
	v10 =	vld [tilespmem:s0+$0xFFFFFF20]  }
0x129: {  	[tilespmem:s0+$0x90] =	vst v9;
	v9 =	vld [tilespmem:s0+$0xFFFFFF60]  }
0x12a: {  	v13 =	vmul.f32 v13, v15;
	v19 =	vld [tilespmem:s4+$0xFFFFFF20]  }
0x12b: {  	v15 =	vld [tilespmem:s0+$0x30]  }
0x12c: {  	[tilespmem:s0+$0xF0] =	vst v13;
	v13 =	vld [tilespmem:s0+$0x70]  }
0x12d: {  	v14 =	vld [tilespmem:s4+$0xA0];
	v8 =	vmul.f32 v8, v11  }
0x12e: {  	v11 =	vld [tilespmem:s4+$0xFFFFFFE0];
	v9 =	vmul.f32 v16, v9  }
0x12f: {  	[tilespmem:s0+$0x50] =	vst v8;
	v16 =	vmul.f32 v17, v18;
	v17 =	vld [tilespmem:s0+$0xFFFFFFB0];
	v10 =	vmul.f32 v19, v10  }
0x130: {  	v8 =	vld [tilespmem:s4+$0x60]  }
0x131: {  	[tilespmem:s0+$0xFFFFFF20] =	vst v10;
	v10 =	vld [tilespmem:s0+$0xA0]  }
0x132: {  	v19 =	vld [tilespmem:s0+$0x20]  }
0x133: {  	[tilespmem:s0+$0xFFFFFFA0] =	vst v16;
	v16 =	vld [tilespmem:s0+$0xFFFFFFF0]  }
0x134: {  	[tilespmem:s0+$0xFFFFFF60] =	vst v9;
	v9 =	vmul.f32 v11, v20;
	v20 =	vld [tilespmem:s0+$0xFFFFFF30]  }
0x135: {  	v22 =	vld [tilespmem:s4+$0xFFFFFF70]  }
0x136: {  	v18 =	vld [tilespmem:s4+$0xFFFFFF30];
	v14 =	vmul.f32 v14, v10  }
0x137: {  	[tilespmem:s0+$0xFFFFFFE0] =	vst v9;
	v11 =	vmul.f32 v12, v19;
	v12 =	vld [tilespmem:s4+$0xFFFFFFB0]  }
0x138: {  	v8 =	vmul.f32 v8, v63;
	[tilespmem:s0+$0xA0] =	vst v14;
	v14 =	vld [tilespmem:s0+$0xFFFFFF70]  }
0x139: {  	v9 =	vld [tilespmem:s4+$0xFFFFFFF0];
	[tilespmem:s0+$0x20] =	vst v11  }
0x13a: {  	[tilespmem:s0+$0x60] =	vst v8;
	v10 =	vld [tilespmem:s4+$0x30]  }
0x13b: {  	v11 =	vld [tilespmem:s4+$0x70];
	v18 =	vmul.f32 v18, v20  }
0x13c: {  	v8 =	vld [tilespmem:s4+$0xB0]  }
0x13d: {  	s14 =	simm.s32 $0x0;
	s3 =	simm.s32 $0x5240;
	[tilespmem:s0+$0xFFFFFF30] =	vst v18;
	v18 =	vmul.f32 v22, v14;
	v14 =	vld [tilespmem:s0+$0xB0]  }
.LBB2_14:
0x13e: {  	v19 =	vld [tilespmem:s3+$0xC0];
	v12 =	vmul.f32 v12, v17;
	s4 =	sadd.s32 $0x200, s4  }
0x13f: {  	s14 =	sadd.s32 $0x8, s14;
	v17 =	vld [tilespmem:s4+$0xC0];
	[tilespmem:s0+$0xFFFFFF70] =	vst v18;
	v9 =	vmul.f32 v9, v16  }
0x140: {  	p6 =	slt.u32 s14, $0x38;
	v16 =	vld [tilespmem:s4+$0xFFFFFF00];
	[tilespmem:s0+$0xFFFFFFB0] =	vst v12;
	v10 =	vmul.f32 v10, v15  }
0x141: {  	v12 =	vld [tilespmem:s3+$0xFFFFFF40];
	[tilespmem:s0+$0xFFFFFFF0] =	vst v9;
	v9 =	vmul.f32 v11, v13  }
0x142: {  	v11 =	vld [tilespmem:s4+$0xFFFFFF40];
	[tilespmem:s0+$0x30] =	vst v10;
	v8 =	vmul.f32 v8, v14  }
0x143: {  	v10 =	vld [tilespmem:s3+$0xFFFFFF80];
	[tilespmem:s0+$0x70] =	vst v9  }
0x144: {  	v9 =	vld [tilespmem:s4+$0xFFFFFF80];
	v13 =	vmul.f32 v17, v19;
	[tilespmem:s0+$0xB0] =	vst v8;
	s0 =	smov.u32 s3  }
0x145: {  	v8 =	vld [tilespmem:s3+$0xFFFFFFC0]  }
0x146: {  	[tilespmem:s3+$0xC0] =	vst v13;
	v13 =	vld [tilespmem:s3+$0xD0]  }
0x147: {  	v11 =	vmul.f32 v11, v12;
	v12 =	vld [tilespmem:s4+$0xD0]  }
0x148: {  	v14 =	vld [tilespmem:s4+$0xFFFFFFC0]  }
0x149: {  	[tilespmem:s3+$0xFFFFFF40] =	vst v11;
	v9 =	vmul.f32 v9, v10;
	v10 =	vld [tilespmem:s3+$0x0]  }
0x14a: {  	v11 =	vld [tilespmem:s4+$0x0]  }
0x14b: {  	[tilespmem:s3+$0xFFFFFF80] =	vst v9;
	v9 =	vld [tilespmem:s3+$0x40]  }
0x14c: {  	v15 =	vld [tilespmem:s4+$0x40];
	v12 =	vmul.f32 v12, v13  }
0x14d: {  	v8 =	vmul.f32 v14, v8;
	v13 =	vld [tilespmem:s3+$0x80]  }
0x14e: {  	[tilespmem:s3+$0xD0] =	vst v12;
	v12 =	vld [tilespmem:s3+$0xE0]  }
0x14f: {  	[tilespmem:s3+$0xFFFFFFC0] =	vst v8;
	v8 =	vmul.f32 v11, v10;
	v10 =	vld [tilespmem:s4+$0xE0]  }
0x150: {  	v11 =	vld [tilespmem:s4+$0x80]  }
0x151: {  	v14 =	vld [tilespmem:s3+$0xFFFFFF00];
	[tilespmem:s3+$0x0] =	vst v8;
	v8 =	vmul.f32 v15, v9  }
0x152: {  	v9 =	vld [tilespmem:s4+$0xFFFFFF50]  }
0x153: {  	v15 =	vld [tilespmem:s4+$0xFFFFFF90];
	[tilespmem:s3+$0x40] =	vst v8  }
0x154: {  	v8 =	vld [tilespmem:s4+$0xFFFFFFD0];
	v10 =	vmul.f32 v10, v12  }
0x155: {  	v12 =	vld [tilespmem:s4+$0x10];
	v11 =	vmul.f32 v11, v13  }
0x156: {  	v13 =	vmul.f32 v16, v14;
	[tilespmem:s3+$0xE0] =	vst v10;
	v10 =	vld [tilespmem:s3+$0xF0]  }
0x157: {  	[tilespmem:s3+$0x80] =	vst v11;
	v11 =	vld [tilespmem:s4+$0xF0]  }
0x158: {  	[tilespmem:s3+$0xFFFFFF00] =	vst v13;
	v13 =	vld [tilespmem:s4+$0x50]  }
0x159: {  	v14 =	vld [tilespmem:s4+$0xFFFFFF10]  }
0x15a: {  	v16 =	vld [tilespmem:s4+$0x90]  }
0x15b: {  	v17 =	vld [tilespmem:s3+$0xFFFFFF10]  }
0x15c: {  	v18 =	vld [tilespmem:s3+$0xFFFFFF50];
	v10 =	vmul.f32 v11, v10  }
0x15d: {  	v11 =	vld [tilespmem:s3+$0xFFFFFF90]  }
0x15e: {  	v19 =	vld [tilespmem:s3+$0xFFFFFFD0];
	[tilespmem:s3+$0xF0] =	vst v10  }
0x15f: {  	v10 =	vld [tilespmem:s3+$0x10]  }
0x160: {  	v14 =	vmul.f32 v14, v17;
	v17 =	vld [tilespmem:s3+$0x50]  }
0x161: {  	v9 =	vmul.f32 v9, v18;
	v18 =	vld [tilespmem:s3+$0x90]  }
0x162: {  	[tilespmem:s3+$0xFFFFFF10] =	vst v14;
	v14 =	vld [tilespmem:s3+$0xFFFFFF20];
	v11 =	vmul.f32 v15, v11  }
0x163: {  	v15 =	vld [tilespmem:s4+$0xFFFFFF20];
	[tilespmem:s3+$0xFFFFFF50] =	vst v9;
	v8 =	vmul.f32 v8, v19  }
0x164: {  	v9 =	vld [tilespmem:s4+$0xFFFFFF60];
	[tilespmem:s3+$0xFFFFFF90] =	vst v11;
	v10 =	vmul.f32 v12, v10  }
0x165: {  	v11 =	vld [tilespmem:s4+$0xFFFFFFA0];
	[tilespmem:s3+$0xFFFFFFD0] =	vst v8;
	v8 =	vmul.f32 v13, v17  }
0x166: {  	v12 =	vld [tilespmem:s4+$0xFFFFFFE0];
	[tilespmem:s3+$0x10] =	vst v10;
	v10 =	vmul.f32 v16, v18  }
0x167: {  	v13 =	vld [tilespmem:s4+$0x20];
	[tilespmem:s3+$0x50] =	vst v8  }
0x168: {  	v8 =	vmul.f32 v15, v14;
	v14 =	vld [tilespmem:s4+$0x60];
	[tilespmem:s3+$0x90] =	vst v10  }
0x169: {  	v10 =	vld [tilespmem:s4+$0xA0]  }
0x16a: {  	[tilespmem:s3+$0xFFFFFF20] =	vst v8;
	v8 =	vld [tilespmem:s3+$0xFFFFFF60]  }
0x16b: {  	v15 =	vld [tilespmem:s3+$0xFFFFFFA0]  }
0x16c: {  	v16 =	vld [tilespmem:s3+$0xFFFFFFE0]  }
0x16d: {  	v17 =	vld [tilespmem:s3+$0x20]  }
0x16e: {  	v18 =	vld [tilespmem:s3+$0x60]  }
0x16f: {  	v8 =	vmul.f32 v9, v8;
	v19 =	vld [tilespmem:s3+$0xA0]  }
0x170: {  	v20 =	vld [tilespmem:s4+$0xFFFFFF30];
	v9 =	vmul.f32 v11, v15  }
0x171: {  	v11 =	vld [tilespmem:s3+$0xFFFFFF30];
	[tilespmem:s3+$0xFFFFFF60] =	vst v8;
	v8 =	vmul.f32 v12, v16  }
0x172: {  	v21 =	vld [tilespmem:s4+$0xFFFFFF70];
	[tilespmem:s3+$0xFFFFFFA0] =	vst v9;
	v13 =	vmul.f32 v13, v17  }
0x173: {  	v12 =	vld [tilespmem:s4+$0xFFFFFFB0];
	[tilespmem:s3+$0xFFFFFFE0] =	vst v8;
	v8 =	vmul.f32 v14, v18  }
0x174: {  	v9 =	vld [tilespmem:s4+$0xFFFFFFF0];
	[tilespmem:s3+$0x20] =	vst v13;
	v13 =	vmul.f32 v10, v19  }
0x175: {  	v10 =	vld [tilespmem:s4+$0x30];
	[tilespmem:s3+$0x60] =	vst v8  }
0x176: {  	v14 =	vmul.f32 v20, v11;
	v11 =	vld [tilespmem:s4+$0x70];
	[tilespmem:s3+$0xA0] =	vst v13  }
0x177: {  	v8 =	vld [tilespmem:s4+$0xB0]  }
0x178: {  	[tilespmem:s3+$0xFFFFFF30] =	vst v14;
	v14 =	vld [tilespmem:s3+$0xFFFFFF70]  }
.Ltmp14:
0x179: {  	v17 =	vld [tilespmem:s3+$0xFFFFFFB0];
	(pc) =	sbr.rel @p6 .LBB2_14-.Ltmp14, $4  }
0x17a: {  	v16 =	vld [tilespmem:s3+$0xFFFFFFF0]  }
0x17b: {  	v15 =	vld [tilespmem:s3+$0x30]  }
0x17c: {  	v13 =	vld [tilespmem:s3+$0x70]  }
0x17d: {  	s3 =	sadd.s32 $0x200, s3;
	v18 =	vmul.f32 v21, v14;
	v14 =	vld [tilespmem:s0+$0xB0]  }
0x17e: {  	v12 =	vmul.f32 v12, v17  }
0x17f: {  	[tilespmem:s0+$0xFFFFFF70] =	vst v18;
	v9 =	vmul.f32 v9, v16  }
0x180: {  	[tilespmem:s0+$0xFFFFFFB0] =	vst v12;
	v10 =	vmul.f32 v10, v15  }
0x181: {  	s3 =	smul.u32 $0x500, s24;
	[tilespmem:s0+$0xFFFFFFF0] =	vst v9;
	v63 =	vmul.f32 v11, v13  }
0x182: {  	[tilespmem:s0+$0x30] =	vst v10;
	v8 =	vmul.f32 v8, v14  }
0x183: {  	s3 =	sshra.s32 s3, $0x2;
	[tilespmem:s0+$0x70] =	vst v63  }
0x184: {  	s17 =	simm.s32 $0x4F40;
	s14 =	sadd.s32 $0x3F40, s3;
	[tilespmem:s0+$0xB0] =	vst v8  }
0x185: {  	[spmem:s2] =	stream.indirect.scatter.add.f32 [tilespmem:s17], [sflag:$0xB], $0x40, s14, s23, $0xb8;
	[tilespmem:$0x1F380] =	vst v63  }
.LBB2_16:
0x186: {  	s0 =	sadd.s32 $0x1, s28  }
0x187: {  	p6 =	sge.s32 s0, s9  }
.Ltmp15:
0x188: {  	_ = 	snop;
	(pc) =	sbr.rel @p6 .LBB2_20-.Ltmp15, $1  }
0x189: {  	_ =	sdelay $0x3  }
0x18a: {  	s3 =	simm.s32 @!p5 $0xB  }
0x18b: {  	s4 =	sadd.s32 $0x4, s28;
	_ =	swait.ge @!p5 [sflag:s3], $0x1000  }
0x18c: {  	p6 =	sge.s32 s4, s9;
	[sflag:s3] =	ssyncset.done @!p5 $0x0  }
0x18d: {  	[sflag:s3] =	ssyncadd.s32 @!p5 $0xFFFFF000;
	s3 =	sshll.u32 @!p6 s4, $0x6  }
0x18e: {  	s14 =	simm.s32 @!p6 $0x40;
	s17 =	simm.s32 @!p6 $0x8F40;
	s4 =	sadd.s32 @!p6 $0x1F40, s3  }
0x18f: {  	[tilespmem:s17], [sflag:$0x9] =	stream.indirect.gather @!p6 [hbm4b:s5+s14], $0x40, s4, s14, $0xb8;
	[tilespmem:$0x1F380] =	vst v63  }
0x190: {  	s3 =	sadd.s32 @!p6 $0x2F40, s3;
	s4 =	simm.s32 @!p6 $0xDF40  }
0x191: {  	[tilespmem:s4], [sflag:$0xA] =	stream.indirect.gather @!p6 [hbm4b:s6+s14], $0x40, s3, s14, $0xb8;
	[tilespmem:$0x1F380] =	vst v63  }
0x192: {  	_ =	swait.ge [sflag:s25], $0x1000  }
0x193: {  	[sflag:s25] =	ssyncset.done $0x0  }
0x194: {  	[sflag:s25] =	ssyncadd.s32 $0xFFFFF000  }
0x195: {  	_ =	swait.ge [sflag:s26], $0x1000  }
0x196: {  	[sflag:s26] =	ssyncset.done $0x0  }
0x197: {  	s4 =	simm.s32 $0x6130;
	[sflag:s26] =	ssyncadd.s32 $0xFFFFF000  }
0x198: {  	s14 =	simm.s32 $0xB130;
	v8 =	vld [tilespmem:s4+$0xFFFFFFD0]  }
0x199: {  	v9 =	vld [tilespmem:s14+$0xFFFFFFD0]  }
0x19a: {  	v10 =	vld [tilespmem:s14+$0xFFFFFE10]  }
0x19b: {  	v11 =	vld [tilespmem:s4+$0xFFFFFE50]  }
0x19c: {  	v12 =	vld [tilespmem:s4+$0xFFFFFE90]  }
0x19d: {  	v14 =	vld [tilespmem:s14+$0xFFFFFE90]  }
0x19e: {  	v15 =	vld [tilespmem:s4+$0xFFFFFED0]  }
0x19f: {  	v16 =	vld [tilespmem:s14+$0xFFFFFED0]  }
0x1a0: {  	v17 =	vld [tilespmem:s4+$0xFFFFFF10]  }
0x1a1: {  	v18 =	vld [tilespmem:s14+$0xFFFFFF10]  }
0x1a2: {  	v19 =	vld [tilespmem:s14+$0xFFFFFF50]  }
0x1a3: {  	v21 =	vld [tilespmem:s4+$0xFFFFFF20]  }
0x1a4: {  	v63 =	vld [tilespmem:s4+$0xFFFFFF70]  }
0x1a5: {  	v8 =	vmul.f32 v9, v8;
	v9 =	vld [tilespmem:s14+$0xFFFFFE50]  }
0x1a6: {  	v12 =	vmul.f32 v14, v12;
	v14 =	vld [tilespmem:s14+$0xFFFFFF90]  }
0x1a7: {  	[tilespmem:s4+$0xFFFFFFD0] =	vst v8;
	v8 =	vld [tilespmem:s4+$0xFFFFFFE0]  }
0x1a8: {  	[tilespmem:s4+$0xFFFFFE90] =	vst v12;
	v12 =	vmul.f32 v18, v17;
	v13 =	vld [tilespmem:s14+$0xFFFFFFE0]  }
0x1a9: {  	v18 =	vld [tilespmem:s4+$0xFFFFFE60]  }
0x1aa: {  	[tilespmem:s4+$0xFFFFFF10] =	vst v12;
	v9 =	vmul.f32 v9, v11;
	v11 =	vld [tilespmem:s4+$0xFFFFFF90]  }
0x1ab: {  	v17 =	vld [tilespmem:s14+$0xFFFFFF20]  }
0x1ac: {  	[tilespmem:s4+$0xFFFFFE50] =	vst v9;
	v9 =	vmul.f32 v16, v15;
	v15 =	vld [tilespmem:s4+$0xFFFFFE10]  }
0x1ad: {  	v8 =	vmul.f32 v13, v8;
	v13 =	vld [tilespmem:s4+$0xFFFFFF50]  }
0x1ae: {  	v16 =	vld [tilespmem:s14+$0xFFFFFE60]  }
0x1af: {  	[tilespmem:s4+$0xFFFFFFE0] =	vst v8;
	v8 =	vld [tilespmem:s4+$0xFFFFFFF0]  }
0x1b0: {  	v20 =	vld [tilespmem:s14+$0xFFFFFFF0]  }
0x1b1: {  	[tilespmem:s4+$0xFFFFFED0] =	vst v9;
	v9 =	vld [tilespmem:s14+$0xFFFFFEA0]  }
0x1b2: {  	v12 =	vld [tilespmem:s14+$0xFFFFFEE0]  }
0x1b3: {  	v13 =	vmul.f32 v19, v13;
	v19 =	vld [tilespmem:s4+$0xFFFFFEA0];
	v16 =	vmul.f32 v16, v18  }
0x1b4: {  	v18 =	vld [tilespmem:s4+$0xFFFFFFA0]  }
0x1b5: {  	[tilespmem:s4+$0xFFFFFE60] =	vst v16;
	v8 =	vmul.f32 v20, v8;
	v20 =	vld [tilespmem:s4+$0xFFFFFEE0]  }
0x1b6: {  	v16 =	vld [tilespmem:s14+$0xFFFFFE70]  }
0x1b7: {  	[tilespmem:s4+$0xFFFFFFF0] =	vst v8;
	v8 =	vmul.f32 v10, v15;
	v15 =	vld [tilespmem:s4+$0x0]  }
0x1b8: {  	[tilespmem:s4+$0xFFFFFF50] =	vst v13;
	v10 =	vmul.f32 v14, v11;
	v13 =	vld [tilespmem:s14+$0x0]  }
0x1b9: {  	[tilespmem:s4+$0xFFFFFE10] =	vst v8;
	v8 =	vld [tilespmem:s14+$0xFFFFFF60]  }
0x1ba: {  	v9 =	vmul.f32 v9, v19;
	[tilespmem:s4+$0xFFFFFF90] =	vst v10;
	v10 =	vld [tilespmem:s4+$0xFFFFFE20]  }
0x1bb: {  	v11 =	vld [tilespmem:s14+$0xFFFFFE20]  }
0x1bc: {  	[tilespmem:s4+$0xFFFFFEA0] =	vst v9;
	v9 =	vmul.f32 v17, v21;
	v14 =	vld [tilespmem:s14+$0xFFFFFFA0]  }
0x1bd: {  	v12 =	vmul.f32 v12, v20;
	v17 =	vld [tilespmem:s14+$0xFFFFFEB0]  }
0x1be: {  	v20 =	vld [tilespmem:s4+$0xFFFFFEF0];
	[tilespmem:s4+$0xFFFFFF20] =	vst v9  }
0x1bf: {  	[tilespmem:s4+$0xFFFFFEE0] =	vst v12;
	v12 =	vld [tilespmem:s14+$0xFFFFFF30]  }
0x1c0: {  	v10 =	vmul.f32 v11, v10;
	v11 =	vld [tilespmem:s4+$0xFFFFFF60]  }
0x1c1: {  	v9 =	vmul.f32 v14, v18;
	v18 =	vld [tilespmem:s4+$0xFFFFFEB0]  }
0x1c2: {  	[tilespmem:s4+$0xFFFFFE20] =	vst v10;
	v10 =	vld [tilespmem:s4+$0xFFFFFE30]  }
0x1c3: {  	[tilespmem:s4+$0xFFFFFFA0] =	vst v9;
	v9 =	vld [tilespmem:s4+$0xFFFFFE70]  }
0x1c4: {  	v13 =	vmul.f32 v13, v15;
	v19 =	vld [tilespmem:s14+$0xFFFFFE30]  }
0x1c5: {  	v15 =	vld [tilespmem:s4+$0xFFFFFF40]  }
0x1c6: {  	[tilespmem:s4+$0x0] =	vst v13;
	v13 =	vld [tilespmem:s4+$0xFFFFFF80]  }
0x1c7: {  	v14 =	vld [tilespmem:s14+$0xFFFFFFB0];
	v8 =	vmul.f32 v8, v11  }
0x1c8: {  	v11 =	vld [tilespmem:s14+$0xFFFFFEF0];
	v9 =	vmul.f32 v16, v9  }
0x1c9: {  	[tilespmem:s4+$0xFFFFFF60] =	vst v8;
	v16 =	vmul.f32 v17, v18;
	v17 =	vld [tilespmem:s4+$0xFFFFFEC0];
	v10 =	vmul.f32 v19, v10  }
0x1ca: {  	v8 =	vld [tilespmem:s14+$0xFFFFFF70]  }
0x1cb: {  	[tilespmem:s4+$0xFFFFFE30] =	vst v10;
	v10 =	vld [tilespmem:s4+$0xFFFFFFB0]  }
0x1cc: {  	v19 =	vld [tilespmem:s4+$0xFFFFFF30]  }
0x1cd: {  	[tilespmem:s4+$0xFFFFFEB0] =	vst v16;
	v16 =	vld [tilespmem:s4+$0xFFFFFF00]  }
0x1ce: {  	[tilespmem:s4+$0xFFFFFE70] =	vst v9;
	v9 =	vmul.f32 v11, v20;
	v20 =	vld [tilespmem:s4+$0xFFFFFE40]  }
0x1cf: {  	v22 =	vld [tilespmem:s14+$0xFFFFFE80]  }
0x1d0: {  	v18 =	vld [tilespmem:s14+$0xFFFFFE40];
	v14 =	vmul.f32 v14, v10  }
0x1d1: {  	[tilespmem:s4+$0xFFFFFEF0] =	vst v9;
	v11 =	vmul.f32 v12, v19;
	v12 =	vld [tilespmem:s14+$0xFFFFFEC0]  }
0x1d2: {  	v8 =	vmul.f32 v8, v63;
	[tilespmem:s4+$0xFFFFFFB0] =	vst v14;
	v14 =	vld [tilespmem:s4+$0xFFFFFE80]  }
0x1d3: {  	v9 =	vld [tilespmem:s14+$0xFFFFFF00];
	[tilespmem:s4+$0xFFFFFF30] =	vst v11  }
0x1d4: {  	[tilespmem:s4+$0xFFFFFF70] =	vst v8;
	v10 =	vld [tilespmem:s14+$0xFFFFFF40]  }
0x1d5: {  	v11 =	vld [tilespmem:s14+$0xFFFFFF80];
	v18 =	vmul.f32 v18, v20  }
0x1d6: {  	v8 =	vld [tilespmem:s14+$0xFFFFFFC0]  }
0x1d7: {  	s17 =	simm.s32 $0x6330;
	s3 =	simm.s32 $0x0;
	[tilespmem:s4+$0xFFFFFE40] =	vst v18;
	v18 =	vmul.f32 v22, v14;
	v14 =	vld [tilespmem:s4+$0xFFFFFFC0]  }
.LBB2_18:
0x1d8: {  	v19 =	vld [tilespmem:s17+$0xFFFFFFD0];
	v12 =	vmul.f32 v12, v17;
	s14 =	sadd.s32 $0x200, s14  }
0x1d9: {  	s3 =	sadd.s32 $0x8, s3;
	v17 =	vld [tilespmem:s14+$0xFFFFFFD0];
	[tilespmem:s4+$0xFFFFFE80] =	vst v18;
	v9 =	vmul.f32 v9, v16  }
0x1da: {  	p5 =	slt.u32 s3, $0x38;
	v16 =	vld [tilespmem:s14+$0xFFFFFE10];
	[tilespmem:s4+$0xFFFFFEC0] =	vst v12;
	v10 =	vmul.f32 v10, v15  }
0x1db: {  	v12 =	vld [tilespmem:s17+$0xFFFFFE50];
	[tilespmem:s4+$0xFFFFFF00] =	vst v9;
	v9 =	vmul.f32 v11, v13  }
0x1dc: {  	v11 =	vld [tilespmem:s14+$0xFFFFFE50];
	[tilespmem:s4+$0xFFFFFF40] =	vst v10;
	v8 =	vmul.f32 v8, v14  }
0x1dd: {  	v10 =	vld [tilespmem:s17+$0xFFFFFE90];
	[tilespmem:s4+$0xFFFFFF80] =	vst v9  }
0x1de: {  	v9 =	vld [tilespmem:s14+$0xFFFFFE90];
	v13 =	vmul.f32 v17, v19;
	[tilespmem:s4+$0xFFFFFFC0] =	vst v8;
	s4 =	smov.u32 s17  }
0x1df: {  	v8 =	vld [tilespmem:s17+$0xFFFFFED0]  }
0x1e0: {  	[tilespmem:s17+$0xFFFFFFD0] =	vst v13;
	v13 =	vld [tilespmem:s17+$0xFFFFFFE0]  }
0x1e1: {  	v11 =	vmul.f32 v11, v12;
	v12 =	vld [tilespmem:s14+$0xFFFFFFE0]  }
0x1e2: {  	v14 =	vld [tilespmem:s14+$0xFFFFFED0]  }
0x1e3: {  	[tilespmem:s17+$0xFFFFFE50] =	vst v11;
	v9 =	vmul.f32 v9, v10;
	v10 =	vld [tilespmem:s17+$0xFFFFFF10]  }
0x1e4: {  	v11 =	vld [tilespmem:s14+$0xFFFFFF10]  }
0x1e5: {  	[tilespmem:s17+$0xFFFFFE90] =	vst v9;
	v9 =	vld [tilespmem:s17+$0xFFFFFF50]  }
0x1e6: {  	v15 =	vld [tilespmem:s14+$0xFFFFFF50];
	v12 =	vmul.f32 v12, v13  }
0x1e7: {  	v8 =	vmul.f32 v14, v8;
	v13 =	vld [tilespmem:s17+$0xFFFFFF90]  }
0x1e8: {  	[tilespmem:s17+$0xFFFFFFE0] =	vst v12;
	v12 =	vld [tilespmem:s17+$0xFFFFFFF0]  }
0x1e9: {  	[tilespmem:s17+$0xFFFFFED0] =	vst v8;
	v8 =	vmul.f32 v11, v10;
	v10 =	vld [tilespmem:s14+$0xFFFFFFF0]  }
0x1ea: {  	v11 =	vld [tilespmem:s14+$0xFFFFFF90]  }
0x1eb: {  	v14 =	vld [tilespmem:s17+$0xFFFFFE10];
	[tilespmem:s17+$0xFFFFFF10] =	vst v8;
	v8 =	vmul.f32 v15, v9  }
0x1ec: {  	v9 =	vld [tilespmem:s14+$0xFFFFFE60]  }
0x1ed: {  	v15 =	vld [tilespmem:s14+$0xFFFFFEA0];
	[tilespmem:s17+$0xFFFFFF50] =	vst v8  }
0x1ee: {  	v8 =	vld [tilespmem:s14+$0xFFFFFEE0];
	v10 =	vmul.f32 v10, v12  }
0x1ef: {  	v12 =	vld [tilespmem:s14+$0xFFFFFF20];
	v11 =	vmul.f32 v11, v13  }
0x1f0: {  	v13 =	vmul.f32 v16, v14;
	[tilespmem:s17+$0xFFFFFFF0] =	vst v10;
	v10 =	vld [tilespmem:s17+$0x0]  }
0x1f1: {  	[tilespmem:s17+$0xFFFFFF90] =	vst v11;
	v11 =	vld [tilespmem:s14+$0x0]  }
0x1f2: {  	[tilespmem:s17+$0xFFFFFE10] =	vst v13;
	v13 =	vld [tilespmem:s14+$0xFFFFFF60]  }
0x1f3: {  	v14 =	vld [tilespmem:s14+$0xFFFFFE20]  }
0x1f4: {  	v16 =	vld [tilespmem:s14+$0xFFFFFFA0]  }
0x1f5: {  	v17 =	vld [tilespmem:s17+$0xFFFFFE20]  }
0x1f6: {  	v18 =	vld [tilespmem:s17+$0xFFFFFE60];
	v10 =	vmul.f32 v11, v10  }
0x1f7: {  	v11 =	vld [tilespmem:s17+$0xFFFFFEA0]  }
0x1f8: {  	v19 =	vld [tilespmem:s17+$0xFFFFFEE0];
	[tilespmem:s17+$0x0] =	vst v10  }
0x1f9: {  	v10 =	vld [tilespmem:s17+$0xFFFFFF20]  }
0x1fa: {  	v14 =	vmul.f32 v14, v17;
	v17 =	vld [tilespmem:s17+$0xFFFFFF60]  }
0x1fb: {  	v9 =	vmul.f32 v9, v18;
	v18 =	vld [tilespmem:s17+$0xFFFFFFA0]  }
0x1fc: {  	[tilespmem:s17+$0xFFFFFE20] =	vst v14;
	v14 =	vld [tilespmem:s17+$0xFFFFFE30];
	v11 =	vmul.f32 v15, v11  }
0x1fd: {  	v15 =	vld [tilespmem:s14+$0xFFFFFE30];
	[tilespmem:s17+$0xFFFFFE60] =	vst v9;
	v8 =	vmul.f32 v8, v19  }
0x1fe: {  	v9 =	vld [tilespmem:s14+$0xFFFFFE70];
	[tilespmem:s17+$0xFFFFFEA0] =	vst v11;
	v10 =	vmul.f32 v12, v10  }
0x1ff: {  	v11 =	vld [tilespmem:s14+$0xFFFFFEB0];
	[tilespmem:s17+$0xFFFFFEE0] =	vst v8;
	v8 =	vmul.f32 v13, v17  }
0x200: {  	v12 =	vld [tilespmem:s14+$0xFFFFFEF0];
	[tilespmem:s17+$0xFFFFFF20] =	vst v10;
	v10 =	vmul.f32 v16, v18  }
0x201: {  	v13 =	vld [tilespmem:s14+$0xFFFFFF30];
	[tilespmem:s17+$0xFFFFFF60] =	vst v8  }
0x202: {  	v8 =	vmul.f32 v15, v14;
	v14 =	vld [tilespmem:s14+$0xFFFFFF70];
	[tilespmem:s17+$0xFFFFFFA0] =	vst v10  }
0x203: {  	v10 =	vld [tilespmem:s14+$0xFFFFFFB0]  }
0x204: {  	[tilespmem:s17+$0xFFFFFE30] =	vst v8;
	v8 =	vld [tilespmem:s17+$0xFFFFFE70]  }
0x205: {  	v15 =	vld [tilespmem:s17+$0xFFFFFEB0]  }
0x206: {  	v16 =	vld [tilespmem:s17+$0xFFFFFEF0]  }
0x207: {  	v17 =	vld [tilespmem:s17+$0xFFFFFF30]  }
0x208: {  	v18 =	vld [tilespmem:s17+$0xFFFFFF70]  }
0x209: {  	v8 =	vmul.f32 v9, v8;
	v19 =	vld [tilespmem:s17+$0xFFFFFFB0]  }
0x20a: {  	v20 =	vld [tilespmem:s14+$0xFFFFFE40];
	v9 =	vmul.f32 v11, v15  }
0x20b: {  	v11 =	vld [tilespmem:s17+$0xFFFFFE40];
	[tilespmem:s17+$0xFFFFFE70] =	vst v8;
	v8 =	vmul.f32 v12, v16  }
0x20c: {  	v21 =	vld [tilespmem:s14+$0xFFFFFE80];
	[tilespmem:s17+$0xFFFFFEB0] =	vst v9;
	v13 =	vmul.f32 v13, v17  }
0x20d: {  	v12 =	vld [tilespmem:s14+$0xFFFFFEC0];
	[tilespmem:s17+$0xFFFFFEF0] =	vst v8;
	v8 =	vmul.f32 v14, v18  }
0x20e: {  	v9 =	vld [tilespmem:s14+$0xFFFFFF00];
	[tilespmem:s17+$0xFFFFFF30] =	vst v13;
	v13 =	vmul.f32 v10, v19  }
0x20f: {  	v10 =	vld [tilespmem:s14+$0xFFFFFF40];
	[tilespmem:s17+$0xFFFFFF70] =	vst v8  }
0x210: {  	v14 =	vmul.f32 v20, v11;
	v11 =	vld [tilespmem:s14+$0xFFFFFF80];
	[tilespmem:s17+$0xFFFFFFB0] =	vst v13  }
0x211: {  	v8 =	vld [tilespmem:s14+$0xFFFFFFC0]  }
0x212: {  	[tilespmem:s17+$0xFFFFFE40] =	vst v14;
	v14 =	vld [tilespmem:s17+$0xFFFFFE80]  }
.Ltmp16:
0x213: {  	v17 =	vld [tilespmem:s17+$0xFFFFFEC0];
	(pc) =	sbr.rel @p5 .LBB2_18-.Ltmp16, $4  }
0x214: {  	v16 =	vld [tilespmem:s17+$0xFFFFFF00]  }
0x215: {  	v15 =	vld [tilespmem:s17+$0xFFFFFF40]  }
0x216: {  	v13 =	vld [tilespmem:s17+$0xFFFFFF80]  }
0x217: {  	s17 =	sadd.s32 $0x200, s17;
	v18 =	vmul.f32 v21, v14;
	v14 =	vld [tilespmem:s4+$0xFFFFFFC0]  }
0x218: {  	v12 =	vmul.f32 v12, v17  }
0x219: {  	[tilespmem:s4+$0xFFFFFE80] =	vst v18;
	v9 =	vmul.f32 v9, v16  }
0x21a: {  	[tilespmem:s4+$0xFFFFFEC0] =	vst v12;
	v10 =	vmul.f32 v10, v15  }
0x21b: {  	[tilespmem:s4+$0xFFFFFF00] =	vst v9;
	v63 =	vmul.f32 v11, v13  }
0x21c: {  	s0 =	sshll.u32 s0, $0x8;
	[tilespmem:s4+$0xFFFFFF40] =	vst v10;
	v8 =	vmul.f32 v8, v14  }
0x21d: {  	s0 =	sshra.s32 s0, $0x2;
	[tilespmem:s4+$0xFFFFFF80] =	vst v63  }
0x21e: {  	s3 =	simm.s32 $0x5F40;
	s0 =	sadd.s32 $0x3F40, s0;
	[tilespmem:s4+$0xFFFFFFC0] =	vst v8  }
0x21f: {  	[spmem:s2] =	stream.indirect.scatter.add.f32 [tilespmem:s3], [sflag:$0xB], $0x40, s0, s23, $0xb8;
	[tilespmem:$0x1F380] =	vst v63  }
.LBB2_20:
0x220: {  	s0 =	sadd.s32 $0x2, s28  }
0x221: {  	p5 =	sge.s32 s0, s9  }
.Ltmp17:
0x222: {  	_ = 	snop;
	(pc) =	sbr.rel @p5 .LBB2_24-.Ltmp17, $1  }
0x223: {  	_ =	sdelay $0x3  }
0x224: {  	_ =	swait.ge [sflag:s29], $0x1000;
	s3 =	sadd.s32 $0x5, s28  }
0x225: {  	[sflag:s29] =	ssyncset.done $0x0;
	p5 =	sge.s32 s3, s9  }
0x226: {  	[sflag:s29] =	ssyncadd.s32 $0xFFFFF000;
	s3 =	sshll.u32 @!p5 s3, $0x6  }
0x227: {  	s14 =	simm.s32 @!p5 $0x40;
	s17 =	simm.s32 @!p5 $0x4F40;
	s4 =	sadd.s32 @!p5 $0x1F40, s3  }
0x228: {  	[tilespmem:s17], [sflag:$0x1] =	stream.indirect.gather @!p5 [hbm4b:s5+s14], $0x40, s4, s14, $0xb8;
	[tilespmem:$0x1F380] =	vst v63  }
0x229: {  	s3 =	sadd.s32 @!p5 $0x2F40, s3;
	s4 =	simm.s32 @!p5 $0x9F40  }
0x22a: {  	[tilespmem:s4], [sflag:$0x2] =	stream.indirect.gather @!p5 [hbm4b:s6+s14], $0x40, s3, s14, $0xb8;
	[tilespmem:$0x1F380] =	vst v63  }
0x22b: {  	_ =	swait.ge [sflag:s30], $0x1000  }
0x22c: {  	[sflag:s30] =	ssyncset.done $0x0  }
0x22d: {  	[sflag:s30] =	ssyncadd.s32 $0xFFFFF000  }
0x22e: {  	_ =	swait.ge [sflag:s31], $0x1000  }
0x22f: {  	[sflag:s31] =	ssyncset.done $0x0  }
0x230: {  	s4 =	simm.s32 $0x7130;
	[sflag:s31] =	ssyncadd.s32 $0xFFFFF000  }
0x231: {  	s14 =	simm.s32 $0xC130;
	v8 =	vld [tilespmem:s4+$0xFFFFFFD0]  }
0x232: {  	v9 =	vld [tilespmem:s14+$0xFFFFFFD0]  }
0x233: {  	v10 =	vld [tilespmem:s14+$0xFFFFFE10]  }
0x234: {  	v11 =	vld [tilespmem:s4+$0xFFFFFE50]  }
0x235: {  	v12 =	vld [tilespmem:s4+$0xFFFFFE90]  }
0x236: {  	v14 =	vld [tilespmem:s14+$0xFFFFFE90]  }
0x237: {  	v15 =	vld [tilespmem:s4+$0xFFFFFED0]  }
0x238: {  	v16 =	vld [tilespmem:s14+$0xFFFFFED0]  }
0x239: {  	v17 =	vld [tilespmem:s4+$0xFFFFFF10]  }
0x23a: {  	v18 =	vld [tilespmem:s14+$0xFFFFFF10]  }
0x23b: {  	v19 =	vld [tilespmem:s14+$0xFFFFFF50]  }
0x23c: {  	v21 =	vld [tilespmem:s4+$0xFFFFFF20]  }
0x23d: {  	v63 =	vld [tilespmem:s4+$0xFFFFFF70]  }
0x23e: {  	v8 =	vmul.f32 v9, v8;
	v9 =	vld [tilespmem:s14+$0xFFFFFE50]  }
0x23f: {  	v12 =	vmul.f32 v14, v12;
	v14 =	vld [tilespmem:s14+$0xFFFFFF90]  }
0x240: {  	[tilespmem:s4+$0xFFFFFFD0] =	vst v8;
	v8 =	vld [tilespmem:s4+$0xFFFFFFE0]  }
0x241: {  	[tilespmem:s4+$0xFFFFFE90] =	vst v12;
	v12 =	vmul.f32 v18, v17;
	v13 =	vld [tilespmem:s14+$0xFFFFFFE0]  }
0x242: {  	v18 =	vld [tilespmem:s4+$0xFFFFFE60]  }
0x243: {  	[tilespmem:s4+$0xFFFFFF10] =	vst v12;
	v9 =	vmul.f32 v9, v11;
	v11 =	vld [tilespmem:s4+$0xFFFFFF90]  }
0x244: {  	v17 =	vld [tilespmem:s14+$0xFFFFFF20]  }
0x245: {  	[tilespmem:s4+$0xFFFFFE50] =	vst v9;
	v9 =	vmul.f32 v16, v15;
	v15 =	vld [tilespmem:s4+$0xFFFFFE10]  }
0x246: {  	v8 =	vmul.f32 v13, v8;
	v13 =	vld [tilespmem:s4+$0xFFFFFF50]  }
0x247: {  	v16 =	vld [tilespmem:s14+$0xFFFFFE60]  }
0x248: {  	[tilespmem:s4+$0xFFFFFFE0] =	vst v8;
	v8 =	vld [tilespmem:s4+$0xFFFFFFF0]  }
0x249: {  	v20 =	vld [tilespmem:s14+$0xFFFFFFF0]  }
0x24a: {  	[tilespmem:s4+$0xFFFFFED0] =	vst v9;
	v9 =	vld [tilespmem:s14+$0xFFFFFEA0]  }
0x24b: {  	v12 =	vld [tilespmem:s14+$0xFFFFFEE0]  }
0x24c: {  	v13 =	vmul.f32 v19, v13;
	v19 =	vld [tilespmem:s4+$0xFFFFFEA0];
	v16 =	vmul.f32 v16, v18  }
0x24d: {  	v18 =	vld [tilespmem:s4+$0xFFFFFFA0]  }
0x24e: {  	[tilespmem:s4+$0xFFFFFE60] =	vst v16;
	v8 =	vmul.f32 v20, v8;
	v20 =	vld [tilespmem:s4+$0xFFFFFEE0]  }
0x24f: {  	v16 =	vld [tilespmem:s14+$0xFFFFFE70]  }
0x250: {  	[tilespmem:s4+$0xFFFFFFF0] =	vst v8;
	v8 =	vmul.f32 v10, v15;
	v15 =	vld [tilespmem:s4+$0x0]  }
0x251: {  	[tilespmem:s4+$0xFFFFFF50] =	vst v13;
	v10 =	vmul.f32 v14, v11;
	v13 =	vld [tilespmem:s14+$0x0]  }
0x252: {  	[tilespmem:s4+$0xFFFFFE10] =	vst v8;
	v8 =	vld [tilespmem:s14+$0xFFFFFF60]  }
0x253: {  	v9 =	vmul.f32 v9, v19;
	[tilespmem:s4+$0xFFFFFF90] =	vst v10;
	v10 =	vld [tilespmem:s4+$0xFFFFFE20]  }
0x254: {  	v11 =	vld [tilespmem:s14+$0xFFFFFE20]  }
0x255: {  	[tilespmem:s4+$0xFFFFFEA0] =	vst v9;
	v9 =	vmul.f32 v17, v21;
	v14 =	vld [tilespmem:s14+$0xFFFFFFA0]  }
0x256: {  	v12 =	vmul.f32 v12, v20;
	v17 =	vld [tilespmem:s14+$0xFFFFFEB0]  }
0x257: {  	v20 =	vld [tilespmem:s4+$0xFFFFFEF0];
	[tilespmem:s4+$0xFFFFFF20] =	vst v9  }
0x258: {  	[tilespmem:s4+$0xFFFFFEE0] =	vst v12;
	v12 =	vld [tilespmem:s14+$0xFFFFFF30]  }
0x259: {  	v10 =	vmul.f32 v11, v10;
	v11 =	vld [tilespmem:s4+$0xFFFFFF60]  }
0x25a: {  	v9 =	vmul.f32 v14, v18;
	v18 =	vld [tilespmem:s4+$0xFFFFFEB0]  }
0x25b: {  	[tilespmem:s4+$0xFFFFFE20] =	vst v10;
	v10 =	vld [tilespmem:s4+$0xFFFFFE30]  }
0x25c: {  	[tilespmem:s4+$0xFFFFFFA0] =	vst v9;
	v9 =	vld [tilespmem:s4+$0xFFFFFE70]  }
0x25d: {  	v13 =	vmul.f32 v13, v15;
	v19 =	vld [tilespmem:s14+$0xFFFFFE30]  }
0x25e: {  	v15 =	vld [tilespmem:s4+$0xFFFFFF40]  }
0x25f: {  	[tilespmem:s4+$0x0] =	vst v13;
	v13 =	vld [tilespmem:s4+$0xFFFFFF80]  }
0x260: {  	v14 =	vld [tilespmem:s14+$0xFFFFFFB0];
	v8 =	vmul.f32 v8, v11  }
0x261: {  	v11 =	vld [tilespmem:s14+$0xFFFFFEF0];
	v9 =	vmul.f32 v16, v9  }
0x262: {  	[tilespmem:s4+$0xFFFFFF60] =	vst v8;
	v16 =	vmul.f32 v17, v18;
	v17 =	vld [tilespmem:s4+$0xFFFFFEC0];
	v10 =	vmul.f32 v19, v10  }
0x263: {  	v8 =	vld [tilespmem:s14+$0xFFFFFF70]  }
0x264: {  	[tilespmem:s4+$0xFFFFFE30] =	vst v10;
	v10 =	vld [tilespmem:s4+$0xFFFFFFB0]  }
0x265: {  	v19 =	vld [tilespmem:s4+$0xFFFFFF30]  }
0x266: {  	[tilespmem:s4+$0xFFFFFEB0] =	vst v16;
	v16 =	vld [tilespmem:s4+$0xFFFFFF00]  }
0x267: {  	[tilespmem:s4+$0xFFFFFE70] =	vst v9;
	v9 =	vmul.f32 v11, v20;
	v20 =	vld [tilespmem:s4+$0xFFFFFE40]  }
0x268: {  	v22 =	vld [tilespmem:s14+$0xFFFFFE80]  }
0x269: {  	v18 =	vld [tilespmem:s14+$0xFFFFFE40];
	v14 =	vmul.f32 v14, v10  }
0x26a: {  	[tilespmem:s4+$0xFFFFFEF0] =	vst v9;
	v11 =	vmul.f32 v12, v19;
	v12 =	vld [tilespmem:s14+$0xFFFFFEC0]  }
0x26b: {  	v8 =	vmul.f32 v8, v63;
	[tilespmem:s4+$0xFFFFFFB0] =	vst v14;
	v14 =	vld [tilespmem:s4+$0xFFFFFE80]  }
0x26c: {  	v9 =	vld [tilespmem:s14+$0xFFFFFF00];
	[tilespmem:s4+$0xFFFFFF30] =	vst v11  }
0x26d: {  	[tilespmem:s4+$0xFFFFFF70] =	vst v8;
	v10 =	vld [tilespmem:s14+$0xFFFFFF40]  }
0x26e: {  	v11 =	vld [tilespmem:s14+$0xFFFFFF80];
	v18 =	vmul.f32 v18, v20  }
0x26f: {  	v8 =	vld [tilespmem:s14+$0xFFFFFFC0]  }
0x270: {  	s17 =	simm.s32 $0x7330;
	s3 =	simm.s32 $0x0;
	[tilespmem:s4+$0xFFFFFE40] =	vst v18;
	v18 =	vmul.f32 v22, v14;
	v14 =	vld [tilespmem:s4+$0xFFFFFFC0]  }
.LBB2_22:
0x271: {  	v19 =	vld [tilespmem:s17+$0xFFFFFFD0];
	v12 =	vmul.f32 v12, v17;
	s14 =	sadd.s32 $0x200, s14  }
0x272: {  	s3 =	sadd.s32 $0x8, s3;
	v17 =	vld [tilespmem:s14+$0xFFFFFFD0];
	[tilespmem:s4+$0xFFFFFE80] =	vst v18;
	v9 =	vmul.f32 v9, v16  }
0x273: {  	p5 =	slt.u32 s3, $0x38;
	v16 =	vld [tilespmem:s14+$0xFFFFFE10];
	[tilespmem:s4+$0xFFFFFEC0] =	vst v12;
	v10 =	vmul.f32 v10, v15  }
0x274: {  	v12 =	vld [tilespmem:s17+$0xFFFFFE50];
	[tilespmem:s4+$0xFFFFFF00] =	vst v9;
	v9 =	vmul.f32 v11, v13  }
0x275: {  	v11 =	vld [tilespmem:s14+$0xFFFFFE50];
	[tilespmem:s4+$0xFFFFFF40] =	vst v10;
	v8 =	vmul.f32 v8, v14  }
0x276: {  	v10 =	vld [tilespmem:s17+$0xFFFFFE90];
	[tilespmem:s4+$0xFFFFFF80] =	vst v9  }
0x277: {  	v9 =	vld [tilespmem:s14+$0xFFFFFE90];
	v13 =	vmul.f32 v17, v19;
	[tilespmem:s4+$0xFFFFFFC0] =	vst v8;
	s4 =	smov.u32 s17  }
0x278: {  	v8 =	vld [tilespmem:s17+$0xFFFFFED0]  }
0x279: {  	[tilespmem:s17+$0xFFFFFFD0] =	vst v13;
	v13 =	vld [tilespmem:s17+$0xFFFFFFE0]  }
0x27a: {  	v11 =	vmul.f32 v11, v12;
	v12 =	vld [tilespmem:s14+$0xFFFFFFE0]  }
0x27b: {  	v14 =	vld [tilespmem:s14+$0xFFFFFED0]  }
0x27c: {  	[tilespmem:s17+$0xFFFFFE50] =	vst v11;
	v9 =	vmul.f32 v9, v10;
	v10 =	vld [tilespmem:s17+$0xFFFFFF10]  }
0x27d: {  	v11 =	vld [tilespmem:s14+$0xFFFFFF10]  }
0x27e: {  	[tilespmem:s17+$0xFFFFFE90] =	vst v9;
	v9 =	vld [tilespmem:s17+$0xFFFFFF50]  }
0x27f: {  	v15 =	vld [tilespmem:s14+$0xFFFFFF50];
	v12 =	vmul.f32 v12, v13  }
0x280: {  	v8 =	vmul.f32 v14, v8;
	v13 =	vld [tilespmem:s17+$0xFFFFFF90]  }
0x281: {  	[tilespmem:s17+$0xFFFFFFE0] =	vst v12;
	v12 =	vld [tilespmem:s17+$0xFFFFFFF0]  }
0x282: {  	[tilespmem:s17+$0xFFFFFED0] =	vst v8;
	v8 =	vmul.f32 v11, v10;
	v10 =	vld [tilespmem:s14+$0xFFFFFFF0]  }
0x283: {  	v11 =	vld [tilespmem:s14+$0xFFFFFF90]  }
0x284: {  	v14 =	vld [tilespmem:s17+$0xFFFFFE10];
	[tilespmem:s17+$0xFFFFFF10] =	vst v8;
	v8 =	vmul.f32 v15, v9  }
0x285: {  	v9 =	vld [tilespmem:s14+$0xFFFFFE60]  }
0x286: {  	v15 =	vld [tilespmem:s14+$0xFFFFFEA0];
	[tilespmem:s17+$0xFFFFFF50] =	vst v8  }
0x287: {  	v8 =	vld [tilespmem:s14+$0xFFFFFEE0];
	v10 =	vmul.f32 v10, v12  }
0x288: {  	v12 =	vld [tilespmem:s14+$0xFFFFFF20];
	v11 =	vmul.f32 v11, v13  }
0x289: {  	v13 =	vmul.f32 v16, v14;
	[tilespmem:s17+$0xFFFFFFF0] =	vst v10;
	v10 =	vld [tilespmem:s17+$0x0]  }
0x28a: {  	[tilespmem:s17+$0xFFFFFF90] =	vst v11;
	v11 =	vld [tilespmem:s14+$0x0]  }
0x28b: {  	[tilespmem:s17+$0xFFFFFE10] =	vst v13;
	v13 =	vld [tilespmem:s14+$0xFFFFFF60]  }
0x28c: {  	v14 =	vld [tilespmem:s14+$0xFFFFFE20]  }
0x28d: {  	v16 =	vld [tilespmem:s14+$0xFFFFFFA0]  }
0x28e: {  	v17 =	vld [tilespmem:s17+$0xFFFFFE20]  }
0x28f: {  	v18 =	vld [tilespmem:s17+$0xFFFFFE60];
	v10 =	vmul.f32 v11, v10  }
0x290: {  	v11 =	vld [tilespmem:s17+$0xFFFFFEA0]  }
0x291: {  	v19 =	vld [tilespmem:s17+$0xFFFFFEE0];
	[tilespmem:s17+$0x0] =	vst v10  }
0x292: {  	v10 =	vld [tilespmem:s17+$0xFFFFFF20]  }
0x293: {  	v14 =	vmul.f32 v14, v17;
	v17 =	vld [tilespmem:s17+$0xFFFFFF60]  }
0x294: {  	v9 =	vmul.f32 v9, v18;
	v18 =	vld [tilespmem:s17+$0xFFFFFFA0]  }
0x295: {  	[tilespmem:s17+$0xFFFFFE20] =	vst v14;
	v14 =	vld [tilespmem:s17+$0xFFFFFE30];
	v11 =	vmul.f32 v15, v11  }
0x296: {  	v15 =	vld [tilespmem:s14+$0xFFFFFE30];
	[tilespmem:s17+$0xFFFFFE60] =	vst v9;
	v8 =	vmul.f32 v8, v19  }
0x297: {  	v9 =	vld [tilespmem:s14+$0xFFFFFE70];
	[tilespmem:s17+$0xFFFFFEA0] =	vst v11;
	v10 =	vmul.f32 v12, v10  }
0x298: {  	v11 =	vld [tilespmem:s14+$0xFFFFFEB0];
	[tilespmem:s17+$0xFFFFFEE0] =	vst v8;
	v8 =	vmul.f32 v13, v17  }
0x299: {  	v12 =	vld [tilespmem:s14+$0xFFFFFEF0];
	[tilespmem:s17+$0xFFFFFF20] =	vst v10;
	v10 =	vmul.f32 v16, v18  }
0x29a: {  	v13 =	vld [tilespmem:s14+$0xFFFFFF30];
	[tilespmem:s17+$0xFFFFFF60] =	vst v8  }
0x29b: {  	v8 =	vmul.f32 v15, v14;
	v14 =	vld [tilespmem:s14+$0xFFFFFF70];
	[tilespmem:s17+$0xFFFFFFA0] =	vst v10  }
0x29c: {  	v10 =	vld [tilespmem:s14+$0xFFFFFFB0]  }
0x29d: {  	[tilespmem:s17+$0xFFFFFE30] =	vst v8;
	v8 =	vld [tilespmem:s17+$0xFFFFFE70]  }
0x29e: {  	v15 =	vld [tilespmem:s17+$0xFFFFFEB0]  }
0x29f: {  	v16 =	vld [tilespmem:s17+$0xFFFFFEF0]  }
0x2a0: {  	v17 =	vld [tilespmem:s17+$0xFFFFFF30]  }
0x2a1: {  	v18 =	vld [tilespmem:s17+$0xFFFFFF70]  }
0x2a2: {  	v8 =	vmul.f32 v9, v8;
	v19 =	vld [tilespmem:s17+$0xFFFFFFB0]  }
0x2a3: {  	v20 =	vld [tilespmem:s14+$0xFFFFFE40];
	v9 =	vmul.f32 v11, v15  }
0x2a4: {  	v11 =	vld [tilespmem:s17+$0xFFFFFE40];
	[tilespmem:s17+$0xFFFFFE70] =	vst v8;
	v8 =	vmul.f32 v12, v16  }
0x2a5: {  	v21 =	vld [tilespmem:s14+$0xFFFFFE80];
	[tilespmem:s17+$0xFFFFFEB0] =	vst v9;
	v13 =	vmul.f32 v13, v17  }
0x2a6: {  	v12 =	vld [tilespmem:s14+$0xFFFFFEC0];
	[tilespmem:s17+$0xFFFFFEF0] =	vst v8;
	v8 =	vmul.f32 v14, v18  }
0x2a7: {  	v9 =	vld [tilespmem:s14+$0xFFFFFF00];
	[tilespmem:s17+$0xFFFFFF30] =	vst v13;
	v13 =	vmul.f32 v10, v19  }
0x2a8: {  	v10 =	vld [tilespmem:s14+$0xFFFFFF40];
	[tilespmem:s17+$0xFFFFFF70] =	vst v8  }
0x2a9: {  	v14 =	vmul.f32 v20, v11;
	v11 =	vld [tilespmem:s14+$0xFFFFFF80];
	[tilespmem:s17+$0xFFFFFFB0] =	vst v13  }
0x2aa: {  	v8 =	vld [tilespmem:s14+$0xFFFFFFC0]  }
0x2ab: {  	[tilespmem:s17+$0xFFFFFE40] =	vst v14;
	v14 =	vld [tilespmem:s17+$0xFFFFFE80]  }
.Ltmp18:
0x2ac: {  	v17 =	vld [tilespmem:s17+$0xFFFFFEC0];
	(pc) =	sbr.rel @p5 .LBB2_22-.Ltmp18, $4  }
0x2ad: {  	v16 =	vld [tilespmem:s17+$0xFFFFFF00]  }
0x2ae: {  	v15 =	vld [tilespmem:s17+$0xFFFFFF40]  }
0x2af: {  	v13 =	vld [tilespmem:s17+$0xFFFFFF80]  }
0x2b0: {  	s17 =	sadd.s32 $0x200, s17;
	v18 =	vmul.f32 v21, v14;
	v14 =	vld [tilespmem:s4+$0xFFFFFFC0]  }
0x2b1: {  	v12 =	vmul.f32 v12, v17  }
0x2b2: {  	[tilespmem:s4+$0xFFFFFE80] =	vst v18;
	v9 =	vmul.f32 v9, v16  }
0x2b3: {  	[tilespmem:s4+$0xFFFFFEC0] =	vst v12;
	v10 =	vmul.f32 v10, v15  }
0x2b4: {  	[tilespmem:s4+$0xFFFFFF00] =	vst v9;
	v63 =	vmul.f32 v11, v13  }
0x2b5: {  	s0 =	sshll.u32 s0, $0x8;
	[tilespmem:s4+$0xFFFFFF40] =	vst v10;
	v8 =	vmul.f32 v8, v14  }
0x2b6: {  	s0 =	sshra.s32 s0, $0x2;
	[tilespmem:s4+$0xFFFFFF80] =	vst v63  }
0x2b7: {  	s3 =	simm.s32 $0x6F40;
	s0 =	sadd.s32 $0x3F40, s0;
	[tilespmem:s4+$0xFFFFFFC0] =	vst v8  }
0x2b8: {  	[spmem:s2] =	stream.indirect.scatter.add.f32 [tilespmem:s3], [sflag:$0xB], $0x40, s0, s23, $0xb8;
	[tilespmem:$0x1F380] =	vst v63  }
.LBB2_24:
0x2b9: {  	s0 =	sadd.s32 $0x3, s28  }
0x2ba: {  	p5 =	sge.s32 s0, s9  }
.Ltmp19:
0x2bb: {  	_ = 	snop;
	(pc) =	sbr.rel @p5 .LBB2_28-.Ltmp19, $1  }
0x2bc: {  	_ =	sdelay $0x3  }
0x2bd: {  	_ =	swait.ge [sflag:s29], $0x1000;
	s3 =	sadd.s32 $0x6, s28  }
0x2be: {  	[sflag:s29] =	ssyncset.done $0x0;
	p5 =	sge.s32 s3, s9  }
0x2bf: {  	[sflag:s29] =	ssyncadd.s32 $0xFFFFF000;
	s3 =	sshll.u32 @!p5 s3, $0x6  }
0x2c0: {  	s14 =	simm.s32 @!p5 $0x40;
	s17 =	simm.s32 @!p5 $0x5F40;
	s4 =	sadd.s32 @!p5 $0x1F40, s3  }
0x2c1: {  	[tilespmem:s17], [sflag:$0x3] =	stream.indirect.gather @!p5 [hbm4b:s5+s14], $0x40, s4, s14, $0xb8;
	[tilespmem:$0x1F380] =	vst v63  }
0x2c2: {  	s3 =	sadd.s32 @!p5 $0x2F40, s3;
	s4 =	simm.s32 @!p5 $0xAF40  }
0x2c3: {  	[tilespmem:s4], [sflag:$0x4] =	stream.indirect.gather @!p5 [hbm4b:s6+s14], $0x40, s3, s14, $0xb8;
	[tilespmem:$0x1F380] =	vst v63  }
0x2c4: {  	_ =	swait.ge [sflag:s13], $0x1000  }
0x2c5: {  	[sflag:s13] =	ssyncset.done $0x0  }
0x2c6: {  	[sflag:s13] =	ssyncadd.s32 $0xFFFFF000  }
0x2c7: {  	_ =	swait.ge [sflag:s1], $0x1000  }
0x2c8: {  	[sflag:s1] =	ssyncset.done $0x0  }
0x2c9: {  	s4 =	simm.s32 $0x8130;
	[sflag:s1] =	ssyncadd.s32 $0xFFFFF000  }
0x2ca: {  	s14 =	simm.s32 $0xD130;
	v8 =	vld [tilespmem:s4+$0xFFFFFFD0]  }
0x2cb: {  	v9 =	vld [tilespmem:s14+$0xFFFFFFD0]  }
0x2cc: {  	v10 =	vld [tilespmem:s14+$0xFFFFFE10]  }
0x2cd: {  	v11 =	vld [tilespmem:s4+$0xFFFFFE50]  }
0x2ce: {  	v12 =	vld [tilespmem:s4+$0xFFFFFE90]  }
0x2cf: {  	v14 =	vld [tilespmem:s14+$0xFFFFFE90]  }
0x2d0: {  	v15 =	vld [tilespmem:s4+$0xFFFFFED0]  }
0x2d1: {  	v16 =	vld [tilespmem:s14+$0xFFFFFED0]  }
0x2d2: {  	v17 =	vld [tilespmem:s4+$0xFFFFFF10]  }
0x2d3: {  	v18 =	vld [tilespmem:s14+$0xFFFFFF10]  }
0x2d4: {  	v19 =	vld [tilespmem:s14+$0xFFFFFF50]  }
0x2d5: {  	v21 =	vld [tilespmem:s4+$0xFFFFFF20]  }
0x2d6: {  	v63 =	vld [tilespmem:s4+$0xFFFFFF70]  }
0x2d7: {  	v8 =	vmul.f32 v9, v8;
	v9 =	vld [tilespmem:s14+$0xFFFFFE50]  }
0x2d8: {  	v12 =	vmul.f32 v14, v12;
	v14 =	vld [tilespmem:s14+$0xFFFFFF90]  }
0x2d9: {  	[tilespmem:s4+$0xFFFFFFD0] =	vst v8;
	v8 =	vld [tilespmem:s4+$0xFFFFFFE0]  }
0x2da: {  	[tilespmem:s4+$0xFFFFFE90] =	vst v12;
	v12 =	vmul.f32 v18, v17;
	v13 =	vld [tilespmem:s14+$0xFFFFFFE0]  }
0x2db: {  	v18 =	vld [tilespmem:s4+$0xFFFFFE60]  }
0x2dc: {  	[tilespmem:s4+$0xFFFFFF10] =	vst v12;
	v9 =	vmul.f32 v9, v11;
	v11 =	vld [tilespmem:s4+$0xFFFFFF90]  }
0x2dd: {  	v17 =	vld [tilespmem:s14+$0xFFFFFF20]  }
0x2de: {  	[tilespmem:s4+$0xFFFFFE50] =	vst v9;
	v9 =	vmul.f32 v16, v15;
	v15 =	vld [tilespmem:s4+$0xFFFFFE10]  }
0x2df: {  	v8 =	vmul.f32 v13, v8;
	v13 =	vld [tilespmem:s4+$0xFFFFFF50]  }
0x2e0: {  	v16 =	vld [tilespmem:s14+$0xFFFFFE60]  }
0x2e1: {  	[tilespmem:s4+$0xFFFFFFE0] =	vst v8;
	v8 =	vld [tilespmem:s4+$0xFFFFFFF0]  }
0x2e2: {  	v20 =	vld [tilespmem:s14+$0xFFFFFFF0]  }
0x2e3: {  	[tilespmem:s4+$0xFFFFFED0] =	vst v9;
	v9 =	vld [tilespmem:s14+$0xFFFFFEA0]  }
0x2e4: {  	v12 =	vld [tilespmem:s14+$0xFFFFFEE0]  }
0x2e5: {  	v13 =	vmul.f32 v19, v13;
	v19 =	vld [tilespmem:s4+$0xFFFFFEA0];
	v16 =	vmul.f32 v16, v18  }
0x2e6: {  	v18 =	vld [tilespmem:s4+$0xFFFFFFA0]  }
0x2e7: {  	[tilespmem:s4+$0xFFFFFE60] =	vst v16;
	v8 =	vmul.f32 v20, v8;
	v20 =	vld [tilespmem:s4+$0xFFFFFEE0]  }
0x2e8: {  	v16 =	vld [tilespmem:s14+$0xFFFFFE70]  }
0x2e9: {  	[tilespmem:s4+$0xFFFFFFF0] =	vst v8;
	v8 =	vmul.f32 v10, v15;
	v15 =	vld [tilespmem:s4+$0x0]  }
0x2ea: {  	[tilespmem:s4+$0xFFFFFF50] =	vst v13;
	v10 =	vmul.f32 v14, v11;
	v13 =	vld [tilespmem:s14+$0x0]  }
0x2eb: {  	[tilespmem:s4+$0xFFFFFE10] =	vst v8;
	v8 =	vld [tilespmem:s14+$0xFFFFFF60]  }
0x2ec: {  	v9 =	vmul.f32 v9, v19;
	[tilespmem:s4+$0xFFFFFF90] =	vst v10;
	v10 =	vld [tilespmem:s4+$0xFFFFFE20]  }
0x2ed: {  	v11 =	vld [tilespmem:s14+$0xFFFFFE20]  }
0x2ee: {  	[tilespmem:s4+$0xFFFFFEA0] =	vst v9;
	v9 =	vmul.f32 v17, v21;
	v14 =	vld [tilespmem:s14+$0xFFFFFFA0]  }
0x2ef: {  	v12 =	vmul.f32 v12, v20;
	v17 =	vld [tilespmem:s14+$0xFFFFFEB0]  }
0x2f0: {  	v20 =	vld [tilespmem:s4+$0xFFFFFEF0];
	[tilespmem:s4+$0xFFFFFF20] =	vst v9  }
0x2f1: {  	[tilespmem:s4+$0xFFFFFEE0] =	vst v12;
	v12 =	vld [tilespmem:s14+$0xFFFFFF30]  }
0x2f2: {  	v10 =	vmul.f32 v11, v10;
	v11 =	vld [tilespmem:s4+$0xFFFFFF60]  }
0x2f3: {  	v9 =	vmul.f32 v14, v18;
	v18 =	vld [tilespmem:s4+$0xFFFFFEB0]  }
0x2f4: {  	[tilespmem:s4+$0xFFFFFE20] =	vst v10;
	v10 =	vld [tilespmem:s4+$0xFFFFFE30]  }
0x2f5: {  	[tilespmem:s4+$0xFFFFFFA0] =	vst v9;
	v9 =	vld [tilespmem:s4+$0xFFFFFE70]  }
0x2f6: {  	v13 =	vmul.f32 v13, v15;
	v19 =	vld [tilespmem:s14+$0xFFFFFE30]  }
0x2f7: {  	v15 =	vld [tilespmem:s4+$0xFFFFFF40]  }
0x2f8: {  	[tilespmem:s4+$0x0] =	vst v13;
	v13 =	vld [tilespmem:s4+$0xFFFFFF80]  }
0x2f9: {  	v14 =	vld [tilespmem:s14+$0xFFFFFFB0];
	v8 =	vmul.f32 v8, v11  }
0x2fa: {  	v11 =	vld [tilespmem:s14+$0xFFFFFEF0];
	v9 =	vmul.f32 v16, v9  }
0x2fb: {  	[tilespmem:s4+$0xFFFFFF60] =	vst v8;
	v16 =	vmul.f32 v17, v18;
	v17 =	vld [tilespmem:s4+$0xFFFFFEC0];
	v10 =	vmul.f32 v19, v10  }
0x2fc: {  	v8 =	vld [tilespmem:s14+$0xFFFFFF70]  }
0x2fd: {  	[tilespmem:s4+$0xFFFFFE30] =	vst v10;
	v10 =	vld [tilespmem:s4+$0xFFFFFFB0]  }
0x2fe: {  	v19 =	vld [tilespmem:s4+$0xFFFFFF30]  }
0x2ff: {  	[tilespmem:s4+$0xFFFFFEB0] =	vst v16;
	v16 =	vld [tilespmem:s4+$0xFFFFFF00]  }
0x300: {  	[tilespmem:s4+$0xFFFFFE70] =	vst v9;
	v9 =	vmul.f32 v11, v20;
	v20 =	vld [tilespmem:s4+$0xFFFFFE40]  }
0x301: {  	v22 =	vld [tilespmem:s14+$0xFFFFFE80]  }
0x302: {  	v18 =	vld [tilespmem:s14+$0xFFFFFE40];
	v14 =	vmul.f32 v14, v10  }
0x303: {  	[tilespmem:s4+$0xFFFFFEF0] =	vst v9;
	v11 =	vmul.f32 v12, v19;
	v12 =	vld [tilespmem:s14+$0xFFFFFEC0]  }
0x304: {  	v8 =	vmul.f32 v8, v63;
	[tilespmem:s4+$0xFFFFFFB0] =	vst v14;
	v14 =	vld [tilespmem:s4+$0xFFFFFE80]  }
0x305: {  	v9 =	vld [tilespmem:s14+$0xFFFFFF00];
	[tilespmem:s4+$0xFFFFFF30] =	vst v11  }
0x306: {  	[tilespmem:s4+$0xFFFFFF70] =	vst v8;
	v10 =	vld [tilespmem:s14+$0xFFFFFF40]  }
0x307: {  	v11 =	vld [tilespmem:s14+$0xFFFFFF80];
	v18 =	vmul.f32 v18, v20  }
0x308: {  	v8 =	vld [tilespmem:s14+$0xFFFFFFC0]  }
0x309: {  	s17 =	simm.s32 $0x8330;
	s3 =	simm.s32 $0x0;
	[tilespmem:s4+$0xFFFFFE40] =	vst v18;
	v18 =	vmul.f32 v22, v14;
	v14 =	vld [tilespmem:s4+$0xFFFFFFC0]  }
.LBB2_26:
0x30a: {  	v19 =	vld [tilespmem:s17+$0xFFFFFFD0];
	v12 =	vmul.f32 v12, v17;
	s14 =	sadd.s32 $0x200, s14  }
0x30b: {  	s3 =	sadd.s32 $0x8, s3;
	v17 =	vld [tilespmem:s14+$0xFFFFFFD0];
	[tilespmem:s4+$0xFFFFFE80] =	vst v18;
	v9 =	vmul.f32 v9, v16  }
0x30c: {  	p5 =	slt.u32 s3, $0x38;
	v16 =	vld [tilespmem:s14+$0xFFFFFE10];
	[tilespmem:s4+$0xFFFFFEC0] =	vst v12;
	v10 =	vmul.f32 v10, v15  }
0x30d: {  	v12 =	vld [tilespmem:s17+$0xFFFFFE50];
	[tilespmem:s4+$0xFFFFFF00] =	vst v9;
	v9 =	vmul.f32 v11, v13  }
0x30e: {  	v11 =	vld [tilespmem:s14+$0xFFFFFE50];
	[tilespmem:s4+$0xFFFFFF40] =	vst v10;
	v8 =	vmul.f32 v8, v14  }
0x30f: {  	v10 =	vld [tilespmem:s17+$0xFFFFFE90];
	[tilespmem:s4+$0xFFFFFF80] =	vst v9  }
0x310: {  	v9 =	vld [tilespmem:s14+$0xFFFFFE90];
	v13 =	vmul.f32 v17, v19;
	[tilespmem:s4+$0xFFFFFFC0] =	vst v8;
	s4 =	smov.u32 s17  }
0x311: {  	v8 =	vld [tilespmem:s17+$0xFFFFFED0]  }
0x312: {  	[tilespmem:s17+$0xFFFFFFD0] =	vst v13;
	v13 =	vld [tilespmem:s17+$0xFFFFFFE0]  }
0x313: {  	v11 =	vmul.f32 v11, v12;
	v12 =	vld [tilespmem:s14+$0xFFFFFFE0]  }
0x314: {  	v14 =	vld [tilespmem:s14+$0xFFFFFED0]  }
0x315: {  	[tilespmem:s17+$0xFFFFFE50] =	vst v11;
	v9 =	vmul.f32 v9, v10;
	v10 =	vld [tilespmem:s17+$0xFFFFFF10]  }
0x316: {  	v11 =	vld [tilespmem:s14+$0xFFFFFF10]  }
0x317: {  	[tilespmem:s17+$0xFFFFFE90] =	vst v9;
	v9 =	vld [tilespmem:s17+$0xFFFFFF50]  }
0x318: {  	v15 =	vld [tilespmem:s14+$0xFFFFFF50];
	v12 =	vmul.f32 v12, v13  }
0x319: {  	v8 =	vmul.f32 v14, v8;
	v13 =	vld [tilespmem:s17+$0xFFFFFF90]  }
0x31a: {  	[tilespmem:s17+$0xFFFFFFE0] =	vst v12;
	v12 =	vld [tilespmem:s17+$0xFFFFFFF0]  }
0x31b: {  	[tilespmem:s17+$0xFFFFFED0] =	vst v8;
	v8 =	vmul.f32 v11, v10;
	v10 =	vld [tilespmem:s14+$0xFFFFFFF0]  }
0x31c: {  	v11 =	vld [tilespmem:s14+$0xFFFFFF90]  }
0x31d: {  	v14 =	vld [tilespmem:s17+$0xFFFFFE10];
	[tilespmem:s17+$0xFFFFFF10] =	vst v8;
	v8 =	vmul.f32 v15, v9  }
0x31e: {  	v9 =	vld [tilespmem:s14+$0xFFFFFE60]  }
0x31f: {  	v15 =	vld [tilespmem:s14+$0xFFFFFEA0];
	[tilespmem:s17+$0xFFFFFF50] =	vst v8  }
0x320: {  	v8 =	vld [tilespmem:s14+$0xFFFFFEE0];
	v10 =	vmul.f32 v10, v12  }
0x321: {  	v12 =	vld [tilespmem:s14+$0xFFFFFF20];
	v11 =	vmul.f32 v11, v13  }
0x322: {  	v13 =	vmul.f32 v16, v14;
	[tilespmem:s17+$0xFFFFFFF0] =	vst v10;
	v10 =	vld [tilespmem:s17+$0x0]  }
0x323: {  	[tilespmem:s17+$0xFFFFFF90] =	vst v11;
	v11 =	vld [tilespmem:s14+$0x0]  }
0x324: {  	[tilespmem:s17+$0xFFFFFE10] =	vst v13;
	v13 =	vld [tilespmem:s14+$0xFFFFFF60]  }
0x325: {  	v14 =	vld [tilespmem:s14+$0xFFFFFE20]  }
0x326: {  	v16 =	vld [tilespmem:s14+$0xFFFFFFA0]  }
0x327: {  	v17 =	vld [tilespmem:s17+$0xFFFFFE20]  }
0x328: {  	v18 =	vld [tilespmem:s17+$0xFFFFFE60];
	v10 =	vmul.f32 v11, v10  }
0x329: {  	v11 =	vld [tilespmem:s17+$0xFFFFFEA0]  }
0x32a: {  	v19 =	vld [tilespmem:s17+$0xFFFFFEE0];
	[tilespmem:s17+$0x0] =	vst v10  }
0x32b: {  	v10 =	vld [tilespmem:s17+$0xFFFFFF20]  }
0x32c: {  	v14 =	vmul.f32 v14, v17;
	v17 =	vld [tilespmem:s17+$0xFFFFFF60]  }
0x32d: {  	v9 =	vmul.f32 v9, v18;
	v18 =	vld [tilespmem:s17+$0xFFFFFFA0]  }
0x32e: {  	[tilespmem:s17+$0xFFFFFE20] =	vst v14;
	v14 =	vld [tilespmem:s17+$0xFFFFFE30];
	v11 =	vmul.f32 v15, v11  }
0x32f: {  	v15 =	vld [tilespmem:s14+$0xFFFFFE30];
	[tilespmem:s17+$0xFFFFFE60] =	vst v9;
	v8 =	vmul.f32 v8, v19  }
0x330: {  	v9 =	vld [tilespmem:s14+$0xFFFFFE70];
	[tilespmem:s17+$0xFFFFFEA0] =	vst v11;
	v10 =	vmul.f32 v12, v10  }
0x331: {  	v11 =	vld [tilespmem:s14+$0xFFFFFEB0];
	[tilespmem:s17+$0xFFFFFEE0] =	vst v8;
	v8 =	vmul.f32 v13, v17  }
0x332: {  	v12 =	vld [tilespmem:s14+$0xFFFFFEF0];
	[tilespmem:s17+$0xFFFFFF20] =	vst v10;
	v10 =	vmul.f32 v16, v18  }
0x333: {  	v13 =	vld [tilespmem:s14+$0xFFFFFF30];
	[tilespmem:s17+$0xFFFFFF60] =	vst v8  }
0x334: {  	v8 =	vmul.f32 v15, v14;
	v14 =	vld [tilespmem:s14+$0xFFFFFF70];
	[tilespmem:s17+$0xFFFFFFA0] =	vst v10  }
0x335: {  	v10 =	vld [tilespmem:s14+$0xFFFFFFB0]  }
0x336: {  	[tilespmem:s17+$0xFFFFFE30] =	vst v8;
	v8 =	vld [tilespmem:s17+$0xFFFFFE70]  }
0x337: {  	v15 =	vld [tilespmem:s17+$0xFFFFFEB0]  }
0x338: {  	v16 =	vld [tilespmem:s17+$0xFFFFFEF0]  }
0x339: {  	v17 =	vld [tilespmem:s17+$0xFFFFFF30]  }
0x33a: {  	v18 =	vld [tilespmem:s17+$0xFFFFFF70]  }
0x33b: {  	v8 =	vmul.f32 v9, v8;
	v19 =	vld [tilespmem:s17+$0xFFFFFFB0]  }
0x33c: {  	v20 =	vld [tilespmem:s14+$0xFFFFFE40];
	v9 =	vmul.f32 v11, v15  }
0x33d: {  	v11 =	vld [tilespmem:s17+$0xFFFFFE40];
	[tilespmem:s17+$0xFFFFFE70] =	vst v8;
	v8 =	vmul.f32 v12, v16  }
0x33e: {  	v21 =	vld [tilespmem:s14+$0xFFFFFE80];
	[tilespmem:s17+$0xFFFFFEB0] =	vst v9;
	v13 =	vmul.f32 v13, v17  }
0x33f: {  	v12 =	vld [tilespmem:s14+$0xFFFFFEC0];
	[tilespmem:s17+$0xFFFFFEF0] =	vst v8;
	v8 =	vmul.f32 v14, v18  }
0x340: {  	v9 =	vld [tilespmem:s14+$0xFFFFFF00];
	[tilespmem:s17+$0xFFFFFF30] =	vst v13;
	v13 =	vmul.f32 v10, v19  }
0x341: {  	v10 =	vld [tilespmem:s14+$0xFFFFFF40];
	[tilespmem:s17+$0xFFFFFF70] =	vst v8  }
0x342: {  	v14 =	vmul.f32 v20, v11;
	v11 =	vld [tilespmem:s14+$0xFFFFFF80];
	[tilespmem:s17+$0xFFFFFFB0] =	vst v13  }
0x343: {  	v8 =	vld [tilespmem:s14+$0xFFFFFFC0]  }
0x344: {  	[tilespmem:s17+$0xFFFFFE40] =	vst v14;
	v14 =	vld [tilespmem:s17+$0xFFFFFE80]  }
.Ltmp20:
0x345: {  	v17 =	vld [tilespmem:s17+$0xFFFFFEC0];
	(pc) =	sbr.rel @p5 .LBB2_26-.Ltmp20, $4  }
0x346: {  	v16 =	vld [tilespmem:s17+$0xFFFFFF00]  }
0x347: {  	v15 =	vld [tilespmem:s17+$0xFFFFFF40]  }
0x348: {  	v13 =	vld [tilespmem:s17+$0xFFFFFF80]  }
0x349: {  	s17 =	sadd.s32 $0x200, s17;
	v18 =	vmul.f32 v21, v14;
	v14 =	vld [tilespmem:s4+$0xFFFFFFC0]  }
0x34a: {  	v12 =	vmul.f32 v12, v17  }
0x34b: {  	[tilespmem:s4+$0xFFFFFE80] =	vst v18;
	v9 =	vmul.f32 v9, v16  }
0x34c: {  	[tilespmem:s4+$0xFFFFFEC0] =	vst v12;
	v10 =	vmul.f32 v10, v15  }
0x34d: {  	[tilespmem:s4+$0xFFFFFF00] =	vst v9;
	v63 =	vmul.f32 v11, v13  }
0x34e: {  	s0 =	sshll.u32 s0, $0x8;
	[tilespmem:s4+$0xFFFFFF40] =	vst v10;
	v8 =	vmul.f32 v8, v14  }
0x34f: {  	s0 =	sshra.s32 s0, $0x2;
	[tilespmem:s4+$0xFFFFFF80] =	vst v63  }
0x350: {  	s3 =	simm.s32 $0x7F40;
	s0 =	sadd.s32 $0x3F40, s0;
	[tilespmem:s4+$0xFFFFFFC0] =	vst v8  }
0x351: {  	[spmem:s2] =	stream.indirect.scatter.add.f32 [tilespmem:s3], [sflag:$0xB], $0x40, s0, s23, $0xb8;
	[tilespmem:$0x1F380] =	vst v63  }
.LBB2_28:
0x352: {  	s0 =	sadd.s32 $0x4, s28  }
0x353: {  	p5 =	sge.s32 s0, s9  }
.Ltmp21:
0x354: {  	_ = 	snop;
	(pc) =	sbr.rel @p5 .LBB2_32-.Ltmp21, $1  }
0x355: {  	_ =	sdelay $0x3  }
0x356: {  	_ =	swait.ge [sflag:s29], $0x1000;
	s3 =	sadd.s32 $0x7, s28  }
0x357: {  	[sflag:s29] =	ssyncset.done $0x0;
	p5 =	sge.s32 s3, s9  }
0x358: {  	[sflag:s29] =	ssyncadd.s32 $0xFFFFF000;
	s3 =	sshll.u32 @!p5 s3, $0x6  }
0x359: {  	s14 =	simm.s32 @!p5 $0x40;
	s17 =	simm.s32 @!p5 $0x6F40;
	s4 =	sadd.s32 @!p5 $0x1F40, s3  }
0x35a: {  	[tilespmem:s17], [sflag:$0x5] =	stream.indirect.gather @!p5 [hbm4b:s5+s14], $0x40, s4, s14, $0xb8;
	[tilespmem:$0x1F380] =	vst v63  }
0x35b: {  	s3 =	sadd.s32 @!p5 $0x2F40, s3;
	s4 =	simm.s32 @!p5 $0xBF40  }
0x35c: {  	[tilespmem:s4], [sflag:$0x6] =	stream.indirect.gather @!p5 [hbm4b:s6+s14], $0x40, s3, s14, $0xb8;
	[tilespmem:$0x1F380] =	vst v63  }
0x35d: {  	_ =	swait.ge [sflag:s7], $0x1000  }
0x35e: {  	[sflag:s7] =	ssyncset.done $0x0  }
0x35f: {  	[sflag:s7] =	ssyncadd.s32 $0xFFFFF000  }
0x360: {  	_ =	swait.ge [sflag:s11], $0x1000  }
0x361: {  	[sflag:s11] =	ssyncset.done $0x0  }
0x362: {  	s4 =	simm.s32 $0x0;
	[sflag:s11] =	ssyncadd.s32 $0xFFFFF000  }
0x363: {  	v8 =	vld [tilespmem:s4+$0x9130]  }
0x364: {  	v9 =	vld [tilespmem:s4+$0xE130]  }
0x365: {  	v10 =	vld [tilespmem:s4+$0x8F40]  }
0x366: {  	v11 =	vld [tilespmem:s4+$0xDF40]  }
0x367: {  	v12 =	vld [tilespmem:s4+$0x8F50]  }
0x368: {  	v13 =	vld [tilespmem:s4+$0xDF50]  }
0x369: {  	v14 =	vld [tilespmem:s4+$0x8F60]  }
0x36a: {  	v15 =	vld [tilespmem:s4+$0xDF60]  }
0x36b: {  	v16 =	vld [tilespmem:s4+$0x8F70]  }
0x36c: {  	v17 =	vld [tilespmem:s4+$0xDF70]  }
0x36d: {  	v18 =	vld [tilespmem:s4+$0x8F80]  }
0x36e: {  	v19 =	vld [tilespmem:s4+$0xDF80]  }
0x36f: {  	v20 =	vld [tilespmem:s4+$0x8F90]  }
0x370: {  	v21 =	vld [tilespmem:s4+$0xDF90]  }
0x371: {  	v22 =	vld [tilespmem:s4+$0x8FA0]  }
0x372: {  	v23 =	vld [tilespmem:s4+$0xDFA0]  }
0x373: {  	v24 =	vld [tilespmem:s4+$0x8FB0]  }
0x374: {  	v25 =	vld [tilespmem:s4+$0xDFB0]  }
0x375: {  	v26 =	vld [tilespmem:s4+$0x8FC0]  }
0x376: {  	v27 =	vld [tilespmem:s4+$0xDFC0]  }
0x377: {  	v28 =	vld [tilespmem:s4+$0x8FD0]  }
0x378: {  	v29 =	vld [tilespmem:s4+$0xDFD0]  }
0x379: {  	v30 =	vld [tilespmem:s4+$0x8FE0]  }
0x37a: {  	v31 =	vld [tilespmem:s4+$0xDFE0]  }
0x37b: {  	v32 =	vld [tilespmem:s4+$0x8FF0]  }
0x37c: {  	v33 =	vld [tilespmem:s4+$0xDFF0]  }
0x37d: {  	v34 =	vld [tilespmem:s4+$0x9000]  }
0x37e: {  	v35 =	vld [tilespmem:s4+$0xE000]  }
0x37f: {  	v36 =	vld [tilespmem:s4+$0x9010]  }
0x380: {  	v37 =	vld [tilespmem:s4+$0xE010]  }
0x381: {  	v38 =	vld [tilespmem:s4+$0x9020]  }
0x382: {  	v39 =	vld [tilespmem:s4+$0xE020]  }
0x383: {  	v40 =	vld [tilespmem:s4+$0x9030]  }
0x384: {  	v51 =	vld [tilespmem:s4+$0xE060];
	v8 =	vmul.f32 v9, v8  }
0x385: {  	v52 =	vld [tilespmem:s4+$0x9070];
	v10 =	vmul.f32 v11, v10  }
0x386: {  	v53 =	vld [tilespmem:s4+$0xE070];
	[tilespmem:s4+$0x9130] =	vst v8;
	v8 =	vmul.f32 v13, v12  }
0x387: {  	v54 =	vld [tilespmem:s4+$0x9080];
	[tilespmem:s4+$0x8F40] =	vst v10;
	v10 =	vmul.f32 v15, v14  }
0x388: {  	v55 =	vld [tilespmem:s4+$0xE080];
	[tilespmem:s4+$0x8F50] =	vst v8;
	v8 =	vmul.f32 v17, v16  }
0x389: {  	v56 =	vld [tilespmem:s4+$0x9090];
	[tilespmem:s4+$0x8F60] =	vst v10;
	v10 =	vmul.f32 v19, v18  }
0x38a: {  	v57 =	vld [tilespmem:s4+$0xE090];
	[tilespmem:s4+$0x8F70] =	vst v8;
	v8 =	vmul.f32 v21, v20  }
0x38b: {  	v58 =	vld [tilespmem:s4+$0x90A0];
	[tilespmem:s4+$0x8F80] =	vst v10;
	v10 =	vmul.f32 v23, v22  }
0x38c: {  	v59 =	vld [tilespmem:s4+$0xE0A0];
	[tilespmem:s4+$0x8F90] =	vst v8;
	v8 =	vmul.f32 v25, v24  }
0x38d: {  	v9 =	vld [tilespmem:s4+$0xE030];
	[tilespmem:s4+$0x8FA0] =	vst v10;
	v10 =	vmul.f32 v27, v26  }
0x38e: {  	v11 =	vld [tilespmem:s4+$0x9040];
	[tilespmem:s4+$0x8FB0] =	vst v8;
	v8 =	vmul.f32 v29, v28  }
0x38f: {  	v12 =	vld [tilespmem:s4+$0xE040];
	[tilespmem:s4+$0x8FC0] =	vst v10;
	v10 =	vmul.f32 v31, v30  }
0x390: {  	v13 =	vld [tilespmem:s4+$0x9050];
	[tilespmem:s4+$0x8FD0] =	vst v8;
	v8 =	vmul.f32 v33, v32  }
0x391: {  	v14 =	vld [tilespmem:s4+$0xE050];
	[tilespmem:s4+$0x8FE0] =	vst v10;
	v10 =	vmul.f32 v35, v34  }
0x392: {  	v15 =	vld [tilespmem:s4+$0x9060];
	[tilespmem:s4+$0x8FF0] =	vst v8;
	v8 =	vmul.f32 v37, v36  }
0x393: {  	v60 =	vld [tilespmem:s4+$0x90B0];
	[tilespmem:s4+$0x9000] =	vst v10;
	v10 =	vmul.f32 v39, v38  }
0x394: {  	v61 =	vld [tilespmem:s4+$0xE0E0];
	[tilespmem:s4+$0x9010] =	vst v8;
	v8 =	vmul.f32 v9, v40  }
0x395: {  	v9 =	vld [tilespmem:s4+$0xE0B0];
	[tilespmem:s4+$0x9020] =	vst v10;
	v10 =	vmul.f32 v12, v11  }
0x396: {  	v11 =	vld [tilespmem:s4+$0x90C0];
	[tilespmem:s4+$0x9030] =	vst v8;
	v8 =	vmul.f32 v14, v13  }
0x397: {  	v12 =	vld [tilespmem:s4+$0xE0C0];
	[tilespmem:s4+$0x9040] =	vst v10;
	v10 =	vmul.f32 v51, v15  }
0x398: {  	v13 =	vld [tilespmem:s4+$0x90D0];
	[tilespmem:s4+$0x9050] =	vst v8;
	v8 =	vmul.f32 v53, v52  }
0x399: {  	v14 =	vld [tilespmem:s4+$0xE0D0];
	[tilespmem:s4+$0x9060] =	vst v10;
	v10 =	vmul.f32 v55, v54  }
0x39a: {  	v15 =	vld [tilespmem:s4+$0x90E0];
	v9 =	vmul.f32 v9, v60;
	[tilespmem:s4+$0x9070] =	vst v8  }
0x39b: {  	v62 =	vld [tilespmem:s4+$0x90F0];
	v8 =	vmul.f32 v57, v56;
	[tilespmem:s4+$0x9080] =	vst v10  }
0x39c: {  	v63 =	vld [tilespmem:s4+$0xE0F0];
	v10 =	vmul.f32 v59, v58;
	[tilespmem:s4+$0x90B0] =	vst v9  }
0x39d: {  	v11 =	vmul.f32 v12, v11;
	[tilespmem:s4+$0x9090] =	vst v8;
	v8 =	vld [tilespmem:s4+$0x9100]  }
0x39e: {  	v12 =	vmul.f32 v14, v13;
	[tilespmem:s4+$0x90A0] =	vst v10;
	v10 =	vld [tilespmem:s4+$0xE100]  }
0x39f: {  	[tilespmem:s4+$0x90C0] =	vst v11;
	v13 =	vmul.f32 v61, v15;
	v9 =	vld [tilespmem:s4+$0x9110]  }
0x3a0: {  	v11 =	vld [tilespmem:s4+$0xE110];
	[tilespmem:s4+$0x90D0] =	vst v12  }
0x3a1: {  	s3 =	simm.s32 $0x0;
	s14 =	simm.s32 $0x800;
	[tilespmem:s4+$0x90E0] =	vst v13;
	v13 =	vmul.f32 v63, v62;
	v12 =	vld [tilespmem:s4+$0x9120]  }
.LBB2_30:
0x3a2: {  	s17 =	sshra.s32 s14, $0x2;
	v14 =	vld [tilespmem:s4+$0xE120]  }
0x3a3: {  	s3 =	sadd.s32 $0x8, s3;
	v15 =	vld [tilespmem:s17+$0x9130];
	[tilespmem:s4+$0x90F0] =	vst v13;
	v8 =	vmul.f32 v10, v8  }
0x3a4: {  	p5 =	slt.u32 s3, $0x38;
	v10 =	vld [tilespmem:s17+$0xE130]  }
0x3a5: {  	v13 =	vld [tilespmem:s17+$0x8F40];
	[tilespmem:s4+$0x9100] =	vst v8;
	v8 =	vmul.f32 v11, v9  }
0x3a6: {  	v9 =	vld [tilespmem:s17+$0xDF40]  }
0x3a7: {  	v11 =	vld [tilespmem:s17+$0x8F50];
	[tilespmem:s4+$0x9110] =	vst v8;
	v8 =	vmul.f32 v14, v12  }
0x3a8: {  	v12 =	vld [tilespmem:s17+$0xDF50]  }
0x3a9: {  	v14 =	vld [tilespmem:s17+$0x8F60];
	v10 =	vmul.f32 v10, v15;
	[tilespmem:s4+$0x9120] =	vst v8;
	s4 =	smov.u32 s17  }
0x3aa: {  	v8 =	vld [tilespmem:s4+$0xDF60]  }
0x3ab: {  	v9 =	vmul.f32 v9, v13;
	v13 =	vld [tilespmem:s4+$0x8F70];
	[tilespmem:s4+$0x9130] =	vst v10  }
0x3ac: {  	v10 =	vld [tilespmem:s4+$0xDF70]  }
0x3ad: {  	[tilespmem:s4+$0x8F40] =	vst v9;
	v9 =	vmul.f32 v12, v11;
	v11 =	vld [tilespmem:s4+$0x8F80]  }
0x3ae: {  	v12 =	vld [tilespmem:s4+$0xDF80]  }
0x3af: {  	[tilespmem:s4+$0x8F50] =	vst v9;
	v8 =	vmul.f32 v8, v14;
	v9 =	vld [tilespmem:s4+$0x8F90]  }
0x3b0: {  	v14 =	vld [tilespmem:s4+$0xDF90]  }
0x3b1: {  	[tilespmem:s4+$0x8F60] =	vst v8;
	v8 =	vmul.f32 v10, v13;
	v10 =	vld [tilespmem:s4+$0x8FA0]  }
0x3b2: {  	v13 =	vld [tilespmem:s4+$0xDFA0]  }
0x3b3: {  	[tilespmem:s4+$0x8F70] =	vst v8;
	v8 =	vmul.f32 v12, v11;
	v11 =	vld [tilespmem:s4+$0x8FB0]  }
0x3b4: {  	v12 =	vld [tilespmem:s4+$0xDFB0]  }
0x3b5: {  	[tilespmem:s4+$0x8F80] =	vst v8;
	v8 =	vmul.f32 v14, v9;
	v9 =	vld [tilespmem:s4+$0x8FC0]  }
0x3b6: {  	v14 =	vld [tilespmem:s4+$0xDFC0]  }
0x3b7: {  	[tilespmem:s4+$0x8F90] =	vst v8;
	v8 =	vmul.f32 v13, v10;
	v10 =	vld [tilespmem:s4+$0x8FD0]  }
0x3b8: {  	v13 =	vld [tilespmem:s4+$0xDFD0]  }
0x3b9: {  	[tilespmem:s4+$0x8FA0] =	vst v8;
	v8 =	vmul.f32 v12, v11;
	v11 =	vld [tilespmem:s4+$0x8FE0]  }
0x3ba: {  	v12 =	vld [tilespmem:s4+$0xDFE0]  }
0x3bb: {  	[tilespmem:s4+$0x8FB0] =	vst v8;
	v8 =	vmul.f32 v14, v9;
	v9 =	vld [tilespmem:s4+$0x8FF0]  }
0x3bc: {  	v14 =	vld [tilespmem:s4+$0xDFF0]  }
0x3bd: {  	[tilespmem:s4+$0x8FC0] =	vst v8;
	v8 =	vmul.f32 v13, v10;
	v10 =	vld [tilespmem:s4+$0x9000]  }
0x3be: {  	v13 =	vld [tilespmem:s4+$0xE000]  }
0x3bf: {  	[tilespmem:s4+$0x8FD0] =	vst v8;
	v8 =	vmul.f32 v12, v11;
	v11 =	vld [tilespmem:s4+$0x9010]  }
0x3c0: {  	v12 =	vld [tilespmem:s4+$0xE010]  }
0x3c1: {  	[tilespmem:s4+$0x8FE0] =	vst v8;
	v8 =	vmul.f32 v14, v9;
	v9 =	vld [tilespmem:s4+$0x9020]  }
0x3c2: {  	v14 =	vld [tilespmem:s4+$0xE020]  }
0x3c3: {  	[tilespmem:s4+$0x8FF0] =	vst v8;
	v8 =	vmul.f32 v13, v10;
	v10 =	vld [tilespmem:s4+$0x9030]  }
0x3c4: {  	v13 =	vld [tilespmem:s4+$0xE030]  }
0x3c5: {  	[tilespmem:s4+$0x9000] =	vst v8;
	v8 =	vmul.f32 v12, v11;
	v11 =	vld [tilespmem:s4+$0x9040]  }
0x3c6: {  	v12 =	vld [tilespmem:s4+$0xE040]  }
0x3c7: {  	[tilespmem:s4+$0x9010] =	vst v8;
	v8 =	vmul.f32 v14, v9;
	v9 =	vld [tilespmem:s4+$0x9050]  }
0x3c8: {  	v14 =	vld [tilespmem:s4+$0xE050]  }
0x3c9: {  	[tilespmem:s4+$0x9020] =	vst v8;
	v8 =	vmul.f32 v13, v10;
	v10 =	vld [tilespmem:s4+$0x9060]  }
0x3ca: {  	v13 =	vld [tilespmem:s4+$0xE060]  }
0x3cb: {  	[tilespmem:s4+$0x9030] =	vst v8;
	v8 =	vmul.f32 v12, v11;
	v11 =	vld [tilespmem:s4+$0x9070]  }
0x3cc: {  	v12 =	vld [tilespmem:s4+$0xE070]  }
0x3cd: {  	[tilespmem:s4+$0x9040] =	vst v8;
	v8 =	vmul.f32 v14, v9;
	v9 =	vld [tilespmem:s4+$0x9080]  }
0x3ce: {  	v14 =	vld [tilespmem:s4+$0xE080]  }
0x3cf: {  	[tilespmem:s4+$0x9050] =	vst v8;
	v8 =	vmul.f32 v13, v10;
	v10 =	vld [tilespmem:s4+$0x9090]  }
0x3d0: {  	v13 =	vld [tilespmem:s4+$0xE090]  }
0x3d1: {  	[tilespmem:s4+$0x9060] =	vst v8;
	v8 =	vmul.f32 v12, v11;
	v11 =	vld [tilespmem:s4+$0x90A0]  }
0x3d2: {  	v12 =	vld [tilespmem:s4+$0xE0A0]  }
0x3d3: {  	[tilespmem:s4+$0x9070] =	vst v8;
	v8 =	vmul.f32 v14, v9;
	v9 =	vld [tilespmem:s4+$0x90B0]  }
0x3d4: {  	v14 =	vld [tilespmem:s4+$0xE0B0]  }
0x3d5: {  	[tilespmem:s4+$0x9080] =	vst v8;
	v8 =	vmul.f32 v13, v10;
	v10 =	vld [tilespmem:s4+$0x90C0]  }
0x3d6: {  	v13 =	vld [tilespmem:s4+$0xE0C0]  }
0x3d7: {  	[tilespmem:s4+$0x9090] =	vst v8;
	v8 =	vmul.f32 v12, v11;
	v11 =	vld [tilespmem:s4+$0x90D0]  }
0x3d8: {  	v12 =	vld [tilespmem:s4+$0xE0D0]  }
0x3d9: {  	[tilespmem:s4+$0x90A0] =	vst v8;
	v8 =	vmul.f32 v14, v9;
	v9 =	vld [tilespmem:s4+$0x90E0]  }
0x3da: {  	v14 =	vld [tilespmem:s4+$0xE0E0]  }
0x3db: {  	[tilespmem:s4+$0x90B0] =	vst v8;
	v8 =	vmul.f32 v13, v10;
	v13 =	vld [tilespmem:s4+$0x90F0]  }
0x3dc: {  	v15 =	vld [tilespmem:s4+$0xE0F0]  }
.Ltmp22:
0x3dd: {  	[tilespmem:s4+$0x90C0] =	vst v8;
	v11 =	vmul.f32 v12, v11;
	v8 =	vld [tilespmem:s4+$0x9100];
	(pc) =	sbr.rel @p5 .LBB2_30-.Ltmp22, $4  }
0x3de: {  	v10 =	vld [tilespmem:s4+$0xE100]  }
0x3df: {  	[tilespmem:s4+$0x90D0] =	vst v11;
	v12 =	vmul.f32 v14, v9;
	v9 =	vld [tilespmem:s4+$0x9110]  }
0x3e0: {  	v11 =	vld [tilespmem:s4+$0xE110]  }
0x3e1: {  	s14 =	sadd.s32 $0x800, s14;
	[tilespmem:s4+$0x90E0] =	vst v12;
	v13 =	vmul.f32 v15, v13;
	v12 =	vld [tilespmem:s4+$0x9120]  }
0x3e2: {  	v14 =	vld [tilespmem:s4+$0xE120];
	_ =	sdelay $0x2  }
0x3e3: {  	v8 =	vmul.f32 v10, v8  }
.Ltmp23:
0x3e4: {  	[tilespmem:s4+$0x90F0] =	vst v13;
	v9 =	vmul.f32 v11, v9;
	(pc) =	sbr.rel .LBB2_32-.Ltmp23, $4  }
0x3e5: {  	s0 =	sshll.u32 s0, $0x8;
	[tilespmem:s4+$0x9100] =	vst v8;
	v8 =	vmul.f32 v14, v12  }
0x3e6: {  	s0 =	sshra.s32 s0, $0x2;
	[tilespmem:s4+$0x9110] =	vst v9  }
0x3e7: {  	s3 =	simm.s32 $0x8F40;
	s0 =	sadd.s32 $0x3F40, s0;
	[tilespmem:s4+$0x9120] =	vst v8  }
0x3e8: {  	[spmem:s2] =	stream.indirect.scatter.add.f32 [tilespmem:s3], [sflag:$0xB], $0x40, s0, s23, $0xb8;
	[tilespmem:$0x1F380] =	vst v63  }
.LBB2_36:
0x3e9: {  	_ =	sfence.sel $0x180000  }
0x3ea: {  	[bflag:$0x0] =	sbarrier.arrive $0xFFFF  }
0x3eb: {  	_ =	strace $0x90000047  }
0x3ec: {  	s0 =	stileid.u32;
	[bflag:$0x2] =	sbarrier.arrive $0xFFFF  }
0x3ed: {  	p0 =	sne.s32 s0, $0x0;
	s0 =	rddreg [dreg:$0x3]  }
0x3ee: {  	s0 =	sadd.s32 @!p0 $0x100000, s0  }
0x3ef: {  	[sflag:s0] =	ssyncadd.tile.s32 @!p0 $0x1;
	_ =	shalt  }
.Lfunc_end2:
_tile_overlayer_lowered:
.L_overlay_start_2:
0x3f0: {  	(tag) =	ssettag $0x2  }
0x3f1: {  	s0 =	rddreg [dreg:$0x0];
	s2 =	stileid.u32  }
0x3f2: {  	s1 =	rddreg [dreg:$0x1];
	p0 =	sne.s32 s2, $0x0  }
0x3f3: {  	s3 =	rddreg [dreg:$0x2];
	[bflag:$0x3] =	sbarrier.arrive $0xFFFF;
	s2 =	simm.s32 @!p0 $0x1C0C  }
0x3f4: {  	[timem:s3], [sflag:s2] =	dma.local @!p0 [hbm:s0], s1  }
0x3f5: {  	s0 =	simm.s32 @!p0 $0xC  }
0x3f6: {  	_ =	swait.ge @!p0 [sflag:s0], s1  }
0x3f7: {  	s1 =	ssub.s32 @!p0 $0x0, s1;
	[sflag:s0] =	ssyncset.done @!p0 $0x0  }
0x3f8: {  	[sflag:s0] =	ssyncadd.s32 @!p0 s1  }
0x3f9: {  	[bflag:$0x3] =	sbarrier.arrive $0xFFFF  }
0x3fa: {  	_ =	shalt  }

</sc_bundles>
